<compile_context>
chip_gen: v7x
topology: tpu7x:2x2x1
jax: 0.10.2.dev20260603
libtpu: 0.0.44.dev20260713+nightly
codegen_flags: <defaults>
</compile_context>

<pallas_src>
import functools

import jax
import jax.numpy as jnp
from jax import lax
from jax.experimental import pallas as pl
from jax.experimental.pallas import tpu as pltpu
from jax.experimental.pallas import tpu_sc as plsc

_B, _C, _H, _W = 8, 2, 512, 512
_N = _B * _H * _W
_NW = 32
_WPB = _NW // _B
_RPW = _H // _WPB
_CHR = 32
_NCH = _RPW // _CHR
_L = 16

_Q = (0.6930990815162659, -0.4991752803325653, 0.12153831124305725,
      0.006159262731671333, -0.010860699228942394, 0.0028300986159592867,
      -0.0003471552045084536, 1.5457020708709024e-05, 1.0346333283450804e-06,
      -1.4905096179518296e-07, 4.98571006701809e-09)


def _bce(xv, tf):
    ac = jnp.minimum(jnp.abs(xv), jnp.float32(8.0))
    h = jnp.float32(_Q[10]) * ac + jnp.float32(_Q[9])
    for c in _Q[8::-1]:
        h = h * ac + jnp.float32(c)
    h = jnp.maximum(h, jnp.float32(0.0))
    return jnp.maximum(xv, jnp.float32(0.0)) + h - tf * xv


_UNROLL = 8


def _sc_reduce_body(x_hbm, t_hbm, out_hbm, xb0, tb0, xb1, tb1,
                    sa_b, sp_b, cp_b, sem0, sem1):
    wid = lax.axis_index("s") * 2 + lax.axis_index("c")
    b = wid // _WPB
    r0 = (wid % _WPB) * _RPW
    xbufs, tbufs, sems = (xb0, xb1), (tb0, tb1), (sem0, sem1)

    def start(c):
        s = sems[c & 1]
        cx = pltpu.async_copy(
            x_hbm.at[2 * b + 1, pl.ds(r0 + c * _CHR, _CHR), :], xbufs[c & 1], s)
        ct = pltpu.async_copy(
            t_hbm.at[b, pl.ds(r0 + c * _CHR, _CHR), :], tbufs[c & 1], s)
        return cx, ct

    z = jnp.zeros((_L,), jnp.float32)
    acc = (z,) * (3 * _UNROLL)

    cps = start(0)
    for c in range(_NCH):
        nxt = start(c + 1) if c + 1 < _NCH else None
        cps[0].wait()
        cps[1].wait()
        xb, tb = xbufs[c & 1], tbufs[c & 1]

        def row_body(r, a, xb=xb, tb=tb):
            def grp_body(g, a2):
                a2 = list(a2)
                for u in range(_UNROLL):
                    sl = pl.ds(g * (_UNROLL * _L) + u * _L, _L)
                    xv = xb[r, sl]
                    tf = tb[r, sl].astype(jnp.float32)
                    bce = _bce(xv, tf)
                    a2[3 * u] = a2[3 * u] + bce
                    a2[3 * u + 1] = a2[3 * u + 1] + tf * bce
                    a2[3 * u + 2] = a2[3 * u + 2] + tf
                return tuple(a2)

            return lax.fori_loop(0, _W // (_UNROLL * _L), grp_body, a)

        acc = lax.fori_loop(0, _CHR, row_body, acc)
        if nxt is not None:
            cps = nxt

    sa_b[...] = sum(acc[0::3][1:], acc[0])
    sp_b[...] = sum(acc[1::3][1:], acc[1])
    cp_b[...] = sum(acc[2::3][1:], acc[2])
    for i, buf in enumerate((sa_b, sp_b, cp_b)):
        pltpu.sync_copy(buf, out_hbm.at[i, pl.ds(wid * _L, _L)])


@functools.lru_cache(maxsize=None)
def _sc_reduce():
    return pl.kernel(
        _sc_reduce_body,
        out_type=jax.ShapeDtypeStruct((3, _NW * _L), jnp.float32),
        mesh=plsc.VectorSubcoreMesh(core_axis_name="c", subcore_axis_name="s"),
        scratch_types=[
            pltpu.VMEM((_CHR, _W), jnp.float32),
            pltpu.VMEM((_CHR, _W), jnp.int32),
            pltpu.VMEM((_CHR, _W), jnp.float32),
            pltpu.VMEM((_CHR, _W), jnp.int32),
            pltpu.VMEM((_L,), jnp.float32),
            pltpu.VMEM((_L,), jnp.float32),
            pltpu.VMEM((_L,), jnp.float32),
            pltpu.SemaphoreType.DMA,
            pltpu.SemaphoreType.DMA,
        ],
        compiler_params=pltpu.CompilerParams(use_tc_tiling_on_sc=True),
    )


def _finish_body(parts_ref, x_hbm, t_hbm, out_ref, xb, tb, keys, sem):
    s_all = jnp.sum(parts_ref[0, :])
    s_pos = jnp.sum(parts_ref[1, :])
    n_pos_f = jnp.sum(parts_ref[2, :])

    num_pos = n_pos_f.astype(jnp.int32)
    num_neg = jnp.int32(_N) - num_pos
    k_pos = jnp.minimum(num_neg, 20 * num_pos)
    k_empty = jnp.maximum(
        1, (num_neg.astype(jnp.float32) * jnp.float32(0.01)).astype(jnp.int32))
    k = jnp.where(num_pos > 0, k_pos, k_empty)
    kf = jnp.maximum(k, 1).astype(jnp.float32)
    pos_keep = jnp.where(num_pos > 0, s_pos / jnp.maximum(n_pos_f, 1.0), 0.0)

    neg_fast = jnp.where(num_neg > 0, (s_all - s_pos) / kf, 0.0)
    out_ref[0] = pos_keep + neg_fast

    @pl.when(k != num_neg)
    def _():
        def plane(b, carry):
            cpx = pltpu.make_async_copy(x_hbm.at[2 * b + 1], xb, sem)
            cpx.start()
            cpx.wait()
            cpt = pltpu.make_async_copy(t_hbm.at[b], tb, sem)
            cpt.start()
            cpt.wait()
            xv = xb[...]
            tv = tb[...]
            tf = tv.astype(jnp.float32)
            bce = (jnp.maximum(xv, 0.0) + jnp.log1p(jnp.exp(-jnp.abs(xv)))
                   - tf * xv)
            keys[pl.ds(b * _H, _H), :] = jnp.where(
                tv > 0, jnp.int32(0), pltpu.bitcast(bce, jnp.int32))
            return carry

        lax.fori_loop(0, _B, plane, 0)

        def bit_body(i, prefix):
            cand = prefix | jnp.left_shift(jnp.int32(1), 30 - i)
            cnt = jnp.sum((keys[...] >= cand).astype(jnp.int32))
            return jnp.where(cnt >= k, cand, prefix)

        prefix = lax.fori_loop(0, 31, bit_body, jnp.int32(0))
        kv = keys[...]
        vals = pltpu.bitcast(kv, jnp.float32)
        gt = kv > prefix
        cnt_gt = jnp.sum(gt.astype(jnp.int32))
        sum_gt = jnp.sum(jnp.where(gt, vals, 0.0))
        thr = jnp.max(jnp.where(kv == prefix, vals, 0.0))
        topk_sum = sum_gt + (k - cnt_gt).astype(jnp.float32) * thr
        out_ref[0] = pos_keep + topk_sum / kf


_finish_call = pl.pallas_call(
    _finish_body,
    in_specs=[
        pl.BlockSpec(memory_space=pltpu.VMEM),
        pl.BlockSpec(memory_space=pltpu.MemorySpace.HBM),
        pl.BlockSpec(memory_space=pltpu.MemorySpace.HBM),
    ],
    out_specs=pl.BlockSpec(memory_space=pltpu.SMEM),
    out_shape=jax.ShapeDtypeStruct((1,), jnp.float32),
    scratch_shapes=[
        pltpu.VMEM((_H, _W), jnp.float32),
        pltpu.VMEM((_H, _W), jnp.int32),
        pltpu.VMEM((_B * _H, _W), jnp.int32),
        pltpu.SemaphoreType.DMA,
    ],
)


def kernel(logits, target):
    x3 = logits.reshape(_B * _C, _H, _W)
    parts = _sc_reduce()(x3, target)
    return _finish_call(parts, x3, target)[0]

# --- scband reference (transcript-rebuilt; emitter-appended) ---
"""Pipeline reference for scband-ohembcewith-logits-loss-11347303596649 (READ-ONLY COPY).

The authoritative reference and input builder live on the scoring server;
editing this copy changes nothing except your own understanding.
"""

import jax, jax.numpy as jnp
import numpy as np


def setup_inputs(seed: int = 0) -> dict:
    key = jax.random.key(seed)
    k1, k2 = jax.random.split(key)
    logits = jax.random.normal(k1, (8, 2, 512, 512), dtype=jnp.float32)
    target = jax.random.randint(k2, (8, 512, 512), 0, 2, dtype=jnp.int32)
    return {"logits": logits, "target": target}


def reference(logits, target):
    pos_weight = 1.0
    neg_pos_ratio = 20
    empty_neg_ratio = 0.01
    # logits.shape[1] > 1 -> take channel 1
    x = logits[:, 1:2, :, :]
    # target.dim() == 3 -> unsqueeze channel dim
    t = target.astype(jnp.float32)[:, None, :, :]
    # BCE with logits, elementwise, with pos_weight:
    # l = -[pw * z * log(sigmoid(x)) + (1-z) * log(sigmoid(-x))]
    log_sig = jax.nn.log_sigmoid(x)
    log_sig_neg = jax.nn.log_sigmoid(-x)
    bce = -(pos_weight * t * log_sig + (1.0 - t) * log_sig_neg)
    flat = bce.reshape(-1)
    pos_flat = (t > 0.5).reshape(-1)
    total = int(pos_flat.size)
    num_pos = jnp.sum(pos_flat)
    num_neg = total - num_pos
    k_pos = jnp.minimum(num_neg, neg_pos_ratio * num_pos)
    k_empty = jnp.maximum(
        1, (num_neg.astype(jnp.float64) * empty_neg_ratio).astype(num_neg.dtype)
    )
    k = jnp.where(num_pos > 0, k_pos, k_empty)
    neg_masked = jnp.where(pos_flat, -jnp.inf, flat)
    topv_all, _ = jax.lax.top_k(neg_masked, total)
    keep = jnp.arange(total) < k
    neg_mean = jnp.sum(jnp.where(keep, topv_all, 0.0)) / k
    neg_keep = jnp.where(num_neg == 0, jnp.float32(0.0), neg_mean)
    pos_mean = jnp.sum(jnp.where(pos_flat, flat, 0.0)) / num_pos
    pos_keep = jnp.where(num_pos > 0, pos_mean, jnp.float32(0.0))
    return pos_keep + neg_keep

if __name__ == "__main__":
    import jax
    _d = setup_inputs()
    print(jax.jit(kernel)(*tuple(_d.values())))

</pallas_src>

<mosaic_0001>
#map = affine_map<(d0, d1) -> (0, 0, 0)>
#map1 = affine_map<(d0, d1) -> (0, 0)>
module attributes {stable_mosaic.version = 14 : i64} {
  func.func @_sc_reduce_body(%arg0: i32, %arg1: i32, %arg2: memref<16x512x512xf32, #tpu.memory_space<hbm>>, %arg3: memref<8x512x512xi32, #tpu.memory_space<hbm>>, %arg4: memref<3x512xf32, #tpu.memory_space<hbm>>, %arg5: memref<32x512xf32, #tpu.memory_space<vmem>>, %arg6: memref<32x512xi32, #tpu.memory_space<vmem>>, %arg7: memref<32x512xf32, #tpu.memory_space<vmem>>, %arg8: memref<32x512xi32, #tpu.memory_space<vmem>>, %arg9: memref<16xf32, #tpu.memory_space<vmem>>, %arg10: memref<16xf32, #tpu.memory_space<vmem>>, %arg11: memref<16xf32, #tpu.memory_space<vmem>>, %arg12: memref<!tpu.dma_semaphore, #tpu.memory_space<semaphore_mem>>, %arg13: memref<!tpu.dma_semaphore, #tpu.memory_space<semaphore_mem>>) attributes {dimension_semantics = [#tpu.dimension_semantics<core_parallel>, #tpu.dimension_semantics<subcore_parallel>], iteration_bounds = array<i64: 2, 16>, scalar_prefetch = 0 : i64, scratch_operands = 9 : i64, tpu.core_type = #tpu.core_type<sc_vector_subcore>, window_params = [{transform_indices = #map}, {transform_indices = #map}, {transform_indices = #map1}]} {
    %mul3A = arith.constant 2 : i32
    %mul3A_0 = arith.muli %arg1, %mul3A : i32
    %add3A = arith.addi %mul3A_0, %arg0 : i32
    %jit3A = arith.constant 4 : i32
    %div3A = arith.divsi %add3A, %jit3A : i32
    %sign3A = arith.constant 0 : i32
    %sign3A_1 = arith.cmpi sgt, %add3A, %sign3A : i32
    %sign3A_2 = arith.extui %sign3A_1 : i1 to i32
    %sign3A_3 = arith.constant 0 : i32
    %sign3A_4 = arith.cmpi slt, %add3A, %sign3A_3 : i32
    %sign3A_5 = arith.extui %sign3A_4 : i1 to i32
    %sign3A_6 = arith.subi %sign3A_2, %sign3A_5 : i32
    %sign3A_7 = arith.constant 0 : i32
    %sign3A_8 = arith.cmpi sgt, %jit3A, %sign3A_7 : i32
    %sign3A_9 = arith.extui %sign3A_8 : i1 to i32
    %sign3A_10 = arith.constant 0 : i32
    %sign3A_11 = arith.cmpi slt, %jit3A, %sign3A_10 : i32
    %sign3A_12 = arith.extui %sign3A_11 : i1 to i32
    %sign3A_13 = arith.subi %sign3A_9, %sign3A_12 : i32
    %ne3A = arith.cmpi ne, %sign3A_6, %sign3A_13 : i32
    %rem3A = arith.remsi %add3A, %jit3A : i32
    %ne3A_14 = arith.constant 0 : i32
    %ne3A_15 = arith.cmpi ne, %rem3A, %ne3A_14 : i32
    %and3A = arith.andi %ne3A, %ne3A_15 : i1
    %sub3A = arith.constant 1 : i32
    %sub3A_16 = arith.subi %div3A, %sub3A : i32
    %select_n3A = arith.select %and3A, %sub3A_16, %div3A : i32
    %jit3A_17 = arith.constant 4 : i32
    %eq3A = arith.constant 0 : i32
    %eq3A_18 = arith.cmpi eq, %jit3A_17, %eq3A : i32
    %jit3A_19 = arith.constant 1 : i32
    %select_n3A_20 = arith.select %eq3A_18, %jit3A_19, %jit3A_17 : i32
    %rem3A_21 = arith.remsi %add3A, %select_n3A_20 : i32
    %ne3A_22 = arith.constant 0 : i32
    %ne3A_23 = arith.cmpi ne, %rem3A_21, %ne3A_22 : i32
    %lt3A = arith.constant 0 : i32
    %lt3A_24 = arith.cmpi slt, %rem3A_21, %lt3A : i32
    %lt3A_25 = arith.constant 0 : i32
    %lt3A_26 = arith.cmpi slt, %select_n3A_20, %lt3A_25 : i32
    %ne3A_27 = arith.xori %lt3A_24, %lt3A_26 : i1
    %and3A_28 = arith.andi %ne3A_27, %ne3A_23 : i1
    %add3A_29 = arith.addi %rem3A_21, %select_n3A_20 : i32
    %select_n3A_30 = arith.select %and3A_28, %add3A_29, %rem3A_21 : i32
    %mul3A_31 = arith.constant 128 : i32
    %mul3A_32 = arith.muli %select_n3A_30, %mul3A_31 : i32
    %broadcast_in_dim3A = arith.constant 0.000000e+00 : f32
    %broadcast_in_dim3A_33 = vector.broadcast %broadcast_in_dim3A : f32 to vector<16xf32>
    %mul3A_34 = arith.constant 2 : i32
    %mul3A_35 = arith.muli %mul3A_34, %select_n3A : i32
    %add3A_36 = arith.constant 1 : i32
    %add3A_37 = arith.addi %mul3A_35, %add3A_36 : i32
    %add3A_38 = arith.constant 0 : i32
    %add3A_39 = arith.addi %mul3A_32, %add3A_38 : i32
    %dma_start3A = arith.constant 0 : i32
    %dma_start3A_40 = tpu.memref_slice %arg2[%add3A_37, %add3A_39, %dma_start3A] : memref<16x512x512xf32, #tpu.memory_space<hbm>> -> memref<1x32x512xf32, #tpu.memory_space<hbm>>
    %dma_start3A_41 = tpu.memref_squeeze %dma_start3A_40 : memref<1x32x512xf32, #tpu.memory_space<hbm>> -> memref<32x512xf32, #tpu.memory_space<hbm>>
    %dma_start3A_42 = arith.constant 0 : i32
    %dma_start3A_43 = tpu.memref_slice %arg2[%add3A_37, %add3A_39, %dma_start3A_42] : memref<16x512x512xf32, #tpu.memory_space<hbm>> -> memref<1x32x512xf32, #tpu.memory_space<hbm>>
    %dma_start3A_44 = tpu.memref_squeeze %dma_start3A_43 : memref<1x32x512xf32, #tpu.memory_space<hbm>> -> memref<32x512xf32, #tpu.memory_space<hbm>>
    tpu.enqueue_dma source(%dma_start3A_44 : memref<32x512xf32, #tpu.memory_space<hbm>>) target(%arg5 : memref<32x512xf32, #tpu.memory_space<vmem>>) target_semaphore(%arg12 : memref<!tpu.dma_semaphore, #tpu.memory_space<semaphore_mem>>)
    %add3A_45 = arith.constant 0 : i32
    %add3A_46 = arith.addi %mul3A_32, %add3A_45 : i32
    %dma_start3A_47 = arith.constant 0 : i32
    %dma_start3A_48 = tpu.memref_slice %arg3[%select_n3A, %add3A_46, %dma_start3A_47] : memref<8x512x512xi32, #tpu.memory_space<hbm>> -> memref<1x32x512xi32, #tpu.memory_space<hbm>>
    %dma_start3A_49 = tpu.memref_squeeze %dma_start3A_48 : memref<1x32x512xi32, #tpu.memory_space<hbm>> -> memref<32x512xi32, #tpu.memory_space<hbm>>
    %dma_start3A_50 = arith.constant 0 : i32
    %dma_start3A_51 = tpu.memref_slice %arg3[%select_n3A, %add3A_46, %dma_start3A_50] : memref<8x512x512xi32, #tpu.memory_space<hbm>> -> memref<1x32x512xi32, #tpu.memory_space<hbm>>
    %dma_start3A_52 = tpu.memref_squeeze %dma_start3A_51 : memref<1x32x512xi32, #tpu.memory_space<hbm>> -> memref<32x512xi32, #tpu.memory_space<hbm>>
    tpu.enqueue_dma source(%dma_start3A_52 : memref<32x512xi32, #tpu.memory_space<hbm>>) target(%arg6 : memref<32x512xi32, #tpu.memory_space<vmem>>) target_semaphore(%arg12 : memref<!tpu.dma_semaphore, #tpu.memory_space<semaphore_mem>>)
    %mul3A_53 = arith.constant 2 : i32
    %mul3A_54 = arith.muli %mul3A_53, %select_n3A : i32
    %add3A_55 = arith.constant 1 : i32
    %add3A_56 = arith.addi %mul3A_54, %add3A_55 : i32
    %add3A_57 = arith.constant 32 : i32
    %add3A_58 = arith.addi %mul3A_32, %add3A_57 : i32
    %dma_start3A_59 = arith.constant 0 : i32
    %dma_start3A_60 = tpu.memref_slice %arg2[%add3A_56, %add3A_58, %dma_start3A_59] : memref<16x512x512xf32, #tpu.memory_space<hbm>> -> memref<1x32x512xf32, #tpu.memory_space<hbm>>
    %dma_start3A_61 = tpu.memref_squeeze %dma_start3A_60 : memref<1x32x512xf32, #tpu.memory_space<hbm>> -> memref<32x512xf32, #tpu.memory_space<hbm>>
    %dma_start3A_62 = arith.constant 0 : i32
    %dma_start3A_63 = tpu.memref_slice %arg2[%add3A_56, %add3A_58, %dma_start3A_62] : memref<16x512x512xf32, #tpu.memory_space<hbm>> -> memref<1x32x512xf32, #tpu.memory_space<hbm>>
    %dma_start3A_64 = tpu.memref_squeeze %dma_start3A_63 : memref<1x32x512xf32, #tpu.memory_space<hbm>> -> memref<32x512xf32, #tpu.memory_space<hbm>>
    tpu.enqueue_dma source(%dma_start3A_64 : memref<32x512xf32, #tpu.memory_space<hbm>>) target(%arg7 : memref<32x512xf32, #tpu.memory_space<vmem>>) target_semaphore(%arg13 : memref<!tpu.dma_semaphore, #tpu.memory_space<semaphore_mem>>)
    %add3A_65 = arith.constant 32 : i32
    %add3A_66 = arith.addi %mul3A_32, %add3A_65 : i32
    %dma_start3A_67 = arith.constant 0 : i32
    %dma_start3A_68 = tpu.memref_slice %arg3[%select_n3A, %add3A_66, %dma_start3A_67] : memref<8x512x512xi32, #tpu.memory_space<hbm>> -> memref<1x32x512xi32, #tpu.memory_space<hbm>>
    %dma_start3A_69 = tpu.memref_squeeze %dma_start3A_68 : memref<1x32x512xi32, #tpu.memory_space<hbm>> -> memref<32x512xi32, #tpu.memory_space<hbm>>
    %dma_start3A_70 = arith.constant 0 : i32
    %dma_start3A_71 = tpu.memref_slice %arg3[%select_n3A, %add3A_66, %dma_start3A_70] : memref<8x512x512xi32, #tpu.memory_space<hbm>> -> memref<1x32x512xi32, #tpu.memory_space<hbm>>
    %dma_start3A_72 = tpu.memref_squeeze %dma_start3A_71 : memref<1x32x512xi32, #tpu.memory_space<hbm>> -> memref<32x512xi32, #tpu.memory_space<hbm>>
    tpu.enqueue_dma source(%dma_start3A_72 : memref<32x512xi32, #tpu.memory_space<hbm>>) target(%arg8 : memref<32x512xi32, #tpu.memory_space<vmem>>) target_semaphore(%arg13 : memref<!tpu.dma_semaphore, #tpu.memory_space<semaphore_mem>>)
    %dma_wait3A = arith.constant 0 : i32
    %dma_wait3A_73 = tpu.memref_slice %arg2[%add3A_37, %add3A_39, %dma_wait3A] : memref<16x512x512xf32, #tpu.memory_space<hbm>> -> memref<1x32x512xf32, #tpu.memory_space<hbm>>
    %dma_wait3A_74 = tpu.memref_squeeze %dma_wait3A_73 : memref<1x32x512xf32, #tpu.memory_space<hbm>> -> memref<32x512xf32, #tpu.memory_space<hbm>>
    %dma_wait3A_75 = arith.constant 0 : i32
    %dma_wait3A_76 = tpu.memref_slice %arg2[%add3A_37, %add3A_39, %dma_wait3A_75] : memref<16x512x512xf32, #tpu.memory_space<hbm>> -> memref<1x32x512xf32, #tpu.memory_space<hbm>>
    %dma_wait3A_77 = tpu.memref_squeeze %dma_wait3A_76 : memref<1x32x512xf32, #tpu.memory_space<hbm>> -> memref<32x512xf32, #tpu.memory_space<hbm>>
    tpu.wait_dma2 semaphore(%arg12 : memref<!tpu.dma_semaphore, #tpu.memory_space<semaphore_mem>>) src(%dma_wait3A_77 : memref<32x512xf32, #tpu.memory_space<hbm>>) dst(%arg5 : memref<32x512xf32, #tpu.memory_space<vmem>>)
    %dma_wait3A_78 = arith.constant 0 : i32
    %dma_wait3A_79 = tpu.memref_slice %arg3[%select_n3A, %add3A_46, %dma_wait3A_78] : memref<8x512x512xi32, #tpu.memory_space<hbm>> -> memref<1x32x512xi32, #tpu.memory_space<hbm>>
    %dma_wait3A_80 = tpu.memref_squeeze %dma_wait3A_79 : memref<1x32x512xi32, #tpu.memory_space<hbm>> -> memref<32x512xi32, #tpu.memory_space<hbm>>
    %dma_wait3A_81 = arith.constant 0 : i32
    %dma_wait3A_82 = tpu.memref_slice %arg3[%select_n3A, %add3A_46, %dma_wait3A_81] : memref<8x512x512xi32, #tpu.memory_space<hbm>> -> memref<1x32x512xi32, #tpu.memory_space<hbm>>
    %dma_wait3A_83 = tpu.memref_squeeze %dma_wait3A_82 : memref<1x32x512xi32, #tpu.memory_space<hbm>> -> memref<32x512xi32, #tpu.memory_space<hbm>>
    tpu.wait_dma2 semaphore(%arg12 : memref<!tpu.dma_semaphore, #tpu.memory_space<semaphore_mem>>) src(%dma_wait3A_83 : memref<32x512xi32, #tpu.memory_space<hbm>>) dst(%arg6 : memref<32x512xi32, #tpu.memory_space<vmem>>)
    %scan3A = arith.constant 0 : i32
    %scan3A_84 = arith.constant 32 : i32
    %scan3A_85 = arith.addi %scan3A, %scan3A_84 : i32
    %scan3A_86 = arith.constant 1 : i32
    %scan3A_87:24 = scf.for %scan3A_223 = %scan3A to %scan3A_85 step %scan3A_86 iter_args(%scan3A_224 = %broadcast_in_dim3A_33, %scan3A_225 = %broadcast_in_dim3A_33, %scan3A_226 = %broadcast_in_dim3A_33, %scan3A_227 = %broadcast_in_dim3A_33, %scan3A_228 = %broadcast_in_dim3A_33, %scan3A_229 = %broadcast_in_dim3A_33, %scan3A_230 = %broadcast_in_dim3A_33, %scan3A_231 = %broadcast_in_dim3A_33, %scan3A_232 = %broadcast_in_dim3A_33, %scan3A_233 = %broadcast_in_dim3A_33, %scan3A_234 = %broadcast_in_dim3A_33, %scan3A_235 = %broadcast_in_dim3A_33, %scan3A_236 = %broadcast_in_dim3A_33, %scan3A_237 = %broadcast_in_dim3A_33, %scan3A_238 = %broadcast_in_dim3A_33, %scan3A_239 = %broadcast_in_dim3A_33, %scan3A_240 = %broadcast_in_dim3A_33, %scan3A_241 = %broadcast_in_dim3A_33, %scan3A_242 = %broadcast_in_dim3A_33, %scan3A_243 = %broadcast_in_dim3A_33, %scan3A_244 = %broadcast_in_dim3A_33, %scan3A_245 = %broadcast_in_dim3A_33, %scan3A_246 = %broadcast_in_dim3A_33, %scan3A_247 = %broadcast_in_dim3A_33) -> (vector<16xf32>, vector<16xf32>, vector<16xf32>, vector<16xf32>, vector<16xf32>, vector<16xf32>, vector<16xf32>, vector<16xf32>, vector<16xf32>, vector<16xf32>, vector<16xf32>, vector<16xf32>, vector<16xf32>, vector<16xf32>, vector<16xf32>, vector<16xf32>, vector<16xf32>, vector<16xf32>, vector<16xf32>, vector<16xf32>, vector<16xf32>, vector<16xf32>, vector<16xf32>, vector<16xf32>)  : i32 {
      %scan3A_248 = arith.constant 0 : i32
      %scan3A_249 = arith.constant 4 : i32
      %scan3A_250 = arith.addi %scan3A_248, %scan3A_249 : i32
      %scan3A_251 = arith.constant 1 : i32
      %scan3A_252:24 = scf.for %scan3A_254 = %scan3A_248 to %scan3A_250 step %scan3A_251 iter_args(%scan3A_255 = %scan3A_224, %scan3A_256 = %scan3A_225, %scan3A_257 = %scan3A_226, %scan3A_258 = %scan3A_227, %scan3A_259 = %scan3A_228, %scan3A_260 = %scan3A_229, %scan3A_261 = %scan3A_230, %scan3A_262 = %scan3A_231, %scan3A_263 = %scan3A_232, %scan3A_264 = %scan3A_233, %scan3A_265 = %scan3A_234, %scan3A_266 = %scan3A_235, %scan3A_267 = %scan3A_236, %scan3A_268 = %scan3A_237, %scan3A_269 = %scan3A_238, %scan3A_270 = %scan3A_239, %scan3A_271 = %scan3A_240, %scan3A_272 = %scan3A_241, %scan3A_273 = %scan3A_242, %scan3A_274 = %scan3A_243, %scan3A_275 = %scan3A_244, %scan3A_276 = %scan3A_245, %scan3A_277 = %scan3A_246, %scan3A_278 = %scan3A_247) -> (vector<16xf32>, vector<16xf32>, vector<16xf32>, vector<16xf32>, vector<16xf32>, vector<16xf32>, vector<16xf32>, vector<16xf32>, vector<16xf32>, vector<16xf32>, vector<16xf32>, vector<16xf32>, vector<16xf32>, vector<16xf32>, vector<16xf32>, vector<16xf32>, vector<16xf32>, vector<16xf32>, vector<16xf32>, vector<16xf32>, vector<16xf32>, vector<16xf32>, vector<16xf32>, vector<16xf32>)  : i32 {
        %mul3A_279 = arith.constant 128 : i32
        %mul3A_280 = arith.muli %scan3A_254, %mul3A_279 : i32
        %add3A_281 = arith.constant 0 : i32
        %add3A_282 = arith.addi %mul3A_280, %add3A_281 : i32
        %get3A = arith.index_cast %scan3A_223 : i32 to index
        %get3A_283 = arith.index_cast %add3A_282 : i32 to index
        %get3A_284 = tpu.vector_load %arg5[%get3A, %get3A_283] {strides = array<i32>} : memref<32x512xf32, #tpu.memory_space<vmem>>, vector<1x16xf32>,
        %get3A_285 = vector.shape_cast %get3A_284 : vector<1x16xf32> to vector<16xf32>
        %get3A_286 = arith.index_cast %scan3A_223 : i32 to index
        %get3A_287 = arith.index_cast %add3A_282 : i32 to index
        %get3A_288 = tpu.vector_load %arg6[%get3A_286, %get3A_287] {strides = array<i32>} : memref<32x512xi32, #tpu.memory_space<vmem>>, vector<1x16xi32>,
        %get3A_289 = vector.shape_cast %get3A_288 : vector<1x16xi32> to vector<16xi32>
        %convert_element_type3A = arith.sitofp %get3A_289 : vector<16xi32> to vector<16xf32>
        %abs3A = math.absf %get3A_285 : vector<16xf32>
        %min3A = arith.constant 8.000000e+00 : f32
        %min3A_290 = vector.broadcast %min3A : f32 to vector<16xf32>
        %min3A_291 = arith.minimumf %abs3A, %min3A_290 : vector<16xf32>
        %mul3A_292 = arith.constant 4.985710e-09 : f32
        %mul3A_293 = vector.broadcast %mul3A_292 : f32 to vector<16xf32>
        %mul3A_294 = arith.mulf %mul3A_293, %min3A_291 : vector<16xf32>
        %add3A_295 = arith.constant -1.49050962E-7 : f32
        %add3A_296 = vector.broadcast %add3A_295 : f32 to vector<16xf32>
        %add3A_297 = arith.addf %mul3A_294, %add3A_296 : vector<16xf32>
        %mul3A_298 = arith.mulf %add3A_297, %min3A_291 : vector<16xf32>
        %add3A_299 = arith.constant 1.03463333E-6 : f32
        %add3A_300 = vector.broadcast %add3A_299 : f32 to vector<16xf32>
        %add3A_301 = arith.addf %mul3A_298, %add3A_300 : vector<16xf32>
        %mul3A_302 = arith.mulf %add3A_301, %min3A_291 : vector<16xf32>
        %add3A_303 = arith.constant 1.54570207E-5 : f32
        %add3A_304 = vector.broadcast %add3A_303 : f32 to vector<16xf32>
        %add3A_305 = arith.addf %mul3A_302, %add3A_304 : vector<16xf32>
        %mul3A_306 = arith.mulf %add3A_305, %min3A_291 : vector<16xf32>
        %add3A_307 = arith.constant -3.47155205E-4 : f32
        %add3A_308 = vector.broadcast %add3A_307 : f32 to vector<16xf32>
        %add3A_309 = arith.addf %mul3A_306, %add3A_308 : vector<16xf32>
        %mul3A_310 = arith.mulf %add3A_309, %min3A_291 : vector<16xf32>
        %add3A_311 = arith.constant 0.00283009862 : f32
        %add3A_312 = vector.broadcast %add3A_311 : f32 to vector<16xf32>
        %add3A_313 = arith.addf %mul3A_310, %add3A_312 : vector<16xf32>
        %mul3A_314 = arith.mulf %add3A_313, %min3A_291 : vector<16xf32>
        %add3A_315 = arith.constant -0.0108606992 : f32
        %add3A_316 = vector.broadcast %add3A_315 : f32 to vector<16xf32>
        %add3A_317 = arith.addf %mul3A_314, %add3A_316 : vector<16xf32>
        %mul3A_318 = arith.mulf %add3A_317, %min3A_291 : vector<16xf32>
        %add3A_319 = arith.constant 0.00615926273 : f32
        %add3A_320 = vector.broadcast %add3A_319 : f32 to vector<16xf32>
        %add3A_321 = arith.addf %mul3A_318, %add3A_320 : vector<16xf32>
        %mul3A_322 = arith.mulf %add3A_321, %min3A_291 : vector<16xf32>
        %add3A_323 = arith.constant 0.121538311 : f32
        %add3A_324 = vector.broadcast %add3A_323 : f32 to vector<16xf32>
        %add3A_325 = arith.addf %mul3A_322, %add3A_324 : vector<16xf32>
        %mul3A_326 = arith.mulf %add3A_325, %min3A_291 : vector<16xf32>
        %add3A_327 = arith.constant -0.49917528 : f32
        %add3A_328 = vector.broadcast %add3A_327 : f32 to vector<16xf32>
        %add3A_329 = arith.addf %mul3A_326, %add3A_328 : vector<16xf32>
        %mul3A_330 = arith.mulf %add3A_329, %min3A_291 : vector<16xf32>
        %add3A_331 = arith.constant 0.693099081 : f32
        %add3A_332 = vector.broadcast %add3A_331 : f32 to vector<16xf32>
        %add3A_333 = arith.addf %mul3A_330, %add3A_332 : vector<16xf32>
        %max3A = arith.constant 0.000000e+00 : f32
        %max3A_334 = vector.broadcast %max3A : f32 to vector<16xf32>
        %max3A_335 = arith.maximumf %add3A_333, %max3A_334 : vector<16xf32>
        %max3A_336 = arith.constant 0.000000e+00 : f32
        %max3A_337 = vector.broadcast %max3A_336 : f32 to vector<16xf32>
        %max3A_338 = arith.maximumf %get3A_285, %max3A_337 : vector<16xf32>
        %add3A_339 = arith.addf %max3A_338, %max3A_335 : vector<16xf32>
        %mul3A_340 = arith.mulf %convert_element_type3A, %get3A_285 : vector<16xf32>
        %sub3A_341 = arith.subf %add3A_339, %mul3A_340 : vector<16xf32>
        %add3A_342 = arith.addf %scan3A_255, %sub3A_341 : vector<16xf32>
        %mul3A_343 = arith.mulf %convert_element_type3A, %sub3A_341 : vector<16xf32>
        %add3A_344 = arith.addf %scan3A_256, %mul3A_343 : vector<16xf32>
        %add3A_345 = arith.addf %scan3A_257, %convert_element_type3A : vector<16xf32>
        %mul3A_346 = arith.constant 128 : i32
        %mul3A_347 = arith.muli %scan3A_254, %mul3A_346 : i32
        %add3A_348 = arith.constant 16 : i32
        %add3A_349 = arith.addi %mul3A_347, %add3A_348 : i32
        %get3A_350 = arith.index_cast %scan3A_223 : i32 to index
        %get3A_351 = arith.index_cast %add3A_349 : i32 to index
        %get3A_352 = tpu.vector_load %arg5[%get3A_350, %get3A_351] {strides = array<i32>} : memref<32x512xf32, #tpu.memory_space<vmem>>, vector<1x16xf32>,
        %get3A_353 = vector.shape_cast %get3A_352 : vector<1x16xf32> to vector<16xf32>
        %get3A_354 = arith.index_cast %scan3A_223 : i32 to index
        %get3A_355 = arith.index_cast %add3A_349 : i32 to index
        %get3A_356 = tpu.vector_load %arg6[%get3A_354, %get3A_355] {strides = array<i32>} : memref<32x512xi32, #tpu.memory_space<vmem>>, vector<1x16xi32>,
        %get3A_357 = vector.shape_cast %get3A_356 : vector<1x16xi32> to vector<16xi32>
        %convert_element_type3A_358 = arith.sitofp %get3A_357 : vector<16xi32> to vector<16xf32>
        %abs3A_359 = math.absf %get3A_353 : vector<16xf32>
        %min3A_360 = arith.constant 8.000000e+00 : f32
        %min3A_361 = vector.broadcast %min3A_360 : f32 to vector<16xf32>
        %min3A_362 = arith.minimumf %abs3A_359, %min3A_361 : vector<16xf32>
        %mul3A_363 = arith.constant 4.985710e-09 : f32
        %mul3A_364 = vector.broadcast %mul3A_363 : f32 to vector<16xf32>
        %mul3A_365 = arith.mulf %mul3A_364, %min3A_362 : vector<16xf32>
        %add3A_366 = arith.constant -1.49050962E-7 : f32
        %add3A_367 = vector.broadcast %add3A_366 : f32 to vector<16xf32>
        %add3A_368 = arith.addf %mul3A_365, %add3A_367 : vector<16xf32>
        %mul3A_369 = arith.mulf %add3A_368, %min3A_362 : vector<16xf32>
        %add3A_370 = arith.constant 1.03463333E-6 : f32
        %add3A_371 = vector.broadcast %add3A_370 : f32 to vector<16xf32>
        %add3A_372 = arith.addf %mul3A_369, %add3A_371 : vector<16xf32>
        %mul3A_373 = arith.mulf %add3A_372, %min3A_362 : vector<16xf32>
        %add3A_374 = arith.constant 1.54570207E-5 : f32
        %add3A_375 = vector.broadcast %add3A_374 : f32 to vector<16xf32>
        %add3A_376 = arith.addf %mul3A_373, %add3A_375 : vector<16xf32>
        %mul3A_377 = arith.mulf %add3A_376, %min3A_362 : vector<16xf32>
        %add3A_378 = arith.constant -3.47155205E-4 : f32
        %add3A_379 = vector.broadcast %add3A_378 : f32 to vector<16xf32>
        %add3A_380 = arith.addf %mul3A_377, %add3A_379 : vector<16xf32>
        %mul3A_381 = arith.mulf %add3A_380, %min3A_362 : vector<16xf32>
        %add3A_382 = arith.constant 0.00283009862 : f32
        %add3A_383 = vector.broadcast %add3A_382 : f32 to vector<16xf32>
        %add3A_384 = arith.addf %mul3A_381, %add3A_383 : vector<16xf32>
        %mul3A_385 = arith.mulf %add3A_384, %min3A_362 : vector<16xf32>
        %add3A_386 = arith.constant -0.0108606992 : f32
        %add3A_387 = vector.broadcast %add3A_386 : f32 to vector<16xf32>
        %add3A_388 = arith.addf %mul3A_385, %add3A_387 : vector<16xf32>
        %mul3A_389 = arith.mulf %add3A_388, %min3A_362 : vector<16xf32>
        %add3A_390 = arith.constant 0.00615926273 : f32
        %add3A_391 = vector.broadcast %add3A_390 : f32 to vector<16xf32>
        %add3A_392 = arith.addf %mul3A_389, %add3A_391 : vector<16xf32>
        %mul3A_393 = arith.mulf %add3A_392, %min3A_362 : vector<16xf32>
        %add3A_394 = arith.constant 0.121538311 : f32
        %add3A_395 = vector.broadcast %add3A_394 : f32 to vector<16xf32>
        %add3A_396 = arith.addf %mul3A_393, %add3A_395 : vector<16xf32>
        %mul3A_397 = arith.mulf %add3A_396, %min3A_362 : vector<16xf32>
        %add3A_398 = arith.constant -0.49917528 : f32
        %add3A_399 = vector.broadcast %add3A_398 : f32 to vector<16xf32>
        %add3A_400 = arith.addf %mul3A_397, %add3A_399 : vector<16xf32>
        %mul3A_401 = arith.mulf %add3A_400, %min3A_362 : vector<16xf32>
        %add3A_402 = arith.constant 0.693099081 : f32
        %add3A_403 = vector.broadcast %add3A_402 : f32 to vector<16xf32>
        %add3A_404 = arith.addf %mul3A_401, %add3A_403 : vector<16xf32>
        %max3A_405 = arith.constant 0.000000e+00 : f32
        %max3A_406 = vector.broadcast %max3A_405 : f32 to vector<16xf32>
        %max3A_407 = arith.maximumf %add3A_404, %max3A_406 : vector<16xf32>
        %max3A_408 = arith.constant 0.000000e+00 : f32
        %max3A_409 = vector.broadcast %max3A_408 : f32 to vector<16xf32>
        %max3A_410 = arith.maximumf %get3A_353, %max3A_409 : vector<16xf32>
        %add3A_411 = arith.addf %max3A_410, %max3A_407 : vector<16xf32>
        %mul3A_412 = arith.mulf %convert_element_type3A_358, %get3A_353 : vector<16xf32>
        %sub3A_413 = arith.subf %add3A_411, %mul3A_412 : vector<16xf32>
        %add3A_414 = arith.addf %scan3A_258, %sub3A_413 : vector<16xf32>
        %mul3A_415 = arith.mulf %convert_element_type3A_358, %sub3A_413 : vector<16xf32>
        %add3A_416 = arith.addf %scan3A_259, %mul3A_415 : vector<16xf32>
        %add3A_417 = arith.addf %scan3A_260, %convert_element_type3A_358 : vector<16xf32>
        %mul3A_418 = arith.constant 128 : i32
        %mul3A_419 = arith.muli %scan3A_254, %mul3A_418 : i32
        %add3A_420 = arith.constant 32 : i32
        %add3A_421 = arith.addi %mul3A_419, %add3A_420 : i32
        %get3A_422 = arith.index_cast %scan3A_223 : i32 to index
        %get3A_423 = arith.index_cast %add3A_421 : i32 to index
        %get3A_424 = tpu.vector_load %arg5[%get3A_422, %get3A_423] {strides = array<i32>} : memref<32x512xf32, #tpu.memory_space<vmem>>, vector<1x16xf32>,
        %get3A_425 = vector.shape_cast %get3A_424 : vector<1x16xf32> to vector<16xf32>
        %get3A_426 = arith.index_cast %scan3A_223 : i32 to index
        %get3A_427 = arith.index_cast %add3A_421 : i32 to index
        %get3A_428 = tpu.vector_load %arg6[%get3A_426, %get3A_427] {strides = array<i32>} : memref<32x512xi32, #tpu.memory_space<vmem>>, vector<1x16xi32>,
        %get3A_429 = vector.shape_cast %get3A_428 : vector<1x16xi32> to vector<16xi32>
        %convert_element_type3A_430 = arith.sitofp %get3A_429 : vector<16xi32> to vector<16xf32>
        %abs3A_431 = math.absf %get3A_425 : vector<16xf32>
        %min3A_432 = arith.constant 8.000000e+00 : f32
        %min3A_433 = vector.broadcast %min3A_432 : f32 to vector<16xf32>
        %min3A_434 = arith.minimumf %abs3A_431, %min3A_433 : vector<16xf32>
        %mul3A_435 = arith.constant 4.985710e-09 : f32
        %mul3A_436 = vector.broadcast %mul3A_435 : f32 to vector<16xf32>
        %mul3A_437 = arith.mulf %mul3A_436, %min3A_434 : vector<16xf32>
        %add3A_438 = arith.constant -1.49050962E-7 : f32
        %add3A_439 = vector.broadcast %add3A_438 : f32 to vector<16xf32>
        %add3A_440 = arith.addf %mul3A_437, %add3A_439 : vector<16xf32>
        %mul3A_441 = arith.mulf %add3A_440, %min3A_434 : vector<16xf32>
        %add3A_442 = arith.constant 1.03463333E-6 : f32
        %add3A_443 = vector.broadcast %add3A_442 : f32 to vector<16xf32>
        %add3A_444 = arith.addf %mul3A_441, %add3A_443 : vector<16xf32>
        %mul3A_445 = arith.mulf %add3A_444, %min3A_434 : vector<16xf32>
        %add3A_446 = arith.constant 1.54570207E-5 : f32
        %add3A_447 = vector.broadcast %add3A_446 : f32 to vector<16xf32>
        %add3A_448 = arith.addf %mul3A_445, %add3A_447 : vector<16xf32>
        %mul3A_449 = arith.mulf %add3A_448, %min3A_434 : vector<16xf32>
        %add3A_450 = arith.constant -3.47155205E-4 : f32
        %add3A_451 = vector.broadcast %add3A_450 : f32 to vector<16xf32>
        %add3A_452 = arith.addf %mul3A_449, %add3A_451 : vector<16xf32>
        %mul3A_453 = arith.mulf %add3A_452, %min3A_434 : vector<16xf32>
        %add3A_454 = arith.constant 0.00283009862 : f32
        %add3A_455 = vector.broadcast %add3A_454 : f32 to vector<16xf32>
        %add3A_456 = arith.addf %mul3A_453, %add3A_455 : vector<16xf32>
        %mul3A_457 = arith.mulf %add3A_456, %min3A_434 : vector<16xf32>
        %add3A_458 = arith.constant -0.0108606992 : f32
        %add3A_459 = vector.broadcast %add3A_458 : f32 to vector<16xf32>
        %add3A_460 = arith.addf %mul3A_457, %add3A_459 : vector<16xf32>
        %mul3A_461 = arith.mulf %add3A_460, %min3A_434 : vector<16xf32>
        %add3A_462 = arith.constant 0.00615926273 : f32
        %add3A_463 = vector.broadcast %add3A_462 : f32 to vector<16xf32>
        %add3A_464 = arith.addf %mul3A_461, %add3A_463 : vector<16xf32>
        %mul3A_465 = arith.mulf %add3A_464, %min3A_434 : vector<16xf32>
        %add3A_466 = arith.constant 0.121538311 : f32
        %add3A_467 = vector.broadcast %add3A_466 : f32 to vector<16xf32>
        %add3A_468 = arith.addf %mul3A_465, %add3A_467 : vector<16xf32>
        %mul3A_469 = arith.mulf %add3A_468, %min3A_434 : vector<16xf32>
        %add3A_470 = arith.constant -0.49917528 : f32
        %add3A_471 = vector.broadcast %add3A_470 : f32 to vector<16xf32>
        %add3A_472 = arith.addf %mul3A_469, %add3A_471 : vector<16xf32>
        %mul3A_473 = arith.mulf %add3A_472, %min3A_434 : vector<16xf32>
        %add3A_474 = arith.constant 0.693099081 : f32
        %add3A_475 = vector.broadcast %add3A_474 : f32 to vector<16xf32>
        %add3A_476 = arith.addf %mul3A_473, %add3A_475 : vector<16xf32>
        %max3A_477 = arith.constant 0.000000e+00 : f32
        %max3A_478 = vector.broadcast %max3A_477 : f32 to vector<16xf32>
        %max3A_479 = arith.maximumf %add3A_476, %max3A_478 : vector<16xf32>
        %max3A_480 = arith.constant 0.000000e+00 : f32
        %max3A_481 = vector.broadcast %max3A_480 : f32 to vector<16xf32>
        %max3A_482 = arith.maximumf %get3A_425, %max3A_481 : vector<16xf32>
        %add3A_483 = arith.addf %max3A_482, %max3A_479 : vector<16xf32>
        %mul3A_484 = arith.mulf %convert_element_type3A_430, %get3A_425 : vector<16xf32>
        %sub3A_485 = arith.subf %add3A_483, %mul3A_484 : vector<16xf32>
        %add3A_486 = arith.addf %scan3A_261, %sub3A_485 : vector<16xf32>
        %mul3A_487 = arith.mulf %convert_element_type3A_430, %sub3A_485 : vector<16xf32>
        %add3A_488 = arith.addf %scan3A_262, %mul3A_487 : vector<16xf32>
        %add3A_489 = arith.addf %scan3A_263, %convert_element_type3A_430 : vector<16xf32>
        %mul3A_490 = arith.constant 128 : i32
        %mul3A_491 = arith.muli %scan3A_254, %mul3A_490 : i32
        %add3A_492 = arith.constant 48 : i32
        %add3A_493 = arith.addi %mul3A_491, %add3A_492 : i32
        %get3A_494 = arith.index_cast %scan3A_223 : i32 to index
        %get3A_495 = arith.index_cast %add3A_493 : i32 to index
        %get3A_496 = tpu.vector_load %arg5[%get3A_494, %get3A_495] {strides = array<i32>} : memref<32x512xf32, #tpu.memory_space<vmem>>, vector<1x16xf32>,
        %get3A_497 = vector.shape_cast %get3A_496 : vector<1x16xf32> to vector<16xf32>
        %get3A_498 = arith.index_cast %scan3A_223 : i32 to index
        %get3A_499 = arith.index_cast %add3A_493 : i32 to index
        %get3A_500 = tpu.vector_load %arg6[%get3A_498, %get3A_499] {strides = array<i32>} : memref<32x512xi32, #tpu.memory_space<vmem>>, vector<1x16xi32>,
        %get3A_501 = vector.shape_cast %get3A_500 : vector<1x16xi32> to vector<16xi32>
        %convert_element_type3A_502 = arith.sitofp %get3A_501 : vector<16xi32> to vector<16xf32>
        %abs3A_503 = math.absf %get3A_497 : vector<16xf32>
        %min3A_504 = arith.constant 8.000000e+00 : f32
        %min3A_505 = vector.broadcast %min3A_504 : f32 to vector<16xf32>
        %min3A_506 = arith.minimumf %abs3A_503, %min3A_505 : vector<16xf32>
        %mul3A_507 = arith.constant 4.985710e-09 : f32
        %mul3A_508 = vector.broadcast %mul3A_507 : f32 to vector<16xf32>
        %mul3A_509 = arith.mulf %mul3A_508, %min3A_506 : vector<16xf32>
        %add3A_510 = arith.constant -1.49050962E-7 : f32
        %add3A_511 = vector.broadcast %add3A_510 : f32 to vector<16xf32>
        %add3A_512 = arith.addf %mul3A_509, %add3A_511 : vector<16xf32>
        %mul3A_513 = arith.mulf %add3A_512, %min3A_506 : vector<16xf32>
        %add3A_514 = arith.constant 1.03463333E-6 : f32
        %add3A_515 = vector.broadcast %add3A_514 : f32 to vector<16xf32>
        %add3A_516 = arith.addf %mul3A_513, %add3A_515 : vector<16xf32>
        %mul3A_517 = arith.mulf %add3A_516, %min3A_506 : vector<16xf32>
        %add3A_518 = arith.constant 1.54570207E-5 : f32
        %add3A_519 = vector.broadcast %add3A_518 : f32 to vector<16xf32>
        %add3A_520 = arith.addf %mul3A_517, %add3A_519 : vector<16xf32>
        %mul3A_521 = arith.mulf %add3A_520, %min3A_506 : vector<16xf32>
        %add3A_522 = arith.constant -3.47155205E-4 : f32
        %add3A_523 = vector.broadcast %add3A_522 : f32 to vector<16xf32>
        %add3A_524 = arith.addf %mul3A_521, %add3A_523 : vector<16xf32>
        %mul3A_525 = arith.mulf %add3A_524, %min3A_506 : vector<16xf32>
        %add3A_526 = arith.constant 0.00283009862 : f32
        %add3A_527 = vector.broadcast %add3A_526 : f32 to vector<16xf32>
        %add3A_528 = arith.addf %mul3A_525, %add3A_527 : vector<16xf32>
        %mul3A_529 = arith.mulf %add3A_528, %min3A_506 : vector<16xf32>
        %add3A_530 = arith.constant -0.0108606992 : f32
        %add3A_531 = vector.broadcast %add3A_530 : f32 to vector<16xf32>
        %add3A_532 = arith.addf %mul3A_529, %add3A_531 : vector<16xf32>
        %mul3A_533 = arith.mulf %add3A_532, %min3A_506 : vector<16xf32>
        %add3A_534 = arith.constant 0.00615926273 : f32
        %add3A_535 = vector.broadcast %add3A_534 : f32 to vector<16xf32>
        %add3A_536 = arith.addf %mul3A_533, %add3A_535 : vector<16xf32>
        %mul3A_537 = arith.mulf %add3A_536, %min3A_506 : vector<16xf32>
        %add3A_538 = arith.constant 0.121538311 : f32
        %add3A_539 = vector.broadcast %add3A_538 : f32 to vector<16xf32>
        %add3A_540 = arith.addf %mul3A_537, %add3A_539 : vector<16xf32>
        %mul3A_541 = arith.mulf %add3A_540, %min3A_506 : vector<16xf32>
        %add3A_542 = arith.constant -0.49917528 : f32
        %add3A_543 = vector.broadcast %add3A_542 : f32 to vector<16xf32>
        %add3A_544 = arith.addf %mul3A_541, %add3A_543 : vector<16xf32>
        %mul3A_545 = arith.mulf %add3A_544, %min3A_506 : vector<16xf32>
        %add3A_546 = arith.constant 0.693099081 : f32
        %add3A_547 = vector.broadcast %add3A_546 : f32 to vector<16xf32>
        %add3A_548 = arith.addf %mul3A_545, %add3A_547 : vector<16xf32>
        %max3A_549 = arith.constant 0.000000e+00 : f32
        %max3A_550 = vector.broadcast %max3A_549 : f32 to vector<16xf32>
        %max3A_551 = arith.maximumf %add3A_548, %max3A_550 : vector<16xf32>
        %max3A_552 = arith.constant 0.000000e+00 : f32
        %max3A_553 = vector.broadcast %max3A_552 : f32 to vector<16xf32>
        %max3A_554 = arith.maximumf %get3A_497, %max3A_553 : vector<16xf32>
        %add3A_555 = arith.addf %max3A_554, %max3A_551 : vector<16xf32>
        %mul3A_556 = arith.mulf %convert_element_type3A_502, %get3A_497 : vector<16xf32>
        %sub3A_557 = arith.subf %add3A_555, %mul3A_556 : vector<16xf32>
        %add3A_558 = arith.addf %scan3A_264, %sub3A_557 : vector<16xf32>
        %mul3A_559 = arith.mulf %convert_element_type3A_502, %sub3A_557 : vector<16xf32>
        %add3A_560 = arith.addf %scan3A_265, %mul3A_559 : vector<16xf32>
        %add3A_561 = arith.addf %scan3A_266, %convert_element_type3A_502 : vector<16xf32>
        %mul3A_562 = arith.constant 128 : i32
        %mul3A_563 = arith.muli %scan3A_254, %mul3A_562 : i32
        %add3A_564 = arith.constant 64 : i32
        %add3A_565 = arith.addi %mul3A_563, %add3A_564 : i32
        %get3A_566 = arith.index_cast %scan3A_223 : i32 to index
        %get3A_567 = arith.index_cast %add3A_565 : i32 to index
        %get3A_568 = tpu.vector_load %arg5[%get3A_566, %get3A_567] {strides = array<i32>} : memref<32x512xf32, #tpu.memory_space<vmem>>, vector<1x16xf32>,
        %get3A_569 = vector.shape_cast %get3A_568 : vector<1x16xf32> to vector<16xf32>
        %get3A_570 = arith.index_cast %scan3A_223 : i32 to index
        %get3A_571 = arith.index_cast %add3A_565 : i32 to index
        %get3A_572 = tpu.vector_load %arg6[%get3A_570, %get3A_571] {strides = array<i32>} : memref<32x512xi32, #tpu.memory_space<vmem>>, vector<1x16xi32>,
        %get3A_573 = vector.shape_cast %get3A_572 : vector<1x16xi32> to vector<16xi32>
        %convert_element_type3A_574 = arith.sitofp %get3A_573 : vector<16xi32> to vector<16xf32>
        %abs3A_575 = math.absf %get3A_569 : vector<16xf32>
        %min3A_576 = arith.constant 8.000000e+00 : f32
        %min3A_577 = vector.broadcast %min3A_576 : f32 to vector<16xf32>
        %min3A_578 = arith.minimumf %abs3A_575, %min3A_577 : vector<16xf32>
        %mul3A_579 = arith.constant 4.985710e-09 : f32
        %mul3A_580 = vector.broadcast %mul3A_579 : f32 to vector<16xf32>
        %mul3A_581 = arith.mulf %mul3A_580, %min3A_578 : vector<16xf32>
        %add3A_582 = arith.constant -1.49050962E-7 : f32
        %add3A_583 = vector.broadcast %add3A_582 : f32 to vector<16xf32>
        %add3A_584 = arith.addf %mul3A_581, %add3A_583 : vector<16xf32>
        %mul3A_585 = arith.mulf %add3A_584, %min3A_578 : vector<16xf32>
        %add3A_586 = arith.constant 1.03463333E-6 : f32
        %add3A_587 = vector.broadcast %add3A_586 : f32 to vector<16xf32>
        %add3A_588 = arith.addf %mul3A_585, %add3A_587 : vector<16xf32>
        %mul3A_589 = arith.mulf %add3A_588, %min3A_578 : vector<16xf32>
        %add3A_590 = arith.constant 1.54570207E-5 : f32
        %add3A_591 = vector.broadcast %add3A_590 : f32 to vector<16xf32>
        %add3A_592 = arith.addf %mul3A_589, %add3A_591 : vector<16xf32>
        %mul3A_593 = arith.mulf %add3A_592, %min3A_578 : vector<16xf32>
        %add3A_594 = arith.constant -3.47155205E-4 : f32
        %add3A_595 = vector.broadcast %add3A_594 : f32 to vector<16xf32>
        %add3A_596 = arith.addf %mul3A_593, %add3A_595 : vector<16xf32>
        %mul3A_597 = arith.mulf %add3A_596, %min3A_578 : vector<16xf32>
        %add3A_598 = arith.constant 0.00283009862 : f32
        %add3A_599 = vector.broadcast %add3A_598 : f32 to vector<16xf32>
        %add3A_600 = arith.addf %mul3A_597, %add3A_599 : vector<16xf32>
        %mul3A_601 = arith.mulf %add3A_600, %min3A_578 : vector<16xf32>
        %add3A_602 = arith.constant -0.0108606992 : f32
        %add3A_603 = vector.broadcast %add3A_602 : f32 to vector<16xf32>
        %add3A_604 = arith.addf %mul3A_601, %add3A_603 : vector<16xf32>
        %mul3A_605 = arith.mulf %add3A_604, %min3A_578 : vector<16xf32>
        %add3A_606 = arith.constant 0.00615926273 : f32
        %add3A_607 = vector.broadcast %add3A_606 : f32 to vector<16xf32>
        %add3A_608 = arith.addf %mul3A_605, %add3A_607 : vector<16xf32>
        %mul3A_609 = arith.mulf %add3A_608, %min3A_578 : vector<16xf32>
        %add3A_610 = arith.constant 0.121538311 : f32
        %add3A_611 = vector.broadcast %add3A_610 : f32 to vector<16xf32>
        %add3A_612 = arith.addf %mul3A_609, %add3A_611 : vector<16xf32>
        %mul3A_613 = arith.mulf %add3A_612, %min3A_578 : vector<16xf32>
        %add3A_614 = arith.constant -0.49917528 : f32
        %add3A_615 = vector.broadcast %add3A_614 : f32 to vector<16xf32>
        %add3A_616 = arith.addf %mul3A_613, %add3A_615 : vector<16xf32>
        %mul3A_617 = arith.mulf %add3A_616, %min3A_578 : vector<16xf32>
        %add3A_618 = arith.constant 0.693099081 : f32
        %add3A_619 = vector.broadcast %add3A_618 : f32 to vector<16xf32>
        %add3A_620 = arith.addf %mul3A_617, %add3A_619 : vector<16xf32>
        %max3A_621 = arith.constant 0.000000e+00 : f32
        %max3A_622 = vector.broadcast %max3A_621 : f32 to vector<16xf32>
        %max3A_623 = arith.maximumf %add3A_620, %max3A_622 : vector<16xf32>
        %max3A_624 = arith.constant 0.000000e+00 : f32
        %max3A_625 = vector.broadcast %max3A_624 : f32 to vector<16xf32>
        %max3A_626 = arith.maximumf %get3A_569, %max3A_625 : vector<16xf32>
        %add3A_627 = arith.addf %max3A_626, %max3A_623 : vector<16xf32>
        %mul3A_628 = arith.mulf %convert_element_type3A_574, %get3A_569 : vector<16xf32>
        %sub3A_629 = arith.subf %add3A_627, %mul3A_628 : vector<16xf32>
        %add3A_630 = arith.addf %scan3A_267, %sub3A_629 : vector<16xf32>
        %mul3A_631 = arith.mulf %convert_element_type3A_574, %sub3A_629 : vector<16xf32>
        %add3A_632 = arith.addf %scan3A_268, %mul3A_631 : vector<16xf32>
        %add3A_633 = arith.addf %scan3A_269, %convert_element_type3A_574 : vector<16xf32>
        %mul3A_634 = arith.constant 128 : i32
        %mul3A_635 = arith.muli %scan3A_254, %mul3A_634 : i32
        %add3A_636 = arith.constant 80 : i32
        %add3A_637 = arith.addi %mul3A_635, %add3A_636 : i32
        %get3A_638 = arith.index_cast %scan3A_223 : i32 to index
        %get3A_639 = arith.index_cast %add3A_637 : i32 to index
        %get3A_640 = tpu.vector_load %arg5[%get3A_638, %get3A_639] {strides = array<i32>} : memref<32x512xf32, #tpu.memory_space<vmem>>, vector<1x16xf32>,
        %get3A_641 = vector.shape_cast %get3A_640 : vector<1x16xf32> to vector<16xf32>
        %get3A_642 = arith.index_cast %scan3A_223 : i32 to index
        %get3A_643 = arith.index_cast %add3A_637 : i32 to index
        %get3A_644 = tpu.vector_load %arg6[%get3A_642, %get3A_643] {strides = array<i32>} : memref<32x512xi32, #tpu.memory_space<vmem>>, vector<1x16xi32>,
        %get3A_645 = vector.shape_cast %get3A_644 : vector<1x16xi32> to vector<16xi32>
        %convert_element_type3A_646 = arith.sitofp %get3A_645 : vector<16xi32> to vector<16xf32>
        %abs3A_647 = math.absf %get3A_641 : vector<16xf32>
        %min3A_648 = arith.constant 8.000000e+00 : f32
        %min3A_649 = vector.broadcast %min3A_648 : f32 to vector<16xf32>
        %min3A_650 = arith.minimumf %abs3A_647, %min3A_649 : vector<16xf32>
        %mul3A_651 = arith.constant 4.985710e-09 : f32
        %mul3A_652 = vector.broadcast %mul3A_651 : f32 to vector<16xf32>
        %mul3A_653 = arith.mulf %mul3A_652, %min3A_650 : vector<16xf32>
        %add3A_654 = arith.constant -1.49050962E-7 : f32
        %add3A_655 = vector.broadcast %add3A_654 : f32 to vector<16xf32>
        %add3A_656 = arith.addf %mul3A_653, %add3A_655 : vector<16xf32>
        %mul3A_657 = arith.mulf %add3A_656, %min3A_650 : vector<16xf32>
        %add3A_658 = arith.constant 1.03463333E-6 : f32
        %add3A_659 = vector.broadcast %add3A_658 : f32 to vector<16xf32>
        %add3A_660 = arith.addf %mul3A_657, %add3A_659 : vector<16xf32>
        %mul3A_661 = arith.mulf %add3A_660, %min3A_650 : vector<16xf32>
        %add3A_662 = arith.constant 1.54570207E-5 : f32
        %add3A_663 = vector.broadcast %add3A_662 : f32 to vector<16xf32>
        %add3A_664 = arith.addf %mul3A_661, %add3A_663 : vector<16xf32>
        %mul3A_665 = arith.mulf %add3A_664, %min3A_650 : vector<16xf32>
        %add3A_666 = arith.constant -3.47155205E-4 : f32
        %add3A_667 = vector.broadcast %add3A_666 : f32 to vector<16xf32>
        %add3A_668 = arith.addf %mul3A_665, %add3A_667 : vector<16xf32>
        %mul3A_669 = arith.mulf %add3A_668, %min3A_650 : vector<16xf32>
        %add3A_670 = arith.constant 0.00283009862 : f32
        %add3A_671 = vector.broadcast %add3A_670 : f32 to vector<16xf32>
        %add3A_672 = arith.addf %mul3A_669, %add3A_671 : vector<16xf32>
        %mul3A_673 = arith.mulf %add3A_672, %min3A_650 : vector<16xf32>
        %add3A_674 = arith.constant -0.0108606992 : f32
        %add3A_675 = vector.broadcast %add3A_674 : f32 to vector<16xf32>
        %add3A_676 = arith.addf %mul3A_673, %add3A_675 : vector<16xf32>
        %mul3A_677 = arith.mulf %add3A_676, %min3A_650 : vector<16xf32>
        %add3A_678 = arith.constant 0.00615926273 : f32
        %add3A_679 = vector.broadcast %add3A_678 : f32 to vector<16xf32>
        %add3A_680 = arith.addf %mul3A_677, %add3A_679 : vector<16xf32>
        %mul3A_681 = arith.mulf %add3A_680, %min3A_650 : vector<16xf32>
        %add3A_682 = arith.constant 0.121538311 : f32
        %add3A_683 = vector.broadcast %add3A_682 : f32 to vector<16xf32>
        %add3A_684 = arith.addf %mul3A_681, %add3A_683 : vector<16xf32>
        %mul3A_685 = arith.mulf %add3A_684, %min3A_650 : vector<16xf32>
        %add3A_686 = arith.constant -0.49917528 : f32
        %add3A_687 = vector.broadcast %add3A_686 : f32 to vector<16xf32>
        %add3A_688 = arith.addf %mul3A_685, %add3A_687 : vector<16xf32>
        %mul3A_689 = arith.mulf %add3A_688, %min3A_650 : vector<16xf32>
        %add3A_690 = arith.constant 0.693099081 : f32
        %add3A_691 = vector.broadcast %add3A_690 : f32 to vector<16xf32>
        %add3A_692 = arith.addf %mul3A_689, %add3A_691 : vector<16xf32>
        %max3A_693 = arith.constant 0.000000e+00 : f32
        %max3A_694 = vector.broadcast %max3A_693 : f32 to vector<16xf32>
        %max3A_695 = arith.maximumf %add3A_692, %max3A_694 : vector<16xf32>
        %max3A_696 = arith.constant 0.000000e+00 : f32
        %max3A_697 = vector.broadcast %max3A_696 : f32 to vector<16xf32>
        %max3A_698 = arith.maximumf %get3A_641, %max3A_697 : vector<16xf32>
        %add3A_699 = arith.addf %max3A_698, %max3A_695 : vector<16xf32>
        %mul3A_700 = arith.mulf %convert_element_type3A_646, %get3A_641 : vector<16xf32>
        %sub3A_701 = arith.subf %add3A_699, %mul3A_700 : vector<16xf32>
        %add3A_702 = arith.addf %scan3A_270, %sub3A_701 : vector<16xf32>
        %mul3A_703 = arith.mulf %convert_element_type3A_646, %sub3A_701 : vector<16xf32>
        %add3A_704 = arith.addf %scan3A_271, %mul3A_703 : vector<16xf32>
        %add3A_705 = arith.addf %scan3A_272, %convert_element_type3A_646 : vector<16xf32>
        %mul3A_706 = arith.constant 128 : i32
        %mul3A_707 = arith.muli %scan3A_254, %mul3A_706 : i32
        %add3A_708 = arith.constant 96 : i32
        %add3A_709 = arith.addi %mul3A_707, %add3A_708 : i32
        %get3A_710 = arith.index_cast %scan3A_223 : i32 to index
        %get3A_711 = arith.index_cast %add3A_709 : i32 to index
        %get3A_712 = tpu.vector_load %arg5[%get3A_710, %get3A_711] {strides = array<i32>} : memref<32x512xf32, #tpu.memory_space<vmem>>, vector<1x16xf32>,
        %get3A_713 = vector.shape_cast %get3A_712 : vector<1x16xf32> to vector<16xf32>
        %get3A_714 = arith.index_cast %scan3A_223 : i32 to index
        %get3A_715 = arith.index_cast %add3A_709 : i32 to index
        %get3A_716 = tpu.vector_load %arg6[%get3A_714, %get3A_715] {strides = array<i32>} : memref<32x512xi32, #tpu.memory_space<vmem>>, vector<1x16xi32>,
        %get3A_717 = vector.shape_cast %get3A_716 : vector<1x16xi32> to vector<16xi32>
        %convert_element_type3A_718 = arith.sitofp %get3A_717 : vector<16xi32> to vector<16xf32>
        %abs3A_719 = math.absf %get3A_713 : vector<16xf32>
        %min3A_720 = arith.constant 8.000000e+00 : f32
        %min3A_721 = vector.broadcast %min3A_720 : f32 to vector<16xf32>
        %min3A_722 = arith.minimumf %abs3A_719, %min3A_721 : vector<16xf32>
        %mul3A_723 = arith.constant 4.985710e-09 : f32
        %mul3A_724 = vector.broadcast %mul3A_723 : f32 to vector<16xf32>
        %mul3A_725 = arith.mulf %mul3A_724, %min3A_722 : vector<16xf32>
        %add3A_726 = arith.constant -1.49050962E-7 : f32
        %add3A_727 = vector.broadcast %add3A_726 : f32 to vector<16xf32>
        %add3A_728 = arith.addf %mul3A_725, %add3A_727 : vector<16xf32>
        %mul3A_729 = arith.mulf %add3A_728, %min3A_722 : vector<16xf32>
        %add3A_730 = arith.constant 1.03463333E-6 : f32
        %add3A_731 = vector.broadcast %add3A_730 : f32 to vector<16xf32>
        %add3A_732 = arith.addf %mul3A_729, %add3A_731 : vector<16xf32>
        %mul3A_733 = arith.mulf %add3A_732, %min3A_722 : vector<16xf32>
        %add3A_734 = arith.constant 1.54570207E-5 : f32
        %add3A_735 = vector.broadcast %add3A_734 : f32 to vector<16xf32>
        %add3A_736 = arith.addf %mul3A_733, %add3A_735 : vector<16xf32>
        %mul3A_737 = arith.mulf %add3A_736, %min3A_722 : vector<16xf32>
        %add3A_738 = arith.constant -3.47155205E-4 : f32
        %add3A_739 = vector.broadcast %add3A_738 : f32 to vector<16xf32>
        %add3A_740 = arith.addf %mul3A_737, %add3A_739 : vector<16xf32>
        %mul3A_741 = arith.mulf %add3A_740, %min3A_722 : vector<16xf32>
        %add3A_742 = arith.constant 0.00283009862 : f32
        %add3A_743 = vector.broadcast %add3A_742 : f32 to vector<16xf32>
        %add3A_744 = arith.addf %mul3A_741, %add3A_743 : vector<16xf32>
        %mul3A_745 = arith.mulf %add3A_744, %min3A_722 : vector<16xf32>
        %add3A_746 = arith.constant -0.0108606992 : f32
        %add3A_747 = vector.broadcast %add3A_746 : f32 to vector<16xf32>
        %add3A_748 = arith.addf %mul3A_745, %add3A_747 : vector<16xf32>
        %mul3A_749 = arith.mulf %add3A_748, %min3A_722 : vector<16xf32>
        %add3A_750 = arith.constant 0.00615926273 : f32
        %add3A_751 = vector.broadcast %add3A_750 : f32 to vector<16xf32>
        %add3A_752 = arith.addf %mul3A_749, %add3A_751 : vector<16xf32>
        %mul3A_753 = arith.mulf %add3A_752, %min3A_722 : vector<16xf32>
        %add3A_754 = arith.constant 0.121538311 : f32
        %add3A_755 = vector.broadcast %add3A_754 : f32 to vector<16xf32>
        %add3A_756 = arith.addf %mul3A_753, %add3A_755 : vector<16xf32>
        %mul3A_757 = arith.mulf %add3A_756, %min3A_722 : vector<16xf32>
        %add3A_758 = arith.constant -0.49917528 : f32
        %add3A_759 = vector.broadcast %add3A_758 : f32 to vector<16xf32>
        %add3A_760 = arith.addf %mul3A_757, %add3A_759 : vector<16xf32>
        %mul3A_761 = arith.mulf %add3A_760, %min3A_722 : vector<16xf32>
        %add3A_762 = arith.constant 0.693099081 : f32
        %add3A_763 = vector.broadcast %add3A_762 : f32 to vector<16xf32>
        %add3A_764 = arith.addf %mul3A_761, %add3A_763 : vector<16xf32>
        %max3A_765 = arith.constant 0.000000e+00 : f32
        %max3A_766 = vector.broadcast %max3A_765 : f32 to vector<16xf32>
        %max3A_767 = arith.maximumf %add3A_764, %max3A_766 : vector<16xf32>
        %max3A_768 = arith.constant 0.000000e+00 : f32
        %max3A_769 = vector.broadcast %max3A_768 : f32 to vector<16xf32>
        %max3A_770 = arith.maximumf %get3A_713, %max3A_769 : vector<16xf32>
        %add3A_771 = arith.addf %max3A_770, %max3A_767 : vector<16xf32>
        %mul3A_772 = arith.mulf %convert_element_type3A_718, %get3A_713 : vector<16xf32>
        %sub3A_773 = arith.subf %add3A_771, %mul3A_772 : vector<16xf32>
        %add3A_774 = arith.addf %scan3A_273, %sub3A_773 : vector<16xf32>
        %mul3A_775 = arith.mulf %convert_element_type3A_718, %sub3A_773 : vector<16xf32>
        %add3A_776 = arith.addf %scan3A_274, %mul3A_775 : vector<16xf32>
        %add3A_777 = arith.addf %scan3A_275, %convert_element_type3A_718 : vector<16xf32>
        %mul3A_778 = arith.constant 128 : i32
        %mul3A_779 = arith.muli %scan3A_254, %mul3A_778 : i32
        %add3A_780 = arith.constant 112 : i32
        %add3A_781 = arith.addi %mul3A_779, %add3A_780 : i32
        %get3A_782 = arith.index_cast %scan3A_223 : i32 to index
        %get3A_783 = arith.index_cast %add3A_781 : i32 to index
        %get3A_784 = tpu.vector_load %arg5[%get3A_782, %get3A_783] {strides = array<i32>} : memref<32x512xf32, #tpu.memory_space<vmem>>, vector<1x16xf32>,
        %get3A_785 = vector.shape_cast %get3A_784 : vector<1x16xf32> to vector<16xf32>
        %get3A_786 = arith.index_cast %scan3A_223 : i32 to index
        %get3A_787 = arith.index_cast %add3A_781 : i32 to index
        %get3A_788 = tpu.vector_load %arg6[%get3A_786, %get3A_787] {strides = array<i32>} : memref<32x512xi32, #tpu.memory_space<vmem>>, vector<1x16xi32>,
        %get3A_789 = vector.shape_cast %get3A_788 : vector<1x16xi32> to vector<16xi32>
        %convert_element_type3A_790 = arith.sitofp %get3A_789 : vector<16xi32> to vector<16xf32>
        %abs3A_791 = math.absf %get3A_785 : vector<16xf32>
        %min3A_792 = arith.constant 8.000000e+00 : f32
        %min3A_793 = vector.broadcast %min3A_792 : f32 to vector<16xf32>
        %min3A_794 = arith.minimumf %abs3A_791, %min3A_793 : vector<16xf32>
        %mul3A_795 = arith.constant 4.985710e-09 : f32
        %mul3A_796 = vector.broadcast %mul3A_795 : f32 to vector<16xf32>
        %mul3A_797 = arith.mulf %mul3A_796, %min3A_794 : vector<16xf32>
        %add3A_798 = arith.constant -1.49050962E-7 : f32
        %add3A_799 = vector.broadcast %add3A_798 : f32 to vector<16xf32>
        %add3A_800 = arith.addf %mul3A_797, %add3A_799 : vector<16xf32>
        %mul3A_801 = arith.mulf %add3A_800, %min3A_794 : vector<16xf32>
        %add3A_802 = arith.constant 1.03463333E-6 : f32
        %add3A_803 = vector.broadcast %add3A_802 : f32 to vector<16xf32>
        %add3A_804 = arith.addf %mul3A_801, %add3A_803 : vector<16xf32>
        %mul3A_805 = arith.mulf %add3A_804, %min3A_794 : vector<16xf32>
        %add3A_806 = arith.constant 1.54570207E-5 : f32
        %add3A_807 = vector.broadcast %add3A_806 : f32 to vector<16xf32>
        %add3A_808 = arith.addf %mul3A_805, %add3A_807 : vector<16xf32>
        %mul3A_809 = arith.mulf %add3A_808, %min3A_794 : vector<16xf32>
        %add3A_810 = arith.constant -3.47155205E-4 : f32
        %add3A_811 = vector.broadcast %add3A_810 : f32 to vector<16xf32>
        %add3A_812 = arith.addf %mul3A_809, %add3A_811 : vector<16xf32>
        %mul3A_813 = arith.mulf %add3A_812, %min3A_794 : vector<16xf32>
        %add3A_814 = arith.constant 0.00283009862 : f32
        %add3A_815 = vector.broadcast %add3A_814 : f32 to vector<16xf32>
        %add3A_816 = arith.addf %mul3A_813, %add3A_815 : vector<16xf32>
        %mul3A_817 = arith.mulf %add3A_816, %min3A_794 : vector<16xf32>
        %add3A_818 = arith.constant -0.0108606992 : f32
        %add3A_819 = vector.broadcast %add3A_818 : f32 to vector<16xf32>
        %add3A_820 = arith.addf %mul3A_817, %add3A_819 : vector<16xf32>
        %mul3A_821 = arith.mulf %add3A_820, %min3A_794 : vector<16xf32>
        %add3A_822 = arith.constant 0.00615926273 : f32
        %add3A_823 = vector.broadcast %add3A_822 : f32 to vector<16xf32>
        %add3A_824 = arith.addf %mul3A_821, %add3A_823 : vector<16xf32>
        %mul3A_825 = arith.mulf %add3A_824, %min3A_794 : vector<16xf32>
        %add3A_826 = arith.constant 0.121538311 : f32
        %add3A_827 = vector.broadcast %add3A_826 : f32 to vector<16xf32>
        %add3A_828 = arith.addf %mul3A_825, %add3A_827 : vector<16xf32>
        %mul3A_829 = arith.mulf %add3A_828, %min3A_794 : vector<16xf32>
        %add3A_830 = arith.constant -0.49917528 : f32
        %add3A_831 = vector.broadcast %add3A_830 : f32 to vector<16xf32>
        %add3A_832 = arith.addf %mul3A_829, %add3A_831 : vector<16xf32>
        %mul3A_833 = arith.mulf %add3A_832, %min3A_794 : vector<16xf32>
        %add3A_834 = arith.constant 0.693099081 : f32
        %add3A_835 = vector.broadcast %add3A_834 : f32 to vector<16xf32>
        %add3A_836 = arith.addf %mul3A_833, %add3A_835 : vector<16xf32>
        %max3A_837 = arith.constant 0.000000e+00 : f32
        %max3A_838 = vector.broadcast %max3A_837 : f32 to vector<16xf32>
        %max3A_839 = arith.maximumf %add3A_836, %max3A_838 : vector<16xf32>
        %max3A_840 = arith.constant 0.000000e+00 : f32
        %max3A_841 = vector.broadcast %max3A_840 : f32 to vector<16xf32>
        %max3A_842 = arith.maximumf %get3A_785, %max3A_841 : vector<16xf32>
        %add3A_843 = arith.addf %max3A_842, %max3A_839 : vector<16xf32>
        %mul3A_844 = arith.mulf %convert_element_type3A_790, %get3A_785 : vector<16xf32>
        %sub3A_845 = arith.subf %add3A_843, %mul3A_844 : vector<16xf32>
        %add3A_846 = arith.addf %scan3A_276, %sub3A_845 : vector<16xf32>
        %mul3A_847 = arith.mulf %convert_element_type3A_790, %sub3A_845 : vector<16xf32>
        %add3A_848 = arith.addf %scan3A_277, %mul3A_847 : vector<16xf32>
        %add3A_849 = arith.addf %scan3A_278, %convert_element_type3A_790 : vector<16xf32>
        scf.yield %add3A_342, %add3A_344, %add3A_345, %add3A_414, %add3A_416, %add3A_417, %add3A_486, %add3A_488, %add3A_489, %add3A_558, %add3A_560, %add3A_561, %add3A_630, %add3A_632, %add3A_633, %add3A_702, %add3A_704, %add3A_705, %add3A_774, %add3A_776, %add3A_777, %add3A_846, %add3A_848, %add3A_849 : vector<16xf32>, vector<16xf32>, vector<16xf32>, vector<16xf32>, vector<16xf32>, vector<16xf32>, vector<16xf32>, vector<16xf32>, vector<16xf32>, vector<16xf32>, vector<16xf32>, vector<16xf32>, vector<16xf32>, vector<16xf32>, vector<16xf32>, vector<16xf32>, vector<16xf32>, vector<16xf32>, vector<16xf32>, vector<16xf32>, vector<16xf32>, vector<16xf32>, vector<16xf32>, vector<16xf32>
      }
      %scan3A_253 = arith.constant 4 : i32
      scf.yield %scan3A_252#0, %scan3A_252#1, %scan3A_252#2, %scan3A_252#3, %scan3A_252#4, %scan3A_252#5, %scan3A_252#6, %scan3A_252#7, %scan3A_252#8, %scan3A_252#9, %scan3A_252#10, %scan3A_252#11, %scan3A_252#12, %scan3A_252#13, %scan3A_252#14, %scan3A_252#15, %scan3A_252#16, %scan3A_252#17, %scan3A_252#18, %scan3A_252#19, %scan3A_252#20, %scan3A_252#21, %scan3A_252#22, %scan3A_252#23 : vector<16xf32>, vector<16xf32>, vector<16xf32>, vector<16xf32>, vector<16xf32>, vector<16xf32>, vector<16xf32>, vector<16xf32>, vector<16xf32>, vector<16xf32>, vector<16xf32>, vector<16xf32>, vector<16xf32>, vector<16xf32>, vector<16xf32>, vector<16xf32>, vector<16xf32>, vector<16xf32>, vector<16xf32>, vector<16xf32>, vector<16xf32>, vector<16xf32>, vector<16xf32>, vector<16xf32>
    }
    %scan3A_88 = arith.constant 32 : i32
    %mul3A_89 = arith.constant 2 : i32
    %mul3A_90 = arith.muli %mul3A_89, %select_n3A : i32
    %add3A_91 = arith.constant 1 : i32
    %add3A_92 = arith.addi %mul3A_90, %add3A_91 : i32
    %add3A_93 = arith.constant 64 : i32
    %add3A_94 = arith.addi %mul3A_32, %add3A_93 : i32
    %dma_start3A_95 = arith.constant 0 : i32
    %dma_start3A_96 = tpu.memref_slice %arg2[%add3A_92, %add3A_94, %dma_start3A_95] : memref<16x512x512xf32, #tpu.memory_space<hbm>> -> memref<1x32x512xf32, #tpu.memory_space<hbm>>
    %dma_start3A_97 = tpu.memref_squeeze %dma_start3A_96 : memref<1x32x512xf32, #tpu.memory_space<hbm>> -> memref<32x512xf32, #tpu.memory_space<hbm>>
    %dma_start3A_98 = arith.constant 0 : i32
    %dma_start3A_99 = tpu.memref_slice %arg2[%add3A_92, %add3A_94, %dma_start3A_98] : memref<16x512x512xf32, #tpu.memory_space<hbm>> -> memref<1x32x512xf32, #tpu.memory_space<hbm>>
    %dma_start3A_100 = tpu.memref_squeeze %dma_start3A_99 : memref<1x32x512xf32, #tpu.memory_space<hbm>> -> memref<32x512xf32, #tpu.memory_space<hbm>>
    tpu.enqueue_dma source(%dma_start3A_100 : memref<32x512xf32, #tpu.memory_space<hbm>>) target(%arg5 : memref<32x512xf32, #tpu.memory_space<vmem>>) target_semaphore(%arg12 : memref<!tpu.dma_semaphore, #tpu.memory_space<semaphore_mem>>)
    %add3A_101 = arith.constant 64 : i32
    %add3A_102 = arith.addi %mul3A_32, %add3A_101 : i32
    %dma_start3A_103 = arith.constant 0 : i32
    %dma_start3A_104 = tpu.memref_slice %arg3[%select_n3A, %add3A_102, %dma_start3A_103] : memref<8x512x512xi32, #tpu.memory_space<hbm>> -> memref<1x32x512xi32, #tpu.memory_space<hbm>>
    %dma_start3A_105 = tpu.memref_squeeze %dma_start3A_104 : memref<1x32x512xi32, #tpu.memory_space<hbm>> -> memref<32x512xi32, #tpu.memory_space<hbm>>
    %dma_start3A_106 = arith.constant 0 : i32
    %dma_start3A_107 = tpu.memref_slice %arg3[%select_n3A, %add3A_102, %dma_start3A_106] : memref<8x512x512xi32, #tpu.memory_space<hbm>> -> memref<1x32x512xi32, #tpu.memory_space<hbm>>
    %dma_start3A_108 = tpu.memref_squeeze %dma_start3A_107 : memref<1x32x512xi32, #tpu.memory_space<hbm>> -> memref<32x512xi32, #tpu.memory_space<hbm>>
    tpu.enqueue_dma source(%dma_start3A_108 : memref<32x512xi32, #tpu.memory_space<hbm>>) target(%arg6 : memref<32x512xi32, #tpu.memory_space<vmem>>) target_semaphore(%arg12 : memref<!tpu.dma_semaphore, #tpu.memory_space<semaphore_mem>>)
    %dma_wait3A_109 = arith.constant 0 : i32
    %dma_wait3A_110 = tpu.memref_slice %arg2[%add3A_56, %add3A_58, %dma_wait3A_109] : memref<16x512x512xf32, #tpu.memory_space<hbm>> -> memref<1x32x512xf32, #tpu.memory_space<hbm>>
    %dma_wait3A_111 = tpu.memref_squeeze %dma_wait3A_110 : memref<1x32x512xf32, #tpu.memory_space<hbm>> -> memref<32x512xf32, #tpu.memory_space<hbm>>
    %dma_wait3A_112 = arith.constant 0 : i32
    %dma_wait3A_113 = tpu.memref_slice %arg2[%add3A_56, %add3A_58, %dma_wait3A_112] : memref<16x512x512xf32, #tpu.memory_space<hbm>> -> memref<1x32x512xf32, #tpu.memory_space<hbm>>
    %dma_wait3A_114 = tpu.memref_squeeze %dma_wait3A_113 : memref<1x32x512xf32, #tpu.memory_space<hbm>> -> memref<32x512xf32, #tpu.memory_space<hbm>>
    tpu.wait_dma2 semaphore(%arg13 : memref<!tpu.dma_semaphore, #tpu.memory_space<semaphore_mem>>) src(%dma_wait3A_114 : memref<32x512xf32, #tpu.memory_space<hbm>>) dst(%arg7 : memref<32x512xf32, #tpu.memory_space<vmem>>)
    %dma_wait3A_115 = arith.constant 0 : i32
    %dma_wait3A_116 = tpu.memref_slice %arg3[%select_n3A, %add3A_66, %dma_wait3A_115] : memref<8x512x512xi32, #tpu.memory_space<hbm>> -> memref<1x32x512xi32, #tpu.memory_space<hbm>>
    %dma_wait3A_117 = tpu.memref_squeeze %dma_wait3A_116 : memref<1x32x512xi32, #tpu.memory_space<hbm>> -> memref<32x512xi32, #tpu.memory_space<hbm>>
    %dma_wait3A_118 = arith.constant 0 : i32
    %dma_wait3A_119 = tpu.memref_slice %arg3[%select_n3A, %add3A_66, %dma_wait3A_118] : memref<8x512x512xi32, #tpu.memory_space<hbm>> -> memref<1x32x512xi32, #tpu.memory_space<hbm>>
    %dma_wait3A_120 = tpu.memref_squeeze %dma_wait3A_119 : memref<1x32x512xi32, #tpu.memory_space<hbm>> -> memref<32x512xi32, #tpu.memory_space<hbm>>
    tpu.wait_dma2 semaphore(%arg13 : memref<!tpu.dma_semaphore, #tpu.memory_space<semaphore_mem>>) src(%dma_wait3A_120 : memref<32x512xi32, #tpu.memory_space<hbm>>) dst(%arg8 : memref<32x512xi32, #tpu.memory_space<vmem>>)
    %scan3A_121 = arith.constant 0 : i32
    %scan3A_122 = arith.constant 32 : i32
    %scan3A_123 = arith.addi %scan3A_121, %scan3A_122 : i32
    %scan3A_124 = arith.constant 1 : i32
    %scan3A_125:24 = scf.for %scan3A_223 = %scan3A_121 to %scan3A_123 step %scan3A_124 iter_args(%scan3A_224 = %scan3A_87#0, %scan3A_225 = %scan3A_87#1, %scan3A_226 = %scan3A_87#2, %scan3A_227 = %scan3A_87#3, %scan3A_228 = %scan3A_87#4, %scan3A_229 = %scan3A_87#5, %scan3A_230 = %scan3A_87#6, %scan3A_231 = %scan3A_87#7, %scan3A_232 = %scan3A_87#8, %scan3A_233 = %scan3A_87#9, %scan3A_234 = %scan3A_87#10, %scan3A_235 = %scan3A_87#11, %scan3A_236 = %scan3A_87#12, %scan3A_237 = %scan3A_87#13, %scan3A_238 = %scan3A_87#14, %scan3A_239 = %scan3A_87#15, %scan3A_240 = %scan3A_87#16, %scan3A_241 = %scan3A_87#17, %scan3A_242 = %scan3A_87#18, %scan3A_243 = %scan3A_87#19, %scan3A_244 = %scan3A_87#20, %scan3A_245 = %scan3A_87#21, %scan3A_246 = %scan3A_87#22, %scan3A_247 = %scan3A_87#23) -> (vector<16xf32>, vector<16xf32>, vector<16xf32>, vector<16xf32>, vector<16xf32>, vector<16xf32>, vector<16xf32>, vector<16xf32>, vector<16xf32>, vector<16xf32>, vector<16xf32>, vector<16xf32>, vector<16xf32>, vector<16xf32>, vector<16xf32>, vector<16xf32>, vector<16xf32>, vector<16xf32>, vector<16xf32>, vector<16xf32>, vector<16xf32>, vector<16xf32>, vector<16xf32>, vector<16xf32>)  : i32 {
      %scan3A_248 = arith.constant 0 : i32
      %scan3A_249 = arith.constant 4 : i32
      %scan3A_250 = arith.addi %scan3A_248, %scan3A_249 : i32
      %scan3A_251 = arith.constant 1 : i32
      %scan3A_252:24 = scf.for %scan3A_254 = %scan3A_248 to %scan3A_250 step %scan3A_251 iter_args(%scan3A_255 = %scan3A_224, %scan3A_256 = %scan3A_225, %scan3A_257 = %scan3A_226, %scan3A_258 = %scan3A_227, %scan3A_259 = %scan3A_228, %scan3A_260 = %scan3A_229, %scan3A_261 = %scan3A_230, %scan3A_262 = %scan3A_231, %scan3A_263 = %scan3A_232, %scan3A_264 = %scan3A_233, %scan3A_265 = %scan3A_234, %scan3A_266 = %scan3A_235, %scan3A_267 = %scan3A_236, %scan3A_268 = %scan3A_237, %scan3A_269 = %scan3A_238, %scan3A_270 = %scan3A_239, %scan3A_271 = %scan3A_240, %scan3A_272 = %scan3A_241, %scan3A_273 = %scan3A_242, %scan3A_274 = %scan3A_243, %scan3A_275 = %scan3A_244, %scan3A_276 = %scan3A_245, %scan3A_277 = %scan3A_246, %scan3A_278 = %scan3A_247) -> (vector<16xf32>, vector<16xf32>, vector<16xf32>, vector<16xf32>, vector<16xf32>, vector<16xf32>, vector<16xf32>, vector<16xf32>, vector<16xf32>, vector<16xf32>, vector<16xf32>, vector<16xf32>, vector<16xf32>, vector<16xf32>, vector<16xf32>, vector<16xf32>, vector<16xf32>, vector<16xf32>, vector<16xf32>, vector<16xf32>, vector<16xf32>, vector<16xf32>, vector<16xf32>, vector<16xf32>)  : i32 {
        %mul3A_279 = arith.constant 128 : i32
        %mul3A_280 = arith.muli %scan3A_254, %mul3A_279 : i32
        %add3A_281 = arith.constant 0 : i32
        %add3A_282 = arith.addi %mul3A_280, %add3A_281 : i32
        %get3A = arith.index_cast %scan3A_223 : i32 to index
        %get3A_283 = arith.index_cast %add3A_282 : i32 to index
        %get3A_284 = tpu.vector_load %arg7[%get3A, %get3A_283] {strides = array<i32>} : memref<32x512xf32, #tpu.memory_space<vmem>>, vector<1x16xf32>,
        %get3A_285 = vector.shape_cast %get3A_284 : vector<1x16xf32> to vector<16xf32>
        %get3A_286 = arith.index_cast %scan3A_223 : i32 to index
        %get3A_287 = arith.index_cast %add3A_282 : i32 to index
        %get3A_288 = tpu.vector_load %arg8[%get3A_286, %get3A_287] {strides = array<i32>} : memref<32x512xi32, #tpu.memory_space<vmem>>, vector<1x16xi32>,
        %get3A_289 = vector.shape_cast %get3A_288 : vector<1x16xi32> to vector<16xi32>
        %convert_element_type3A = arith.sitofp %get3A_289 : vector<16xi32> to vector<16xf32>
        %abs3A = math.absf %get3A_285 : vector<16xf32>
        %min3A = arith.constant 8.000000e+00 : f32
        %min3A_290 = vector.broadcast %min3A : f32 to vector<16xf32>
        %min3A_291 = arith.minimumf %abs3A, %min3A_290 : vector<16xf32>
        %mul3A_292 = arith.constant 4.985710e-09 : f32
        %mul3A_293 = vector.broadcast %mul3A_292 : f32 to vector<16xf32>
        %mul3A_294 = arith.mulf %mul3A_293, %min3A_291 : vector<16xf32>
        %add3A_295 = arith.constant -1.49050962E-7 : f32
        %add3A_296 = vector.broadcast %add3A_295 : f32 to vector<16xf32>
        %add3A_297 = arith.addf %mul3A_294, %add3A_296 : vector<16xf32>
        %mul3A_298 = arith.mulf %add3A_297, %min3A_291 : vector<16xf32>
        %add3A_299 = arith.constant 1.03463333E-6 : f32
        %add3A_300 = vector.broadcast %add3A_299 : f32 to vector<16xf32>
        %add3A_301 = arith.addf %mul3A_298, %add3A_300 : vector<16xf32>
        %mul3A_302 = arith.mulf %add3A_301, %min3A_291 : vector<16xf32>
        %add3A_303 = arith.constant 1.54570207E-5 : f32
        %add3A_304 = vector.broadcast %add3A_303 : f32 to vector<16xf32>
        %add3A_305 = arith.addf %mul3A_302, %add3A_304 : vector<16xf32>
        %mul3A_306 = arith.mulf %add3A_305, %min3A_291 : vector<16xf32>
        %add3A_307 = arith.constant -3.47155205E-4 : f32
        %add3A_308 = vector.broadcast %add3A_307 : f32 to vector<16xf32>
        %add3A_309 = arith.addf %mul3A_306, %add3A_308 : vector<16xf32>
        %mul3A_310 = arith.mulf %add3A_309, %min3A_291 : vector<16xf32>
        %add3A_311 = arith.constant 0.00283009862 : f32
        %add3A_312 = vector.broadcast %add3A_311 : f32 to vector<16xf32>
        %add3A_313 = arith.addf %mul3A_310, %add3A_312 : vector<16xf32>
        %mul3A_314 = arith.mulf %add3A_313, %min3A_291 : vector<16xf32>
        %add3A_315 = arith.constant -0.0108606992 : f32
        %add3A_316 = vector.broadcast %add3A_315 : f32 to vector<16xf32>
        %add3A_317 = arith.addf %mul3A_314, %add3A_316 : vector<16xf32>
        %mul3A_318 = arith.mulf %add3A_317, %min3A_291 : vector<16xf32>
        %add3A_319 = arith.constant 0.00615926273 : f32
        %add3A_320 = vector.broadcast %add3A_319 : f32 to vector<16xf32>
        %add3A_321 = arith.addf %mul3A_318, %add3A_320 : vector<16xf32>
        %mul3A_322 = arith.mulf %add3A_321, %min3A_291 : vector<16xf32>
        %add3A_323 = arith.constant 0.121538311 : f32
        %add3A_324 = vector.broadcast %add3A_323 : f32 to vector<16xf32>
        %add3A_325 = arith.addf %mul3A_322, %add3A_324 : vector<16xf32>
        %mul3A_326 = arith.mulf %add3A_325, %min3A_291 : vector<16xf32>
        %add3A_327 = arith.constant -0.49917528 : f32
        %add3A_328 = vector.broadcast %add3A_327 : f32 to vector<16xf32>
        %add3A_329 = arith.addf %mul3A_326, %add3A_328 : vector<16xf32>
        %mul3A_330 = arith.mulf %add3A_329, %min3A_291 : vector<16xf32>
        %add3A_331 = arith.constant 0.693099081 : f32
        %add3A_332 = vector.broadcast %add3A_331 : f32 to vector<16xf32>
        %add3A_333 = arith.addf %mul3A_330, %add3A_332 : vector<16xf32>
        %max3A = arith.constant 0.000000e+00 : f32
        %max3A_334 = vector.broadcast %max3A : f32 to vector<16xf32>
        %max3A_335 = arith.maximumf %add3A_333, %max3A_334 : vector<16xf32>
        %max3A_336 = arith.constant 0.000000e+00 : f32
        %max3A_337 = vector.broadcast %max3A_336 : f32 to vector<16xf32>
        %max3A_338 = arith.maximumf %get3A_285, %max3A_337 : vector<16xf32>
        %add3A_339 = arith.addf %max3A_338, %max3A_335 : vector<16xf32>
        %mul3A_340 = arith.mulf %convert_element_type3A, %get3A_285 : vector<16xf32>
        %sub3A_341 = arith.subf %add3A_339, %mul3A_340 : vector<16xf32>
        %add3A_342 = arith.addf %scan3A_255, %sub3A_341 : vector<16xf32>
        %mul3A_343 = arith.mulf %convert_element_type3A, %sub3A_341 : vector<16xf32>
        %add3A_344 = arith.addf %scan3A_256, %mul3A_343 : vector<16xf32>
        %add3A_345 = arith.addf %scan3A_257, %convert_element_type3A : vector<16xf32>
        %mul3A_346 = arith.constant 128 : i32
        %mul3A_347 = arith.muli %scan3A_254, %mul3A_346 : i32
        %add3A_348 = arith.constant 16 : i32
        %add3A_349 = arith.addi %mul3A_347, %add3A_348 : i32
        %get3A_350 = arith.index_cast %scan3A_223 : i32 to index
        %get3A_351 = arith.index_cast %add3A_349 : i32 to index
        %get3A_352 = tpu.vector_load %arg7[%get3A_350, %get3A_351] {strides = array<i32>} : memref<32x512xf32, #tpu.memory_space<vmem>>, vector<1x16xf32>,
        %get3A_353 = vector.shape_cast %get3A_352 : vector<1x16xf32> to vector<16xf32>
        %get3A_354 = arith.index_cast %scan3A_223 : i32 to index
        %get3A_355 = arith.index_cast %add3A_349 : i32 to index
        %get3A_356 = tpu.vector_load %arg8[%get3A_354, %get3A_355] {strides = array<i32>} : memref<32x512xi32, #tpu.memory_space<vmem>>, vector<1x16xi32>,
        %get3A_357 = vector.shape_cast %get3A_356 : vector<1x16xi32> to vector<16xi32>
        %convert_element_type3A_358 = arith.sitofp %get3A_357 : vector<16xi32> to vector<16xf32>
        %abs3A_359 = math.absf %get3A_353 : vector<16xf32>
        %min3A_360 = arith.constant 8.000000e+00 : f32
        %min3A_361 = vector.broadcast %min3A_360 : f32 to vector<16xf32>
        %min3A_362 = arith.minimumf %abs3A_359, %min3A_361 : vector<16xf32>
        %mul3A_363 = arith.constant 4.985710e-09 : f32
        %mul3A_364 = vector.broadcast %mul3A_363 : f32 to vector<16xf32>
        %mul3A_365 = arith.mulf %mul3A_364, %min3A_362 : vector<16xf32>
        %add3A_366 = arith.constant -1.49050962E-7 : f32
        %add3A_367 = vector.broadcast %add3A_366 : f32 to vector<16xf32>
        %add3A_368 = arith.addf %mul3A_365, %add3A_367 : vector<16xf32>
        %mul3A_369 = arith.mulf %add3A_368, %min3A_362 : vector<16xf32>
        %add3A_370 = arith.constant 1.03463333E-6 : f32
        %add3A_371 = vector.broadcast %add3A_370 : f32 to vector<16xf32>
        %add3A_372 = arith.addf %mul3A_369, %add3A_371 : vector<16xf32>
        %mul3A_373 = arith.mulf %add3A_372, %min3A_362 : vector<16xf32>
        %add3A_374 = arith.constant 1.54570207E-5 : f32
        %add3A_375 = vector.broadcast %add3A_374 : f32 to vector<16xf32>
        %add3A_376 = arith.addf %mul3A_373, %add3A_375 : vector<16xf32>
        %mul3A_377 = arith.mulf %add3A_376, %min3A_362 : vector<16xf32>
        %add3A_378 = arith.constant -3.47155205E-4 : f32
        %add3A_379 = vector.broadcast %add3A_378 : f32 to vector<16xf32>
        %add3A_380 = arith.addf %mul3A_377, %add3A_379 : vector<16xf32>
        %mul3A_381 = arith.mulf %add3A_380, %min3A_362 : vector<16xf32>
        %add3A_382 = arith.constant 0.00283009862 : f32
        %add3A_383 = vector.broadcast %add3A_382 : f32 to vector<16xf32>
        %add3A_384 = arith.addf %mul3A_381, %add3A_383 : vector<16xf32>
        %mul3A_385 = arith.mulf %add3A_384, %min3A_362 : vector<16xf32>
        %add3A_386 = arith.constant -0.0108606992 : f32
        %add3A_387 = vector.broadcast %add3A_386 : f32 to vector<16xf32>
        %add3A_388 = arith.addf %mul3A_385, %add3A_387 : vector<16xf32>
        %mul3A_389 = arith.mulf %add3A_388, %min3A_362 : vector<16xf32>
        %add3A_390 = arith.constant 0.00615926273 : f32
        %add3A_391 = vector.broadcast %add3A_390 : f32 to vector<16xf32>
        %add3A_392 = arith.addf %mul3A_389, %add3A_391 : vector<16xf32>
        %mul3A_393 = arith.mulf %add3A_392, %min3A_362 : vector<16xf32>
        %add3A_394 = arith.constant 0.121538311 : f32
        %add3A_395 = vector.broadcast %add3A_394 : f32 to vector<16xf32>
        %add3A_396 = arith.addf %mul3A_393, %add3A_395 : vector<16xf32>
        %mul3A_397 = arith.mulf %add3A_396, %min3A_362 : vector<16xf32>
        %add3A_398 = arith.constant -0.49917528 : f32
        %add3A_399 = vector.broadcast %add3A_398 : f32 to vector<16xf32>
        %add3A_400 = arith.addf %mul3A_397, %add3A_399 : vector<16xf32>
        %mul3A_401 = arith.mulf %add3A_400, %min3A_362 : vector<16xf32>
        %add3A_402 = arith.constant 0.693099081 : f32
        %add3A_403 = vector.broadcast %add3A_402 : f32 to vector<16xf32>
        %add3A_404 = arith.addf %mul3A_401, %add3A_403 : vector<16xf32>
        %max3A_405 = arith.constant 0.000000e+00 : f32
        %max3A_406 = vector.broadcast %max3A_405 : f32 to vector<16xf32>
        %max3A_407 = arith.maximumf %add3A_404, %max3A_406 : vector<16xf32>
        %max3A_408 = arith.constant 0.000000e+00 : f32
        %max3A_409 = vector.broadcast %max3A_408 : f32 to vector<16xf32>
        %max3A_410 = arith.maximumf %get3A_353, %max3A_409 : vector<16xf32>
        %add3A_411 = arith.addf %max3A_410, %max3A_407 : vector<16xf32>
        %mul3A_412 = arith.mulf %convert_element_type3A_358, %get3A_353 : vector<16xf32>
        %sub3A_413 = arith.subf %add3A_411, %mul3A_412 : vector<16xf32>
        %add3A_414 = arith.addf %scan3A_258, %sub3A_413 : vector<16xf32>
        %mul3A_415 = arith.mulf %convert_element_type3A_358, %sub3A_413 : vector<16xf32>
        %add3A_416 = arith.addf %scan3A_259, %mul3A_415 : vector<16xf32>
        %add3A_417 = arith.addf %scan3A_260, %convert_element_type3A_358 : vector<16xf32>
        %mul3A_418 = arith.constant 128 : i32
        %mul3A_419 = arith.muli %scan3A_254, %mul3A_418 : i32
        %add3A_420 = arith.constant 32 : i32
        %add3A_421 = arith.addi %mul3A_419, %add3A_420 : i32
        %get3A_422 = arith.index_cast %scan3A_223 : i32 to index
        %get3A_423 = arith.index_cast %add3A_421 : i32 to index
        %get3A_424 = tpu.vector_load %arg7[%get3A_422, %get3A_423] {strides = array<i32>} : memref<32x512xf32, #tpu.memory_space<vmem>>, vector<1x16xf32>,
        %get3A_425 = vector.shape_cast %get3A_424 : vector<1x16xf32> to vector<16xf32>
        %get3A_426 = arith.index_cast %scan3A_223 : i32 to index
        %get3A_427 = arith.index_cast %add3A_421 : i32 to index
        %get3A_428 = tpu.vector_load %arg8[%get3A_426, %get3A_427] {strides = array<i32>} : memref<32x512xi32, #tpu.memory_space<vmem>>, vector<1x16xi32>,
        %get3A_429 = vector.shape_cast %get3A_428 : vector<1x16xi32> to vector<16xi32>
        %convert_element_type3A_430 = arith.sitofp %get3A_429 : vector<16xi32> to vector<16xf32>
        %abs3A_431 = math.absf %get3A_425 : vector<16xf32>
        %min3A_432 = arith.constant 8.000000e+00 : f32
        %min3A_433 = vector.broadcast %min3A_432 : f32 to vector<16xf32>
        %min3A_434 = arith.minimumf %abs3A_431, %min3A_433 : vector<16xf32>
        %mul3A_435 = arith.constant 4.985710e-09 : f32
        %mul3A_436 = vector.broadcast %mul3A_435 : f32 to vector<16xf32>
        %mul3A_437 = arith.mulf %mul3A_436, %min3A_434 : vector<16xf32>
        %add3A_438 = arith.constant -1.49050962E-7 : f32
        %add3A_439 = vector.broadcast %add3A_438 : f32 to vector<16xf32>
        %add3A_440 = arith.addf %mul3A_437, %add3A_439 : vector<16xf32>
        %mul3A_441 = arith.mulf %add3A_440, %min3A_434 : vector<16xf32>
        %add3A_442 = arith.constant 1.03463333E-6 : f32
        %add3A_443 = vector.broadcast %add3A_442 : f32 to vector<16xf32>
        %add3A_444 = arith.addf %mul3A_441, %add3A_443 : vector<16xf32>
        %mul3A_445 = arith.mulf %add3A_444, %min3A_434 : vector<16xf32>
        %add3A_446 = arith.constant 1.54570207E-5 : f32
        %add3A_447 = vector.broadcast %add3A_446 : f32 to vector<16xf32>
        %add3A_448 = arith.addf %mul3A_445, %add3A_447 : vector<16xf32>
        %mul3A_449 = arith.mulf %add3A_448, %min3A_434 : vector<16xf32>
        %add3A_450 = arith.constant -3.47155205E-4 : f32
        %add3A_451 = vector.broadcast %add3A_450 : f32 to vector<16xf32>
        %add3A_452 = arith.addf %mul3A_449, %add3A_451 : vector<16xf32>
        %mul3A_453 = arith.mulf %add3A_452, %min3A_434 : vector<16xf32>
        %add3A_454 = arith.constant 0.00283009862 : f32
        %add3A_455 = vector.broadcast %add3A_454 : f32 to vector<16xf32>
        %add3A_456 = arith.addf %mul3A_453, %add3A_455 : vector<16xf32>
        %mul3A_457 = arith.mulf %add3A_456, %min3A_434 : vector<16xf32>
        %add3A_458 = arith.constant -0.0108606992 : f32
        %add3A_459 = vector.broadcast %add3A_458 : f32 to vector<16xf32>
        %add3A_460 = arith.addf %mul3A_457, %add3A_459 : vector<16xf32>
        %mul3A_461 = arith.mulf %add3A_460, %min3A_434 : vector<16xf32>
        %add3A_462 = arith.constant 0.00615926273 : f32
        %add3A_463 = vector.broadcast %add3A_462 : f32 to vector<16xf32>
        %add3A_464 = arith.addf %mul3A_461, %add3A_463 : vector<16xf32>
        %mul3A_465 = arith.mulf %add3A_464, %min3A_434 : vector<16xf32>
        %add3A_466 = arith.constant 0.121538311 : f32
        %add3A_467 = vector.broadcast %add3A_466 : f32 to vector<16xf32>
        %add3A_468 = arith.addf %mul3A_465, %add3A_467 : vector<16xf32>
        %mul3A_469 = arith.mulf %add3A_468, %min3A_434 : vector<16xf32>
        %add3A_470 = arith.constant -0.49917528 : f32
        %add3A_471 = vector.broadcast %add3A_470 : f32 to vector<16xf32>
        %add3A_472 = arith.addf %mul3A_469, %add3A_471 : vector<16xf32>
        %mul3A_473 = arith.mulf %add3A_472, %min3A_434 : vector<16xf32>
        %add3A_474 = arith.constant 0.693099081 : f32
        %add3A_475 = vector.broadcast %add3A_474 : f32 to vector<16xf32>
        %add3A_476 = arith.addf %mul3A_473, %add3A_475 : vector<16xf32>
        %max3A_477 = arith.constant 0.000000e+00 : f32
        %max3A_478 = vector.broadcast %max3A_477 : f32 to vector<16xf32>
        %max3A_479 = arith.maximumf %add3A_476, %max3A_478 : vector<16xf32>
        %max3A_480 = arith.constant 0.000000e+00 : f32
        %max3A_481 = vector.broadcast %max3A_480 : f32 to vector<16xf32>
        %max3A_482 = arith.maximumf %get3A_425, %max3A_481 : vector<16xf32>
        %add3A_483 = arith.addf %max3A_482, %max3A_479 : vector<16xf32>
        %mul3A_484 = arith.mulf %convert_element_type3A_430, %get3A_425 : vector<16xf32>
        %sub3A_485 = arith.subf %add3A_483, %mul3A_484 : vector<16xf32>
        %add3A_486 = arith.addf %scan3A_261, %sub3A_485 : vector<16xf32>
        %mul3A_487 = arith.mulf %convert_element_type3A_430, %sub3A_485 : vector<16xf32>
        %add3A_488 = arith.addf %scan3A_262, %mul3A_487 : vector<16xf32>
        %add3A_489 = arith.addf %scan3A_263, %convert_element_type3A_430 : vector<16xf32>
        %mul3A_490 = arith.constant 128 : i32
        %mul3A_491 = arith.muli %scan3A_254, %mul3A_490 : i32
        %add3A_492 = arith.constant 48 : i32
        %add3A_493 = arith.addi %mul3A_491, %add3A_492 : i32
        %get3A_494 = arith.index_cast %scan3A_223 : i32 to index
        %get3A_495 = arith.index_cast %add3A_493 : i32 to index
        %get3A_496 = tpu.vector_load %arg7[%get3A_494, %get3A_495] {strides = array<i32>} : memref<32x512xf32, #tpu.memory_space<vmem>>, vector<1x16xf32>,
        %get3A_497 = vector.shape_cast %get3A_496 : vector<1x16xf32> to vector<16xf32>
        %get3A_498 = arith.index_cast %scan3A_223 : i32 to index
        %get3A_499 = arith.index_cast %add3A_493 : i32 to index
        %get3A_500 = tpu.vector_load %arg8[%get3A_498, %get3A_499] {strides = array<i32>} : memref<32x512xi32, #tpu.memory_space<vmem>>, vector<1x16xi32>,
        %get3A_501 = vector.shape_cast %get3A_500 : vector<1x16xi32> to vector<16xi32>
        %convert_element_type3A_502 = arith.sitofp %get3A_501 : vector<16xi32> to vector<16xf32>
        %abs3A_503 = math.absf %get3A_497 : vector<16xf32>
        %min3A_504 = arith.constant 8.000000e+00 : f32
        %min3A_505 = vector.broadcast %min3A_504 : f32 to vector<16xf32>
        %min3A_506 = arith.minimumf %abs3A_503, %min3A_505 : vector<16xf32>
        %mul3A_507 = arith.constant 4.985710e-09 : f32
        %mul3A_508 = vector.broadcast %mul3A_507 : f32 to vector<16xf32>
        %mul3A_509 = arith.mulf %mul3A_508, %min3A_506 : vector<16xf32>
        %add3A_510 = arith.constant -1.49050962E-7 : f32
        %add3A_511 = vector.broadcast %add3A_510 : f32 to vector<16xf32>
        %add3A_512 = arith.addf %mul3A_509, %add3A_511 : vector<16xf32>
        %mul3A_513 = arith.mulf %add3A_512, %min3A_506 : vector<16xf32>
        %add3A_514 = arith.constant 1.03463333E-6 : f32
        %add3A_515 = vector.broadcast %add3A_514 : f32 to vector<16xf32>
        %add3A_516 = arith.addf %mul3A_513, %add3A_515 : vector<16xf32>
        %mul3A_517 = arith.mulf %add3A_516, %min3A_506 : vector<16xf32>
        %add3A_518 = arith.constant 1.54570207E-5 : f32
        %add3A_519 = vector.broadcast %add3A_518 : f32 to vector<16xf32>
        %add3A_520 = arith.addf %mul3A_517, %add3A_519 : vector<16xf32>
        %mul3A_521 = arith.mulf %add3A_520, %min3A_506 : vector<16xf32>
        %add3A_522 = arith.constant -3.47155205E-4 : f32
        %add3A_523 = vector.broadcast %add3A_522 : f32 to vector<16xf32>
        %add3A_524 = arith.addf %mul3A_521, %add3A_523 : vector<16xf32>
        %mul3A_525 = arith.mulf %add3A_524, %min3A_506 : vector<16xf32>
        %add3A_526 = arith.constant 0.00283009862 : f32
        %add3A_527 = vector.broadcast %add3A_526 : f32 to vector<16xf32>
        %add3A_528 = arith.addf %mul3A_525, %add3A_527 : vector<16xf32>
        %mul3A_529 = arith.mulf %add3A_528, %min3A_506 : vector<16xf32>
        %add3A_530 = arith.constant -0.0108606992 : f32
        %add3A_531 = vector.broadcast %add3A_530 : f32 to vector<16xf32>
        %add3A_532 = arith.addf %mul3A_529, %add3A_531 : vector<16xf32>
        %mul3A_533 = arith.mulf %add3A_532, %min3A_506 : vector<16xf32>
        %add3A_534 = arith.constant 0.00615926273 : f32
        %add3A_535 = vector.broadcast %add3A_534 : f32 to vector<16xf32>
        %add3A_536 = arith.addf %mul3A_533, %add3A_535 : vector<16xf32>
        %mul3A_537 = arith.mulf %add3A_536, %min3A_506 : vector<16xf32>
        %add3A_538 = arith.constant 0.121538311 : f32
        %add3A_539 = vector.broadcast %add3A_538 : f32 to vector<16xf32>
        %add3A_540 = arith.addf %mul3A_537, %add3A_539 : vector<16xf32>
        %mul3A_541 = arith.mulf %add3A_540, %min3A_506 : vector<16xf32>
        %add3A_542 = arith.constant -0.49917528 : f32
        %add3A_543 = vector.broadcast %add3A_542 : f32 to vector<16xf32>
        %add3A_544 = arith.addf %mul3A_541, %add3A_543 : vector<16xf32>
        %mul3A_545 = arith.mulf %add3A_544, %min3A_506 : vector<16xf32>
        %add3A_546 = arith.constant 0.693099081 : f32
        %add3A_547 = vector.broadcast %add3A_546 : f32 to vector<16xf32>
        %add3A_548 = arith.addf %mul3A_545, %add3A_547 : vector<16xf32>
        %max3A_549 = arith.constant 0.000000e+00 : f32
        %max3A_550 = vector.broadcast %max3A_549 : f32 to vector<16xf32>
        %max3A_551 = arith.maximumf %add3A_548, %max3A_550 : vector<16xf32>
        %max3A_552 = arith.constant 0.000000e+00 : f32
        %max3A_553 = vector.broadcast %max3A_552 : f32 to vector<16xf32>
        %max3A_554 = arith.maximumf %get3A_497, %max3A_553 : vector<16xf32>
        %add3A_555 = arith.addf %max3A_554, %max3A_551 : vector<16xf32>
        %mul3A_556 = arith.mulf %convert_element_type3A_502, %get3A_497 : vector<16xf32>
        %sub3A_557 = arith.subf %add3A_555, %mul3A_556 : vector<16xf32>
        %add3A_558 = arith.addf %scan3A_264, %sub3A_557 : vector<16xf32>
        %mul3A_559 = arith.mulf %convert_element_type3A_502, %sub3A_557 : vector<16xf32>
        %add3A_560 = arith.addf %scan3A_265, %mul3A_559 : vector<16xf32>
        %add3A_561 = arith.addf %scan3A_266, %convert_element_type3A_502 : vector<16xf32>
        %mul3A_562 = arith.constant 128 : i32
        %mul3A_563 = arith.muli %scan3A_254, %mul3A_562 : i32
        %add3A_564 = arith.constant 64 : i32
        %add3A_565 = arith.addi %mul3A_563, %add3A_564 : i32
        %get3A_566 = arith.index_cast %scan3A_223 : i32 to index
        %get3A_567 = arith.index_cast %add3A_565 : i32 to index
        %get3A_568 = tpu.vector_load %arg7[%get3A_566, %get3A_567] {strides = array<i32>} : memref<32x512xf32, #tpu.memory_space<vmem>>, vector<1x16xf32>,
        %get3A_569 = vector.shape_cast %get3A_568 : vector<1x16xf32> to vector<16xf32>
        %get3A_570 = arith.index_cast %scan3A_223 : i32 to index
        %get3A_571 = arith.index_cast %add3A_565 : i32 to index
        %get3A_572 = tpu.vector_load %arg8[%get3A_570, %get3A_571] {strides = array<i32>} : memref<32x512xi32, #tpu.memory_space<vmem>>, vector<1x16xi32>,
        %get3A_573 = vector.shape_cast %get3A_572 : vector<1x16xi32> to vector<16xi32>
        %convert_element_type3A_574 = arith.sitofp %get3A_573 : vector<16xi32> to vector<16xf32>
        %abs3A_575 = math.absf %get3A_569 : vector<16xf32>
        %min3A_576 = arith.constant 8.000000e+00 : f32
        %min3A_577 = vector.broadcast %min3A_576 : f32 to vector<16xf32>
        %min3A_578 = arith.minimumf %abs3A_575, %min3A_577 : vector<16xf32>
        %mul3A_579 = arith.constant 4.985710e-09 : f32
        %mul3A_580 = vector.broadcast %mul3A_579 : f32 to vector<16xf32>
        %mul3A_581 = arith.mulf %mul3A_580, %min3A_578 : vector<16xf32>
        %add3A_582 = arith.constant -1.49050962E-7 : f32
        %add3A_583 = vector.broadcast %add3A_582 : f32 to vector<16xf32>
        %add3A_584 = arith.addf %mul3A_581, %add3A_583 : vector<16xf32>
        %mul3A_585 = arith.mulf %add3A_584, %min3A_578 : vector<16xf32>
        %add3A_586 = arith.constant 1.03463333E-6 : f32
        %add3A_587 = vector.broadcast %add3A_586 : f32 to vector<16xf32>
        %add3A_588 = arith.addf %mul3A_585, %add3A_587 : vector<16xf32>
        %mul3A_589 = arith.mulf %add3A_588, %min3A_578 : vector<16xf32>
        %add3A_590 = arith.constant 1.54570207E-5 : f32
        %add3A_591 = vector.broadcast %add3A_590 : f32 to vector<16xf32>
        %add3A_592 = arith.addf %mul3A_589, %add3A_591 : vector<16xf32>
        %mul3A_593 = arith.mulf %add3A_592, %min3A_578 : vector<16xf32>
        %add3A_594 = arith.constant -3.47155205E-4 : f32
        %add3A_595 = vector.broadcast %add3A_594 : f32 to vector<16xf32>
        %add3A_596 = arith.addf %mul3A_593, %add3A_595 : vector<16xf32>
        %mul3A_597 = arith.mulf %add3A_596, %min3A_578 : vector<16xf32>
        %add3A_598 = arith.constant 0.00283009862 : f32
        %add3A_599 = vector.broadcast %add3A_598 : f32 to vector<16xf32>
        %add3A_600 = arith.addf %mul3A_597, %add3A_599 : vector<16xf32>
        %mul3A_601 = arith.mulf %add3A_600, %min3A_578 : vector<16xf32>
        %add3A_602 = arith.constant -0.0108606992 : f32
        %add3A_603 = vector.broadcast %add3A_602 : f32 to vector<16xf32>
        %add3A_604 = arith.addf %mul3A_601, %add3A_603 : vector<16xf32>
        %mul3A_605 = arith.mulf %add3A_604, %min3A_578 : vector<16xf32>
        %add3A_606 = arith.constant 0.00615926273 : f32
        %add3A_607 = vector.broadcast %add3A_606 : f32 to vector<16xf32>
        %add3A_608 = arith.addf %mul3A_605, %add3A_607 : vector<16xf32>
        %mul3A_609 = arith.mulf %add3A_608, %min3A_578 : vector<16xf32>
        %add3A_610 = arith.constant 0.121538311 : f32
        %add3A_611 = vector.broadcast %add3A_610 : f32 to vector<16xf32>
        %add3A_612 = arith.addf %mul3A_609, %add3A_611 : vector<16xf32>
        %mul3A_613 = arith.mulf %add3A_612, %min3A_578 : vector<16xf32>
        %add3A_614 = arith.constant -0.49917528 : f32
        %add3A_615 = vector.broadcast %add3A_614 : f32 to vector<16xf32>
        %add3A_616 = arith.addf %mul3A_613, %add3A_615 : vector<16xf32>
        %mul3A_617 = arith.mulf %add3A_616, %min3A_578 : vector<16xf32>
        %add3A_618 = arith.constant 0.693099081 : f32
        %add3A_619 = vector.broadcast %add3A_618 : f32 to vector<16xf32>
        %add3A_620 = arith.addf %mul3A_617, %add3A_619 : vector<16xf32>
        %max3A_621 = arith.constant 0.000000e+00 : f32
        %max3A_622 = vector.broadcast %max3A_621 : f32 to vector<16xf32>
        %max3A_623 = arith.maximumf %add3A_620, %max3A_622 : vector<16xf32>
        %max3A_624 = arith.constant 0.000000e+00 : f32
        %max3A_625 = vector.broadcast %max3A_624 : f32 to vector<16xf32>
        %max3A_626 = arith.maximumf %get3A_569, %max3A_625 : vector<16xf32>
        %add3A_627 = arith.addf %max3A_626, %max3A_623 : vector<16xf32>
        %mul3A_628 = arith.mulf %convert_element_type3A_574, %get3A_569 : vector<16xf32>
        %sub3A_629 = arith.subf %add3A_627, %mul3A_628 : vector<16xf32>
        %add3A_630 = arith.addf %scan3A_267, %sub3A_629 : vector<16xf32>
        %mul3A_631 = arith.mulf %convert_element_type3A_574, %sub3A_629 : vector<16xf32>
        %add3A_632 = arith.addf %scan3A_268, %mul3A_631 : vector<16xf32>
        %add3A_633 = arith.addf %scan3A_269, %convert_element_type3A_574 : vector<16xf32>
        %mul3A_634 = arith.constant 128 : i32
        %mul3A_635 = arith.muli %scan3A_254, %mul3A_634 : i32
        %add3A_636 = arith.constant 80 : i32
        %add3A_637 = arith.addi %mul3A_635, %add3A_636 : i32
        %get3A_638 = arith.index_cast %scan3A_223 : i32 to index
        %get3A_639 = arith.index_cast %add3A_637 : i32 to index
        %get3A_640 = tpu.vector_load %arg7[%get3A_638, %get3A_639] {strides = array<i32>} : memref<32x512xf32, #tpu.memory_space<vmem>>, vector<1x16xf32>,
        %get3A_641 = vector.shape_cast %get3A_640 : vector<1x16xf32> to vector<16xf32>
        %get3A_642 = arith.index_cast %scan3A_223 : i32 to index
        %get3A_643 = arith.index_cast %add3A_637 : i32 to index
        %get3A_644 = tpu.vector_load %arg8[%get3A_642, %get3A_643] {strides = array<i32>} : memref<32x512xi32, #tpu.memory_space<vmem>>, vector<1x16xi32>,
        %get3A_645 = vector.shape_cast %get3A_644 : vector<1x16xi32> to vector<16xi32>
        %convert_element_type3A_646 = arith.sitofp %get3A_645 : vector<16xi32> to vector<16xf32>
        %abs3A_647 = math.absf %get3A_641 : vector<16xf32>
        %min3A_648 = arith.constant 8.000000e+00 : f32
        %min3A_649 = vector.broadcast %min3A_648 : f32 to vector<16xf32>
        %min3A_650 = arith.minimumf %abs3A_647, %min3A_649 : vector<16xf32>
        %mul3A_651 = arith.constant 4.985710e-09 : f32
        %mul3A_652 = vector.broadcast %mul3A_651 : f32 to vector<16xf32>
        %mul3A_653 = arith.mulf %mul3A_652, %min3A_650 : vector<16xf32>
        %add3A_654 = arith.constant -1.49050962E-7 : f32
        %add3A_655 = vector.broadcast %add3A_654 : f32 to vector<16xf32>
        %add3A_656 = arith.addf %mul3A_653, %add3A_655 : vector<16xf32>
        %mul3A_657 = arith.mulf %add3A_656, %min3A_650 : vector<16xf32>
        %add3A_658 = arith.constant 1.03463333E-6 : f32
        %add3A_659 = vector.broadcast %add3A_658 : f32 to vector<16xf32>
        %add3A_660 = arith.addf %mul3A_657, %add3A_659 : vector<16xf32>
        %mul3A_661 = arith.mulf %add3A_660, %min3A_650 : vector<16xf32>
        %add3A_662 = arith.constant 1.54570207E-5 : f32
        %add3A_663 = vector.broadcast %add3A_662 : f32 to vector<16xf32>
        %add3A_664 = arith.addf %mul3A_661, %add3A_663 : vector<16xf32>
        %mul3A_665 = arith.mulf %add3A_664, %min3A_650 : vector<16xf32>
        %add3A_666 = arith.constant -3.47155205E-4 : f32
        %add3A_667 = vector.broadcast %add3A_666 : f32 to vector<16xf32>
        %add3A_668 = arith.addf %mul3A_665, %add3A_667 : vector<16xf32>
        %mul3A_669 = arith.mulf %add3A_668, %min3A_650 : vector<16xf32>
        %add3A_670 = arith.constant 0.00283009862 : f32
        %add3A_671 = vector.broadcast %add3A_670 : f32 to vector<16xf32>
        %add3A_672 = arith.addf %mul3A_669, %add3A_671 : vector<16xf32>
        %mul3A_673 = arith.mulf %add3A_672, %min3A_650 : vector<16xf32>
        %add3A_674 = arith.constant -0.0108606992 : f32
        %add3A_675 = vector.broadcast %add3A_674 : f32 to vector<16xf32>
        %add3A_676 = arith.addf %mul3A_673, %add3A_675 : vector<16xf32>
        %mul3A_677 = arith.mulf %add3A_676, %min3A_650 : vector<16xf32>
        %add3A_678 = arith.constant 0.00615926273 : f32
        %add3A_679 = vector.broadcast %add3A_678 : f32 to vector<16xf32>
        %add3A_680 = arith.addf %mul3A_677, %add3A_679 : vector<16xf32>
        %mul3A_681 = arith.mulf %add3A_680, %min3A_650 : vector<16xf32>
        %add3A_682 = arith.constant 0.121538311 : f32
        %add3A_683 = vector.broadcast %add3A_682 : f32 to vector<16xf32>
        %add3A_684 = arith.addf %mul3A_681, %add3A_683 : vector<16xf32>
        %mul3A_685 = arith.mulf %add3A_684, %min3A_650 : vector<16xf32>
        %add3A_686 = arith.constant -0.49917528 : f32
        %add3A_687 = vector.broadcast %add3A_686 : f32 to vector<16xf32>
        %add3A_688 = arith.addf %mul3A_685, %add3A_687 : vector<16xf32>
        %mul3A_689 = arith.mulf %add3A_688, %min3A_650 : vector<16xf32>
        %add3A_690 = arith.constant 0.693099081 : f32
        %add3A_691 = vector.broadcast %add3A_690 : f32 to vector<16xf32>
        %add3A_692 = arith.addf %mul3A_689, %add3A_691 : vector<16xf32>
        %max3A_693 = arith.constant 0.000000e+00 : f32
        %max3A_694 = vector.broadcast %max3A_693 : f32 to vector<16xf32>
        %max3A_695 = arith.maximumf %add3A_692, %max3A_694 : vector<16xf32>
        %max3A_696 = arith.constant 0.000000e+00 : f32
        %max3A_697 = vector.broadcast %max3A_696 : f32 to vector<16xf32>
        %max3A_698 = arith.maximumf %get3A_641, %max3A_697 : vector<16xf32>
        %add3A_699 = arith.addf %max3A_698, %max3A_695 : vector<16xf32>
        %mul3A_700 = arith.mulf %convert_element_type3A_646, %get3A_641 : vector<16xf32>
        %sub3A_701 = arith.subf %add3A_699, %mul3A_700 : vector<16xf32>
        %add3A_702 = arith.addf %scan3A_270, %sub3A_701 : vector<16xf32>
        %mul3A_703 = arith.mulf %convert_element_type3A_646, %sub3A_701 : vector<16xf32>
        %add3A_704 = arith.addf %scan3A_271, %mul3A_703 : vector<16xf32>
        %add3A_705 = arith.addf %scan3A_272, %convert_element_type3A_646 : vector<16xf32>
        %mul3A_706 = arith.constant 128 : i32
        %mul3A_707 = arith.muli %scan3A_254, %mul3A_706 : i32
        %add3A_708 = arith.constant 96 : i32
        %add3A_709 = arith.addi %mul3A_707, %add3A_708 : i32
        %get3A_710 = arith.index_cast %scan3A_223 : i32 to index
        %get3A_711 = arith.index_cast %add3A_709 : i32 to index
        %get3A_712 = tpu.vector_load %arg7[%get3A_710, %get3A_711] {strides = array<i32>} : memref<32x512xf32, #tpu.memory_space<vmem>>, vector<1x16xf32>,
        %get3A_713 = vector.shape_cast %get3A_712 : vector<1x16xf32> to vector<16xf32>
        %get3A_714 = arith.index_cast %scan3A_223 : i32 to index
        %get3A_715 = arith.index_cast %add3A_709 : i32 to index
        %get3A_716 = tpu.vector_load %arg8[%get3A_714, %get3A_715] {strides = array<i32>} : memref<32x512xi32, #tpu.memory_space<vmem>>, vector<1x16xi32>,
        %get3A_717 = vector.shape_cast %get3A_716 : vector<1x16xi32> to vector<16xi32>
        %convert_element_type3A_718 = arith.sitofp %get3A_717 : vector<16xi32> to vector<16xf32>
        %abs3A_719 = math.absf %get3A_713 : vector<16xf32>
        %min3A_720 = arith.constant 8.000000e+00 : f32
        %min3A_721 = vector.broadcast %min3A_720 : f32 to vector<16xf32>
        %min3A_722 = arith.minimumf %abs3A_719, %min3A_721 : vector<16xf32>
        %mul3A_723 = arith.constant 4.985710e-09 : f32
        %mul3A_724 = vector.broadcast %mul3A_723 : f32 to vector<16xf32>
        %mul3A_725 = arith.mulf %mul3A_724, %min3A_722 : vector<16xf32>
        %add3A_726 = arith.constant -1.49050962E-7 : f32
        %add3A_727 = vector.broadcast %add3A_726 : f32 to vector<16xf32>
        %add3A_728 = arith.addf %mul3A_725, %add3A_727 : vector<16xf32>
        %mul3A_729 = arith.mulf %add3A_728, %min3A_722 : vector<16xf32>
        %add3A_730 = arith.constant 1.03463333E-6 : f32
        %add3A_731 = vector.broadcast %add3A_730 : f32 to vector<16xf32>
        %add3A_732 = arith.addf %mul3A_729, %add3A_731 : vector<16xf32>
        %mul3A_733 = arith.mulf %add3A_732, %min3A_722 : vector<16xf32>
        %add3A_734 = arith.constant 1.54570207E-5 : f32
        %add3A_735 = vector.broadcast %add3A_734 : f32 to vector<16xf32>
        %add3A_736 = arith.addf %mul3A_733, %add3A_735 : vector<16xf32>
        %mul3A_737 = arith.mulf %add3A_736, %min3A_722 : vector<16xf32>
        %add3A_738 = arith.constant -3.47155205E-4 : f32
        %add3A_739 = vector.broadcast %add3A_738 : f32 to vector<16xf32>
        %add3A_740 = arith.addf %mul3A_737, %add3A_739 : vector<16xf32>
        %mul3A_741 = arith.mulf %add3A_740, %min3A_722 : vector<16xf32>
        %add3A_742 = arith.constant 0.00283009862 : f32
        %add3A_743 = vector.broadcast %add3A_742 : f32 to vector<16xf32>
        %add3A_744 = arith.addf %mul3A_741, %add3A_743 : vector<16xf32>
        %mul3A_745 = arith.mulf %add3A_744, %min3A_722 : vector<16xf32>
        %add3A_746 = arith.constant -0.0108606992 : f32
        %add3A_747 = vector.broadcast %add3A_746 : f32 to vector<16xf32>
        %add3A_748 = arith.addf %mul3A_745, %add3A_747 : vector<16xf32>
        %mul3A_749 = arith.mulf %add3A_748, %min3A_722 : vector<16xf32>
        %add3A_750 = arith.constant 0.00615926273 : f32
        %add3A_751 = vector.broadcast %add3A_750 : f32 to vector<16xf32>
        %add3A_752 = arith.addf %mul3A_749, %add3A_751 : vector<16xf32>
        %mul3A_753 = arith.mulf %add3A_752, %min3A_722 : vector<16xf32>
        %add3A_754 = arith.constant 0.121538311 : f32
        %add3A_755 = vector.broadcast %add3A_754 : f32 to vector<16xf32>
        %add3A_756 = arith.addf %mul3A_753, %add3A_755 : vector<16xf32>
        %mul3A_757 = arith.mulf %add3A_756, %min3A_722 : vector<16xf32>
        %add3A_758 = arith.constant -0.49917528 : f32
        %add3A_759 = vector.broadcast %add3A_758 : f32 to vector<16xf32>
        %add3A_760 = arith.addf %mul3A_757, %add3A_759 : vector<16xf32>
        %mul3A_761 = arith.mulf %add3A_760, %min3A_722 : vector<16xf32>
        %add3A_762 = arith.constant 0.693099081 : f32
        %add3A_763 = vector.broadcast %add3A_762 : f32 to vector<16xf32>
        %add3A_764 = arith.addf %mul3A_761, %add3A_763 : vector<16xf32>
        %max3A_765 = arith.constant 0.000000e+00 : f32
        %max3A_766 = vector.broadcast %max3A_765 : f32 to vector<16xf32>
        %max3A_767 = arith.maximumf %add3A_764, %max3A_766 : vector<16xf32>
        %max3A_768 = arith.constant 0.000000e+00 : f32
        %max3A_769 = vector.broadcast %max3A_768 : f32 to vector<16xf32>
        %max3A_770 = arith.maximumf %get3A_713, %max3A_769 : vector<16xf32>
        %add3A_771 = arith.addf %max3A_770, %max3A_767 : vector<16xf32>
        %mul3A_772 = arith.mulf %convert_element_type3A_718, %get3A_713 : vector<16xf32>
        %sub3A_773 = arith.subf %add3A_771, %mul3A_772 : vector<16xf32>
        %add3A_774 = arith.addf %scan3A_273, %sub3A_773 : vector<16xf32>
        %mul3A_775 = arith.mulf %convert_element_type3A_718, %sub3A_773 : vector<16xf32>
        %add3A_776 = arith.addf %scan3A_274, %mul3A_775 : vector<16xf32>
        %add3A_777 = arith.addf %scan3A_275, %convert_element_type3A_718 : vector<16xf32>
        %mul3A_778 = arith.constant 128 : i32
        %mul3A_779 = arith.muli %scan3A_254, %mul3A_778 : i32
        %add3A_780 = arith.constant 112 : i32
        %add3A_781 = arith.addi %mul3A_779, %add3A_780 : i32
        %get3A_782 = arith.index_cast %scan3A_223 : i32 to index
        %get3A_783 = arith.index_cast %add3A_781 : i32 to index
        %get3A_784 = tpu.vector_load %arg7[%get3A_782, %get3A_783] {strides = array<i32>} : memref<32x512xf32, #tpu.memory_space<vmem>>, vector<1x16xf32>,
        %get3A_785 = vector.shape_cast %get3A_784 : vector<1x16xf32> to vector<16xf32>
        %get3A_786 = arith.index_cast %scan3A_223 : i32 to index
        %get3A_787 = arith.index_cast %add3A_781 : i32 to index
        %get3A_788 = tpu.vector_load %arg8[%get3A_786, %get3A_787] {strides = array<i32>} : memref<32x512xi32, #tpu.memory_space<vmem>>, vector<1x16xi32>,
        %get3A_789 = vector.shape_cast %get3A_788 : vector<1x16xi32> to vector<16xi32>
        %convert_element_type3A_790 = arith.sitofp %get3A_789 : vector<16xi32> to vector<16xf32>
        %abs3A_791 = math.absf %get3A_785 : vector<16xf32>
        %min3A_792 = arith.constant 8.000000e+00 : f32
        %min3A_793 = vector.broadcast %min3A_792 : f32 to vector<16xf32>
        %min3A_794 = arith.minimumf %abs3A_791, %min3A_793 : vector<16xf32>
        %mul3A_795 = arith.constant 4.985710e-09 : f32
        %mul3A_796 = vector.broadcast %mul3A_795 : f32 to vector<16xf32>
        %mul3A_797 = arith.mulf %mul3A_796, %min3A_794 : vector<16xf32>
        %add3A_798 = arith.constant -1.49050962E-7 : f32
        %add3A_799 = vector.broadcast %add3A_798 : f32 to vector<16xf32>
        %add3A_800 = arith.addf %mul3A_797, %add3A_799 : vector<16xf32>
        %mul3A_801 = arith.mulf %add3A_800, %min3A_794 : vector<16xf32>
        %add3A_802 = arith.constant 1.03463333E-6 : f32
        %add3A_803 = vector.broadcast %add3A_802 : f32 to vector<16xf32>
        %add3A_804 = arith.addf %mul3A_801, %add3A_803 : vector<16xf32>
        %mul3A_805 = arith.mulf %add3A_804, %min3A_794 : vector<16xf32>
        %add3A_806 = arith.constant 1.54570207E-5 : f32
        %add3A_807 = vector.broadcast %add3A_806 : f32 to vector<16xf32>
        %add3A_808 = arith.addf %mul3A_805, %add3A_807 : vector<16xf32>
        %mul3A_809 = arith.mulf %add3A_808, %min3A_794 : vector<16xf32>
        %add3A_810 = arith.constant -3.47155205E-4 : f32
        %add3A_811 = vector.broadcast %add3A_810 : f32 to vector<16xf32>
        %add3A_812 = arith.addf %mul3A_809, %add3A_811 : vector<16xf32>
        %mul3A_813 = arith.mulf %add3A_812, %min3A_794 : vector<16xf32>
        %add3A_814 = arith.constant 0.00283009862 : f32
        %add3A_815 = vector.broadcast %add3A_814 : f32 to vector<16xf32>
        %add3A_816 = arith.addf %mul3A_813, %add3A_815 : vector<16xf32>
        %mul3A_817 = arith.mulf %add3A_816, %min3A_794 : vector<16xf32>
        %add3A_818 = arith.constant -0.0108606992 : f32
        %add3A_819 = vector.broadcast %add3A_818 : f32 to vector<16xf32>
        %add3A_820 = arith.addf %mul3A_817, %add3A_819 : vector<16xf32>
        %mul3A_821 = arith.mulf %add3A_820, %min3A_794 : vector<16xf32>
        %add3A_822 = arith.constant 0.00615926273 : f32
        %add3A_823 = vector.broadcast %add3A_822 : f32 to vector<16xf32>
        %add3A_824 = arith.addf %mul3A_821, %add3A_823 : vector<16xf32>
        %mul3A_825 = arith.mulf %add3A_824, %min3A_794 : vector<16xf32>
        %add3A_826 = arith.constant 0.121538311 : f32
        %add3A_827 = vector.broadcast %add3A_826 : f32 to vector<16xf32>
        %add3A_828 = arith.addf %mul3A_825, %add3A_827 : vector<16xf32>
        %mul3A_829 = arith.mulf %add3A_828, %min3A_794 : vector<16xf32>
        %add3A_830 = arith.constant -0.49917528 : f32
        %add3A_831 = vector.broadcast %add3A_830 : f32 to vector<16xf32>
        %add3A_832 = arith.addf %mul3A_829, %add3A_831 : vector<16xf32>
        %mul3A_833 = arith.mulf %add3A_832, %min3A_794 : vector<16xf32>
        %add3A_834 = arith.constant 0.693099081 : f32
        %add3A_835 = vector.broadcast %add3A_834 : f32 to vector<16xf32>
        %add3A_836 = arith.addf %mul3A_833, %add3A_835 : vector<16xf32>
        %max3A_837 = arith.constant 0.000000e+00 : f32
        %max3A_838 = vector.broadcast %max3A_837 : f32 to vector<16xf32>
        %max3A_839 = arith.maximumf %add3A_836, %max3A_838 : vector<16xf32>
        %max3A_840 = arith.constant 0.000000e+00 : f32
        %max3A_841 = vector.broadcast %max3A_840 : f32 to vector<16xf32>
        %max3A_842 = arith.maximumf %get3A_785, %max3A_841 : vector<16xf32>
        %add3A_843 = arith.addf %max3A_842, %max3A_839 : vector<16xf32>
        %mul3A_844 = arith.mulf %convert_element_type3A_790, %get3A_785 : vector<16xf32>
        %sub3A_845 = arith.subf %add3A_843, %mul3A_844 : vector<16xf32>
        %add3A_846 = arith.addf %scan3A_276, %sub3A_845 : vector<16xf32>
        %mul3A_847 = arith.mulf %convert_element_type3A_790, %sub3A_845 : vector<16xf32>
        %add3A_848 = arith.addf %scan3A_277, %mul3A_847 : vector<16xf32>
        %add3A_849 = arith.addf %scan3A_278, %convert_element_type3A_790 : vector<16xf32>
        scf.yield %add3A_342, %add3A_344, %add3A_345, %add3A_414, %add3A_416, %add3A_417, %add3A_486, %add3A_488, %add3A_489, %add3A_558, %add3A_560, %add3A_561, %add3A_630, %add3A_632, %add3A_633, %add3A_702, %add3A_704, %add3A_705, %add3A_774, %add3A_776, %add3A_777, %add3A_846, %add3A_848, %add3A_849 : vector<16xf32>, vector<16xf32>, vector<16xf32>, vector<16xf32>, vector<16xf32>, vector<16xf32>, vector<16xf32>, vector<16xf32>, vector<16xf32>, vector<16xf32>, vector<16xf32>, vector<16xf32>, vector<16xf32>, vector<16xf32>, vector<16xf32>, vector<16xf32>, vector<16xf32>, vector<16xf32>, vector<16xf32>, vector<16xf32>, vector<16xf32>, vector<16xf32>, vector<16xf32>, vector<16xf32>
      }
      %scan3A_253 = arith.constant 4 : i32
      scf.yield %scan3A_252#0, %scan3A_252#1, %scan3A_252#2, %scan3A_252#3, %scan3A_252#4, %scan3A_252#5, %scan3A_252#6, %scan3A_252#7, %scan3A_252#8, %scan3A_252#9, %scan3A_252#10, %scan3A_252#11, %scan3A_252#12, %scan3A_252#13, %scan3A_252#14, %scan3A_252#15, %scan3A_252#16, %scan3A_252#17, %scan3A_252#18, %scan3A_252#19, %scan3A_252#20, %scan3A_252#21, %scan3A_252#22, %scan3A_252#23 : vector<16xf32>, vector<16xf32>, vector<16xf32>, vector<16xf32>, vector<16xf32>, vector<16xf32>, vector<16xf32>, vector<16xf32>, vector<16xf32>, vector<16xf32>, vector<16xf32>, vector<16xf32>, vector<16xf32>, vector<16xf32>, vector<16xf32>, vector<16xf32>, vector<16xf32>, vector<16xf32>, vector<16xf32>, vector<16xf32>, vector<16xf32>, vector<16xf32>, vector<16xf32>, vector<16xf32>
    }
    %scan3A_126 = arith.constant 32 : i32
    %mul3A_127 = arith.constant 2 : i32
    %mul3A_128 = arith.muli %mul3A_127, %select_n3A : i32
    %add3A_129 = arith.constant 1 : i32
    %add3A_130 = arith.addi %mul3A_128, %add3A_129 : i32
    %add3A_131 = arith.constant 96 : i32
    %add3A_132 = arith.addi %mul3A_32, %add3A_131 : i32
    %dma_start3A_133 = arith.constant 0 : i32
    %dma_start3A_134 = tpu.memref_slice %arg2[%add3A_130, %add3A_132, %dma_start3A_133] : memref<16x512x512xf32, #tpu.memory_space<hbm>> -> memref<1x32x512xf32, #tpu.memory_space<hbm>>
    %dma_start3A_135 = tpu.memref_squeeze %dma_start3A_134 : memref<1x32x512xf32, #tpu.memory_space<hbm>> -> memref<32x512xf32, #tpu.memory_space<hbm>>
    %dma_start3A_136 = arith.constant 0 : i32
    %dma_start3A_137 = tpu.memref_slice %arg2[%add3A_130, %add3A_132, %dma_start3A_136] : memref<16x512x512xf32, #tpu.memory_space<hbm>> -> memref<1x32x512xf32, #tpu.memory_space<hbm>>
    %dma_start3A_138 = tpu.memref_squeeze %dma_start3A_137 : memref<1x32x512xf32, #tpu.memory_space<hbm>> -> memref<32x512xf32, #tpu.memory_space<hbm>>
    tpu.enqueue_dma source(%dma_start3A_138 : memref<32x512xf32, #tpu.memory_space<hbm>>) target(%arg7 : memref<32x512xf32, #tpu.memory_space<vmem>>) target_semaphore(%arg13 : memref<!tpu.dma_semaphore, #tpu.memory_space<semaphore_mem>>)
    %add3A_139 = arith.constant 96 : i32
    %add3A_140 = arith.addi %mul3A_32, %add3A_139 : i32
    %dma_start3A_141 = arith.constant 0 : i32
    %dma_start3A_142 = tpu.memref_slice %arg3[%select_n3A, %add3A_140, %dma_start3A_141] : memref<8x512x512xi32, #tpu.memory_space<hbm>> -> memref<1x32x512xi32, #tpu.memory_space<hbm>>
    %dma_start3A_143 = tpu.memref_squeeze %dma_start3A_142 : memref<1x32x512xi32, #tpu.memory_space<hbm>> -> memref<32x512xi32, #tpu.memory_space<hbm>>
    %dma_start3A_144 = arith.constant 0 : i32
    %dma_start3A_145 = tpu.memref_slice %arg3[%select_n3A, %add3A_140, %dma_start3A_144] : memref<8x512x512xi32, #tpu.memory_space<hbm>> -> memref<1x32x512xi32, #tpu.memory_space<hbm>>
    %dma_start3A_146 = tpu.memref_squeeze %dma_start3A_145 : memref<1x32x512xi32, #tpu.memory_space<hbm>> -> memref<32x512xi32, #tpu.memory_space<hbm>>
    tpu.enqueue_dma source(%dma_start3A_146 : memref<32x512xi32, #tpu.memory_space<hbm>>) target(%arg8 : memref<32x512xi32, #tpu.memory_space<vmem>>) target_semaphore(%arg13 : memref<!tpu.dma_semaphore, #tpu.memory_space<semaphore_mem>>)
    %dma_wait3A_147 = arith.constant 0 : i32
    %dma_wait3A_148 = tpu.memref_slice %arg2[%add3A_92, %add3A_94, %dma_wait3A_147] : memref<16x512x512xf32, #tpu.memory_space<hbm>> -> memref<1x32x512xf32, #tpu.memory_space<hbm>>
    %dma_wait3A_149 = tpu.memref_squeeze %dma_wait3A_148 : memref<1x32x512xf32, #tpu.memory_space<hbm>> -> memref<32x512xf32, #tpu.memory_space<hbm>>
    %dma_wait3A_150 = arith.constant 0 : i32
    %dma_wait3A_151 = tpu.memref_slice %arg2[%add3A_92, %add3A_94, %dma_wait3A_150] : memref<16x512x512xf32, #tpu.memory_space<hbm>> -> memref<1x32x512xf32, #tpu.memory_space<hbm>>
    %dma_wait3A_152 = tpu.memref_squeeze %dma_wait3A_151 : memref<1x32x512xf32, #tpu.memory_space<hbm>> -> memref<32x512xf32, #tpu.memory_space<hbm>>
    tpu.wait_dma2 semaphore(%arg12 : memref<!tpu.dma_semaphore, #tpu.memory_space<semaphore_mem>>) src(%dma_wait3A_152 : memref<32x512xf32, #tpu.memory_space<hbm>>) dst(%arg5 : memref<32x512xf32, #tpu.memory_space<vmem>>)
    %dma_wait3A_153 = arith.constant 0 : i32
    %dma_wait3A_154 = tpu.memref_slice %arg3[%select_n3A, %add3A_102, %dma_wait3A_153] : memref<8x512x512xi32, #tpu.memory_space<hbm>> -> memref<1x32x512xi32, #tpu.memory_space<hbm>>
    %dma_wait3A_155 = tpu.memref_squeeze %dma_wait3A_154 : memref<1x32x512xi32, #tpu.memory_space<hbm>> -> memref<32x512xi32, #tpu.memory_space<hbm>>
    %dma_wait3A_156 = arith.constant 0 : i32
    %dma_wait3A_157 = tpu.memref_slice %arg3[%select_n3A, %add3A_102, %dma_wait3A_156] : memref<8x512x512xi32, #tpu.memory_space<hbm>> -> memref<1x32x512xi32, #tpu.memory_space<hbm>>
    %dma_wait3A_158 = tpu.memref_squeeze %dma_wait3A_157 : memref<1x32x512xi32, #tpu.memory_space<hbm>> -> memref<32x512xi32, #tpu.memory_space<hbm>>
    tpu.wait_dma2 semaphore(%arg12 : memref<!tpu.dma_semaphore, #tpu.memory_space<semaphore_mem>>) src(%dma_wait3A_158 : memref<32x512xi32, #tpu.memory_space<hbm>>) dst(%arg6 : memref<32x512xi32, #tpu.memory_space<vmem>>)
    %scan3A_159 = arith.constant 0 : i32
    %scan3A_160 = arith.constant 32 : i32
    %scan3A_161 = arith.addi %scan3A_159, %scan3A_160 : i32
    %scan3A_162 = arith.constant 1 : i32
    %scan3A_163:24 = scf.for %scan3A_223 = %scan3A_159 to %scan3A_161 step %scan3A_162 iter_args(%scan3A_224 = %scan3A_125#0, %scan3A_225 = %scan3A_125#1, %scan3A_226 = %scan3A_125#2, %scan3A_227 = %scan3A_125#3, %scan3A_228 = %scan3A_125#4, %scan3A_229 = %scan3A_125#5, %scan3A_230 = %scan3A_125#6, %scan3A_231 = %scan3A_125#7, %scan3A_232 = %scan3A_125#8, %scan3A_233 = %scan3A_125#9, %scan3A_234 = %scan3A_125#10, %scan3A_235 = %scan3A_125#11, %scan3A_236 = %scan3A_125#12, %scan3A_237 = %scan3A_125#13, %scan3A_238 = %scan3A_125#14, %scan3A_239 = %scan3A_125#15, %scan3A_240 = %scan3A_125#16, %scan3A_241 = %scan3A_125#17, %scan3A_242 = %scan3A_125#18, %scan3A_243 = %scan3A_125#19, %scan3A_244 = %scan3A_125#20, %scan3A_245 = %scan3A_125#21, %scan3A_246 = %scan3A_125#22, %scan3A_247 = %scan3A_125#23) -> (vector<16xf32>, vector<16xf32>, vector<16xf32>, vector<16xf32>, vector<16xf32>, vector<16xf32>, vector<16xf32>, vector<16xf32>, vector<16xf32>, vector<16xf32>, vector<16xf32>, vector<16xf32>, vector<16xf32>, vector<16xf32>, vector<16xf32>, vector<16xf32>, vector<16xf32>, vector<16xf32>, vector<16xf32>, vector<16xf32>, vector<16xf32>, vector<16xf32>, vector<16xf32>, vector<16xf32>)  : i32 {
      %scan3A_248 = arith.constant 0 : i32
      %scan3A_249 = arith.constant 4 : i32
      %scan3A_250 = arith.addi %scan3A_248, %scan3A_249 : i32
      %scan3A_251 = arith.constant 1 : i32
      %scan3A_252:24 = scf.for %scan3A_254 = %scan3A_248 to %scan3A_250 step %scan3A_251 iter_args(%scan3A_255 = %scan3A_224, %scan3A_256 = %scan3A_225, %scan3A_257 = %scan3A_226, %scan3A_258 = %scan3A_227, %scan3A_259 = %scan3A_228, %scan3A_260 = %scan3A_229, %scan3A_261 = %scan3A_230, %scan3A_262 = %scan3A_231, %scan3A_263 = %scan3A_232, %scan3A_264 = %scan3A_233, %scan3A_265 = %scan3A_234, %scan3A_266 = %scan3A_235, %scan3A_267 = %scan3A_236, %scan3A_268 = %scan3A_237, %scan3A_269 = %scan3A_238, %scan3A_270 = %scan3A_239, %scan3A_271 = %scan3A_240, %scan3A_272 = %scan3A_241, %scan3A_273 = %scan3A_242, %scan3A_274 = %scan3A_243, %scan3A_275 = %scan3A_244, %scan3A_276 = %scan3A_245, %scan3A_277 = %scan3A_246, %scan3A_278 = %scan3A_247) -> (vector<16xf32>, vector<16xf32>, vector<16xf32>, vector<16xf32>, vector<16xf32>, vector<16xf32>, vector<16xf32>, vector<16xf32>, vector<16xf32>, vector<16xf32>, vector<16xf32>, vector<16xf32>, vector<16xf32>, vector<16xf32>, vector<16xf32>, vector<16xf32>, vector<16xf32>, vector<16xf32>, vector<16xf32>, vector<16xf32>, vector<16xf32>, vector<16xf32>, vector<16xf32>, vector<16xf32>)  : i32 {
        %mul3A_279 = arith.constant 128 : i32
        %mul3A_280 = arith.muli %scan3A_254, %mul3A_279 : i32
        %add3A_281 = arith.constant 0 : i32
        %add3A_282 = arith.addi %mul3A_280, %add3A_281 : i32
        %get3A = arith.index_cast %scan3A_223 : i32 to index
        %get3A_283 = arith.index_cast %add3A_282 : i32 to index
        %get3A_284 = tpu.vector_load %arg5[%get3A, %get3A_283] {strides = array<i32>} : memref<32x512xf32, #tpu.memory_space<vmem>>, vector<1x16xf32>,
        %get3A_285 = vector.shape_cast %get3A_284 : vector<1x16xf32> to vector<16xf32>
        %get3A_286 = arith.index_cast %scan3A_223 : i32 to index
        %get3A_287 = arith.index_cast %add3A_282 : i32 to index
        %get3A_288 = tpu.vector_load %arg6[%get3A_286, %get3A_287] {strides = array<i32>} : memref<32x512xi32, #tpu.memory_space<vmem>>, vector<1x16xi32>,
        %get3A_289 = vector.shape_cast %get3A_288 : vector<1x16xi32> to vector<16xi32>
        %convert_element_type3A = arith.sitofp %get3A_289 : vector<16xi32> to vector<16xf32>
        %abs3A = math.absf %get3A_285 : vector<16xf32>
        %min3A = arith.constant 8.000000e+00 : f32
        %min3A_290 = vector.broadcast %min3A : f32 to vector<16xf32>
        %min3A_291 = arith.minimumf %abs3A, %min3A_290 : vector<16xf32>
        %mul3A_292 = arith.constant 4.985710e-09 : f32
        %mul3A_293 = vector.broadcast %mul3A_292 : f32 to vector<16xf32>
        %mul3A_294 = arith.mulf %mul3A_293, %min3A_291 : vector<16xf32>
        %add3A_295 = arith.constant -1.49050962E-7 : f32
        %add3A_296 = vector.broadcast %add3A_295 : f32 to vector<16xf32>
        %add3A_297 = arith.addf %mul3A_294, %add3A_296 : vector<16xf32>
        %mul3A_298 = arith.mulf %add3A_297, %min3A_291 : vector<16xf32>
        %add3A_299 = arith.constant 1.03463333E-6 : f32
        %add3A_300 = vector.broadcast %add3A_299 : f32 to vector<16xf32>
        %add3A_301 = arith.addf %mul3A_298, %add3A_300 : vector<16xf32>
        %mul3A_302 = arith.mulf %add3A_301, %min3A_291 : vector<16xf32>
        %add3A_303 = arith.constant 1.54570207E-5 : f32
        %add3A_304 = vector.broadcast %add3A_303 : f32 to vector<16xf32>
        %add3A_305 = arith.addf %mul3A_302, %add3A_304 : vector<16xf32>
        %mul3A_306 = arith.mulf %add3A_305, %min3A_291 : vector<16xf32>
        %add3A_307 = arith.constant -3.47155205E-4 : f32
        %add3A_308 = vector.broadcast %add3A_307 : f32 to vector<16xf32>
        %add3A_309 = arith.addf %mul3A_306, %add3A_308 : vector<16xf32>
        %mul3A_310 = arith.mulf %add3A_309, %min3A_291 : vector<16xf32>
        %add3A_311 = arith.constant 0.00283009862 : f32
        %add3A_312 = vector.broadcast %add3A_311 : f32 to vector<16xf32>
        %add3A_313 = arith.addf %mul3A_310, %add3A_312 : vector<16xf32>
        %mul3A_314 = arith.mulf %add3A_313, %min3A_291 : vector<16xf32>
        %add3A_315 = arith.constant -0.0108606992 : f32
        %add3A_316 = vector.broadcast %add3A_315 : f32 to vector<16xf32>
        %add3A_317 = arith.addf %mul3A_314, %add3A_316 : vector<16xf32>
        %mul3A_318 = arith.mulf %add3A_317, %min3A_291 : vector<16xf32>
        %add3A_319 = arith.constant 0.00615926273 : f32
        %add3A_320 = vector.broadcast %add3A_319 : f32 to vector<16xf32>
        %add3A_321 = arith.addf %mul3A_318, %add3A_320 : vector<16xf32>
        %mul3A_322 = arith.mulf %add3A_321, %min3A_291 : vector<16xf32>
        %add3A_323 = arith.constant 0.121538311 : f32
        %add3A_324 = vector.broadcast %add3A_323 : f32 to vector<16xf32>
        %add3A_325 = arith.addf %mul3A_322, %add3A_324 : vector<16xf32>
        %mul3A_326 = arith.mulf %add3A_325, %min3A_291 : vector<16xf32>
        %add3A_327 = arith.constant -0.49917528 : f32
        %add3A_328 = vector.broadcast %add3A_327 : f32 to vector<16xf32>
        %add3A_329 = arith.addf %mul3A_326, %add3A_328 : vector<16xf32>
        %mul3A_330 = arith.mulf %add3A_329, %min3A_291 : vector<16xf32>
        %add3A_331 = arith.constant 0.693099081 : f32
        %add3A_332 = vector.broadcast %add3A_331 : f32 to vector<16xf32>
        %add3A_333 = arith.addf %mul3A_330, %add3A_332 : vector<16xf32>
        %max3A = arith.constant 0.000000e+00 : f32
        %max3A_334 = vector.broadcast %max3A : f32 to vector<16xf32>
        %max3A_335 = arith.maximumf %add3A_333, %max3A_334 : vector<16xf32>
        %max3A_336 = arith.constant 0.000000e+00 : f32
        %max3A_337 = vector.broadcast %max3A_336 : f32 to vector<16xf32>
        %max3A_338 = arith.maximumf %get3A_285, %max3A_337 : vector<16xf32>
        %add3A_339 = arith.addf %max3A_338, %max3A_335 : vector<16xf32>
        %mul3A_340 = arith.mulf %convert_element_type3A, %get3A_285 : vector<16xf32>
        %sub3A_341 = arith.subf %add3A_339, %mul3A_340 : vector<16xf32>
        %add3A_342 = arith.addf %scan3A_255, %sub3A_341 : vector<16xf32>
        %mul3A_343 = arith.mulf %convert_element_type3A, %sub3A_341 : vector<16xf32>
        %add3A_344 = arith.addf %scan3A_256, %mul3A_343 : vector<16xf32>
        %add3A_345 = arith.addf %scan3A_257, %convert_element_type3A : vector<16xf32>
        %mul3A_346 = arith.constant 128 : i32
        %mul3A_347 = arith.muli %scan3A_254, %mul3A_346 : i32
        %add3A_348 = arith.constant 16 : i32
        %add3A_349 = arith.addi %mul3A_347, %add3A_348 : i32
        %get3A_350 = arith.index_cast %scan3A_223 : i32 to index
        %get3A_351 = arith.index_cast %add3A_349 : i32 to index
        %get3A_352 = tpu.vector_load %arg5[%get3A_350, %get3A_351] {strides = array<i32>} : memref<32x512xf32, #tpu.memory_space<vmem>>, vector<1x16xf32>,
        %get3A_353 = vector.shape_cast %get3A_352 : vector<1x16xf32> to vector<16xf32>
        %get3A_354 = arith.index_cast %scan3A_223 : i32 to index
        %get3A_355 = arith.index_cast %add3A_349 : i32 to index
        %get3A_356 = tpu.vector_load %arg6[%get3A_354, %get3A_355] {strides = array<i32>} : memref<32x512xi32, #tpu.memory_space<vmem>>, vector<1x16xi32>,
        %get3A_357 = vector.shape_cast %get3A_356 : vector<1x16xi32> to vector<16xi32>
        %convert_element_type3A_358 = arith.sitofp %get3A_357 : vector<16xi32> to vector<16xf32>
        %abs3A_359 = math.absf %get3A_353 : vector<16xf32>
        %min3A_360 = arith.constant 8.000000e+00 : f32
        %min3A_361 = vector.broadcast %min3A_360 : f32 to vector<16xf32>
        %min3A_362 = arith.minimumf %abs3A_359, %min3A_361 : vector<16xf32>
        %mul3A_363 = arith.constant 4.985710e-09 : f32
        %mul3A_364 = vector.broadcast %mul3A_363 : f32 to vector<16xf32>
        %mul3A_365 = arith.mulf %mul3A_364, %min3A_362 : vector<16xf32>
        %add3A_366 = arith.constant -1.49050962E-7 : f32
        %add3A_367 = vector.broadcast %add3A_366 : f32 to vector<16xf32>
        %add3A_368 = arith.addf %mul3A_365, %add3A_367 : vector<16xf32>
        %mul3A_369 = arith.mulf %add3A_368, %min3A_362 : vector<16xf32>
        %add3A_370 = arith.constant 1.03463333E-6 : f32
        %add3A_371 = vector.broadcast %add3A_370 : f32 to vector<16xf32>
        %add3A_372 = arith.addf %mul3A_369, %add3A_371 : vector<16xf32>
        %mul3A_373 = arith.mulf %add3A_372, %min3A_362 : vector<16xf32>
        %add3A_374 = arith.constant 1.54570207E-5 : f32
        %add3A_375 = vector.broadcast %add3A_374 : f32 to vector<16xf32>
        %add3A_376 = arith.addf %mul3A_373, %add3A_375 : vector<16xf32>
        %mul3A_377 = arith.mulf %add3A_376, %min3A_362 : vector<16xf32>
        %add3A_378 = arith.constant -3.47155205E-4 : f32
        %add3A_379 = vector.broadcast %add3A_378 : f32 to vector<16xf32>
        %add3A_380 = arith.addf %mul3A_377, %add3A_379 : vector<16xf32>
        %mul3A_381 = arith.mulf %add3A_380, %min3A_362 : vector<16xf32>
        %add3A_382 = arith.constant 0.00283009862 : f32
        %add3A_383 = vector.broadcast %add3A_382 : f32 to vector<16xf32>
        %add3A_384 = arith.addf %mul3A_381, %add3A_383 : vector<16xf32>
        %mul3A_385 = arith.mulf %add3A_384, %min3A_362 : vector<16xf32>
        %add3A_386 = arith.constant -0.0108606992 : f32
        %add3A_387 = vector.broadcast %add3A_386 : f32 to vector<16xf32>
        %add3A_388 = arith.addf %mul3A_385, %add3A_387 : vector<16xf32>
        %mul3A_389 = arith.mulf %add3A_388, %min3A_362 : vector<16xf32>
        %add3A_390 = arith.constant 0.00615926273 : f32
        %add3A_391 = vector.broadcast %add3A_390 : f32 to vector<16xf32>
        %add3A_392 = arith.addf %mul3A_389, %add3A_391 : vector<16xf32>
        %mul3A_393 = arith.mulf %add3A_392, %min3A_362 : vector<16xf32>
        %add3A_394 = arith.constant 0.121538311 : f32
        %add3A_395 = vector.broadcast %add3A_394 : f32 to vector<16xf32>
        %add3A_396 = arith.addf %mul3A_393, %add3A_395 : vector<16xf32>
        %mul3A_397 = arith.mulf %add3A_396, %min3A_362 : vector<16xf32>
        %add3A_398 = arith.constant -0.49917528 : f32
        %add3A_399 = vector.broadcast %add3A_398 : f32 to vector<16xf32>
        %add3A_400 = arith.addf %mul3A_397, %add3A_399 : vector<16xf32>
        %mul3A_401 = arith.mulf %add3A_400, %min3A_362 : vector<16xf32>
        %add3A_402 = arith.constant 0.693099081 : f32
        %add3A_403 = vector.broadcast %add3A_402 : f32 to vector<16xf32>
        %add3A_404 = arith.addf %mul3A_401, %add3A_403 : vector<16xf32>
        %max3A_405 = arith.constant 0.000000e+00 : f32
        %max3A_406 = vector.broadcast %max3A_405 : f32 to vector<16xf32>
        %max3A_407 = arith.maximumf %add3A_404, %max3A_406 : vector<16xf32>
        %max3A_408 = arith.constant 0.000000e+00 : f32
        %max3A_409 = vector.broadcast %max3A_408 : f32 to vector<16xf32>
        %max3A_410 = arith.maximumf %get3A_353, %max3A_409 : vector<16xf32>
        %add3A_411 = arith.addf %max3A_410, %max3A_407 : vector<16xf32>
        %mul3A_412 = arith.mulf %convert_element_type3A_358, %get3A_353 : vector<16xf32>
        %sub3A_413 = arith.subf %add3A_411, %mul3A_412 : vector<16xf32>
        %add3A_414 = arith.addf %scan3A_258, %sub3A_413 : vector<16xf32>
        %mul3A_415 = arith.mulf %convert_element_type3A_358, %sub3A_413 : vector<16xf32>
        %add3A_416 = arith.addf %scan3A_259, %mul3A_415 : vector<16xf32>
        %add3A_417 = arith.addf %scan3A_260, %convert_element_type3A_358 : vector<16xf32>
        %mul3A_418 = arith.constant 128 : i32
        %mul3A_419 = arith.muli %scan3A_254, %mul3A_418 : i32
        %add3A_420 = arith.constant 32 : i32
        %add3A_421 = arith.addi %mul3A_419, %add3A_420 : i32
        %get3A_422 = arith.index_cast %scan3A_223 : i32 to index
        %get3A_423 = arith.index_cast %add3A_421 : i32 to index
        %get3A_424 = tpu.vector_load %arg5[%get3A_422, %get3A_423] {strides = array<i32>} : memref<32x512xf32, #tpu.memory_space<vmem>>, vector<1x16xf32>,
        %get3A_425 = vector.shape_cast %get3A_424 : vector<1x16xf32> to vector<16xf32>
        %get3A_426 = arith.index_cast %scan3A_223 : i32 to index
        %get3A_427 = arith.index_cast %add3A_421 : i32 to index
        %get3A_428 = tpu.vector_load %arg6[%get3A_426, %get3A_427] {strides = array<i32>} : memref<32x512xi32, #tpu.memory_space<vmem>>, vector<1x16xi32>,
        %get3A_429 = vector.shape_cast %get3A_428 : vector<1x16xi32> to vector<16xi32>
        %convert_element_type3A_430 = arith.sitofp %get3A_429 : vector<16xi32> to vector<16xf32>
        %abs3A_431 = math.absf %get3A_425 : vector<16xf32>
        %min3A_432 = arith.constant 8.000000e+00 : f32
        %min3A_433 = vector.broadcast %min3A_432 : f32 to vector<16xf32>
        %min3A_434 = arith.minimumf %abs3A_431, %min3A_433 : vector<16xf32>
        %mul3A_435 = arith.constant 4.985710e-09 : f32
        %mul3A_436 = vector.broadcast %mul3A_435 : f32 to vector<16xf32>
        %mul3A_437 = arith.mulf %mul3A_436, %min3A_434 : vector<16xf32>
        %add3A_438 = arith.constant -1.49050962E-7 : f32
        %add3A_439 = vector.broadcast %add3A_438 : f32 to vector<16xf32>
        %add3A_440 = arith.addf %mul3A_437, %add3A_439 : vector<16xf32>
        %mul3A_441 = arith.mulf %add3A_440, %min3A_434 : vector<16xf32>
        %add3A_442 = arith.constant 1.03463333E-6 : f32
        %add3A_443 = vector.broadcast %add3A_442 : f32 to vector<16xf32>
        %add3A_444 = arith.addf %mul3A_441, %add3A_443 : vector<16xf32>
        %mul3A_445 = arith.mulf %add3A_444, %min3A_434 : vector<16xf32>
        %add3A_446 = arith.constant 1.54570207E-5 : f32
        %add3A_447 = vector.broadcast %add3A_446 : f32 to vector<16xf32>
        %add3A_448 = arith.addf %mul3A_445, %add3A_447 : vector<16xf32>
        %mul3A_449 = arith.mulf %add3A_448, %min3A_434 : vector<16xf32>
        %add3A_450 = arith.constant -3.47155205E-4 : f32
        %add3A_451 = vector.broadcast %add3A_450 : f32 to vector<16xf32>
        %add3A_452 = arith.addf %mul3A_449, %add3A_451 : vector<16xf32>
        %mul3A_453 = arith.mulf %add3A_452, %min3A_434 : vector<16xf32>
        %add3A_454 = arith.constant 0.00283009862 : f32
        %add3A_455 = vector.broadcast %add3A_454 : f32 to vector<16xf32>
        %add3A_456 = arith.addf %mul3A_453, %add3A_455 : vector<16xf32>
        %mul3A_457 = arith.mulf %add3A_456, %min3A_434 : vector<16xf32>
        %add3A_458 = arith.constant -0.0108606992 : f32
        %add3A_459 = vector.broadcast %add3A_458 : f32 to vector<16xf32>
        %add3A_460 = arith.addf %mul3A_457, %add3A_459 : vector<16xf32>
        %mul3A_461 = arith.mulf %add3A_460, %min3A_434 : vector<16xf32>
        %add3A_462 = arith.constant 0.00615926273 : f32
        %add3A_463 = vector.broadcast %add3A_462 : f32 to vector<16xf32>
        %add3A_464 = arith.addf %mul3A_461, %add3A_463 : vector<16xf32>
        %mul3A_465 = arith.mulf %add3A_464, %min3A_434 : vector<16xf32>
        %add3A_466 = arith.constant 0.121538311 : f32
        %add3A_467 = vector.broadcast %add3A_466 : f32 to vector<16xf32>
        %add3A_468 = arith.addf %mul3A_465, %add3A_467 : vector<16xf32>
        %mul3A_469 = arith.mulf %add3A_468, %min3A_434 : vector<16xf32>
        %add3A_470 = arith.constant -0.49917528 : f32
        %add3A_471 = vector.broadcast %add3A_470 : f32 to vector<16xf32>
        %add3A_472 = arith.addf %mul3A_469, %add3A_471 : vector<16xf32>
        %mul3A_473 = arith.mulf %add3A_472, %min3A_434 : vector<16xf32>
        %add3A_474 = arith.constant 0.693099081 : f32
        %add3A_475 = vector.broadcast %add3A_474 : f32 to vector<16xf32>
        %add3A_476 = arith.addf %mul3A_473, %add3A_475 : vector<16xf32>
        %max3A_477 = arith.constant 0.000000e+00 : f32
        %max3A_478 = vector.broadcast %max3A_477 : f32 to vector<16xf32>
        %max3A_479 = arith.maximumf %add3A_476, %max3A_478 : vector<16xf32>
        %max3A_480 = arith.constant 0.000000e+00 : f32
        %max3A_481 = vector.broadcast %max3A_480 : f32 to vector<16xf32>
        %max3A_482 = arith.maximumf %get3A_425, %max3A_481 : vector<16xf32>
        %add3A_483 = arith.addf %max3A_482, %max3A_479 : vector<16xf32>
        %mul3A_484 = arith.mulf %convert_element_type3A_430, %get3A_425 : vector<16xf32>
        %sub3A_485 = arith.subf %add3A_483, %mul3A_484 : vector<16xf32>
        %add3A_486 = arith.addf %scan3A_261, %sub3A_485 : vector<16xf32>
        %mul3A_487 = arith.mulf %convert_element_type3A_430, %sub3A_485 : vector<16xf32>
        %add3A_488 = arith.addf %scan3A_262, %mul3A_487 : vector<16xf32>
        %add3A_489 = arith.addf %scan3A_263, %convert_element_type3A_430 : vector<16xf32>
        %mul3A_490 = arith.constant 128 : i32
        %mul3A_491 = arith.muli %scan3A_254, %mul3A_490 : i32
        %add3A_492 = arith.constant 48 : i32
        %add3A_493 = arith.addi %mul3A_491, %add3A_492 : i32
        %get3A_494 = arith.index_cast %scan3A_223 : i32 to index
        %get3A_495 = arith.index_cast %add3A_493 : i32 to index
        %get3A_496 = tpu.vector_load %arg5[%get3A_494, %get3A_495] {strides = array<i32>} : memref<32x512xf32, #tpu.memory_space<vmem>>, vector<1x16xf32>,
        %get3A_497 = vector.shape_cast %get3A_496 : vector<1x16xf32> to vector<16xf32>
        %get3A_498 = arith.index_cast %scan3A_223 : i32 to index
        %get3A_499 = arith.index_cast %add3A_493 : i32 to index
        %get3A_500 = tpu.vector_load %arg6[%get3A_498, %get3A_499] {strides = array<i32>} : memref<32x512xi32, #tpu.memory_space<vmem>>, vector<1x16xi32>,
        %get3A_501 = vector.shape_cast %get3A_500 : vector<1x16xi32> to vector<16xi32>
        %convert_element_type3A_502 = arith.sitofp %get3A_501 : vector<16xi32> to vector<16xf32>
        %abs3A_503 = math.absf %get3A_497 : vector<16xf32>
        %min3A_504 = arith.constant 8.000000e+00 : f32
        %min3A_505 = vector.broadcast %min3A_504 : f32 to vector<16xf32>
        %min3A_506 = arith.minimumf %abs3A_503, %min3A_505 : vector<16xf32>
        %mul3A_507 = arith.constant 4.985710e-09 : f32
        %mul3A_508 = vector.broadcast %mul3A_507 : f32 to vector<16xf32>
        %mul3A_509 = arith.mulf %mul3A_508, %min3A_506 : vector<16xf32>
        %add3A_510 = arith.constant -1.49050962E-7 : f32
        %add3A_511 = vector.broadcast %add3A_510 : f32 to vector<16xf32>
        %add3A_512 = arith.addf %mul3A_509, %add3A_511 : vector<16xf32>
        %mul3A_513 = arith.mulf %add3A_512, %min3A_506 : vector<16xf32>
        %add3A_514 = arith.constant 1.03463333E-6 : f32
        %add3A_515 = vector.broadcast %add3A_514 : f32 to vector<16xf32>
        %add3A_516 = arith.addf %mul3A_513, %add3A_515 : vector<16xf32>
        %mul3A_517 = arith.mulf %add3A_516, %min3A_506 : vector<16xf32>
        %add3A_518 = arith.constant 1.54570207E-5 : f32
        %add3A_519 = vector.broadcast %add3A_518 : f32 to vector<16xf32>
        %add3A_520 = arith.addf %mul3A_517, %add3A_519 : vector<16xf32>
        %mul3A_521 = arith.mulf %add3A_520, %min3A_506 : vector<16xf32>
        %add3A_522 = arith.constant -3.47155205E-4 : f32
        %add3A_523 = vector.broadcast %add3A_522 : f32 to vector<16xf32>
        %add3A_524 = arith.addf %mul3A_521, %add3A_523 : vector<16xf32>
        %mul3A_525 = arith.mulf %add3A_524, %min3A_506 : vector<16xf32>
        %add3A_526 = arith.constant 0.00283009862 : f32
        %add3A_527 = vector.broadcast %add3A_526 : f32 to vector<16xf32>
        %add3A_528 = arith.addf %mul3A_525, %add3A_527 : vector<16xf32>
        %mul3A_529 = arith.mulf %add3A_528, %min3A_506 : vector<16xf32>
        %add3A_530 = arith.constant -0.0108606992 : f32
        %add3A_531 = vector.broadcast %add3A_530 : f32 to vector<16xf32>
        %add3A_532 = arith.addf %mul3A_529, %add3A_531 : vector<16xf32>
        %mul3A_533 = arith.mulf %add3A_532, %min3A_506 : vector<16xf32>
        %add3A_534 = arith.constant 0.00615926273 : f32
        %add3A_535 = vector.broadcast %add3A_534 : f32 to vector<16xf32>
        %add3A_536 = arith.addf %mul3A_533, %add3A_535 : vector<16xf32>
        %mul3A_537 = arith.mulf %add3A_536, %min3A_506 : vector<16xf32>
        %add3A_538 = arith.constant 0.121538311 : f32
        %add3A_539 = vector.broadcast %add3A_538 : f32 to vector<16xf32>
        %add3A_540 = arith.addf %mul3A_537, %add3A_539 : vector<16xf32>
        %mul3A_541 = arith.mulf %add3A_540, %min3A_506 : vector<16xf32>
        %add3A_542 = arith.constant -0.49917528 : f32
        %add3A_543 = vector.broadcast %add3A_542 : f32 to vector<16xf32>
        %add3A_544 = arith.addf %mul3A_541, %add3A_543 : vector<16xf32>
        %mul3A_545 = arith.mulf %add3A_544, %min3A_506 : vector<16xf32>
        %add3A_546 = arith.constant 0.693099081 : f32
        %add3A_547 = vector.broadcast %add3A_546 : f32 to vector<16xf32>
        %add3A_548 = arith.addf %mul3A_545, %add3A_547 : vector<16xf32>
        %max3A_549 = arith.constant 0.000000e+00 : f32
        %max3A_550 = vector.broadcast %max3A_549 : f32 to vector<16xf32>
        %max3A_551 = arith.maximumf %add3A_548, %max3A_550 : vector<16xf32>
        %max3A_552 = arith.constant 0.000000e+00 : f32
        %max3A_553 = vector.broadcast %max3A_552 : f32 to vector<16xf32>
        %max3A_554 = arith.maximumf %get3A_497, %max3A_553 : vector<16xf32>
        %add3A_555 = arith.addf %max3A_554, %max3A_551 : vector<16xf32>
        %mul3A_556 = arith.mulf %convert_element_type3A_502, %get3A_497 : vector<16xf32>
        %sub3A_557 = arith.subf %add3A_555, %mul3A_556 : vector<16xf32>
        %add3A_558 = arith.addf %scan3A_264, %sub3A_557 : vector<16xf32>
        %mul3A_559 = arith.mulf %convert_element_type3A_502, %sub3A_557 : vector<16xf32>
        %add3A_560 = arith.addf %scan3A_265, %mul3A_559 : vector<16xf32>
        %add3A_561 = arith.addf %scan3A_266, %convert_element_type3A_502 : vector<16xf32>
        %mul3A_562 = arith.constant 128 : i32
        %mul3A_563 = arith.muli %scan3A_254, %mul3A_562 : i32
        %add3A_564 = arith.constant 64 : i32
        %add3A_565 = arith.addi %mul3A_563, %add3A_564 : i32
        %get3A_566 = arith.index_cast %scan3A_223 : i32 to index
        %get3A_567 = arith.index_cast %add3A_565 : i32 to index
        %get3A_568 = tpu.vector_load %arg5[%get3A_566, %get3A_567] {strides = array<i32>} : memref<32x512xf32, #tpu.memory_space<vmem>>, vector<1x16xf32>,
        %get3A_569 = vector.shape_cast %get3A_568 : vector<1x16xf32> to vector<16xf32>
        %get3A_570 = arith.index_cast %scan3A_223 : i32 to index
        %get3A_571 = arith.index_cast %add3A_565 : i32 to index
        %get3A_572 = tpu.vector_load %arg6[%get3A_570, %get3A_571] {strides = array<i32>} : memref<32x512xi32, #tpu.memory_space<vmem>>, vector<1x16xi32>,
        %get3A_573 = vector.shape_cast %get3A_572 : vector<1x16xi32> to vector<16xi32>
        %convert_element_type3A_574 = arith.sitofp %get3A_573 : vector<16xi32> to vector<16xf32>
        %abs3A_575 = math.absf %get3A_569 : vector<16xf32>
        %min3A_576 = arith.constant 8.000000e+00 : f32
        %min3A_577 = vector.broadcast %min3A_576 : f32 to vector<16xf32>
        %min3A_578 = arith.minimumf %abs3A_575, %min3A_577 : vector<16xf32>
        %mul3A_579 = arith.constant 4.985710e-09 : f32
        %mul3A_580 = vector.broadcast %mul3A_579 : f32 to vector<16xf32>
        %mul3A_581 = arith.mulf %mul3A_580, %min3A_578 : vector<16xf32>
        %add3A_582 = arith.constant -1.49050962E-7 : f32
        %add3A_583 = vector.broadcast %add3A_582 : f32 to vector<16xf32>
        %add3A_584 = arith.addf %mul3A_581, %add3A_583 : vector<16xf32>
        %mul3A_585 = arith.mulf %add3A_584, %min3A_578 : vector<16xf32>
        %add3A_586 = arith.constant 1.03463333E-6 : f32
        %add3A_587 = vector.broadcast %add3A_586 : f32 to vector<16xf32>
        %add3A_588 = arith.addf %mul3A_585, %add3A_587 : vector<16xf32>
        %mul3A_589 = arith.mulf %add3A_588, %min3A_578 : vector<16xf32>
        %add3A_590 = arith.constant 1.54570207E-5 : f32
        %add3A_591 = vector.broadcast %add3A_590 : f32 to vector<16xf32>
        %add3A_592 = arith.addf %mul3A_589, %add3A_591 : vector<16xf32>
        %mul3A_593 = arith.mulf %add3A_592, %min3A_578 : vector<16xf32>
        %add3A_594 = arith.constant -3.47155205E-4 : f32
        %add3A_595 = vector.broadcast %add3A_594 : f32 to vector<16xf32>
        %add3A_596 = arith.addf %mul3A_593, %add3A_595 : vector<16xf32>
        %mul3A_597 = arith.mulf %add3A_596, %min3A_578 : vector<16xf32>
        %add3A_598 = arith.constant 0.00283009862 : f32
        %add3A_599 = vector.broadcast %add3A_598 : f32 to vector<16xf32>
        %add3A_600 = arith.addf %mul3A_597, %add3A_599 : vector<16xf32>
        %mul3A_601 = arith.mulf %add3A_600, %min3A_578 : vector<16xf32>
        %add3A_602 = arith.constant -0.0108606992 : f32
        %add3A_603 = vector.broadcast %add3A_602 : f32 to vector<16xf32>
        %add3A_604 = arith.addf %mul3A_601, %add3A_603 : vector<16xf32>
        %mul3A_605 = arith.mulf %add3A_604, %min3A_578 : vector<16xf32>
        %add3A_606 = arith.constant 0.00615926273 : f32
        %add3A_607 = vector.broadcast %add3A_606 : f32 to vector<16xf32>
        %add3A_608 = arith.addf %mul3A_605, %add3A_607 : vector<16xf32>
        %mul3A_609 = arith.mulf %add3A_608, %min3A_578 : vector<16xf32>
        %add3A_610 = arith.constant 0.121538311 : f32
        %add3A_611 = vector.broadcast %add3A_610 : f32 to vector<16xf32>
        %add3A_612 = arith.addf %mul3A_609, %add3A_611 : vector<16xf32>
        %mul3A_613 = arith.mulf %add3A_612, %min3A_578 : vector<16xf32>
        %add3A_614 = arith.constant -0.49917528 : f32
        %add3A_615 = vector.broadcast %add3A_614 : f32 to vector<16xf32>
        %add3A_616 = arith.addf %mul3A_613, %add3A_615 : vector<16xf32>
        %mul3A_617 = arith.mulf %add3A_616, %min3A_578 : vector<16xf32>
        %add3A_618 = arith.constant 0.693099081 : f32
        %add3A_619 = vector.broadcast %add3A_618 : f32 to vector<16xf32>
        %add3A_620 = arith.addf %mul3A_617, %add3A_619 : vector<16xf32>
        %max3A_621 = arith.constant 0.000000e+00 : f32
        %max3A_622 = vector.broadcast %max3A_621 : f32 to vector<16xf32>
        %max3A_623 = arith.maximumf %add3A_620, %max3A_622 : vector<16xf32>
        %max3A_624 = arith.constant 0.000000e+00 : f32
        %max3A_625 = vector.broadcast %max3A_624 : f32 to vector<16xf32>
        %max3A_626 = arith.maximumf %get3A_569, %max3A_625 : vector<16xf32>
        %add3A_627 = arith.addf %max3A_626, %max3A_623 : vector<16xf32>
        %mul3A_628 = arith.mulf %convert_element_type3A_574, %get3A_569 : vector<16xf32>
        %sub3A_629 = arith.subf %add3A_627, %mul3A_628 : vector<16xf32>
        %add3A_630 = arith.addf %scan3A_267, %sub3A_629 : vector<16xf32>
        %mul3A_631 = arith.mulf %convert_element_type3A_574, %sub3A_629 : vector<16xf32>
        %add3A_632 = arith.addf %scan3A_268, %mul3A_631 : vector<16xf32>
        %add3A_633 = arith.addf %scan3A_269, %convert_element_type3A_574 : vector<16xf32>
        %mul3A_634 = arith.constant 128 : i32
        %mul3A_635 = arith.muli %scan3A_254, %mul3A_634 : i32
        %add3A_636 = arith.constant 80 : i32
        %add3A_637 = arith.addi %mul3A_635, %add3A_636 : i32
        %get3A_638 = arith.index_cast %scan3A_223 : i32 to index
        %get3A_639 = arith.index_cast %add3A_637 : i32 to index
        %get3A_640 = tpu.vector_load %arg5[%get3A_638, %get3A_639] {strides = array<i32>} : memref<32x512xf32, #tpu.memory_space<vmem>>, vector<1x16xf32>,
        %get3A_641 = vector.shape_cast %get3A_640 : vector<1x16xf32> to vector<16xf32>
        %get3A_642 = arith.index_cast %scan3A_223 : i32 to index
        %get3A_643 = arith.index_cast %add3A_637 : i32 to index
        %get3A_644 = tpu.vector_load %arg6[%get3A_642, %get3A_643] {strides = array<i32>} : memref<32x512xi32, #tpu.memory_space<vmem>>, vector<1x16xi32>,
        %get3A_645 = vector.shape_cast %get3A_644 : vector<1x16xi32> to vector<16xi32>
        %convert_element_type3A_646 = arith.sitofp %get3A_645 : vector<16xi32> to vector<16xf32>
        %abs3A_647 = math.absf %get3A_641 : vector<16xf32>
        %min3A_648 = arith.constant 8.000000e+00 : f32
        %min3A_649 = vector.broadcast %min3A_648 : f32 to vector<16xf32>
        %min3A_650 = arith.minimumf %abs3A_647, %min3A_649 : vector<16xf32>
        %mul3A_651 = arith.constant 4.985710e-09 : f32
        %mul3A_652 = vector.broadcast %mul3A_651 : f32 to vector<16xf32>
        %mul3A_653 = arith.mulf %mul3A_652, %min3A_650 : vector<16xf32>
        %add3A_654 = arith.constant -1.49050962E-7 : f32
        %add3A_655 = vector.broadcast %add3A_654 : f32 to vector<16xf32>
        %add3A_656 = arith.addf %mul3A_653, %add3A_655 : vector<16xf32>
        %mul3A_657 = arith.mulf %add3A_656, %min3A_650 : vector<16xf32>
        %add3A_658 = arith.constant 1.03463333E-6 : f32
        %add3A_659 = vector.broadcast %add3A_658 : f32 to vector<16xf32>
        %add3A_660 = arith.addf %mul3A_657, %add3A_659 : vector<16xf32>
        %mul3A_661 = arith.mulf %add3A_660, %min3A_650 : vector<16xf32>
        %add3A_662 = arith.constant 1.54570207E-5 : f32
        %add3A_663 = vector.broadcast %add3A_662 : f32 to vector<16xf32>
        %add3A_664 = arith.addf %mul3A_661, %add3A_663 : vector<16xf32>
        %mul3A_665 = arith.mulf %add3A_664, %min3A_650 : vector<16xf32>
        %add3A_666 = arith.constant -3.47155205E-4 : f32
        %add3A_667 = vector.broadcast %add3A_666 : f32 to vector<16xf32>
        %add3A_668 = arith.addf %mul3A_665, %add3A_667 : vector<16xf32>
        %mul3A_669 = arith.mulf %add3A_668, %min3A_650 : vector<16xf32>
        %add3A_670 = arith.constant 0.00283009862 : f32
        %add3A_671 = vector.broadcast %add3A_670 : f32 to vector<16xf32>
        %add3A_672 = arith.addf %mul3A_669, %add3A_671 : vector<16xf32>
        %mul3A_673 = arith.mulf %add3A_672, %min3A_650 : vector<16xf32>
        %add3A_674 = arith.constant -0.0108606992 : f32
        %add3A_675 = vector.broadcast %add3A_674 : f32 to vector<16xf32>
        %add3A_676 = arith.addf %mul3A_673, %add3A_675 : vector<16xf32>
        %mul3A_677 = arith.mulf %add3A_676, %min3A_650 : vector<16xf32>
        %add3A_678 = arith.constant 0.00615926273 : f32
        %add3A_679 = vector.broadcast %add3A_678 : f32 to vector<16xf32>
        %add3A_680 = arith.addf %mul3A_677, %add3A_679 : vector<16xf32>
        %mul3A_681 = arith.mulf %add3A_680, %min3A_650 : vector<16xf32>
        %add3A_682 = arith.constant 0.121538311 : f32
        %add3A_683 = vector.broadcast %add3A_682 : f32 to vector<16xf32>
        %add3A_684 = arith.addf %mul3A_681, %add3A_683 : vector<16xf32>
        %mul3A_685 = arith.mulf %add3A_684, %min3A_650 : vector<16xf32>
        %add3A_686 = arith.constant -0.49917528 : f32
        %add3A_687 = vector.broadcast %add3A_686 : f32 to vector<16xf32>
        %add3A_688 = arith.addf %mul3A_685, %add3A_687 : vector<16xf32>
        %mul3A_689 = arith.mulf %add3A_688, %min3A_650 : vector<16xf32>
        %add3A_690 = arith.constant 0.693099081 : f32
        %add3A_691 = vector.broadcast %add3A_690 : f32 to vector<16xf32>
        %add3A_692 = arith.addf %mul3A_689, %add3A_691 : vector<16xf32>
        %max3A_693 = arith.constant 0.000000e+00 : f32
        %max3A_694 = vector.broadcast %max3A_693 : f32 to vector<16xf32>
        %max3A_695 = arith.maximumf %add3A_692, %max3A_694 : vector<16xf32>
        %max3A_696 = arith.constant 0.000000e+00 : f32
        %max3A_697 = vector.broadcast %max3A_696 : f32 to vector<16xf32>
        %max3A_698 = arith.maximumf %get3A_641, %max3A_697 : vector<16xf32>
        %add3A_699 = arith.addf %max3A_698, %max3A_695 : vector<16xf32>
        %mul3A_700 = arith.mulf %convert_element_type3A_646, %get3A_641 : vector<16xf32>
        %sub3A_701 = arith.subf %add3A_699, %mul3A_700 : vector<16xf32>
        %add3A_702 = arith.addf %scan3A_270, %sub3A_701 : vector<16xf32>
        %mul3A_703 = arith.mulf %convert_element_type3A_646, %sub3A_701 : vector<16xf32>
        %add3A_704 = arith.addf %scan3A_271, %mul3A_703 : vector<16xf32>
        %add3A_705 = arith.addf %scan3A_272, %convert_element_type3A_646 : vector<16xf32>
        %mul3A_706 = arith.constant 128 : i32
        %mul3A_707 = arith.muli %scan3A_254, %mul3A_706 : i32
        %add3A_708 = arith.constant 96 : i32
        %add3A_709 = arith.addi %mul3A_707, %add3A_708 : i32
        %get3A_710 = arith.index_cast %scan3A_223 : i32 to index
        %get3A_711 = arith.index_cast %add3A_709 : i32 to index
        %get3A_712 = tpu.vector_load %arg5[%get3A_710, %get3A_711] {strides = array<i32>} : memref<32x512xf32, #tpu.memory_space<vmem>>, vector<1x16xf32>,
        %get3A_713 = vector.shape_cast %get3A_712 : vector<1x16xf32> to vector<16xf32>
        %get3A_714 = arith.index_cast %scan3A_223 : i32 to index
        %get3A_715 = arith.index_cast %add3A_709 : i32 to index
        %get3A_716 = tpu.vector_load %arg6[%get3A_714, %get3A_715] {strides = array<i32>} : memref<32x512xi32, #tpu.memory_space<vmem>>, vector<1x16xi32>,
        %get3A_717 = vector.shape_cast %get3A_716 : vector<1x16xi32> to vector<16xi32>
        %convert_element_type3A_718 = arith.sitofp %get3A_717 : vector<16xi32> to vector<16xf32>
        %abs3A_719 = math.absf %get3A_713 : vector<16xf32>
        %min3A_720 = arith.constant 8.000000e+00 : f32
        %min3A_721 = vector.broadcast %min3A_720 : f32 to vector<16xf32>
        %min3A_722 = arith.minimumf %abs3A_719, %min3A_721 : vector<16xf32>
        %mul3A_723 = arith.constant 4.985710e-09 : f32
        %mul3A_724 = vector.broadcast %mul3A_723 : f32 to vector<16xf32>
        %mul3A_725 = arith.mulf %mul3A_724, %min3A_722 : vector<16xf32>
        %add3A_726 = arith.constant -1.49050962E-7 : f32
        %add3A_727 = vector.broadcast %add3A_726 : f32 to vector<16xf32>
        %add3A_728 = arith.addf %mul3A_725, %add3A_727 : vector<16xf32>
        %mul3A_729 = arith.mulf %add3A_728, %min3A_722 : vector<16xf32>
        %add3A_730 = arith.constant 1.03463333E-6 : f32
        %add3A_731 = vector.broadcast %add3A_730 : f32 to vector<16xf32>
        %add3A_732 = arith.addf %mul3A_729, %add3A_731 : vector<16xf32>
        %mul3A_733 = arith.mulf %add3A_732, %min3A_722 : vector<16xf32>
        %add3A_734 = arith.constant 1.54570207E-5 : f32
        %add3A_735 = vector.broadcast %add3A_734 : f32 to vector<16xf32>
        %add3A_736 = arith.addf %mul3A_733, %add3A_735 : vector<16xf32>
        %mul3A_737 = arith.mulf %add3A_736, %min3A_722 : vector<16xf32>
        %add3A_738 = arith.constant -3.47155205E-4 : f32
        %add3A_739 = vector.broadcast %add3A_738 : f32 to vector<16xf32>
        %add3A_740 = arith.addf %mul3A_737, %add3A_739 : vector<16xf32>
        %mul3A_741 = arith.mulf %add3A_740, %min3A_722 : vector<16xf32>
        %add3A_742 = arith.constant 0.00283009862 : f32
        %add3A_743 = vector.broadcast %add3A_742 : f32 to vector<16xf32>
        %add3A_744 = arith.addf %mul3A_741, %add3A_743 : vector<16xf32>
        %mul3A_745 = arith.mulf %add3A_744, %min3A_722 : vector<16xf32>
        %add3A_746 = arith.constant -0.0108606992 : f32
        %add3A_747 = vector.broadcast %add3A_746 : f32 to vector<16xf32>
        %add3A_748 = arith.addf %mul3A_745, %add3A_747 : vector<16xf32>
        %mul3A_749 = arith.mulf %add3A_748, %min3A_722 : vector<16xf32>
        %add3A_750 = arith.constant 0.00615926273 : f32
        %add3A_751 = vector.broadcast %add3A_750 : f32 to vector<16xf32>
        %add3A_752 = arith.addf %mul3A_749, %add3A_751 : vector<16xf32>
        %mul3A_753 = arith.mulf %add3A_752, %min3A_722 : vector<16xf32>
        %add3A_754 = arith.constant 0.121538311 : f32
        %add3A_755 = vector.broadcast %add3A_754 : f32 to vector<16xf32>
        %add3A_756 = arith.addf %mul3A_753, %add3A_755 : vector<16xf32>
        %mul3A_757 = arith.mulf %add3A_756, %min3A_722 : vector<16xf32>
        %add3A_758 = arith.constant -0.49917528 : f32
        %add3A_759 = vector.broadcast %add3A_758 : f32 to vector<16xf32>
        %add3A_760 = arith.addf %mul3A_757, %add3A_759 : vector<16xf32>
        %mul3A_761 = arith.mulf %add3A_760, %min3A_722 : vector<16xf32>
        %add3A_762 = arith.constant 0.693099081 : f32
        %add3A_763 = vector.broadcast %add3A_762 : f32 to vector<16xf32>
        %add3A_764 = arith.addf %mul3A_761, %add3A_763 : vector<16xf32>
        %max3A_765 = arith.constant 0.000000e+00 : f32
        %max3A_766 = vector.broadcast %max3A_765 : f32 to vector<16xf32>
        %max3A_767 = arith.maximumf %add3A_764, %max3A_766 : vector<16xf32>
        %max3A_768 = arith.constant 0.000000e+00 : f32
        %max3A_769 = vector.broadcast %max3A_768 : f32 to vector<16xf32>
        %max3A_770 = arith.maximumf %get3A_713, %max3A_769 : vector<16xf32>
        %add3A_771 = arith.addf %max3A_770, %max3A_767 : vector<16xf32>
        %mul3A_772 = arith.mulf %convert_element_type3A_718, %get3A_713 : vector<16xf32>
        %sub3A_773 = arith.subf %add3A_771, %mul3A_772 : vector<16xf32>
        %add3A_774 = arith.addf %scan3A_273, %sub3A_773 : vector<16xf32>
        %mul3A_775 = arith.mulf %convert_element_type3A_718, %sub3A_773 : vector<16xf32>
        %add3A_776 = arith.addf %scan3A_274, %mul3A_775 : vector<16xf32>
        %add3A_777 = arith.addf %scan3A_275, %convert_element_type3A_718 : vector<16xf32>
        %mul3A_778 = arith.constant 128 : i32
        %mul3A_779 = arith.muli %scan3A_254, %mul3A_778 : i32
        %add3A_780 = arith.constant 112 : i32
        %add3A_781 = arith.addi %mul3A_779, %add3A_780 : i32
        %get3A_782 = arith.index_cast %scan3A_223 : i32 to index
        %get3A_783 = arith.index_cast %add3A_781 : i32 to index
        %get3A_784 = tpu.vector_load %arg5[%get3A_782, %get3A_783] {strides = array<i32>} : memref<32x512xf32, #tpu.memory_space<vmem>>, vector<1x16xf32>,
        %get3A_785 = vector.shape_cast %get3A_784 : vector<1x16xf32> to vector<16xf32>
        %get3A_786 = arith.index_cast %scan3A_223 : i32 to index
        %get3A_787 = arith.index_cast %add3A_781 : i32 to index
        %get3A_788 = tpu.vector_load %arg6[%get3A_786, %get3A_787] {strides = array<i32>} : memref<32x512xi32, #tpu.memory_space<vmem>>, vector<1x16xi32>,
        %get3A_789 = vector.shape_cast %get3A_788 : vector<1x16xi32> to vector<16xi32>
        %convert_element_type3A_790 = arith.sitofp %get3A_789 : vector<16xi32> to vector<16xf32>
        %abs3A_791 = math.absf %get3A_785 : vector<16xf32>
        %min3A_792 = arith.constant 8.000000e+00 : f32
        %min3A_793 = vector.broadcast %min3A_792 : f32 to vector<16xf32>
        %min3A_794 = arith.minimumf %abs3A_791, %min3A_793 : vector<16xf32>
        %mul3A_795 = arith.constant 4.985710e-09 : f32
        %mul3A_796 = vector.broadcast %mul3A_795 : f32 to vector<16xf32>
        %mul3A_797 = arith.mulf %mul3A_796, %min3A_794 : vector<16xf32>
        %add3A_798 = arith.constant -1.49050962E-7 : f32
        %add3A_799 = vector.broadcast %add3A_798 : f32 to vector<16xf32>
        %add3A_800 = arith.addf %mul3A_797, %add3A_799 : vector<16xf32>
        %mul3A_801 = arith.mulf %add3A_800, %min3A_794 : vector<16xf32>
        %add3A_802 = arith.constant 1.03463333E-6 : f32
        %add3A_803 = vector.broadcast %add3A_802 : f32 to vector<16xf32>
        %add3A_804 = arith.addf %mul3A_801, %add3A_803 : vector<16xf32>
        %mul3A_805 = arith.mulf %add3A_804, %min3A_794 : vector<16xf32>
        %add3A_806 = arith.constant 1.54570207E-5 : f32
        %add3A_807 = vector.broadcast %add3A_806 : f32 to vector<16xf32>
        %add3A_808 = arith.addf %mul3A_805, %add3A_807 : vector<16xf32>
        %mul3A_809 = arith.mulf %add3A_808, %min3A_794 : vector<16xf32>
        %add3A_810 = arith.constant -3.47155205E-4 : f32
        %add3A_811 = vector.broadcast %add3A_810 : f32 to vector<16xf32>
        %add3A_812 = arith.addf %mul3A_809, %add3A_811 : vector<16xf32>
        %mul3A_813 = arith.mulf %add3A_812, %min3A_794 : vector<16xf32>
        %add3A_814 = arith.constant 0.00283009862 : f32
        %add3A_815 = vector.broadcast %add3A_814 : f32 to vector<16xf32>
        %add3A_816 = arith.addf %mul3A_813, %add3A_815 : vector<16xf32>
        %mul3A_817 = arith.mulf %add3A_816, %min3A_794 : vector<16xf32>
        %add3A_818 = arith.constant -0.0108606992 : f32
        %add3A_819 = vector.broadcast %add3A_818 : f32 to vector<16xf32>
        %add3A_820 = arith.addf %mul3A_817, %add3A_819 : vector<16xf32>
        %mul3A_821 = arith.mulf %add3A_820, %min3A_794 : vector<16xf32>
        %add3A_822 = arith.constant 0.00615926273 : f32
        %add3A_823 = vector.broadcast %add3A_822 : f32 to vector<16xf32>
        %add3A_824 = arith.addf %mul3A_821, %add3A_823 : vector<16xf32>
        %mul3A_825 = arith.mulf %add3A_824, %min3A_794 : vector<16xf32>
        %add3A_826 = arith.constant 0.121538311 : f32
        %add3A_827 = vector.broadcast %add3A_826 : f32 to vector<16xf32>
        %add3A_828 = arith.addf %mul3A_825, %add3A_827 : vector<16xf32>
        %mul3A_829 = arith.mulf %add3A_828, %min3A_794 : vector<16xf32>
        %add3A_830 = arith.constant -0.49917528 : f32
        %add3A_831 = vector.broadcast %add3A_830 : f32 to vector<16xf32>
        %add3A_832 = arith.addf %mul3A_829, %add3A_831 : vector<16xf32>
        %mul3A_833 = arith.mulf %add3A_832, %min3A_794 : vector<16xf32>
        %add3A_834 = arith.constant 0.693099081 : f32
        %add3A_835 = vector.broadcast %add3A_834 : f32 to vector<16xf32>
        %add3A_836 = arith.addf %mul3A_833, %add3A_835 : vector<16xf32>
        %max3A_837 = arith.constant 0.000000e+00 : f32
        %max3A_838 = vector.broadcast %max3A_837 : f32 to vector<16xf32>
        %max3A_839 = arith.maximumf %add3A_836, %max3A_838 : vector<16xf32>
        %max3A_840 = arith.constant 0.000000e+00 : f32
        %max3A_841 = vector.broadcast %max3A_840 : f32 to vector<16xf32>
        %max3A_842 = arith.maximumf %get3A_785, %max3A_841 : vector<16xf32>
        %add3A_843 = arith.addf %max3A_842, %max3A_839 : vector<16xf32>
        %mul3A_844 = arith.mulf %convert_element_type3A_790, %get3A_785 : vector<16xf32>
        %sub3A_845 = arith.subf %add3A_843, %mul3A_844 : vector<16xf32>
        %add3A_846 = arith.addf %scan3A_276, %sub3A_845 : vector<16xf32>
        %mul3A_847 = arith.mulf %convert_element_type3A_790, %sub3A_845 : vector<16xf32>
        %add3A_848 = arith.addf %scan3A_277, %mul3A_847 : vector<16xf32>
        %add3A_849 = arith.addf %scan3A_278, %convert_element_type3A_790 : vector<16xf32>
        scf.yield %add3A_342, %add3A_344, %add3A_345, %add3A_414, %add3A_416, %add3A_417, %add3A_486, %add3A_488, %add3A_489, %add3A_558, %add3A_560, %add3A_561, %add3A_630, %add3A_632, %add3A_633, %add3A_702, %add3A_704, %add3A_705, %add3A_774, %add3A_776, %add3A_777, %add3A_846, %add3A_848, %add3A_849 : vector<16xf32>, vector<16xf32>, vector<16xf32>, vector<16xf32>, vector<16xf32>, vector<16xf32>, vector<16xf32>, vector<16xf32>, vector<16xf32>, vector<16xf32>, vector<16xf32>, vector<16xf32>, vector<16xf32>, vector<16xf32>, vector<16xf32>, vector<16xf32>, vector<16xf32>, vector<16xf32>, vector<16xf32>, vector<16xf32>, vector<16xf32>, vector<16xf32>, vector<16xf32>, vector<16xf32>
      }
      %scan3A_253 = arith.constant 4 : i32
      scf.yield %scan3A_252#0, %scan3A_252#1, %scan3A_252#2, %scan3A_252#3, %scan3A_252#4, %scan3A_252#5, %scan3A_252#6, %scan3A_252#7, %scan3A_252#8, %scan3A_252#9, %scan3A_252#10, %scan3A_252#11, %scan3A_252#12, %scan3A_252#13, %scan3A_252#14, %scan3A_252#15, %scan3A_252#16, %scan3A_252#17, %scan3A_252#18, %scan3A_252#19, %scan3A_252#20, %scan3A_252#21, %scan3A_252#22, %scan3A_252#23 : vector<16xf32>, vector<16xf32>, vector<16xf32>, vector<16xf32>, vector<16xf32>, vector<16xf32>, vector<16xf32>, vector<16xf32>, vector<16xf32>, vector<16xf32>, vector<16xf32>, vector<16xf32>, vector<16xf32>, vector<16xf32>, vector<16xf32>, vector<16xf32>, vector<16xf32>, vector<16xf32>, vector<16xf32>, vector<16xf32>, vector<16xf32>, vector<16xf32>, vector<16xf32>, vector<16xf32>
    }
    %scan3A_164 = arith.constant 32 : i32
    %dma_wait3A_165 = arith.constant 0 : i32
    %dma_wait3A_166 = tpu.memref_slice %arg2[%add3A_130, %add3A_132, %dma_wait3A_165] : memref<16x512x512xf32, #tpu.memory_space<hbm>> -> memref<1x32x512xf32, #tpu.memory_space<hbm>>
    %dma_wait3A_167 = tpu.memref_squeeze %dma_wait3A_166 : memref<1x32x512xf32, #tpu.memory_space<hbm>> -> memref<32x512xf32, #tpu.memory_space<hbm>>
    %dma_wait3A_168 = arith.constant 0 : i32
    %dma_wait3A_169 = tpu.memref_slice %arg2[%add3A_130, %add3A_132, %dma_wait3A_168] : memref<16x512x512xf32, #tpu.memory_space<hbm>> -> memref<1x32x512xf32, #tpu.memory_space<hbm>>
    %dma_wait3A_170 = tpu.memref_squeeze %dma_wait3A_169 : memref<1x32x512xf32, #tpu.memory_space<hbm>> -> memref<32x512xf32, #tpu.memory_space<hbm>>
    tpu.wait_dma2 semaphore(%arg13 : memref<!tpu.dma_semaphore, #tpu.memory_space<semaphore_mem>>) src(%dma_wait3A_170 : memref<32x512xf32, #tpu.memory_space<hbm>>) dst(%arg7 : memref<32x512xf32, #tpu.memory_space<vmem>>)
    %dma_wait3A_171 = arith.constant 0 : i32
    %dma_wait3A_172 = tpu.memref_slice %arg3[%select_n3A, %add3A_140, %dma_wait3A_171] : memref<8x512x512xi32, #tpu.memory_space<hbm>> -> memref<1x32x512xi32, #tpu.memory_space<hbm>>
    %dma_wait3A_173 = tpu.memref_squeeze %dma_wait3A_172 : memref<1x32x512xi32, #tpu.memory_space<hbm>> -> memref<32x512xi32, #tpu.memory_space<hbm>>
    %dma_wait3A_174 = arith.constant 0 : i32
    %dma_wait3A_175 = tpu.memref_slice %arg3[%select_n3A, %add3A_140, %dma_wait3A_174] : memref<8x512x512xi32, #tpu.memory_space<hbm>> -> memref<1x32x512xi32, #tpu.memory_space<hbm>>
    %dma_wait3A_176 = tpu.memref_squeeze %dma_wait3A_175 : memref<1x32x512xi32, #tpu.memory_space<hbm>> -> memref<32x512xi32, #tpu.memory_space<hbm>>
    tpu.wait_dma2 semaphore(%arg13 : memref<!tpu.dma_semaphore, #tpu.memory_space<semaphore_mem>>) src(%dma_wait3A_176 : memref<32x512xi32, #tpu.memory_space<hbm>>) dst(%arg8 : memref<32x512xi32, #tpu.memory_space<vmem>>)
    %scan3A_177 = arith.constant 0 : i32
    %scan3A_178 = arith.constant 32 : i32
    %scan3A_179 = arith.addi %scan3A_177, %scan3A_178 : i32
    %scan3A_180 = arith.constant 1 : i32
    %scan3A_181:24 = scf.for %scan3A_223 = %scan3A_177 to %scan3A_179 step %scan3A_180 iter_args(%scan3A_224 = %scan3A_163#0, %scan3A_225 = %scan3A_163#1, %scan3A_226 = %scan3A_163#2, %scan3A_227 = %scan3A_163#3, %scan3A_228 = %scan3A_163#4, %scan3A_229 = %scan3A_163#5, %scan3A_230 = %scan3A_163#6, %scan3A_231 = %scan3A_163#7, %scan3A_232 = %scan3A_163#8, %scan3A_233 = %scan3A_163#9, %scan3A_234 = %scan3A_163#10, %scan3A_235 = %scan3A_163#11, %scan3A_236 = %scan3A_163#12, %scan3A_237 = %scan3A_163#13, %scan3A_238 = %scan3A_163#14, %scan3A_239 = %scan3A_163#15, %scan3A_240 = %scan3A_163#16, %scan3A_241 = %scan3A_163#17, %scan3A_242 = %scan3A_163#18, %scan3A_243 = %scan3A_163#19, %scan3A_244 = %scan3A_163#20, %scan3A_245 = %scan3A_163#21, %scan3A_246 = %scan3A_163#22, %scan3A_247 = %scan3A_163#23) -> (vector<16xf32>, vector<16xf32>, vector<16xf32>, vector<16xf32>, vector<16xf32>, vector<16xf32>, vector<16xf32>, vector<16xf32>, vector<16xf32>, vector<16xf32>, vector<16xf32>, vector<16xf32>, vector<16xf32>, vector<16xf32>, vector<16xf32>, vector<16xf32>, vector<16xf32>, vector<16xf32>, vector<16xf32>, vector<16xf32>, vector<16xf32>, vector<16xf32>, vector<16xf32>, vector<16xf32>)  : i32 {
      %scan3A_248 = arith.constant 0 : i32
      %scan3A_249 = arith.constant 4 : i32
      %scan3A_250 = arith.addi %scan3A_248, %scan3A_249 : i32
      %scan3A_251 = arith.constant 1 : i32
      %scan3A_252:24 = scf.for %scan3A_254 = %scan3A_248 to %scan3A_250 step %scan3A_251 iter_args(%scan3A_255 = %scan3A_224, %scan3A_256 = %scan3A_225, %scan3A_257 = %scan3A_226, %scan3A_258 = %scan3A_227, %scan3A_259 = %scan3A_228, %scan3A_260 = %scan3A_229, %scan3A_261 = %scan3A_230, %scan3A_262 = %scan3A_231, %scan3A_263 = %scan3A_232, %scan3A_264 = %scan3A_233, %scan3A_265 = %scan3A_234, %scan3A_266 = %scan3A_235, %scan3A_267 = %scan3A_236, %scan3A_268 = %scan3A_237, %scan3A_269 = %scan3A_238, %scan3A_270 = %scan3A_239, %scan3A_271 = %scan3A_240, %scan3A_272 = %scan3A_241, %scan3A_273 = %scan3A_242, %scan3A_274 = %scan3A_243, %scan3A_275 = %scan3A_244, %scan3A_276 = %scan3A_245, %scan3A_277 = %scan3A_246, %scan3A_278 = %scan3A_247) -> (vector<16xf32>, vector<16xf32>, vector<16xf32>, vector<16xf32>, vector<16xf32>, vector<16xf32>, vector<16xf32>, vector<16xf32>, vector<16xf32>, vector<16xf32>, vector<16xf32>, vector<16xf32>, vector<16xf32>, vector<16xf32>, vector<16xf32>, vector<16xf32>, vector<16xf32>, vector<16xf32>, vector<16xf32>, vector<16xf32>, vector<16xf32>, vector<16xf32>, vector<16xf32>, vector<16xf32>)  : i32 {
        %mul3A_279 = arith.constant 128 : i32
        %mul3A_280 = arith.muli %scan3A_254, %mul3A_279 : i32
        %add3A_281 = arith.constant 0 : i32
        %add3A_282 = arith.addi %mul3A_280, %add3A_281 : i32
        %get3A = arith.index_cast %scan3A_223 : i32 to index
        %get3A_283 = arith.index_cast %add3A_282 : i32 to index
        %get3A_284 = tpu.vector_load %arg7[%get3A, %get3A_283] {strides = array<i32>} : memref<32x512xf32, #tpu.memory_space<vmem>>, vector<1x16xf32>,
        %get3A_285 = vector.shape_cast %get3A_284 : vector<1x16xf32> to vector<16xf32>
        %get3A_286 = arith.index_cast %scan3A_223 : i32 to index
        %get3A_287 = arith.index_cast %add3A_282 : i32 to index
        %get3A_288 = tpu.vector_load %arg8[%get3A_286, %get3A_287] {strides = array<i32>} : memref<32x512xi32, #tpu.memory_space<vmem>>, vector<1x16xi32>,
        %get3A_289 = vector.shape_cast %get3A_288 : vector<1x16xi32> to vector<16xi32>
        %convert_element_type3A = arith.sitofp %get3A_289 : vector<16xi32> to vector<16xf32>
        %abs3A = math.absf %get3A_285 : vector<16xf32>
        %min3A = arith.constant 8.000000e+00 : f32
        %min3A_290 = vector.broadcast %min3A : f32 to vector<16xf32>
        %min3A_291 = arith.minimumf %abs3A, %min3A_290 : vector<16xf32>
        %mul3A_292 = arith.constant 4.985710e-09 : f32
        %mul3A_293 = vector.broadcast %mul3A_292 : f32 to vector<16xf32>
        %mul3A_294 = arith.mulf %mul3A_293, %min3A_291 : vector<16xf32>
        %add3A_295 = arith.constant -1.49050962E-7 : f32
        %add3A_296 = vector.broadcast %add3A_295 : f32 to vector<16xf32>
        %add3A_297 = arith.addf %mul3A_294, %add3A_296 : vector<16xf32>
        %mul3A_298 = arith.mulf %add3A_297, %min3A_291 : vector<16xf32>
        %add3A_299 = arith.constant 1.03463333E-6 : f32
        %add3A_300 = vector.broadcast %add3A_299 : f32 to vector<16xf32>
        %add3A_301 = arith.addf %mul3A_298, %add3A_300 : vector<16xf32>
        %mul3A_302 = arith.mulf %add3A_301, %min3A_291 : vector<16xf32>
        %add3A_303 = arith.constant 1.54570207E-5 : f32
        %add3A_304 = vector.broadcast %add3A_303 : f32 to vector<16xf32>
        %add3A_305 = arith.addf %mul3A_302, %add3A_304 : vector<16xf32>
        %mul3A_306 = arith.mulf %add3A_305, %min3A_291 : vector<16xf32>
        %add3A_307 = arith.constant -3.47155205E-4 : f32
        %add3A_308 = vector.broadcast %add3A_307 : f32 to vector<16xf32>
        %add3A_309 = arith.addf %mul3A_306, %add3A_308 : vector<16xf32>
        %mul3A_310 = arith.mulf %add3A_309, %min3A_291 : vector<16xf32>
        %add3A_311 = arith.constant 0.00283009862 : f32
        %add3A_312 = vector.broadcast %add3A_311 : f32 to vector<16xf32>
        %add3A_313 = arith.addf %mul3A_310, %add3A_312 : vector<16xf32>
        %mul3A_314 = arith.mulf %add3A_313, %min3A_291 : vector<16xf32>
        %add3A_315 = arith.constant -0.0108606992 : f32
        %add3A_316 = vector.broadcast %add3A_315 : f32 to vector<16xf32>
        %add3A_317 = arith.addf %mul3A_314, %add3A_316 : vector<16xf32>
        %mul3A_318 = arith.mulf %add3A_317, %min3A_291 : vector<16xf32>
        %add3A_319 = arith.constant 0.00615926273 : f32
        %add3A_320 = vector.broadcast %add3A_319 : f32 to vector<16xf32>
        %add3A_321 = arith.addf %mul3A_318, %add3A_320 : vector<16xf32>
        %mul3A_322 = arith.mulf %add3A_321, %min3A_291 : vector<16xf32>
        %add3A_323 = arith.constant 0.121538311 : f32
        %add3A_324 = vector.broadcast %add3A_323 : f32 to vector<16xf32>
        %add3A_325 = arith.addf %mul3A_322, %add3A_324 : vector<16xf32>
        %mul3A_326 = arith.mulf %add3A_325, %min3A_291 : vector<16xf32>
        %add3A_327 = arith.constant -0.49917528 : f32
        %add3A_328 = vector.broadcast %add3A_327 : f32 to vector<16xf32>
        %add3A_329 = arith.addf %mul3A_326, %add3A_328 : vector<16xf32>
        %mul3A_330 = arith.mulf %add3A_329, %min3A_291 : vector<16xf32>
        %add3A_331 = arith.constant 0.693099081 : f32
        %add3A_332 = vector.broadcast %add3A_331 : f32 to vector<16xf32>
        %add3A_333 = arith.addf %mul3A_330, %add3A_332 : vector<16xf32>
        %max3A = arith.constant 0.000000e+00 : f32
        %max3A_334 = vector.broadcast %max3A : f32 to vector<16xf32>
        %max3A_335 = arith.maximumf %add3A_333, %max3A_334 : vector<16xf32>
        %max3A_336 = arith.constant 0.000000e+00 : f32
        %max3A_337 = vector.broadcast %max3A_336 : f32 to vector<16xf32>
        %max3A_338 = arith.maximumf %get3A_285, %max3A_337 : vector<16xf32>
        %add3A_339 = arith.addf %max3A_338, %max3A_335 : vector<16xf32>
        %mul3A_340 = arith.mulf %convert_element_type3A, %get3A_285 : vector<16xf32>
        %sub3A_341 = arith.subf %add3A_339, %mul3A_340 : vector<16xf32>
        %add3A_342 = arith.addf %scan3A_255, %sub3A_341 : vector<16xf32>
        %mul3A_343 = arith.mulf %convert_element_type3A, %sub3A_341 : vector<16xf32>
        %add3A_344 = arith.addf %scan3A_256, %mul3A_343 : vector<16xf32>
        %add3A_345 = arith.addf %scan3A_257, %convert_element_type3A : vector<16xf32>
        %mul3A_346 = arith.constant 128 : i32
        %mul3A_347 = arith.muli %scan3A_254, %mul3A_346 : i32
        %add3A_348 = arith.constant 16 : i32
        %add3A_349 = arith.addi %mul3A_347, %add3A_348 : i32
        %get3A_350 = arith.index_cast %scan3A_223 : i32 to index
        %get3A_351 = arith.index_cast %add3A_349 : i32 to index
        %get3A_352 = tpu.vector_load %arg7[%get3A_350, %get3A_351] {strides = array<i32>} : memref<32x512xf32, #tpu.memory_space<vmem>>, vector<1x16xf32>,
        %get3A_353 = vector.shape_cast %get3A_352 : vector<1x16xf32> to vector<16xf32>
        %get3A_354 = arith.index_cast %scan3A_223 : i32 to index
        %get3A_355 = arith.index_cast %add3A_349 : i32 to index
        %get3A_356 = tpu.vector_load %arg8[%get3A_354, %get3A_355] {strides = array<i32>} : memref<32x512xi32, #tpu.memory_space<vmem>>, vector<1x16xi32>,
        %get3A_357 = vector.shape_cast %get3A_356 : vector<1x16xi32> to vector<16xi32>
        %convert_element_type3A_358 = arith.sitofp %get3A_357 : vector<16xi32> to vector<16xf32>
        %abs3A_359 = math.absf %get3A_353 : vector<16xf32>
        %min3A_360 = arith.constant 8.000000e+00 : f32
        %min3A_361 = vector.broadcast %min3A_360 : f32 to vector<16xf32>
        %min3A_362 = arith.minimumf %abs3A_359, %min3A_361 : vector<16xf32>
        %mul3A_363 = arith.constant 4.985710e-09 : f32
        %mul3A_364 = vector.broadcast %mul3A_363 : f32 to vector<16xf32>
        %mul3A_365 = arith.mulf %mul3A_364, %min3A_362 : vector<16xf32>
        %add3A_366 = arith.constant -1.49050962E-7 : f32
        %add3A_367 = vector.broadcast %add3A_366 : f32 to vector<16xf32>
        %add3A_368 = arith.addf %mul3A_365, %add3A_367 : vector<16xf32>
        %mul3A_369 = arith.mulf %add3A_368, %min3A_362 : vector<16xf32>
        %add3A_370 = arith.constant 1.03463333E-6 : f32
        %add3A_371 = vector.broadcast %add3A_370 : f32 to vector<16xf32>
        %add3A_372 = arith.addf %mul3A_369, %add3A_371 : vector<16xf32>
        %mul3A_373 = arith.mulf %add3A_372, %min3A_362 : vector<16xf32>
        %add3A_374 = arith.constant 1.54570207E-5 : f32
        %add3A_375 = vector.broadcast %add3A_374 : f32 to vector<16xf32>
        %add3A_376 = arith.addf %mul3A_373, %add3A_375 : vector<16xf32>
        %mul3A_377 = arith.mulf %add3A_376, %min3A_362 : vector<16xf32>
        %add3A_378 = arith.constant -3.47155205E-4 : f32
        %add3A_379 = vector.broadcast %add3A_378 : f32 to vector<16xf32>
        %add3A_380 = arith.addf %mul3A_377, %add3A_379 : vector<16xf32>
        %mul3A_381 = arith.mulf %add3A_380, %min3A_362 : vector<16xf32>
        %add3A_382 = arith.constant 0.00283009862 : f32
        %add3A_383 = vector.broadcast %add3A_382 : f32 to vector<16xf32>
        %add3A_384 = arith.addf %mul3A_381, %add3A_383 : vector<16xf32>
        %mul3A_385 = arith.mulf %add3A_384, %min3A_362 : vector<16xf32>
        %add3A_386 = arith.constant -0.0108606992 : f32
        %add3A_387 = vector.broadcast %add3A_386 : f32 to vector<16xf32>
        %add3A_388 = arith.addf %mul3A_385, %add3A_387 : vector<16xf32>
        %mul3A_389 = arith.mulf %add3A_388, %min3A_362 : vector<16xf32>
        %add3A_390 = arith.constant 0.00615926273 : f32
        %add3A_391 = vector.broadcast %add3A_390 : f32 to vector<16xf32>
        %add3A_392 = arith.addf %mul3A_389, %add3A_391 : vector<16xf32>
        %mul3A_393 = arith.mulf %add3A_392, %min3A_362 : vector<16xf32>
        %add3A_394 = arith.constant 0.121538311 : f32
        %add3A_395 = vector.broadcast %add3A_394 : f32 to vector<16xf32>
        %add3A_396 = arith.addf %mul3A_393, %add3A_395 : vector<16xf32>
        %mul3A_397 = arith.mulf %add3A_396, %min3A_362 : vector<16xf32>
        %add3A_398 = arith.constant -0.49917528 : f32
        %add3A_399 = vector.broadcast %add3A_398 : f32 to vector<16xf32>
        %add3A_400 = arith.addf %mul3A_397, %add3A_399 : vector<16xf32>
        %mul3A_401 = arith.mulf %add3A_400, %min3A_362 : vector<16xf32>
        %add3A_402 = arith.constant 0.693099081 : f32
        %add3A_403 = vector.broadcast %add3A_402 : f32 to vector<16xf32>
        %add3A_404 = arith.addf %mul3A_401, %add3A_403 : vector<16xf32>
        %max3A_405 = arith.constant 0.000000e+00 : f32
        %max3A_406 = vector.broadcast %max3A_405 : f32 to vector<16xf32>
        %max3A_407 = arith.maximumf %add3A_404, %max3A_406 : vector<16xf32>
        %max3A_408 = arith.constant 0.000000e+00 : f32
        %max3A_409 = vector.broadcast %max3A_408 : f32 to vector<16xf32>
        %max3A_410 = arith.maximumf %get3A_353, %max3A_409 : vector<16xf32>
        %add3A_411 = arith.addf %max3A_410, %max3A_407 : vector<16xf32>
        %mul3A_412 = arith.mulf %convert_element_type3A_358, %get3A_353 : vector<16xf32>
        %sub3A_413 = arith.subf %add3A_411, %mul3A_412 : vector<16xf32>
        %add3A_414 = arith.addf %scan3A_258, %sub3A_413 : vector<16xf32>
        %mul3A_415 = arith.mulf %convert_element_type3A_358, %sub3A_413 : vector<16xf32>
        %add3A_416 = arith.addf %scan3A_259, %mul3A_415 : vector<16xf32>
        %add3A_417 = arith.addf %scan3A_260, %convert_element_type3A_358 : vector<16xf32>
        %mul3A_418 = arith.constant 128 : i32
        %mul3A_419 = arith.muli %scan3A_254, %mul3A_418 : i32
        %add3A_420 = arith.constant 32 : i32
        %add3A_421 = arith.addi %mul3A_419, %add3A_420 : i32
        %get3A_422 = arith.index_cast %scan3A_223 : i32 to index
        %get3A_423 = arith.index_cast %add3A_421 : i32 to index
        %get3A_424 = tpu.vector_load %arg7[%get3A_422, %get3A_423] {strides = array<i32>} : memref<32x512xf32, #tpu.memory_space<vmem>>, vector<1x16xf32>,
        %get3A_425 = vector.shape_cast %get3A_424 : vector<1x16xf32> to vector<16xf32>
        %get3A_426 = arith.index_cast %scan3A_223 : i32 to index
        %get3A_427 = arith.index_cast %add3A_421 : i32 to index
        %get3A_428 = tpu.vector_load %arg8[%get3A_426, %get3A_427] {strides = array<i32>} : memref<32x512xi32, #tpu.memory_space<vmem>>, vector<1x16xi32>,
        %get3A_429 = vector.shape_cast %get3A_428 : vector<1x16xi32> to vector<16xi32>
        %convert_element_type3A_430 = arith.sitofp %get3A_429 : vector<16xi32> to vector<16xf32>
        %abs3A_431 = math.absf %get3A_425 : vector<16xf32>
        %min3A_432 = arith.constant 8.000000e+00 : f32
        %min3A_433 = vector.broadcast %min3A_432 : f32 to vector<16xf32>
        %min3A_434 = arith.minimumf %abs3A_431, %min3A_433 : vector<16xf32>
        %mul3A_435 = arith.constant 4.985710e-09 : f32
        %mul3A_436 = vector.broadcast %mul3A_435 : f32 to vector<16xf32>
        %mul3A_437 = arith.mulf %mul3A_436, %min3A_434 : vector<16xf32>
        %add3A_438 = arith.constant -1.49050962E-7 : f32
        %add3A_439 = vector.broadcast %add3A_438 : f32 to vector<16xf32>
        %add3A_440 = arith.addf %mul3A_437, %add3A_439 : vector<16xf32>
        %mul3A_441 = arith.mulf %add3A_440, %min3A_434 : vector<16xf32>
        %add3A_442 = arith.constant 1.03463333E-6 : f32
        %add3A_443 = vector.broadcast %add3A_442 : f32 to vector<16xf32>
        %add3A_444 = arith.addf %mul3A_441, %add3A_443 : vector<16xf32>
        %mul3A_445 = arith.mulf %add3A_444, %min3A_434 : vector<16xf32>
        %add3A_446 = arith.constant 1.54570207E-5 : f32
        %add3A_447 = vector.broadcast %add3A_446 : f32 to vector<16xf32>
        %add3A_448 = arith.addf %mul3A_445, %add3A_447 : vector<16xf32>
        %mul3A_449 = arith.mulf %add3A_448, %min3A_434 : vector<16xf32>
        %add3A_450 = arith.constant -3.47155205E-4 : f32
        %add3A_451 = vector.broadcast %add3A_450 : f32 to vector<16xf32>
        %add3A_452 = arith.addf %mul3A_449, %add3A_451 : vector<16xf32>
        %mul3A_453 = arith.mulf %add3A_452, %min3A_434 : vector<16xf32>
        %add3A_454 = arith.constant 0.00283009862 : f32
        %add3A_455 = vector.broadcast %add3A_454 : f32 to vector<16xf32>
        %add3A_456 = arith.addf %mul3A_453, %add3A_455 : vector<16xf32>
        %mul3A_457 = arith.mulf %add3A_456, %min3A_434 : vector<16xf32>
        %add3A_458 = arith.constant -0.0108606992 : f32
        %add3A_459 = vector.broadcast %add3A_458 : f32 to vector<16xf32>
        %add3A_460 = arith.addf %mul3A_457, %add3A_459 : vector<16xf32>
        %mul3A_461 = arith.mulf %add3A_460, %min3A_434 : vector<16xf32>
        %add3A_462 = arith.constant 0.00615926273 : f32
        %add3A_463 = vector.broadcast %add3A_462 : f32 to vector<16xf32>
        %add3A_464 = arith.addf %mul3A_461, %add3A_463 : vector<16xf32>
        %mul3A_465 = arith.mulf %add3A_464, %min3A_434 : vector<16xf32>
        %add3A_466 = arith.constant 0.121538311 : f32
        %add3A_467 = vector.broadcast %add3A_466 : f32 to vector<16xf32>
        %add3A_468 = arith.addf %mul3A_465, %add3A_467 : vector<16xf32>
        %mul3A_469 = arith.mulf %add3A_468, %min3A_434 : vector<16xf32>
        %add3A_470 = arith.constant -0.49917528 : f32
        %add3A_471 = vector.broadcast %add3A_470 : f32 to vector<16xf32>
        %add3A_472 = arith.addf %mul3A_469, %add3A_471 : vector<16xf32>
        %mul3A_473 = arith.mulf %add3A_472, %min3A_434 : vector<16xf32>
        %add3A_474 = arith.constant 0.693099081 : f32
        %add3A_475 = vector.broadcast %add3A_474 : f32 to vector<16xf32>
        %add3A_476 = arith.addf %mul3A_473, %add3A_475 : vector<16xf32>
        %max3A_477 = arith.constant 0.000000e+00 : f32
        %max3A_478 = vector.broadcast %max3A_477 : f32 to vector<16xf32>
        %max3A_479 = arith.maximumf %add3A_476, %max3A_478 : vector<16xf32>
        %max3A_480 = arith.constant 0.000000e+00 : f32
        %max3A_481 = vector.broadcast %max3A_480 : f32 to vector<16xf32>
        %max3A_482 = arith.maximumf %get3A_425, %max3A_481 : vector<16xf32>
        %add3A_483 = arith.addf %max3A_482, %max3A_479 : vector<16xf32>
        %mul3A_484 = arith.mulf %convert_element_type3A_430, %get3A_425 : vector<16xf32>
        %sub3A_485 = arith.subf %add3A_483, %mul3A_484 : vector<16xf32>
        %add3A_486 = arith.addf %scan3A_261, %sub3A_485 : vector<16xf32>
        %mul3A_487 = arith.mulf %convert_element_type3A_430, %sub3A_485 : vector<16xf32>
        %add3A_488 = arith.addf %scan3A_262, %mul3A_487 : vector<16xf32>
        %add3A_489 = arith.addf %scan3A_263, %convert_element_type3A_430 : vector<16xf32>
        %mul3A_490 = arith.constant 128 : i32
        %mul3A_491 = arith.muli %scan3A_254, %mul3A_490 : i32
        %add3A_492 = arith.constant 48 : i32
        %add3A_493 = arith.addi %mul3A_491, %add3A_492 : i32
        %get3A_494 = arith.index_cast %scan3A_223 : i32 to index
        %get3A_495 = arith.index_cast %add3A_493 : i32 to index
        %get3A_496 = tpu.vector_load %arg7[%get3A_494, %get3A_495] {strides = array<i32>} : memref<32x512xf32, #tpu.memory_space<vmem>>, vector<1x16xf32>,
        %get3A_497 = vector.shape_cast %get3A_496 : vector<1x16xf32> to vector<16xf32>
        %get3A_498 = arith.index_cast %scan3A_223 : i32 to index
        %get3A_499 = arith.index_cast %add3A_493 : i32 to index
        %get3A_500 = tpu.vector_load %arg8[%get3A_498, %get3A_499] {strides = array<i32>} : memref<32x512xi32, #tpu.memory_space<vmem>>, vector<1x16xi32>,
        %get3A_501 = vector.shape_cast %get3A_500 : vector<1x16xi32> to vector<16xi32>
        %convert_element_type3A_502 = arith.sitofp %get3A_501 : vector<16xi32> to vector<16xf32>
        %abs3A_503 = math.absf %get3A_497 : vector<16xf32>
        %min3A_504 = arith.constant 8.000000e+00 : f32
        %min3A_505 = vector.broadcast %min3A_504 : f32 to vector<16xf32>
        %min3A_506 = arith.minimumf %abs3A_503, %min3A_505 : vector<16xf32>
        %mul3A_507 = arith.constant 4.985710e-09 : f32
        %mul3A_508 = vector.broadcast %mul3A_507 : f32 to vector<16xf32>
        %mul3A_509 = arith.mulf %mul3A_508, %min3A_506 : vector<16xf32>
        %add3A_510 = arith.constant -1.49050962E-7 : f32
        %add3A_511 = vector.broadcast %add3A_510 : f32 to vector<16xf32>
        %add3A_512 = arith.addf %mul3A_509, %add3A_511 : vector<16xf32>
        %mul3A_513 = arith.mulf %add3A_512, %min3A_506 : vector<16xf32>
        %add3A_514 = arith.constant 1.03463333E-6 : f32
        %add3A_515 = vector.broadcast %add3A_514 : f32 to vector<16xf32>
        %add3A_516 = arith.addf %mul3A_513, %add3A_515 : vector<16xf32>
        %mul3A_517 = arith.mulf %add3A_516, %min3A_506 : vector<16xf32>
        %add3A_518 = arith.constant 1.54570207E-5 : f32
        %add3A_519 = vector.broadcast %add3A_518 : f32 to vector<16xf32>
        %add3A_520 = arith.addf %mul3A_517, %add3A_519 : vector<16xf32>
        %mul3A_521 = arith.mulf %add3A_520, %min3A_506 : vector<16xf32>
        %add3A_522 = arith.constant -3.47155205E-4 : f32
        %add3A_523 = vector.broadcast %add3A_522 : f32 to vector<16xf32>
        %add3A_524 = arith.addf %mul3A_521, %add3A_523 : vector<16xf32>
        %mul3A_525 = arith.mulf %add3A_524, %min3A_506 : vector<16xf32>
        %add3A_526 = arith.constant 0.00283009862 : f32
        %add3A_527 = vector.broadcast %add3A_526 : f32 to vector<16xf32>
        %add3A_528 = arith.addf %mul3A_525, %add3A_527 : vector<16xf32>
        %mul3A_529 = arith.mulf %add3A_528, %min3A_506 : vector<16xf32>
        %add3A_530 = arith.constant -0.0108606992 : f32
        %add3A_531 = vector.broadcast %add3A_530 : f32 to vector<16xf32>
        %add3A_532 = arith.addf %mul3A_529, %add3A_531 : vector<16xf32>
        %mul3A_533 = arith.mulf %add3A_532, %min3A_506 : vector<16xf32>
        %add3A_534 = arith.constant 0.00615926273 : f32
        %add3A_535 = vector.broadcast %add3A_534 : f32 to vector<16xf32>
        %add3A_536 = arith.addf %mul3A_533, %add3A_535 : vector<16xf32>
        %mul3A_537 = arith.mulf %add3A_536, %min3A_506 : vector<16xf32>
        %add3A_538 = arith.constant 0.121538311 : f32
        %add3A_539 = vector.broadcast %add3A_538 : f32 to vector<16xf32>
        %add3A_540 = arith.addf %mul3A_537, %add3A_539 : vector<16xf32>
        %mul3A_541 = arith.mulf %add3A_540, %min3A_506 : vector<16xf32>
        %add3A_542 = arith.constant -0.49917528 : f32
        %add3A_543 = vector.broadcast %add3A_542 : f32 to vector<16xf32>
        %add3A_544 = arith.addf %mul3A_541, %add3A_543 : vector<16xf32>
        %mul3A_545 = arith.mulf %add3A_544, %min3A_506 : vector<16xf32>
        %add3A_546 = arith.constant 0.693099081 : f32
        %add3A_547 = vector.broadcast %add3A_546 : f32 to vector<16xf32>
        %add3A_548 = arith.addf %mul3A_545, %add3A_547 : vector<16xf32>
        %max3A_549 = arith.constant 0.000000e+00 : f32
        %max3A_550 = vector.broadcast %max3A_549 : f32 to vector<16xf32>
        %max3A_551 = arith.maximumf %add3A_548, %max3A_550 : vector<16xf32>
        %max3A_552 = arith.constant 0.000000e+00 : f32
        %max3A_553 = vector.broadcast %max3A_552 : f32 to vector<16xf32>
        %max3A_554 = arith.maximumf %get3A_497, %max3A_553 : vector<16xf32>
        %add3A_555 = arith.addf %max3A_554, %max3A_551 : vector<16xf32>
        %mul3A_556 = arith.mulf %convert_element_type3A_502, %get3A_497 : vector<16xf32>
        %sub3A_557 = arith.subf %add3A_555, %mul3A_556 : vector<16xf32>
        %add3A_558 = arith.addf %scan3A_264, %sub3A_557 : vector<16xf32>
        %mul3A_559 = arith.mulf %convert_element_type3A_502, %sub3A_557 : vector<16xf32>
        %add3A_560 = arith.addf %scan3A_265, %mul3A_559 : vector<16xf32>
        %add3A_561 = arith.addf %scan3A_266, %convert_element_type3A_502 : vector<16xf32>
        %mul3A_562 = arith.constant 128 : i32
        %mul3A_563 = arith.muli %scan3A_254, %mul3A_562 : i32
        %add3A_564 = arith.constant 64 : i32
        %add3A_565 = arith.addi %mul3A_563, %add3A_564 : i32
        %get3A_566 = arith.index_cast %scan3A_223 : i32 to index
        %get3A_567 = arith.index_cast %add3A_565 : i32 to index
        %get3A_568 = tpu.vector_load %arg7[%get3A_566, %get3A_567] {strides = array<i32>} : memref<32x512xf32, #tpu.memory_space<vmem>>, vector<1x16xf32>,
        %get3A_569 = vector.shape_cast %get3A_568 : vector<1x16xf32> to vector<16xf32>
        %get3A_570 = arith.index_cast %scan3A_223 : i32 to index
        %get3A_571 = arith.index_cast %add3A_565 : i32 to index
        %get3A_572 = tpu.vector_load %arg8[%get3A_570, %get3A_571] {strides = array<i32>} : memref<32x512xi32, #tpu.memory_space<vmem>>, vector<1x16xi32>,
        %get3A_573 = vector.shape_cast %get3A_572 : vector<1x16xi32> to vector<16xi32>
        %convert_element_type3A_574 = arith.sitofp %get3A_573 : vector<16xi32> to vector<16xf32>
        %abs3A_575 = math.absf %get3A_569 : vector<16xf32>
        %min3A_576 = arith.constant 8.000000e+00 : f32
        %min3A_577 = vector.broadcast %min3A_576 : f32 to vector<16xf32>
        %min3A_578 = arith.minimumf %abs3A_575, %min3A_577 : vector<16xf32>
        %mul3A_579 = arith.constant 4.985710e-09 : f32
        %mul3A_580 = vector.broadcast %mul3A_579 : f32 to vector<16xf32>
        %mul3A_581 = arith.mulf %mul3A_580, %min3A_578 : vector<16xf32>
        %add3A_582 = arith.constant -1.49050962E-7 : f32
        %add3A_583 = vector.broadcast %add3A_582 : f32 to vector<16xf32>
        %add3A_584 = arith.addf %mul3A_581, %add3A_583 : vector<16xf32>
        %mul3A_585 = arith.mulf %add3A_584, %min3A_578 : vector<16xf32>
        %add3A_586 = arith.constant 1.03463333E-6 : f32
        %add3A_587 = vector.broadcast %add3A_586 : f32 to vector<16xf32>
        %add3A_588 = arith.addf %mul3A_585, %add3A_587 : vector<16xf32>
        %mul3A_589 = arith.mulf %add3A_588, %min3A_578 : vector<16xf32>
        %add3A_590 = arith.constant 1.54570207E-5 : f32
        %add3A_591 = vector.broadcast %add3A_590 : f32 to vector<16xf32>
        %add3A_592 = arith.addf %mul3A_589, %add3A_591 : vector<16xf32>
        %mul3A_593 = arith.mulf %add3A_592, %min3A_578 : vector<16xf32>
        %add3A_594 = arith.constant -3.47155205E-4 : f32
        %add3A_595 = vector.broadcast %add3A_594 : f32 to vector<16xf32>
        %add3A_596 = arith.addf %mul3A_593, %add3A_595 : vector<16xf32>
        %mul3A_597 = arith.mulf %add3A_596, %min3A_578 : vector<16xf32>
        %add3A_598 = arith.constant 0.00283009862 : f32
        %add3A_599 = vector.broadcast %add3A_598 : f32 to vector<16xf32>
        %add3A_600 = arith.addf %mul3A_597, %add3A_599 : vector<16xf32>
        %mul3A_601 = arith.mulf %add3A_600, %min3A_578 : vector<16xf32>
        %add3A_602 = arith.constant -0.0108606992 : f32
        %add3A_603 = vector.broadcast %add3A_602 : f32 to vector<16xf32>
        %add3A_604 = arith.addf %mul3A_601, %add3A_603 : vector<16xf32>
        %mul3A_605 = arith.mulf %add3A_604, %min3A_578 : vector<16xf32>
        %add3A_606 = arith.constant 0.00615926273 : f32
        %add3A_607 = vector.broadcast %add3A_606 : f32 to vector<16xf32>
        %add3A_608 = arith.addf %mul3A_605, %add3A_607 : vector<16xf32>
        %mul3A_609 = arith.mulf %add3A_608, %min3A_578 : vector<16xf32>
        %add3A_610 = arith.constant 0.121538311 : f32
        %add3A_611 = vector.broadcast %add3A_610 : f32 to vector<16xf32>
        %add3A_612 = arith.addf %mul3A_609, %add3A_611 : vector<16xf32>
        %mul3A_613 = arith.mulf %add3A_612, %min3A_578 : vector<16xf32>
        %add3A_614 = arith.constant -0.49917528 : f32
        %add3A_615 = vector.broadcast %add3A_614 : f32 to vector<16xf32>
        %add3A_616 = arith.addf %mul3A_613, %add3A_615 : vector<16xf32>
        %mul3A_617 = arith.mulf %add3A_616, %min3A_578 : vector<16xf32>
        %add3A_618 = arith.constant 0.693099081 : f32
        %add3A_619 = vector.broadcast %add3A_618 : f32 to vector<16xf32>
        %add3A_620 = arith.addf %mul3A_617, %add3A_619 : vector<16xf32>
        %max3A_621 = arith.constant 0.000000e+00 : f32
        %max3A_622 = vector.broadcast %max3A_621 : f32 to vector<16xf32>
        %max3A_623 = arith.maximumf %add3A_620, %max3A_622 : vector<16xf32>
        %max3A_624 = arith.constant 0.000000e+00 : f32
        %max3A_625 = vector.broadcast %max3A_624 : f32 to vector<16xf32>
        %max3A_626 = arith.maximumf %get3A_569, %max3A_625 : vector<16xf32>
        %add3A_627 = arith.addf %max3A_626, %max3A_623 : vector<16xf32>
        %mul3A_628 = arith.mulf %convert_element_type3A_574, %get3A_569 : vector<16xf32>
        %sub3A_629 = arith.subf %add3A_627, %mul3A_628 : vector<16xf32>
        %add3A_630 = arith.addf %scan3A_267, %sub3A_629 : vector<16xf32>
        %mul3A_631 = arith.mulf %convert_element_type3A_574, %sub3A_629 : vector<16xf32>
        %add3A_632 = arith.addf %scan3A_268, %mul3A_631 : vector<16xf32>
        %add3A_633 = arith.addf %scan3A_269, %convert_element_type3A_574 : vector<16xf32>
        %mul3A_634 = arith.constant 128 : i32
        %mul3A_635 = arith.muli %scan3A_254, %mul3A_634 : i32
        %add3A_636 = arith.constant 80 : i32
        %add3A_637 = arith.addi %mul3A_635, %add3A_636 : i32
        %get3A_638 = arith.index_cast %scan3A_223 : i32 to index
        %get3A_639 = arith.index_cast %add3A_637 : i32 to index
        %get3A_640 = tpu.vector_load %arg7[%get3A_638, %get3A_639] {strides = array<i32>} : memref<32x512xf32, #tpu.memory_space<vmem>>, vector<1x16xf32>,
        %get3A_641 = vector.shape_cast %get3A_640 : vector<1x16xf32> to vector<16xf32>
        %get3A_642 = arith.index_cast %scan3A_223 : i32 to index
        %get3A_643 = arith.index_cast %add3A_637 : i32 to index
        %get3A_644 = tpu.vector_load %arg8[%get3A_642, %get3A_643] {strides = array<i32>} : memref<32x512xi32, #tpu.memory_space<vmem>>, vector<1x16xi32>,
        %get3A_645 = vector.shape_cast %get3A_644 : vector<1x16xi32> to vector<16xi32>
        %convert_element_type3A_646 = arith.sitofp %get3A_645 : vector<16xi32> to vector<16xf32>
        %abs3A_647 = math.absf %get3A_641 : vector<16xf32>
        %min3A_648 = arith.constant 8.000000e+00 : f32
        %min3A_649 = vector.broadcast %min3A_648 : f32 to vector<16xf32>
        %min3A_650 = arith.minimumf %abs3A_647, %min3A_649 : vector<16xf32>
        %mul3A_651 = arith.constant 4.985710e-09 : f32
        %mul3A_652 = vector.broadcast %mul3A_651 : f32 to vector<16xf32>
        %mul3A_653 = arith.mulf %mul3A_652, %min3A_650 : vector<16xf32>
        %add3A_654 = arith.constant -1.49050962E-7 : f32
        %add3A_655 = vector.broadcast %add3A_654 : f32 to vector<16xf32>
        %add3A_656 = arith.addf %mul3A_653, %add3A_655 : vector<16xf32>
        %mul3A_657 = arith.mulf %add3A_656, %min3A_650 : vector<16xf32>
        %add3A_658 = arith.constant 1.03463333E-6 : f32
        %add3A_659 = vector.broadcast %add3A_658 : f32 to vector<16xf32>
        %add3A_660 = arith.addf %mul3A_657, %add3A_659 : vector<16xf32>
        %mul3A_661 = arith.mulf %add3A_660, %min3A_650 : vector<16xf32>
        %add3A_662 = arith.constant 1.54570207E-5 : f32
        %add3A_663 = vector.broadcast %add3A_662 : f32 to vector<16xf32>
        %add3A_664 = arith.addf %mul3A_661, %add3A_663 : vector<16xf32>
        %mul3A_665 = arith.mulf %add3A_664, %min3A_650 : vector<16xf32>
        %add3A_666 = arith.constant -3.47155205E-4 : f32
        %add3A_667 = vector.broadcast %add3A_666 : f32 to vector<16xf32>
        %add3A_668 = arith.addf %mul3A_665, %add3A_667 : vector<16xf32>
        %mul3A_669 = arith.mulf %add3A_668, %min3A_650 : vector<16xf32>
        %add3A_670 = arith.constant 0.00283009862 : f32
        %add3A_671 = vector.broadcast %add3A_670 : f32 to vector<16xf32>
        %add3A_672 = arith.addf %mul3A_669, %add3A_671 : vector<16xf32>
        %mul3A_673 = arith.mulf %add3A_672, %min3A_650 : vector<16xf32>
        %add3A_674 = arith.constant -0.0108606992 : f32
        %add3A_675 = vector.broadcast %add3A_674 : f32 to vector<16xf32>
        %add3A_676 = arith.addf %mul3A_673, %add3A_675 : vector<16xf32>
        %mul3A_677 = arith.mulf %add3A_676, %min3A_650 : vector<16xf32>
        %add3A_678 = arith.constant 0.00615926273 : f32
        %add3A_679 = vector.broadcast %add3A_678 : f32 to vector<16xf32>
        %add3A_680 = arith.addf %mul3A_677, %add3A_679 : vector<16xf32>
        %mul3A_681 = arith.mulf %add3A_680, %min3A_650 : vector<16xf32>
        %add3A_682 = arith.constant 0.121538311 : f32
        %add3A_683 = vector.broadcast %add3A_682 : f32 to vector<16xf32>
        %add3A_684 = arith.addf %mul3A_681, %add3A_683 : vector<16xf32>
        %mul3A_685 = arith.mulf %add3A_684, %min3A_650 : vector<16xf32>
        %add3A_686 = arith.constant -0.49917528 : f32
        %add3A_687 = vector.broadcast %add3A_686 : f32 to vector<16xf32>
        %add3A_688 = arith.addf %mul3A_685, %add3A_687 : vector<16xf32>
        %mul3A_689 = arith.mulf %add3A_688, %min3A_650 : vector<16xf32>
        %add3A_690 = arith.constant 0.693099081 : f32
        %add3A_691 = vector.broadcast %add3A_690 : f32 to vector<16xf32>
        %add3A_692 = arith.addf %mul3A_689, %add3A_691 : vector<16xf32>
        %max3A_693 = arith.constant 0.000000e+00 : f32
        %max3A_694 = vector.broadcast %max3A_693 : f32 to vector<16xf32>
        %max3A_695 = arith.maximumf %add3A_692, %max3A_694 : vector<16xf32>
        %max3A_696 = arith.constant 0.000000e+00 : f32
        %max3A_697 = vector.broadcast %max3A_696 : f32 to vector<16xf32>
        %max3A_698 = arith.maximumf %get3A_641, %max3A_697 : vector<16xf32>
        %add3A_699 = arith.addf %max3A_698, %max3A_695 : vector<16xf32>
        %mul3A_700 = arith.mulf %convert_element_type3A_646, %get3A_641 : vector<16xf32>
        %sub3A_701 = arith.subf %add3A_699, %mul3A_700 : vector<16xf32>
        %add3A_702 = arith.addf %scan3A_270, %sub3A_701 : vector<16xf32>
        %mul3A_703 = arith.mulf %convert_element_type3A_646, %sub3A_701 : vector<16xf32>
        %add3A_704 = arith.addf %scan3A_271, %mul3A_703 : vector<16xf32>
        %add3A_705 = arith.addf %scan3A_272, %convert_element_type3A_646 : vector<16xf32>
        %mul3A_706 = arith.constant 128 : i32
        %mul3A_707 = arith.muli %scan3A_254, %mul3A_706 : i32
        %add3A_708 = arith.constant 96 : i32
        %add3A_709 = arith.addi %mul3A_707, %add3A_708 : i32
        %get3A_710 = arith.index_cast %scan3A_223 : i32 to index
        %get3A_711 = arith.index_cast %add3A_709 : i32 to index
        %get3A_712 = tpu.vector_load %arg7[%get3A_710, %get3A_711] {strides = array<i32>} : memref<32x512xf32, #tpu.memory_space<vmem>>, vector<1x16xf32>,
        %get3A_713 = vector.shape_cast %get3A_712 : vector<1x16xf32> to vector<16xf32>
        %get3A_714 = arith.index_cast %scan3A_223 : i32 to index
        %get3A_715 = arith.index_cast %add3A_709 : i32 to index
        %get3A_716 = tpu.vector_load %arg8[%get3A_714, %get3A_715] {strides = array<i32>} : memref<32x512xi32, #tpu.memory_space<vmem>>, vector<1x16xi32>,
        %get3A_717 = vector.shape_cast %get3A_716 : vector<1x16xi32> to vector<16xi32>
        %convert_element_type3A_718 = arith.sitofp %get3A_717 : vector<16xi32> to vector<16xf32>
        %abs3A_719 = math.absf %get3A_713 : vector<16xf32>
        %min3A_720 = arith.constant 8.000000e+00 : f32
        %min3A_721 = vector.broadcast %min3A_720 : f32 to vector<16xf32>
        %min3A_722 = arith.minimumf %abs3A_719, %min3A_721 : vector<16xf32>
        %mul3A_723 = arith.constant 4.985710e-09 : f32
        %mul3A_724 = vector.broadcast %mul3A_723 : f32 to vector<16xf32>
        %mul3A_725 = arith.mulf %mul3A_724, %min3A_722 : vector<16xf32>
        %add3A_726 = arith.constant -1.49050962E-7 : f32
        %add3A_727 = vector.broadcast %add3A_726 : f32 to vector<16xf32>
        %add3A_728 = arith.addf %mul3A_725, %add3A_727 : vector<16xf32>
        %mul3A_729 = arith.mulf %add3A_728, %min3A_722 : vector<16xf32>
        %add3A_730 = arith.constant 1.03463333E-6 : f32
        %add3A_731 = vector.broadcast %add3A_730 : f32 to vector<16xf32>
        %add3A_732 = arith.addf %mul3A_729, %add3A_731 : vector<16xf32>
        %mul3A_733 = arith.mulf %add3A_732, %min3A_722 : vector<16xf32>
        %add3A_734 = arith.constant 1.54570207E-5 : f32
        %add3A_735 = vector.broadcast %add3A_734 : f32 to vector<16xf32>
        %add3A_736 = arith.addf %mul3A_733, %add3A_735 : vector<16xf32>
        %mul3A_737 = arith.mulf %add3A_736, %min3A_722 : vector<16xf32>
        %add3A_738 = arith.constant -3.47155205E-4 : f32
        %add3A_739 = vector.broadcast %add3A_738 : f32 to vector<16xf32>
        %add3A_740 = arith.addf %mul3A_737, %add3A_739 : vector<16xf32>
        %mul3A_741 = arith.mulf %add3A_740, %min3A_722 : vector<16xf32>
        %add3A_742 = arith.constant 0.00283009862 : f32
        %add3A_743 = vector.broadcast %add3A_742 : f32 to vector<16xf32>
        %add3A_744 = arith.addf %mul3A_741, %add3A_743 : vector<16xf32>
        %mul3A_745 = arith.mulf %add3A_744, %min3A_722 : vector<16xf32>
        %add3A_746 = arith.constant -0.0108606992 : f32
        %add3A_747 = vector.broadcast %add3A_746 : f32 to vector<16xf32>
        %add3A_748 = arith.addf %mul3A_745, %add3A_747 : vector<16xf32>
        %mul3A_749 = arith.mulf %add3A_748, %min3A_722 : vector<16xf32>
        %add3A_750 = arith.constant 0.00615926273 : f32
        %add3A_751 = vector.broadcast %add3A_750 : f32 to vector<16xf32>
        %add3A_752 = arith.addf %mul3A_749, %add3A_751 : vector<16xf32>
        %mul3A_753 = arith.mulf %add3A_752, %min3A_722 : vector<16xf32>
        %add3A_754 = arith.constant 0.121538311 : f32
        %add3A_755 = vector.broadcast %add3A_754 : f32 to vector<16xf32>
        %add3A_756 = arith.addf %mul3A_753, %add3A_755 : vector<16xf32>
        %mul3A_757 = arith.mulf %add3A_756, %min3A_722 : vector<16xf32>
        %add3A_758 = arith.constant -0.49917528 : f32
        %add3A_759 = vector.broadcast %add3A_758 : f32 to vector<16xf32>
        %add3A_760 = arith.addf %mul3A_757, %add3A_759 : vector<16xf32>
        %mul3A_761 = arith.mulf %add3A_760, %min3A_722 : vector<16xf32>
        %add3A_762 = arith.constant 0.693099081 : f32
        %add3A_763 = vector.broadcast %add3A_762 : f32 to vector<16xf32>
        %add3A_764 = arith.addf %mul3A_761, %add3A_763 : vector<16xf32>
        %max3A_765 = arith.constant 0.000000e+00 : f32
        %max3A_766 = vector.broadcast %max3A_765 : f32 to vector<16xf32>
        %max3A_767 = arith.maximumf %add3A_764, %max3A_766 : vector<16xf32>
        %max3A_768 = arith.constant 0.000000e+00 : f32
        %max3A_769 = vector.broadcast %max3A_768 : f32 to vector<16xf32>
        %max3A_770 = arith.maximumf %get3A_713, %max3A_769 : vector<16xf32>
        %add3A_771 = arith.addf %max3A_770, %max3A_767 : vector<16xf32>
        %mul3A_772 = arith.mulf %convert_element_type3A_718, %get3A_713 : vector<16xf32>
        %sub3A_773 = arith.subf %add3A_771, %mul3A_772 : vector<16xf32>
        %add3A_774 = arith.addf %scan3A_273, %sub3A_773 : vector<16xf32>
        %mul3A_775 = arith.mulf %convert_element_type3A_718, %sub3A_773 : vector<16xf32>
        %add3A_776 = arith.addf %scan3A_274, %mul3A_775 : vector<16xf32>
        %add3A_777 = arith.addf %scan3A_275, %convert_element_type3A_718 : vector<16xf32>
        %mul3A_778 = arith.constant 128 : i32
        %mul3A_779 = arith.muli %scan3A_254, %mul3A_778 : i32
        %add3A_780 = arith.constant 112 : i32
        %add3A_781 = arith.addi %mul3A_779, %add3A_780 : i32
        %get3A_782 = arith.index_cast %scan3A_223 : i32 to index
        %get3A_783 = arith.index_cast %add3A_781 : i32 to index
        %get3A_784 = tpu.vector_load %arg7[%get3A_782, %get3A_783] {strides = array<i32>} : memref<32x512xf32, #tpu.memory_space<vmem>>, vector<1x16xf32>,
        %get3A_785 = vector.shape_cast %get3A_784 : vector<1x16xf32> to vector<16xf32>
        %get3A_786 = arith.index_cast %scan3A_223 : i32 to index
        %get3A_787 = arith.index_cast %add3A_781 : i32 to index
        %get3A_788 = tpu.vector_load %arg8[%get3A_786, %get3A_787] {strides = array<i32>} : memref<32x512xi32, #tpu.memory_space<vmem>>, vector<1x16xi32>,
        %get3A_789 = vector.shape_cast %get3A_788 : vector<1x16xi32> to vector<16xi32>
        %convert_element_type3A_790 = arith.sitofp %get3A_789 : vector<16xi32> to vector<16xf32>
        %abs3A_791 = math.absf %get3A_785 : vector<16xf32>
        %min3A_792 = arith.constant 8.000000e+00 : f32
        %min3A_793 = vector.broadcast %min3A_792 : f32 to vector<16xf32>
        %min3A_794 = arith.minimumf %abs3A_791, %min3A_793 : vector<16xf32>
        %mul3A_795 = arith.constant 4.985710e-09 : f32
        %mul3A_796 = vector.broadcast %mul3A_795 : f32 to vector<16xf32>
        %mul3A_797 = arith.mulf %mul3A_796, %min3A_794 : vector<16xf32>
        %add3A_798 = arith.constant -1.49050962E-7 : f32
        %add3A_799 = vector.broadcast %add3A_798 : f32 to vector<16xf32>
        %add3A_800 = arith.addf %mul3A_797, %add3A_799 : vector<16xf32>
        %mul3A_801 = arith.mulf %add3A_800, %min3A_794 : vector<16xf32>
        %add3A_802 = arith.constant 1.03463333E-6 : f32
        %add3A_803 = vector.broadcast %add3A_802 : f32 to vector<16xf32>
        %add3A_804 = arith.addf %mul3A_801, %add3A_803 : vector<16xf32>
        %mul3A_805 = arith.mulf %add3A_804, %min3A_794 : vector<16xf32>
        %add3A_806 = arith.constant 1.54570207E-5 : f32
        %add3A_807 = vector.broadcast %add3A_806 : f32 to vector<16xf32>
        %add3A_808 = arith.addf %mul3A_805, %add3A_807 : vector<16xf32>
        %mul3A_809 = arith.mulf %add3A_808, %min3A_794 : vector<16xf32>
        %add3A_810 = arith.constant -3.47155205E-4 : f32
        %add3A_811 = vector.broadcast %add3A_810 : f32 to vector<16xf32>
        %add3A_812 = arith.addf %mul3A_809, %add3A_811 : vector<16xf32>
        %mul3A_813 = arith.mulf %add3A_812, %min3A_794 : vector<16xf32>
        %add3A_814 = arith.constant 0.00283009862 : f32
        %add3A_815 = vector.broadcast %add3A_814 : f32 to vector<16xf32>
        %add3A_816 = arith.addf %mul3A_813, %add3A_815 : vector<16xf32>
        %mul3A_817 = arith.mulf %add3A_816, %min3A_794 : vector<16xf32>
        %add3A_818 = arith.constant -0.0108606992 : f32
        %add3A_819 = vector.broadcast %add3A_818 : f32 to vector<16xf32>
        %add3A_820 = arith.addf %mul3A_817, %add3A_819 : vector<16xf32>
        %mul3A_821 = arith.mulf %add3A_820, %min3A_794 : vector<16xf32>
        %add3A_822 = arith.constant 0.00615926273 : f32
        %add3A_823 = vector.broadcast %add3A_822 : f32 to vector<16xf32>
        %add3A_824 = arith.addf %mul3A_821, %add3A_823 : vector<16xf32>
        %mul3A_825 = arith.mulf %add3A_824, %min3A_794 : vector<16xf32>
        %add3A_826 = arith.constant 0.121538311 : f32
        %add3A_827 = vector.broadcast %add3A_826 : f32 to vector<16xf32>
        %add3A_828 = arith.addf %mul3A_825, %add3A_827 : vector<16xf32>
        %mul3A_829 = arith.mulf %add3A_828, %min3A_794 : vector<16xf32>
        %add3A_830 = arith.constant -0.49917528 : f32
        %add3A_831 = vector.broadcast %add3A_830 : f32 to vector<16xf32>
        %add3A_832 = arith.addf %mul3A_829, %add3A_831 : vector<16xf32>
        %mul3A_833 = arith.mulf %add3A_832, %min3A_794 : vector<16xf32>
        %add3A_834 = arith.constant 0.693099081 : f32
        %add3A_835 = vector.broadcast %add3A_834 : f32 to vector<16xf32>
        %add3A_836 = arith.addf %mul3A_833, %add3A_835 : vector<16xf32>
        %max3A_837 = arith.constant 0.000000e+00 : f32
        %max3A_838 = vector.broadcast %max3A_837 : f32 to vector<16xf32>
        %max3A_839 = arith.maximumf %add3A_836, %max3A_838 : vector<16xf32>
        %max3A_840 = arith.constant 0.000000e+00 : f32
        %max3A_841 = vector.broadcast %max3A_840 : f32 to vector<16xf32>
        %max3A_842 = arith.maximumf %get3A_785, %max3A_841 : vector<16xf32>
        %add3A_843 = arith.addf %max3A_842, %max3A_839 : vector<16xf32>
        %mul3A_844 = arith.mulf %convert_element_type3A_790, %get3A_785 : vector<16xf32>
        %sub3A_845 = arith.subf %add3A_843, %mul3A_844 : vector<16xf32>
        %add3A_846 = arith.addf %scan3A_276, %sub3A_845 : vector<16xf32>
        %mul3A_847 = arith.mulf %convert_element_type3A_790, %sub3A_845 : vector<16xf32>
        %add3A_848 = arith.addf %scan3A_277, %mul3A_847 : vector<16xf32>
        %add3A_849 = arith.addf %scan3A_278, %convert_element_type3A_790 : vector<16xf32>
        scf.yield %add3A_342, %add3A_344, %add3A_345, %add3A_414, %add3A_416, %add3A_417, %add3A_486, %add3A_488, %add3A_489, %add3A_558, %add3A_560, %add3A_561, %add3A_630, %add3A_632, %add3A_633, %add3A_702, %add3A_704, %add3A_705, %add3A_774, %add3A_776, %add3A_777, %add3A_846, %add3A_848, %add3A_849 : vector<16xf32>, vector<16xf32>, vector<16xf32>, vector<16xf32>, vector<16xf32>, vector<16xf32>, vector<16xf32>, vector<16xf32>, vector<16xf32>, vector<16xf32>, vector<16xf32>, vector<16xf32>, vector<16xf32>, vector<16xf32>, vector<16xf32>, vector<16xf32>, vector<16xf32>, vector<16xf32>, vector<16xf32>, vector<16xf32>, vector<16xf32>, vector<16xf32>, vector<16xf32>, vector<16xf32>
      }
      %scan3A_253 = arith.constant 4 : i32
      scf.yield %scan3A_252#0, %scan3A_252#1, %scan3A_252#2, %scan3A_252#3, %scan3A_252#4, %scan3A_252#5, %scan3A_252#6, %scan3A_252#7, %scan3A_252#8, %scan3A_252#9, %scan3A_252#10, %scan3A_252#11, %scan3A_252#12, %scan3A_252#13, %scan3A_252#14, %scan3A_252#15, %scan3A_252#16, %scan3A_252#17, %scan3A_252#18, %scan3A_252#19, %scan3A_252#20, %scan3A_252#21, %scan3A_252#22, %scan3A_252#23 : vector<16xf32>, vector<16xf32>, vector<16xf32>, vector<16xf32>, vector<16xf32>, vector<16xf32>, vector<16xf32>, vector<16xf32>, vector<16xf32>, vector<16xf32>, vector<16xf32>, vector<16xf32>, vector<16xf32>, vector<16xf32>, vector<16xf32>, vector<16xf32>, vector<16xf32>, vector<16xf32>, vector<16xf32>, vector<16xf32>, vector<16xf32>, vector<16xf32>, vector<16xf32>, vector<16xf32>
    }
    %scan3A_182 = arith.constant 32 : i32
    %add3A_183 = arith.addf %scan3A_181#0, %scan3A_181#3 : vector<16xf32>
    %add3A_184 = arith.addf %add3A_183, %scan3A_181#6 : vector<16xf32>
    %add3A_185 = arith.addf %add3A_184, %scan3A_181#9 : vector<16xf32>
    %add3A_186 = arith.addf %add3A_185, %scan3A_181#12 : vector<16xf32>
    %add3A_187 = arith.addf %add3A_186, %scan3A_181#15 : vector<16xf32>
    %add3A_188 = arith.addf %add3A_187, %scan3A_181#18 : vector<16xf32>
    %add3A_189 = arith.addf %add3A_188, %scan3A_181#21 : vector<16xf32>
    %swap3A = arith.constant 0 : index
    %swap3A_190 = tpu.vector_load %arg9[%swap3A] {strides = array<i32>} : memref<16xf32, #tpu.memory_space<vmem>>, vector<16xf32>,
    %swap3A_191 = vector.shape_cast %swap3A_190 : vector<16xf32> to vector<16xf32>
    %swap3A_192 = vector.shape_cast %add3A_189 : vector<16xf32> to vector<16xf32>
    tpu.vector_store %arg9[%swap3A], %swap3A_192 {strides = array<i32>} : memref<16xf32, #tpu.memory_space<vmem>>, vector<16xf32>,
    %add3A_193 = arith.addf %scan3A_181#1, %scan3A_181#4 : vector<16xf32>
    %add3A_194 = arith.addf %add3A_193, %scan3A_181#7 : vector<16xf32>
    %add3A_195 = arith.addf %add3A_194, %scan3A_181#10 : vector<16xf32>
    %add3A_196 = arith.addf %add3A_195, %scan3A_181#13 : vector<16xf32>
    %add3A_197 = arith.addf %add3A_196, %scan3A_181#16 : vector<16xf32>
    %add3A_198 = arith.addf %add3A_197, %scan3A_181#19 : vector<16xf32>
    %add3A_199 = arith.addf %add3A_198, %scan3A_181#22 : vector<16xf32>
    %swap3A_200 = arith.constant 0 : index
    %swap3A_201 = tpu.vector_load %arg10[%swap3A_200] {strides = array<i32>} : memref<16xf32, #tpu.memory_space<vmem>>, vector<16xf32>,
    %swap3A_202 = vector.shape_cast %swap3A_201 : vector<16xf32> to vector<16xf32>
    %swap3A_203 = vector.shape_cast %add3A_199 : vector<16xf32> to vector<16xf32>
    tpu.vector_store %arg10[%swap3A_200], %swap3A_203 {strides = array<i32>} : memref<16xf32, #tpu.memory_space<vmem>>, vector<16xf32>,
    %add3A_204 = arith.addf %scan3A_181#2, %scan3A_181#5 : vector<16xf32>
    %add3A_205 = arith.addf %add3A_204, %scan3A_181#8 : vector<16xf32>
    %add3A_206 = arith.addf %add3A_205, %scan3A_181#11 : vector<16xf32>
    %add3A_207 = arith.addf %add3A_206, %scan3A_181#14 : vector<16xf32>
    %add3A_208 = arith.addf %add3A_207, %scan3A_181#17 : vector<16xf32>
    %add3A_209 = arith.addf %add3A_208, %scan3A_181#20 : vector<16xf32>
    %add3A_210 = arith.addf %add3A_209, %scan3A_181#23 : vector<16xf32>
    %swap3A_211 = arith.constant 0 : index
    %swap3A_212 = tpu.vector_load %arg11[%swap3A_211] {strides = array<i32>} : memref<16xf32, #tpu.memory_space<vmem>>, vector<16xf32>,
    %swap3A_213 = vector.shape_cast %swap3A_212 : vector<16xf32> to vector<16xf32>
    %swap3A_214 = vector.shape_cast %add3A_210 : vector<16xf32> to vector<16xf32>
    tpu.vector_store %arg11[%swap3A_211], %swap3A_214 {strides = array<i32>} : memref<16xf32, #tpu.memory_space<vmem>>, vector<16xf32>,
    %mul3A_215 = arith.constant 16 : i32
    %mul3A_216 = arith.muli %add3A, %mul3A_215 : i32
    %run_scoped3A = arith.constant 0 : i32
    "tpu.region"() ({
      %run_scoped3A_223 = tpu.sem_alloc : memref<!tpu.dma_semaphore, #tpu.memory_space<semaphore_mem>>
      %dma_start3A_224 = tpu.memref_slice %arg4[%run_scoped3A, %mul3A_216] : memref<3x512xf32, #tpu.memory_space<hbm>> -> memref<1x16xf32, #tpu.memory_space<hbm>>
      %dma_start3A_225 = tpu.memref_squeeze %dma_start3A_224 : memref<1x16xf32, #tpu.memory_space<hbm>> -> memref<16xf32, #tpu.memory_space<hbm>>
      %dma_start3A_226 = tpu.memref_slice %arg4[%run_scoped3A, %mul3A_216] : memref<3x512xf32, #tpu.memory_space<hbm>> -> memref<1x16xf32, #tpu.memory_space<hbm>>
      %dma_start3A_227 = tpu.memref_squeeze %dma_start3A_226 : memref<1x16xf32, #tpu.memory_space<hbm>> -> memref<16xf32, #tpu.memory_space<hbm>>
      tpu.enqueue_dma source(%arg9 : memref<16xf32, #tpu.memory_space<vmem>>) target(%dma_start3A_227 : memref<16xf32, #tpu.memory_space<hbm>>) target_semaphore(%run_scoped3A_223 : memref<!tpu.dma_semaphore, #tpu.memory_space<semaphore_mem>>)
      %dma_wait3A_228 = tpu.memref_slice %arg4[%run_scoped3A, %mul3A_216] : memref<3x512xf32, #tpu.memory_space<hbm>> -> memref<1x16xf32, #tpu.memory_space<hbm>>
      %dma_wait3A_229 = tpu.memref_squeeze %dma_wait3A_228 : memref<1x16xf32, #tpu.memory_space<hbm>> -> memref<16xf32, #tpu.memory_space<hbm>>
      %dma_wait3A_230 = tpu.memref_slice %arg4[%run_scoped3A, %mul3A_216] : memref<3x512xf32, #tpu.memory_space<hbm>> -> memref<1x16xf32, #tpu.memory_space<hbm>>
      %dma_wait3A_231 = tpu.memref_squeeze %dma_wait3A_230 : memref<1x16xf32, #tpu.memory_space<hbm>> -> memref<16xf32, #tpu.memory_space<hbm>>
      tpu.wait_dma2 semaphore(%run_scoped3A_223 : memref<!tpu.dma_semaphore, #tpu.memory_space<semaphore_mem>>) src(%arg9 : memref<16xf32, #tpu.memory_space<vmem>>) dst(%dma_wait3A_231 : memref<16xf32, #tpu.memory_space<hbm>>)
      tpu.yield
    }) : () -> ()
    %mul3A_217 = arith.constant 16 : i32
    %mul3A_218 = arith.muli %add3A, %mul3A_217 : i32
    %run_scoped3A_219 = arith.constant 1 : i32
    "tpu.region"() ({
      %run_scoped3A_223 = tpu.sem_alloc : memref<!tpu.dma_semaphore, #tpu.memory_space<semaphore_mem>>
      %dma_start3A_224 = tpu.memref_slice %arg4[%run_scoped3A_219, %mul3A_218] : memref<3x512xf32, #tpu.memory_space<hbm>> -> memref<1x16xf32, #tpu.memory_space<hbm>>
      %dma_start3A_225 = tpu.memref_squeeze %dma_start3A_224 : memref<1x16xf32, #tpu.memory_space<hbm>> -> memref<16xf32, #tpu.memory_space<hbm>>
      %dma_start3A_226 = tpu.memref_slice %arg4[%run_scoped3A_219, %mul3A_218] : memref<3x512xf32, #tpu.memory_space<hbm>> -> memref<1x16xf32, #tpu.memory_space<hbm>>
      %dma_start3A_227 = tpu.memref_squeeze %dma_start3A_226 : memref<1x16xf32, #tpu.memory_space<hbm>> -> memref<16xf32, #tpu.memory_space<hbm>>
      tpu.enqueue_dma source(%arg10 : memref<16xf32, #tpu.memory_space<vmem>>) target(%dma_start3A_227 : memref<16xf32, #tpu.memory_space<hbm>>) target_semaphore(%run_scoped3A_223 : memref<!tpu.dma_semaphore, #tpu.memory_space<semaphore_mem>>)
      %dma_wait3A_228 = tpu.memref_slice %arg4[%run_scoped3A_219, %mul3A_218] : memref<3x512xf32, #tpu.memory_space<hbm>> -> memref<1x16xf32, #tpu.memory_space<hbm>>
      %dma_wait3A_229 = tpu.memref_squeeze %dma_wait3A_228 : memref<1x16xf32, #tpu.memory_space<hbm>> -> memref<16xf32, #tpu.memory_space<hbm>>
      %dma_wait3A_230 = tpu.memref_slice %arg4[%run_scoped3A_219, %mul3A_218] : memref<3x512xf32, #tpu.memory_space<hbm>> -> memref<1x16xf32, #tpu.memory_space<hbm>>
      %dma_wait3A_231 = tpu.memref_squeeze %dma_wait3A_230 : memref<1x16xf32, #tpu.memory_space<hbm>> -> memref<16xf32, #tpu.memory_space<hbm>>
      tpu.wait_dma2 semaphore(%run_scoped3A_223 : memref<!tpu.dma_semaphore, #tpu.memory_space<semaphore_mem>>) src(%arg10 : memref<16xf32, #tpu.memory_space<vmem>>) dst(%dma_wait3A_231 : memref<16xf32, #tpu.memory_space<hbm>>)
      tpu.yield
    }) : () -> ()
    %mul3A_220 = arith.constant 16 : i32
    %mul3A_221 = arith.muli %add3A, %mul3A_220 : i32
    %run_scoped3A_222 = arith.constant 2 : i32
    "tpu.region"() ({
      %run_scoped3A_223 = tpu.sem_alloc : memref<!tpu.dma_semaphore, #tpu.memory_space<semaphore_mem>>
      %dma_start3A_224 = tpu.memref_slice %arg4[%run_scoped3A_222, %mul3A_221] : memref<3x512xf32, #tpu.memory_space<hbm>> -> memref<1x16xf32, #tpu.memory_space<hbm>>
      %dma_start3A_225 = tpu.memref_squeeze %dma_start3A_224 : memref<1x16xf32, #tpu.memory_space<hbm>> -> memref<16xf32, #tpu.memory_space<hbm>>
      %dma_start3A_226 = tpu.memref_slice %arg4[%run_scoped3A_222, %mul3A_221] : memref<3x512xf32, #tpu.memory_space<hbm>> -> memref<1x16xf32, #tpu.memory_space<hbm>>
      %dma_start3A_227 = tpu.memref_squeeze %dma_start3A_226 : memref<1x16xf32, #tpu.memory_space<hbm>> -> memref<16xf32, #tpu.memory_space<hbm>>
      tpu.enqueue_dma source(%arg11 : memref<16xf32, #tpu.memory_space<vmem>>) target(%dma_start3A_227 : memref<16xf32, #tpu.memory_space<hbm>>) target_semaphore(%run_scoped3A_223 : memref<!tpu.dma_semaphore, #tpu.memory_space<semaphore_mem>>)
      %dma_wait3A_228 = tpu.memref_slice %arg4[%run_scoped3A_222, %mul3A_221] : memref<3x512xf32, #tpu.memory_space<hbm>> -> memref<1x16xf32, #tpu.memory_space<hbm>>
      %dma_wait3A_229 = tpu.memref_squeeze %dma_wait3A_228 : memref<1x16xf32, #tpu.memory_space<hbm>> -> memref<16xf32, #tpu.memory_space<hbm>>
      %dma_wait3A_230 = tpu.memref_slice %arg4[%run_scoped3A_222, %mul3A_221] : memref<3x512xf32, #tpu.memory_space<hbm>> -> memref<1x16xf32, #tpu.memory_space<hbm>>
      %dma_wait3A_231 = tpu.memref_squeeze %dma_wait3A_230 : memref<1x16xf32, #tpu.memory_space<hbm>> -> memref<16xf32, #tpu.memory_space<hbm>>
      tpu.wait_dma2 semaphore(%run_scoped3A_223 : memref<!tpu.dma_semaphore, #tpu.memory_space<semaphore_mem>>) src(%arg11 : memref<16xf32, #tpu.memory_space<vmem>>) dst(%dma_wait3A_231 : memref<16xf32, #tpu.memory_space<hbm>>)
      tpu.yield
    }) : () -> ()
    return
  }
}

module attributes {stable_mosaic.version = 14 : i64} {
  func.func @_finish_body(%arg0: memref<3x512xf32, #tpu.memory_space<vmem>>, %arg1: memref<16x512x512xf32, #tpu.memory_space<hbm>>, %arg2: memref<8x512x512xi32, #tpu.memory_space<hbm>>, %arg3: memref<1xf32, #tpu.memory_space<smem>>, %arg4: memref<512x512xf32, #tpu.memory_space<vmem>>, %arg5: memref<512x512xi32, #tpu.memory_space<vmem>>, %arg6: memref<4096x512xi32, #tpu.memory_space<vmem>>, %arg7: memref<!tpu.dma_semaphore, #tpu.memory_space<semaphore_mem>>) attributes {dimension_semantics = [], scalar_prefetch = 0 : i64, scratch_operands = 4 : i64, tpu.core_type = #tpu.core_type<tc>} {
    %get3A = arith.constant 0 : index
    %get3A_0 = arith.constant 0 : index
    %get3A_1 = vector.load %arg0[%get3A, %get3A_0] : memref<3x512xf32, #tpu.memory_space<vmem>>, vector<1x512xf32>
    %get3A_2 = vector.shape_cast %get3A_1 : vector<1x512xf32> to vector<512xf32>
    %reduce_sum3A = vector.shape_cast %get3A_2 : vector<512xf32> to vector<1x512xf32>
    %reduce_sum3A_3 = arith.constant dense<0.000000e+00> : vector<1xf32>
    %reduce_sum3A_4 = vector.multi_reduction <add>, %reduce_sum3A, %reduce_sum3A_3 [1] : vector<1x512xf32> to vector<1xf32>
    %reduce_sum3A_5 = vector.shape_cast %reduce_sum3A_4 : vector<1xf32> to vector<1x1xf32>
    %reduce_sum3A_6 = vector.extract %reduce_sum3A_5[0, 0] : f32 from vector<1x1xf32>
    %get3A_7 = arith.constant 1 : index
    %get3A_8 = arith.constant 0 : index
    %get3A_9 = vector.load %arg0[%get3A_7, %get3A_8] : memref<3x512xf32, #tpu.memory_space<vmem>>, vector<1x512xf32>
    %get3A_10 = vector.shape_cast %get3A_9 : vector<1x512xf32> to vector<512xf32>
    %reduce_sum3A_11 = vector.shape_cast %get3A_10 : vector<512xf32> to vector<1x512xf32>
    %reduce_sum3A_12 = arith.constant dense<0.000000e+00> : vector<1xf32>
    %reduce_sum3A_13 = vector.multi_reduction <add>, %reduce_sum3A_11, %reduce_sum3A_12 [1] : vector<1x512xf32> to vector<1xf32>
    %reduce_sum3A_14 = vector.shape_cast %reduce_sum3A_13 : vector<1xf32> to vector<1x1xf32>
    %reduce_sum3A_15 = vector.extract %reduce_sum3A_14[0, 0] : f32 from vector<1x1xf32>
    %get3A_16 = arith.constant 2 : index
    %get3A_17 = arith.constant 0 : index
    %get3A_18 = vector.load %arg0[%get3A_16, %get3A_17] : memref<3x512xf32, #tpu.memory_space<vmem>>, vector<1x512xf32>
    %get3A_19 = vector.shape_cast %get3A_18 : vector<1x512xf32> to vector<512xf32>
    %reduce_sum3A_20 = vector.shape_cast %get3A_19 : vector<512xf32> to vector<1x512xf32>
    %reduce_sum3A_21 = arith.constant dense<0.000000e+00> : vector<1xf32>
    %reduce_sum3A_22 = vector.multi_reduction <add>, %reduce_sum3A_20, %reduce_sum3A_21 [1] : vector<1x512xf32> to vector<1xf32>
    %reduce_sum3A_23 = vector.shape_cast %reduce_sum3A_22 : vector<1xf32> to vector<1x1xf32>
    %reduce_sum3A_24 = vector.extract %reduce_sum3A_23[0, 0] : f32 from vector<1x1xf32>
    %convert_element_type3A = arith.fptosi %reduce_sum3A_24 : f32 to i32
    %sub3A = arith.constant 2097152 : i32
    %sub3A_25 = arith.subi %sub3A, %convert_element_type3A : i32
    %mul3A = arith.constant 20 : i32
    %mul3A_26 = arith.muli %mul3A, %convert_element_type3A : i32
    %min3A = arith.minsi %sub3A_25, %mul3A_26 : i32
    %convert_element_type3A_27 = arith.sitofp %sub3A_25 : i32 to f32
    %mul3A_28 = arith.constant 0.00999999977 : f32
    %mul3A_29 = arith.mulf %convert_element_type3A_27, %mul3A_28 : f32
    %convert_element_type3A_30 = arith.fptosi %mul3A_29 : f32 to i32
    %max3A = arith.constant 1 : i32
    %max3A_31 = arith.maxsi %max3A, %convert_element_type3A_30 : i32
    %gt3A = arith.constant 0 : i32
    %gt3A_32 = arith.cmpi sgt, %convert_element_type3A, %gt3A : i32
    %select_n3A = arith.select %gt3A_32, %min3A, %max3A_31 : i32
    %max3A_33 = arith.constant 1 : i32
    %max3A_34 = arith.maxsi %select_n3A, %max3A_33 : i32
    %convert_element_type3A_35 = arith.sitofp %max3A_34 : i32 to f32
    %gt3A_36 = arith.constant 0 : i32
    %gt3A_37 = arith.cmpi sgt, %convert_element_type3A, %gt3A_36 : i32
    %max3A_38 = arith.constant 1.000000e+00 : f32
    %max3A_39 = arith.maximumf %reduce_sum3A_24, %max3A_38 : f32
    %div3A = arith.divf %reduce_sum3A_15, %max3A_39 : f32
    %jit3A = arith.constant 0.000000e+00 : f32
    %select_n3A_40 = arith.select %gt3A_37, %div3A, %jit3A : f32
    %gt3A_41 = arith.constant 0 : i32
    %gt3A_42 = arith.cmpi sgt, %sub3A_25, %gt3A_41 : i32
    %sub3A_43 = arith.subf %reduce_sum3A_6, %reduce_sum3A_15 : f32
    %div3A_44 = arith.divf %sub3A_43, %convert_element_type3A_35 : f32
    %jit3A_45 = arith.constant 0.000000e+00 : f32
    %select_n3A_46 = arith.select %gt3A_42, %div3A_44, %jit3A_45 : f32
    %add3A = arith.addf %select_n3A_40, %select_n3A_46 : f32
    %swap3A = arith.constant 0 : index
    %swap3A_47 = memref.load %arg3[%swap3A] : memref<1xf32, #tpu.memory_space<smem>>
    memref.store %add3A, %arg3[%swap3A] : memref<1xf32, #tpu.memory_space<smem>>
    %ne3A = arith.cmpi ne, %select_n3A, %sub3A_25 : i32
    %convert_element_type3A_48 = arith.extui %ne3A : i1 to i32
    %cond3A = arith.constant 0 : i32
    %cond3A_49 = arith.cmpi ne, %convert_element_type3A_48, %cond3A : i32
    scf.if %cond3A_49 {
      %scan3A = arith.constant 0 : i32
      %scan3A_50 = arith.constant 8 : i32
      %scan3A_51 = arith.addi %scan3A, %scan3A_50 : i32
      %scan3A_52 = arith.constant 1 : i32
      scf.for %scan3A_95 = %scan3A to %scan3A_51 step %scan3A_52  : i32 {
        %mul3A_96 = arith.constant 2 : i32
        %mul3A_97 = arith.muli %mul3A_96, %scan3A_95 : i32
        %add3A_98 = arith.constant 1 : i32
        %add3A_99 = arith.addi %mul3A_97, %add3A_98 : i32
        %dma_start3A = arith.constant 0 : i32
        %dma_start3A_100 = arith.constant 0 : i32
        %dma_start3A_101 = tpu.memref_slice %arg1[%add3A_99, %dma_start3A, %dma_start3A_100] : memref<16x512x512xf32, #tpu.memory_space<hbm>> -> memref<1x512x512xf32, #tpu.memory_space<hbm>>
        %dma_start3A_102 = tpu.memref_squeeze %dma_start3A_101 : memref<1x512x512xf32, #tpu.memory_space<hbm>> -> memref<512x512xf32, #tpu.memory_space<hbm>>
        tpu.enqueue_dma source(%dma_start3A_102 : memref<512x512xf32, #tpu.memory_space<hbm>>) target(%arg4 : memref<512x512xf32, #tpu.memory_space<vmem>>) target_semaphore(%arg7 : memref<!tpu.dma_semaphore, #tpu.memory_space<semaphore_mem>>)
        %dma_wait3A = arith.constant 0 : i32
        %dma_wait3A_103 = arith.constant 0 : i32
        %dma_wait3A_104 = tpu.memref_slice %arg1[%add3A_99, %dma_wait3A, %dma_wait3A_103] : memref<16x512x512xf32, #tpu.memory_space<hbm>> -> memref<1x512x512xf32, #tpu.memory_space<hbm>>
        %dma_wait3A_105 = tpu.memref_squeeze %dma_wait3A_104 : memref<1x512x512xf32, #tpu.memory_space<hbm>> -> memref<512x512xf32, #tpu.memory_space<hbm>>
        tpu.wait_dma2 semaphore(%arg7 : memref<!tpu.dma_semaphore, #tpu.memory_space<semaphore_mem>>) src(%dma_wait3A_105 : memref<512x512xf32, #tpu.memory_space<hbm>>) dst(%arg4 : memref<512x512xf32, #tpu.memory_space<vmem>>)
        %dma_start3A_106 = arith.constant 0 : i32
        %dma_start3A_107 = arith.constant 0 : i32
        %dma_start3A_108 = tpu.memref_slice %arg2[%scan3A_95, %dma_start3A_106, %dma_start3A_107] : memref<8x512x512xi32, #tpu.memory_space<hbm>> -> memref<1x512x512xi32, #tpu.memory_space<hbm>>
        %dma_start3A_109 = tpu.memref_squeeze %dma_start3A_108 : memref<1x512x512xi32, #tpu.memory_space<hbm>> -> memref<512x512xi32, #tpu.memory_space<hbm>>
        tpu.enqueue_dma source(%dma_start3A_109 : memref<512x512xi32, #tpu.memory_space<hbm>>) target(%arg5 : memref<512x512xi32, #tpu.memory_space<vmem>>) target_semaphore(%arg7 : memref<!tpu.dma_semaphore, #tpu.memory_space<semaphore_mem>>)
        %dma_wait3A_110 = arith.constant 0 : i32
        %dma_wait3A_111 = arith.constant 0 : i32
        %dma_wait3A_112 = tpu.memref_slice %arg2[%scan3A_95, %dma_wait3A_110, %dma_wait3A_111] : memref<8x512x512xi32, #tpu.memory_space<hbm>> -> memref<1x512x512xi32, #tpu.memory_space<hbm>>
        %dma_wait3A_113 = tpu.memref_squeeze %dma_wait3A_112 : memref<1x512x512xi32, #tpu.memory_space<hbm>> -> memref<512x512xi32, #tpu.memory_space<hbm>>
        tpu.wait_dma2 semaphore(%arg7 : memref<!tpu.dma_semaphore, #tpu.memory_space<semaphore_mem>>) src(%dma_wait3A_113 : memref<512x512xi32, #tpu.memory_space<hbm>>) dst(%arg5 : memref<512x512xi32, #tpu.memory_space<vmem>>)
        %get3A_114 = arith.constant 0 : index
        %get3A_115 = arith.constant 0 : index
        %get3A_116 = vector.load %arg4[%get3A_114, %get3A_115] : memref<512x512xf32, #tpu.memory_space<vmem>>, vector<512x512xf32>
        %get3A_117 = arith.constant 0 : index
        %get3A_118 = arith.constant 0 : index
        %get3A_119 = vector.load %arg5[%get3A_117, %get3A_118] : memref<512x512xi32, #tpu.memory_space<vmem>>, vector<512x512xi32>
        %convert_element_type3A_120 = arith.sitofp %get3A_119 : vector<512x512xi32> to vector<512x512xf32>
        %max3A_121 = arith.constant 0.000000e+00 : f32
        %max3A_122 = vector.broadcast %max3A_121 : f32 to vector<512x512xf32>
        %max3A_123 = arith.maximumf %get3A_116, %max3A_122 : vector<512x512xf32>
        %abs3A = math.absf %get3A_116 : vector<512x512xf32>
        %neg3A = arith.constant 0.000000e+00 : f32
        %neg3A_124 = vector.broadcast %neg3A : f32 to vector<512x512xf32>
        %neg3A_125 = arith.subf %neg3A_124, %abs3A : vector<512x512xf32>
        %exp3A = math.exp %neg3A_125 : vector<512x512xf32>
        %log1p3A = math.log1p %exp3A : vector<512x512xf32>
        %add3A_126 = arith.addf %max3A_123, %log1p3A : vector<512x512xf32>
        %mul3A_127 = arith.mulf %convert_element_type3A_120, %get3A_116 : vector<512x512xf32>
        %sub3A_128 = arith.subf %add3A_126, %mul3A_127 : vector<512x512xf32>
        %gt3A_129 = arith.constant 0 : i32
        %gt3A_130 = vector.broadcast %gt3A_129 : i32 to vector<512x512xi32>
        %gt3A_131 = arith.cmpi sgt, %get3A_119, %gt3A_130 : vector<512x512xi32>
        %bitcast3A_132 = tpu.bitcast %sub3A_128 : vector<512x512xf32> -> vector<512x512xi32>
        %jit3A_133 = arith.constant 0 : i32
        %broadcast_in_dim3A_134 = vector.broadcast %jit3A_133 : i32 to vector<512x512xi32>
        %select_n3A_135 = arith.select %gt3A_131, %broadcast_in_dim3A_134, %bitcast3A_132 : vector<512x512xi1>, vector<512x512xi32>
        %mul3A_136 = arith.constant 512 : i32
        %mul3A_137 = arith.muli %scan3A_95, %mul3A_136 : i32
        %swap3A_138 = arith.index_cast %mul3A_137 : i32 to index
        %swap3A_139 = arith.constant 0 : index
        %swap3A_140 = vector.load %arg6[%swap3A_138, %swap3A_139] : memref<4096x512xi32, #tpu.memory_space<vmem>>, vector<512x512xi32>
        tpu.vector_store %arg6[%swap3A_138, %swap3A_139], %select_n3A_135 {strides = array<i32>} : memref<4096x512xi32, #tpu.memory_space<vmem>>, vector<512x512xi32>,
      }
      %scan3A_53 = arith.constant 8 : i32
      %scan3A_54 = arith.constant 0 : i32
      %scan3A_55 = arith.constant 0 : i32
      %scan3A_56 = arith.constant 31 : i32
      %scan3A_57 = arith.addi %scan3A_55, %scan3A_56 : i32
      %scan3A_58 = arith.constant 1 : i32
      %scan3A_59 = scf.for %scan3A_95 = %scan3A_55 to %scan3A_57 step %scan3A_58 iter_args(%scan3A_96 = %scan3A_54) -> (i32)  : i32 {
        %sub3A_97 = arith.constant 30 : i32
        %sub3A_98 = arith.subi %sub3A_97, %scan3A_95 : i32
        %shift_left3A = arith.constant 1 : i32
        %shift_left3A_99 = arith.shli %shift_left3A, %sub3A_98 : i32
        %or3A = arith.ori %scan3A_96, %shift_left3A_99 : i32
        %get3A_100 = arith.constant 0 : index
        %get3A_101 = arith.constant 0 : index
        %get3A_102 = vector.load %arg6[%get3A_100, %get3A_101] : memref<4096x512xi32, #tpu.memory_space<vmem>>, vector<4096x512xi32>
        %ge3A = vector.broadcast %or3A : i32 to vector<4096x512xi32>
        %ge3A_103 = arith.cmpi sge, %get3A_102, %ge3A : vector<4096x512xi32>
        %convert_element_type3A_104 = arith.extui %ge3A_103 : vector<4096x512xi1> to vector<4096x512xi32>
        %reduce_sum3A_105 = vector.shape_cast %convert_element_type3A_104 : vector<4096x512xi32> to vector<1x4096x512xi32>
        %reduce_sum3A_106 = arith.constant dense<0> : vector<1xi32>
        %reduce_sum3A_107 = vector.multi_reduction <add>, %reduce_sum3A_105, %reduce_sum3A_106 [1, 2] : vector<1x4096x512xi32> to vector<1xi32>
        %reduce_sum3A_108 = vector.shape_cast %reduce_sum3A_107 : vector<1xi32> to vector<1x1x1xi32>
        %reduce_sum3A_109 = vector.extract %reduce_sum3A_108[0, 0, 0] : i32 from vector<1x1x1xi32>
        %ge3A_110 = arith.cmpi sge, %reduce_sum3A_109, %select_n3A : i32
        %select_n3A_111 = arith.select %ge3A_110, %or3A, %scan3A_96 : i32
        scf.yield %select_n3A_111 : i32
      }
      %scan3A_60 = arith.constant 31 : i32
      %get3A_61 = arith.constant 0 : index
      %get3A_62 = arith.constant 0 : index
      %get3A_63 = vector.load %arg6[%get3A_61, %get3A_62] : memref<4096x512xi32, #tpu.memory_space<vmem>>, vector<4096x512xi32>
      %bitcast3A = tpu.bitcast %get3A_63 : vector<4096x512xi32> -> vector<4096x512xf32>
      %gt3A_64 = vector.broadcast %scan3A_59 : i32 to vector<4096x512xi32>
      %gt3A_65 = arith.cmpi sgt, %get3A_63, %gt3A_64 : vector<4096x512xi32>
      %convert_element_type3A_66 = arith.extui %gt3A_65 : vector<4096x512xi1> to vector<4096x512xi32>
      %reduce_sum3A_67 = vector.shape_cast %convert_element_type3A_66 : vector<4096x512xi32> to vector<1x4096x512xi32>
      %reduce_sum3A_68 = arith.constant dense<0> : vector<1xi32>
      %reduce_sum3A_69 = vector.multi_reduction <add>, %reduce_sum3A_67, %reduce_sum3A_68 [1, 2] : vector<1x4096x512xi32> to vector<1xi32>
      %reduce_sum3A_70 = vector.shape_cast %reduce_sum3A_69 : vector<1xi32> to vector<1x1x1xi32>
      %reduce_sum3A_71 = vector.extract %reduce_sum3A_70[0, 0, 0] : i32 from vector<1x1x1xi32>
      %jit3A_72 = arith.constant 0.000000e+00 : f32
      %broadcast_in_dim3A = vector.broadcast %jit3A_72 : f32 to vector<4096x512xf32>
      %select_n3A_73 = arith.select %gt3A_65, %bitcast3A, %broadcast_in_dim3A : vector<4096x512xi1>, vector<4096x512xf32>
      %reduce_sum3A_74 = vector.shape_cast %select_n3A_73 : vector<4096x512xf32> to vector<1x4096x512xf32>
      %reduce_sum3A_75 = arith.constant dense<0.000000e+00> : vector<1xf32>
      %reduce_sum3A_76 = vector.multi_reduction <add>, %reduce_sum3A_74, %reduce_sum3A_75 [1, 2] : vector<1x4096x512xf32> to vector<1xf32>
      %reduce_sum3A_77 = vector.shape_cast %reduce_sum3A_76 : vector<1xf32> to vector<1x1x1xf32>
      %reduce_sum3A_78 = vector.extract %reduce_sum3A_77[0, 0, 0] : f32 from vector<1x1x1xf32>
      %eq3A = vector.broadcast %scan3A_59 : i32 to vector<4096x512xi32>
      %eq3A_79 = arith.cmpi eq, %get3A_63, %eq3A : vector<4096x512xi32>
      %jit3A_80 = arith.constant 0.000000e+00 : f32
      %broadcast_in_dim3A_81 = vector.broadcast %jit3A_80 : f32 to vector<4096x512xf32>
      %select_n3A_82 = arith.select %eq3A_79, %bitcast3A, %broadcast_in_dim3A_81 : vector<4096x512xi1>, vector<4096x512xf32>
      %reduce_max3A = vector.shape_cast %select_n3A_82 : vector<4096x512xf32> to vector<1x4096x512xf32>
      %reduce_max3A_83 = arith.constant dense<0xFF800000> : vector<1xf32>
      %reduce_max3A_84 = vector.multi_reduction <maximumf>, %reduce_max3A, %reduce_max3A_83 [1, 2] : vector<1x4096x512xf32> to vector<1xf32>
      %reduce_max3A_85 = vector.shape_cast %reduce_max3A_84 : vector<1xf32> to vector<1x1x1xf32>
      %reduce_max3A_86 = vector.extract %reduce_max3A_85[0, 0, 0] : f32 from vector<1x1x1xf32>
      %sub3A_87 = arith.subi %select_n3A, %reduce_sum3A_71 : i32
      %convert_element_type3A_88 = arith.sitofp %sub3A_87 : i32 to f32
      %mul3A_89 = arith.mulf %convert_element_type3A_88, %reduce_max3A_86 : f32
      %add3A_90 = arith.addf %reduce_sum3A_78, %mul3A_89 : f32
      %div3A_91 = arith.divf %add3A_90, %convert_element_type3A_35 : f32
      %add3A_92 = arith.addf %select_n3A_40, %div3A_91 : f32
      %swap3A_93 = arith.constant 0 : index
      %swap3A_94 = memref.load %arg3[%swap3A_93] : memref<1xf32, #tpu.memory_space<smem>>
      memref.store %add3A_92, %arg3[%swap3A_93] : memref<1xf32, #tpu.memory_space<smem>>
    } else {
    }
    return
  }
}

</mosaic_0001>

<sc_bundles>
// kernel: kernel.4.cloned.1.call-start
scs
__scs_entry_jumppad:
0x0: {  	(pc) =	sbr.rel $0x88, $3  }
0x1: {  	(tag) =	ssettag $0x0;
	lr =	simm.s32 $0x1  }
0x2: {  	[smem:$0x3F9F] =	sst lr;
	_ =	strace $0xD0000000  }
0x3: {  	_ = 	snop  }
0x4: {  	_ = 	snop  }
0x5: {  	_ = 	snop  }
0x6: {  	_ = 	snop  }
0x7: {  	_ = 	snop  }
__scs_overlays_trampoline_lowered:
0x8: {  	[smem:$0x3FAE] =	sst s0  }
0x9: {  	[smem:$0x3FAF] =	sst s1  }
0xa: {  	[smem:$0x3FB0] =	sst s2  }
0xb: {  	[smem:$0x3FB1] =	sst s3  }
0xc: {  	[smem:$0x3FB2] =	sst s4  }
0xd: {  	[smem:$0x3FB3] =	sst s5  }
0xe: {  	[smem:$0x3FB4] =	sst s6  }
0xf: {  	[smem:$0x3FB5] =	sst s7  }
0x10: {  	[smem:$0x3FB6] =	sst s8  }
0x11: {  	[smem:$0x3FB7] =	sst s9;
	s0 =	simm.s32 @!p0 $0x0  }
0x12: {  	s1 =	sld [smem:$0x3F9D];
	s0 =	simm.s32 @p0 $0x1  }
0x13: {  	[smem:$0x3FB8] =	sst s0;
	s0 =	simm.s32 @!p1 $0x0  }
0x14: {  	s2 =	sld [smem:$0x3F9C];
	s0 =	simm.s32 @p1 $0x1  }
0x15: {  	[smem:$0x3FB9] =	sst s0;
	s0 =	simm.s32 @!p2 $0x0  }
0x16: {  	s3 =	sld [smem:$0x3FDB];
	s0 =	simm.s32 @p2 $0x1  }
0x17: {  	s4 =	simm.s32 $0x1BF5;
	[smem:$0x3FBB] =	sst s0  }
0x18: {  	s0 =	sld [smem:$0x3F9E];
	_ =	swait.ge [sflag:s4], $0x0  }
0x19: {  	s7 =	sld [smem:$0x3F9F]  }
0x1a: {  	s8 =	sadd.s32 $0xFFFFE003, lr  }
0x1b: {  	s9 =	sadd.s32 $0xFFFFFEF7, lr;
	s5 =	simm.s32 $0xFFFFFFFF;
	p2 =	slt.u32 s8, $0xFFFFF086  }
0x1c: {  	p1 =	slt.u32 s9, $0xF7A;
	s5 =	simm.s32 @!p2 $0x0  }
0x1d: {  	s5 =	simm.s32 @p1 $0x1;
	p0 =	seq.s32 s7, s2  }
0x1e: {  	s7 =	smul.u32 @!p0 $0xF7A, s2;
	p2 =	seq.s32 @!p0 s5, $0x0  }
0x1f: {  	s9 =	smul.u32 $0xF7A, s1;
	s8 =	simm.s32 @!p0 $0x1BF5;
	p2 =	por !p2, p0  }
0x20: {  	[sflag:s8] =	ssyncset.s32 @!p0 $0xFFFFF086;
	s6 =	sadd.s32 @!p0 s3, s7;
	s7 =	simm.s32 @!p0 $0x108  }
0x21: {  	s3 =	sadd.s32 s3, s9;
	s6 =	sadd.s32 @!p0 $0x88, s6;
	s7 =	simm.s32 @p2 $0x1082  }
0x22: {  	[simem:s7], [sflag:s8] =	dma.local @!p0 [hbm:s6], $0xF7A  }
0x23: {  	s9 =	sor.u32 $0xD0000000, s2;
	s6 =	simm.s32 $0x108;
	_ =	swait.ge @!p0 [sflag:s8], $0x0  }
0x24: {  	s3 =	sadd.s32 $0x88, s3;
	s6 =	simm.s32 @!p1 $0x1082;
	[sflag:s4] =	ssyncset.s32 $0xFFFFF086  }
0x25: {  	[simem:s6], [sflag:s4] =	dma.local [hbm:s3], $0xF7A  }
0x26: {  	[smem:$0x3F9F] =	sst s1;
	(tag) =	ssettag s2;
	_ =	strace s9  }
0x27: {  	s1 =	sld [smem:$0x3FAF]  }
0x28: {  	s2 =	sld [smem:$0x3FB0]  }
0x29: {  	s4 =	sld [smem:$0x3FB2]  }
0x2a: {  	p0 =	seq.s32 s5, $0x0;
	s5 =	sld [smem:$0x3FB3]  }
0x2b: {  	s6 =	sld [smem:$0x3FB4]  }
0x2c: {  	s7 =	sld [smem:$0x3FB5]  }
0x2d: {  	s3 =	simm.s32 $0x108;
	s8 =	sld [smem:$0x3FB6]  }
0x2e: {  	s3 =	simm.s32 @!p0 $0x1082;
	s9 =	sld [smem:$0x3FB7]  }
0x2f: {  	lr =	sadd.s32 s0, s3;
	s0 =	sld [smem:$0x3FAE]  }
0x30: {  	s3 =	sld [smem:$0x3FB1]  }
0x31: {  	[smem:$0x3FBA] =	sst s10  }
0x32: {  	s10 =	sld [smem:$0x3FB8];
	_ =	sdelay $0x3  }
0x33: {  	p0 =	seq.s32 s10, $0x1;
	s10 =	sld [smem:$0x3FBA];
	_ =	sdelay $0x3  }
0x34: {  	[smem:$0x3FBA] =	sst s10  }
0x35: {  	s10 =	sld [smem:$0x3FB9];
	_ =	sdelay $0x3  }
0x36: {  	p1 =	seq.s32 s10, $0x1;
	s10 =	sld [smem:$0x3FBA];
	_ =	sdelay $0x3  }
0x37: {  	[smem:$0x3FBA] =	sst s10  }
0x38: {  	s10 =	sld [smem:$0x3FBB]  }
0x39: {  	_ = 	snop;
	(pc) =	sbr.ind lr, $3  }
0x3a: {  	_ = 	snop  }
0x3b: {  	_ = 	snop  }
0x3c: {  	p2 =	seq.s32 s10, $0x1;
	s10 =	sld [smem:$0x3FBA]  }
0x3d: {  	_ =	shalt  }
0x3e: {  	_ =	shalt  }
0x3f: {  	_ =	shalt  }
0x40: {  	_ =	shalt  }
0x41: {  	_ =	shalt  }
0x42: {  	_ =	shalt  }
0x43: {  	_ =	shalt  }
0x44: {  	_ =	shalt  }
0x45: {  	_ =	shalt  }
0x46: {  	_ =	shalt  }
0x47: {  	_ =	shalt  }
0x48: {  	_ =	shalt  }
0x49: {  	_ =	shalt  }
0x4a: {  	_ =	shalt  }
0x4b: {  	_ =	shalt  }
0x4c: {  	_ =	shalt  }
0x4d: {  	_ =	shalt  }
0x4e: {  	_ =	shalt  }
0x4f: {  	_ =	shalt  }
0x50: {  	_ =	shalt  }
0x51: {  	_ =	shalt  }
0x52: {  	_ =	shalt  }
0x53: {  	_ =	shalt  }
0x54: {  	_ =	shalt  }
0x55: {  	_ =	shalt  }
0x56: {  	_ =	shalt  }
0x57: {  	_ =	shalt  }
0x58: {  	_ =	shalt  }
0x59: {  	_ =	shalt  }
0x5a: {  	_ =	shalt  }
0x5b: {  	_ =	shalt  }
0x5c: {  	_ =	shalt  }
0x5d: {  	_ =	shalt  }
0x5e: {  	_ =	shalt  }
0x5f: {  	_ =	shalt  }
0x60: {  	_ =	shalt  }
0x61: {  	_ =	shalt  }
0x62: {  	_ =	shalt  }
0x63: {  	_ =	shalt  }
0x64: {  	_ =	shalt  }
0x65: {  	_ =	shalt  }
0x66: {  	_ =	shalt  }
0x67: {  	_ =	shalt  }
0x68: {  	_ =	shalt  }
0x69: {  	_ =	shalt  }
0x6a: {  	_ =	shalt  }
0x6b: {  	_ =	shalt  }
0x6c: {  	_ =	shalt  }
0x6d: {  	_ =	shalt  }
0x6e: {  	_ =	shalt  }
0x6f: {  	_ =	shalt  }
0x70: {  	_ =	shalt  }
0x71: {  	_ =	shalt  }
0x72: {  	_ =	shalt  }
0x73: {  	_ =	shalt  }
0x74: {  	_ =	shalt  }
0x75: {  	_ =	shalt  }
0x76: {  	_ =	shalt  }
0x77: {  	_ =	shalt  }
0x78: {  	_ =	shalt  }
0x79: {  	_ =	shalt  }
0x7a: {  	_ =	shalt  }
0x7b: {  	_ =	shalt  }
0x7c: {  	_ =	shalt  }
0x7d: {  	_ =	shalt  }
0x7e: {  	_ =	shalt  }
0x7f: {  	_ =	shalt  }
0x80: {  	_ =	shalt  }
0x81: {  	_ =	shalt  }
0x82: {  	_ =	shalt  }
0x83: {  	_ =	shalt  }
0x84: {  	_ =	shalt  }
0x85: {  	_ =	shalt  }
0x86: {  	_ =	shalt  }
0x87: {  	_ =	shalt  }
.Lfunc_end0:
.L_simem_size_0:
called_computation_lowered:
.L_overlay_start_0:
0x88: {  	s2 =	sld [smem:$0x3FD9]  }
0x89: {  	s3 =	sld [smem:$0x3FFE];
	_ =	sdelay $0x1  }
0x8a: {  	s1 =	srdreg.scid  }
0x8b: {  	s0 =	sand.u32 $0x1, s1  }
0x8c: {  	s17 =	sshll.u32 s0, $0xA;
	s2 =	sadd.s32 s3, s2  }
0x8d: {  	s2 =	sadd.s32 s2, s17  }
0x8e: {  	[smem:$0x3FC6] =	sst s2  }
0x8f: {  	_ = 	snop  }
0x90: {  	s2 =	sld [smem:$0x3FC9]  }
0x91: {  	s18 =	sld [smem:$0x3FC8];
	(tm) =	ssettm $0x1  }
0x92: {  	s4 =	sld [smem:$0x3FFB];
	_ =	sdelay $0x3  }
0x93: {  	_ =	strace s4  }
0x94: {  	s4 =	sld [smem:$0x3FFC];
	_ =	sdelay $0x3  }
0x95: {  	_ =	strace s4  }
0x96: {  	s4 =	sld [smem:$0x3FFD];
	_ =	sdelay $0x3  }
0x97: {  	_ =	strace s4  }
0x98: {  	_ =	strace $0x8FFFFFFF  }
0x99: {  	s19 =	sld [smem:$0x3FDB];
	_ =	sdelay $0x1  }
0x9a: {  	s5 =	simm.s32 $_scs_section_size  }
0x9b: {  	s6 =	simm.s32 $_size__tile_overlayer_lowered;
	s7 =	simm.s32 $_tile_overlayer_lowered  }
0x9c: {  	s22 =	simm.s32 $0x1BFF;
	s21 =	sshll.u32 s7, $0x1;
	s4 =	sadd.s32 s5, s19  }
0x9d: {  	s8 =	simm.s32 $0x0;
	s20 =	sshll.u32 s6, $0x1;
	s6 =	sadd.s32 s21, s4  }
0x9e: {  	[timem:s8], [sflag:s22] =	dma.local [hbm:s6], s20  }
0x9f: {  	_ =	swait.ge [sflag:s22], s20  }
0xa0: {  	s5 =	ssub.s32 $0x0, s20;
	[sflag:s22] =	ssyncset.done $0x0  }
0xa1: {  	[sflag:s22] =	ssyncadd.s32 s5;
	_ =	sdelay $0x1  }
0xa2: {  	s23 =	simm.s32 $0x1B8B  }
0xa3: {  	_ =	swait.ge [sflag:s23], $0x1  }
0xa4: {  	[sflag:s23] =	ssyncset.done $0x0  }
0xa5: {  	s25 =	simm.s32 $0x1B8E;
	s24 =	sld [smem:$0x3FFE];
	[sflag:s23] =	ssyncadd.s32 $0xFFFFFFFF  }
0xa6: {  	s26 =	simm.s32 $execute0_lowered;
	[smem:$0x3FD2] =	sst s25  }
0xa7: {  	s6 =	sshll.u32 s26, $0x1;
	_ =	strace $0x80000046;
	[dreg:$0x1] =	wrdreg $0xFFFFFFFF  }
0xa8: {  	s28 =	simm.s32 $_size_execute0_lowered;
	s4 =	sadd.s32 s4, s6;
	[dreg:$0x0] =	wrdreg $0x0  }
0xa9: {  	s6 =	sshll.u32 s28, $0x1;
	[dreg:$0x2] =	wrdreg s4  }
0xaa: {  	[dreg:$0x3] =	wrdreg s6  }
0xab: {  	[dreg:$0x4] =	wrdreg $0xC0  }
0xac: {  	_ =	task [dreg:s8], $0x5FFFF  }
0xad: {  	[dreg:$0x1] =	wrdreg $0xFFFFFFFF  }
0xae: {  	[dreg:$0x0] =	wrdreg $0x60  }
0xaf: {  	[dreg:$0x2] =	wrdreg s2  }
0xb0: {  	[dreg:$0x3] =	wrdreg s18  }
0xb1: {  	[dreg:$0x4] =	wrdreg s24  }
0xb2: {  	[dreg:$0x5] =	wrdreg $0x9  }
0xb3: {  	_ =	task.clear_ibuf [dreg:s8], $0x6FFFF;
	_ =	strace $0x90000046  }
0xb4: {  	s29 =	simm.s32 $0x9;
	_ =	strace $0x80000048  }
0xb5: {  	_ =	swait.ge [sflag:s29], $0x1  }
0xb6: {  	[sflag:s29] =	ssyncadd.s32 $0xFFFFFFFF  }
0xb7: {  	_ =	strace $0x90000048  }
0xb8: {  	_ =	sfence  }
0xb9: {  	s30 =	sld [smem:$0x0];
	_ =	sdelay $0x2  }
0xba: {  	s31 =	sshll.u32 s1, $0xD;
	s1 =	sshrl.u32 s1, $0x2  }
0xbb: {  	s3 =	sand.u32 $0x4000, s31;
	s1 =	sadd.s32 s1, s30  }
0xbc: {  	s0 =	sor.u32 s3, s0;
	s1 =	sshll.u32 s1, $0x11  }
0xbd: {  	s0 =	sor.u32 s1, s0  }
0xbe: {  	s0 =	sadd.s32 $0x8F2B, s0  }
0xbf: {  	[sflag:s0] =	ssyncadd.remote.s32 $0x1  }
0xc0: {  	_ =	sfence.sel $0xFFFF  }
0xc1: {  	[dreg:$0x0] =	wrdreg $0xFFFFFFFF;
	(pc) =	sbr.abs _section_cstart, $3  }
0xc2: {  	[dreg:$0x1] =	wrdreg $0xFFFFFFFF  }
0xc3: {  	_ =	task.clear_ibuf [dreg:s8], $0x2FFFF;
	_ =	strace $0x9FFFFFFF  }
0xc4: {  	(tm) =	ssettm $0x7FFFFFFF  }
0xc5: {  	_ =	shalt  }
tec
execute0_lowered:
.L_overlay_start_1:
0x0: {  	(tag) =	ssettag $0x1  }
0x1: {  	s9 =	rddreg [dreg:$0x0]  }
0x2: {  	s10 =	rddreg [dreg:$0x1]  }
0x3: {  	s1 =	srdreg.scid;
	s0 =	stileid.u32  }
0x4: {  	s3 =	rddreg [dreg:$0x2];
	s16 =	simm.s32 $0x8000;
	s17 =	simm.s32 $0xC000  }
0x5: {  	s18 =	simm.s32 $0x1;
	s19 =	simm.s32 $0x2;
	s20 =	simm.s32 $0x10000  }
0x6: {  	s4 =	sand.u32 $0x1, s1;
	s2 =	sshll.u32 s0, $0x1;
	s1 =	rddreg [dreg:$0x3]  }
0x7: {  	s7 =	sshll.u32 s0, $0x4;
	s22 =	sshrl.u32 s0, $0x1;
	s5 =	sor.u32 s4, s2  }
0x8: {  	s2 =	simm.s32 $0x0;
	s21 =	ssub.s32 $0x2, s4;
	s24 =	sshll.u32 s22, $0x13  }
0x9: {  	s12 =	sshll.u32 s22, $0x12;
	s22 =	simm.s32 $0x10080;
	s6 =	sshll.u32 s5, $0x1  }
0xa: {  	[smem:$0x7FF] =	sst s2;
	s23 =	sshrl.u32 s21, $0x1;
	s5 =	sshll.u32 s5, $0x10  }
0xb: {  	s11 =	sor.u32 $0x40000, s24;
	s24 =	simm.s32 $0x0;
	s6 =	sor.u32 s7, s6  }
0xc: {  	_ =	strace $0x80000047;
	s8 =	sand.u32 $0x30000, s5;
	s14 =	ssub.s32 s21, s23  }
0xd: {  	s21 =	simm.s32 $0x3;
	s23 =	simm.s32 $0x10100;
	s6 =	sand.u32 $0xCE, s6  }
0xe: {  	s25 =	sor.u32 s11, s8;
	s4 =	sor.u32 s12, s8;
	s5 =	sor.u32 $0x4000, s8  }
0xf: {  	s15 =	sor.u32 $0x8000, s8;
	s8 =	sor.u32 $0xC000, s8;
	s14 =	smax.u32 s14, $0x1  }
0x10: {  	s13 =	sadd.s32 s6, s3;
	s3 =	sshrl.u32 s25, $0x3;
	s4 =	sshrl.u32 s4, $0x3  }
0x11: {  	s26 =	sor.u32 s11, s5;
	s28 =	sor.u32 s12, s5;
	s30 =	sor.u32 s11, s15  }
0x12: {  	s15 =	sor.u32 s12, s15;
	s11 =	sor.u32 s11, s8;
	s12 =	sor.u32 s12, s8  }
0x13: {  	s3 =	sadd.s32 s9, s3;
	s4 =	sadd.s32 s10, s4;
	s6 =	sshrl.u32 s26, $0x3  }
0x14: {  	s29 =	sshrl.u32 s28, $0x3;
	s7 =	sshrl.u32 s30, $0x3;
	s15 =	sshrl.u32 s15, $0x3  }
0x15: {  	s11 =	sshrl.u32 s11, $0x3;
	s31 =	sshrl.u32 s12, $0x3;
	s12 =	sadd.s32 $0x810, s13  }
0x16: {  	s5 =	sadd.s32 s9, s6;
	s6 =	sadd.s32 s10, s29;
	s7 =	sadd.s32 s9, s7  }
0x17: {  	s8 =	sadd.s32 s10, s15;
	s9 =	sadd.s32 s9, s11;
	s10 =	sadd.s32 s10, s31  }
0x18: {  	s11 =	sadd.s32 $0x800, s13;
	s13 =	sadd.s32 $0x820, s13;
	s15 =	simm.s32 $0x4000  }
.LBB2_1:
0x19: {  	[tilespmem:s2], [sflag:$0x1] =	stream.linear.gather [hbm4b:s3+s2], $0x4000, $0x38;
	[tilespmem:$0x10180] =	vst v63  }
0x1a: {  	_ = 	snop  }
0x1b: {  	[tilespmem:s15], [sflag:$0x1] =	stream.linear.gather [hbm4b:s4+s2], $0x4000, $0x38;
	[tilespmem:$0x10180] =	vst v63  }
0x1c: {  	_ = 	snop  }
0x1d: {  	[tilespmem:s16], [sflag:$0x2] =	stream.linear.gather [hbm4b:s5+s2], $0x4000, $0x38;
	[tilespmem:$0x10180] =	vst v63  }
0x1e: {  	v0 =	vimm.f32 $0.0e+00;
	v1 =	vimm.f32 $0.0e+00;
	v2 =	vimm.f32 $0.0e+00  }
0x1f: {  	v3 =	vimm.f32 $0.0e+00;
	v4 =	vimm.f32 $0.0e+00;
	v5 =	vimm.f32 $0.0e+00;
	[tilespmem:s17], [sflag:$0x2] =	stream.linear.gather [hbm4b:s6+s2], $0x4000, $0x38;
	[tilespmem:$0x10180] =	vst v63  }
0x20: {  	v6 =	vimm.f32 $0.0e+00;
	v7 =	vimm.f32 $0.0e+00;
	v8 =	vimm.f32 $0.0e+00;
	_ =	swait.ge [sflag:s18], $0x4000  }
0x21: {  	v9 =	vimm.f32 $0.0e+00;
	v10 =	vimm.f32 $0.0e+00;
	v11 =	vimm.f32 $0.0e+00;
	[sflag:s18] =	ssyncset.done $0x0  }
0x22: {  	v12 =	vimm.f32 $0.0e+00;
	v13 =	vimm.f32 $0.0e+00;
	v14 =	vimm.f32 $0.0e+00;
	[sflag:s18] =	ssyncadd.s32 $0xFFFFC000  }
0x23: {  	v15 =	vimm.f32 $0.0e+00;
	v16 =	vimm.f32 $0.0e+00;
	v17 =	vimm.f32 $0.0e+00;
	_ =	swait.ge [sflag:s18], $0x4000  }
0x24: {  	v18 =	vimm.f32 $0.0e+00;
	v19 =	vimm.f32 $0.0e+00;
	v21 =	vimm.f32 $0.0e+00;
	s25 =	simm.s32 $0x0;
	[sflag:s18] =	ssyncset.done $0x0  }
0x25: {  	s26 =	simm.s32 $0x0;
	v20 =	vimm.f32 $0.0e+00;
	v22 =	vimm.f32 $0.0e+00;
	v23 =	vimm.f32 $0.0e+00;
	s28 =	simm.s32 $0x0;
	[sflag:s18] =	ssyncadd.s32 $0xFFFFC000  }
.LBB2_2:
0x26: {  	s29 =	sshll.u32 s26, $0x2;
	s30 =	sand.u32 $0x7, s25  }
0x27: {  	s29 =	sand.u32 $0xFFFFC000, s29;
	s30 =	sshll.u32 s30, $0x9  }
0x28: {  	s29 =	sor.u32 s30, s29  }
0x29: {  	s29 =	sshrl.u32 s29, $0x2  }
0x2a: {  	s31 =	sadd.s32 $0x4070, s29  }
0x2b: {  	v27 =	vmov s31;
	_ =	sdelay $0x1  }
0x2c: {  	s29 =	sor.u32 $0x40, s29  }
0x2d: {  	v28 =	vmov s29  }
0x2e: {  	s31 =	simm.s32 $0x0  }
0x2f: {  	v24 =	vld.idx.msk [tilespmem:v27+s31+$0xFFFFFF90 ss:$0x1], $0xffff  }
0x30: {  	v25 =	vld.idx.msk [tilespmem:v27+s31+$0xFFFFFFA0 ss:$0x1], $0xffff  }
0x31: {  	v26 =	vld.idx.msk [tilespmem:v27+s31+$0xFFFFFFD0 ss:$0x1], $0xffff  }
0x32: {  	v40 =	vld.idx.msk [tilespmem:v28+s31+$0x10 ss:$0x1], $0xffff  }
0x33: {  	v39 =	vld.idx.msk [tilespmem:v28+s31+$0x0 ss:$0x1], $0xffff  }
0x34: {  	v29 =	vld.idx.msk [tilespmem:v28+s31+$0xFFFFFFD0 ss:$0x1], $0xffff  }
0x35: {  	v43 =	vld.idx.msk [tilespmem:v28+s31+$0xFFFFFFE0 ss:$0x1], $0xffff  }
0x36: {  	v32 =	vld.idx.msk [tilespmem:v28+s31+$0x20 ss:$0x1], $0xffff;
	_ =	sdelay $0x1  }
0x37: {  	v24 =	vcvt.s32.f32 v24  }
0x38: {  	v25 =	vcvt.s32.f32 v25;
	v30 =	vand.u32 $0x7FFFFFFF, v40;
	v36 =	vcvt.s32.f32 v26  }
0x39: {  	v26 =	vand.u32 $0x7FFFFFFF, v39;
	v33 =	vand.u32 $0x7FFFFFFF, v29;
	v34 =	vand.u32 $0x7FFFFFFF, v43  }
0x3a: {  	v45 =	vmin.f32 v30, $8.000000000e+00;
	v30 =	vand.u32 $0x7FFFFFFF, v32;
	v42 =	vmin.f32 v26, $8.000000000e+00  }
0x3b: {  	v26 =	vld.idx.msk [tilespmem:v28+s31+$0x30 ss:$0x1], $0xffff;
	v38 =	vmin.f32 v34, $8.000000000e+00;
	v20 =	vadd.f32 v24, v20;
	v31 =	vmul.f32 $4.985710070e-09, v45  }
0x3c: {  	v35 =	vmul.f32 $4.985710070e-09, v42;
	v37 =	vmin.f32 v30, $8.000000000e+00;
	v18 =	vadd.f32 v25, v18  }
0x3d: {  	v9 =	vadd.f32 v36, v9;
	v53 =	vmul.f32 $4.985710070e-09, v37;
	v30 =	vadd.f32 $-1.490509620e-07, v31  }
0x3e: {  	v31 =	vmul.f32 $4.985710070e-09, v38;
	v41 =	vadd.f32 $-1.490509620e-07, v35;
	v35 =	vmin.f32 v33, $8.000000000e+00  }
0x3f: {  	v54 =	vld.idx.msk [tilespmem:v27+s31+$0xFFFFFFE0 ss:$0x1], $0xffff;
	v34 =	vadd.f32 $-1.490509620e-07, v53;
	v47 =	vmul.f32 $4.985710070e-09, v35;
	v30 =	vmul.f32 v30, v45  }
0x40: {  	v44 =	vadd.f32 $-1.490509620e-07, v31;
	v41 =	vmul.f32 v41, v42;
	v46 =	vand.u32 $0x7FFFFFFF, v26;
	v31 =	vld.idx.msk [tilespmem:v28+s31+$0xFFFFFFC0 ss:$0x1], $0xffff  }
0x41: {  	v34 =	vmul.f32 v34, v37;
	v55 =	vadd.f32 $-1.490509620e-07, v47;
	v48 =	vadd.f32 $1.034633330e-06, v30  }
0x42: {  	v44 =	vmul.f32 v44, v38;
	v41 =	vadd.f32 $1.034633330e-06, v41;
	v30 =	vmin.f32 v46, $8.000000000e+00  }
0x43: {  	v34 =	vadd.f32 $1.034633330e-06, v34;
	v57 =	vmul.f32 v55, v35;
	v62 =	vmul.f32 $4.985710070e-09, v30  }
0x44: {  	v56 =	vmul.f32 v48, v45;
	v44 =	vadd.f32 $1.034633330e-06, v44;
	v41 =	vmul.f32 v41, v42  }
0x45: {  	v48 =	vcvt.s32.f32 v54;
	v34 =	vmul.f32 v34, v37;
	v50 =	vand.u32 $0x7FFFFFFF, v31  }
0x46: {  	v59 =	vld.idx.msk [tilespmem:v27+s31+$0xFFFFFFB0 ss:$0x1], $0xffff;
	v33 =	vadd.f32 $1.034633330e-06, v57;
	v58 =	vadd.f32 $1.545702070e-05, v56;
	v44 =	vmul.f32 v44, v38  }
0x47: {  	v49 =	vadd.f32 $1.545702070e-05, v41;
	v41 =	vld.idx.msk [tilespmem:v28+s31+$0xFFFFFFF0 ss:$0x1], $0xffff;
	v51 =	vmul.f32 v48, v40;
	v6 =	vadd.f32 v48, v6  }
0x48: {  	v56 =	vmul.f32 v36, v39;
	v34 =	vadd.f32 $1.545702070e-05, v34;
	v33 =	vmul.f32 v33, v35  }
0x49: {  	v40 =	vmax.f32 v40, $0.0e+00;
	v46 =	vmul.f32 v58, v45;
	v44 =	vadd.f32 $1.545702070e-05, v44  }
0x4a: {  	v49 =	vmul.f32 v49, v42;
	v52 =	vmul.f32 v34, v37;
	v53 =	vadd.f32 $1.545702070e-05, v33  }
0x4b: {  	v33 =	vcvt.s32.f32 v59;
	v46 =	vadd.f32 $-3.471552050e-04, v46;
	v60 =	vmul.f32 v44, v38  }
0x4c: {  	v61 =	vadd.f32 $-3.471552050e-04, v49;
	v49 =	vadd.f32 $-1.490509620e-07, v62;
	v63 =	vand.u32 $0x7FFFFFFF, v41  }
0x4d: {  	v53 =	vmul.f32 v53, v35;
	v52 =	vadd.f32 $-3.471552050e-04, v52;
	v46 =	vmul.f32 v46, v45  }
0x4e: {  	v44 =	vmul.f32 v61, v42;
	v54 =	vadd.f32 $-3.471552050e-04, v60;
	v34 =	vmin.f32 v63, $8.000000000e+00  }
0x4f: {  	v49 =	vmul.f32 v49, v30;
	v61 =	vmax.f32 v39, $0.0e+00;
	v39 =	vmul.f32 v24, v31  }
0x50: {  	v47 =	vmul.f32 $4.985710070e-09, v34;
	v57 =	vadd.f32 $-3.471552050e-04, v53;
	v52 =	vmul.f32 v52, v37  }
0x51: {  	v46 =	vadd.f32 $2.830098620e-03, v46;
	v55 =	vadd.f32 $2.830098620e-03, v44;
	v44 =	vmin.f32 v50, $8.000000000e+00  }
0x52: {  	v54 =	vmul.f32 v54, v38;
	v47 =	vadd.f32 $-1.490509620e-07, v47;
	v59 =	vmul.f32 $4.985710070e-09, v44  }
0x53: {  	v50 =	vmul.f32 v57, v35;
	v52 =	vadd.f32 $2.830098620e-03, v52;
	v46 =	vmul.f32 v46, v45  }
0x54: {  	v58 =	vmul.f32 v55, v42;
	v54 =	vadd.f32 $2.830098620e-03, v54;
	v55 =	vadd.f32 $-1.490509620e-07, v59  }
0x55: {  	v47 =	vmul.f32 v47, v34;
	v50 =	vadd.f32 $2.830098620e-03, v50;
	v46 =	vadd.f32 $-1.086069920e-02, v46  }
0x56: {  	v52 =	vmul.f32 v52, v37;
	v53 =	vadd.f32 $-1.086069920e-02, v58;
	v54 =	vmul.f32 v54, v38  }
0x57: {  	v47 =	vadd.f32 $1.034633330e-06, v47;
	v55 =	vmul.f32 v55, v44;
	v46 =	vmul.f32 v46, v45  }
0x58: {  	v52 =	vadd.f32 $-1.086069920e-02, v52;
	v50 =	vmul.f32 v50, v35;
	v53 =	vmul.f32 v53, v42  }
0x59: {  	v54 =	vadd.f32 $-1.086069920e-02, v54;
	v47 =	vmul.f32 v47, v34;
	v46 =	vadd.f32 $6.159262730e-03, v46  }
0x5a: {  	v55 =	vadd.f32 $1.034633330e-06, v55;
	v52 =	vmul.f32 v52, v37;
	v50 =	vadd.f32 $-1.086069920e-02, v50  }
0x5b: {  	v53 =	vadd.f32 $6.159262730e-03, v53;
	v54 =	vmul.f32 v54, v38;
	v46 =	vmul.f32 v46, v45  }
0x5c: {  	v47 =	vadd.f32 $1.545702070e-05, v47;
	v55 =	vmul.f32 v55, v44;
	v50 =	vmul.f32 v50, v35  }
0x5d: {  	v52 =	vadd.f32 $6.159262730e-03, v52;
	v53 =	vmul.f32 v53, v42;
	v46 =	vadd.f32 $1.215383110e-01, v46  }
0x5e: {  	v54 =	vadd.f32 $6.159262730e-03, v54;
	v47 =	vmul.f32 v47, v34;
	v55 =	vadd.f32 $1.545702070e-05, v55  }
0x5f: {  	v50 =	vadd.f32 $6.159262730e-03, v50;
	v52 =	vmul.f32 v52, v37;
	v46 =	vmul.f32 v46, v45  }
0x60: {  	v53 =	vadd.f32 $1.215383110e-01, v53;
	v54 =	vmul.f32 v54, v38;
	v47 =	vadd.f32 $-3.471552050e-04, v47  }
0x61: {  	v55 =	vmul.f32 v55, v44;
	v60 =	vmul.f32 v50, v35;
	v46 =	vadd.f32 $-4.991752800e-01, v46  }
0x62: {  	v50 =	vmax.f32 v43, $0.0e+00;
	v43 =	vmul.f32 v33, v43;
	v52 =	vadd.f32 $1.215383110e-01, v52  }
0x63: {  	v53 =	vmul.f32 v53, v42;
	v54 =	vadd.f32 $1.215383110e-01, v54;
	v45 =	vmul.f32 v46, v45  }
0x64: {  	v47 =	vmul.f32 v47, v34;
	v55 =	vadd.f32 $-3.471552050e-04, v55;
	v52 =	vmul.f32 v52, v37  }
0x65: {  	v53 =	vadd.f32 $-4.991752800e-01, v53;
	v54 =	vmul.f32 v54, v38;
	v45 =	vadd.f32 $6.930990810e-01, v45  }
0x66: {  	v55 =	vmul.f32 v55, v44;
	v47 =	vadd.f32 $2.830098620e-03, v47;
	v46 =	vadd.f32 $1.034633330e-06, v49  }
0x67: {  	v49 =	vadd.f32 $1.215383110e-01, v60;
	v58 =	vadd.f32 $-4.991752800e-01, v54;
	v45 =	vmax.f32 v45, $0.0e+00  }
0x68: {  	v42 =	vmul.f32 v53, v42;
	v63 =	vadd.f32 $2.830098620e-03, v55;
	v40 =	vadd.f32 v45, v40  }
0x69: {  	v60 =	vadd.f32 $-4.991752800e-01, v52;
	v47 =	vmul.f32 v47, v34;
	v46 =	vmul.f32 v46, v30  }
0x6a: {  	v49 =	vmul.f32 v49, v35;
	v57 =	vmul.f32 v63, v44;
	v40 =	vsub.f32 v40, v51  }
0x6b: {  	v62 =	vld.idx.msk [tilespmem:v27+s31+$0xFFFFFFC0 ss:$0x1], $0xffff;
	v42 =	vadd.f32 $6.930990810e-01, v42;
	v38 =	vmul.f32 v58, v38;
	v37 =	vmul.f32 v60, v37  }
0x6c: {  	v47 =	vadd.f32 $-1.086069920e-02, v47;
	v59 =	vadd.f32 $-1.086069920e-02, v57;
	v48 =	vmul.f32 v48, v40  }
0x6d: {  	v42 =	vmax.f32 v42, $0.0e+00;
	v38 =	vadd.f32 $6.930990810e-01, v38;
	v63 =	vadd.f32 $-4.991752800e-01, v49  }
0x6e: {  	v49 =	vmax.f32 v32, $0.0e+00;
	v7 =	vadd.f32 v48, v7;
	v48 =	vmul.f32 v59, v44  }
0x6f: {  	v37 =	vadd.f32 $6.930990810e-01, v37;
	v42 =	vadd.f32 v42, v61;
	v47 =	vmul.f32 v47, v34  }
0x70: {  	v8 =	vadd.f32 v40, v8;
	v40 =	vcvt.s32.f32 v62;
	v62 =	vadd.f32 $6.159262730e-03, v48  }
0x71: {  	v61 =	vld.idx.msk [tilespmem:v27+s31+$0xFFFFFFF0 ss:$0x1], $0xffff;
	v57 =	vadd.f32 $1.545702070e-05, v46;
	v38 =	vmax.f32 v38, $0.0e+00;
	v37 =	vmax.f32 v37, $0.0e+00  }
0x72: {  	v42 =	vsub.f32 v42, v56;
	v38 =	vadd.f32 v38, v50;
	v45 =	vmul.f32 v62, v44  }
0x73: {  	v63 =	vmul.f32 v63, v35;
	v47 =	vadd.f32 $6.159262730e-03, v47;
	v35 =	vadd.f32 v37, v49  }
0x74: {  	v60 =	vmul.f32 v57, v30;
	v11 =	vadd.f32 v42, v11;
	v55 =	vadd.f32 $1.215383110e-01, v45  }
0x75: {  	v50 =	vsub.f32 v38, v43;
	v52 =	vmul.f32 v36, v42;
	v56 =	vmul.f32 v47, v34  }
0x76: {  	v42 =	vmax.f32 v41, $0.0e+00;
	v36 =	vcvt.s32.f32 v61;
	v58 =	vmul.f32 v55, v44  }
0x77: {  	v12 =	vadd.f32 v40, v12;
	v59 =	vmul.f32 v33, v50;
	v47 =	vadd.f32 $1.215383110e-01, v56  }
0x78: {  	v38 =	vmul.f32 v40, v41;
	v43 =	vmul.f32 v36, v32;
	v32 =	vadd.f32 $-4.991752800e-01, v58  }
0x79: {  	v17 =	vadd.f32 v50, v17;
	v61 =	vmul.f32 v47, v34;
	v62 =	vadd.f32 $-3.471552050e-04, v60  }
0x7a: {  	v10 =	vadd.f32 v52, v10;
	v3 =	vadd.f32 v36, v3;
	v44 =	vmul.f32 v32, v44  }
0x7b: {  	v16 =	vadd.f32 v59, v16;
	v41 =	vadd.f32 $-4.991752800e-01, v61;
	v46 =	vmul.f32 v62, v30  }
0x7c: {  	s29 =	simm.s32 $0x1000;
	v37 =	vmax.f32 v29, $0.0e+00;
	v32 =	vld.idx.msk [tilespmem:v27+s31+$0x0 ss:$0x1], $0xffff;
	v45 =	vadd.f32 $6.930990810e-01, v44;
	v44 =	vadd.f32 $6.930990810e-01, v63  }
.LBB2_3:
0x7d: {  	s30 =	sshra.s32 s29, $0x2;
	p0 =	sne.s32 s29, $0x3000;
	s29 =	sadd.s32 $0x1000, s29;
	v15 =	vadd.f32 v33, v15;
	v33 =	vmul.f32 v41, v34;
	v34 =	vadd.f32 $2.830098620e-03, v46  }
0x7e: {  	v31 =	vmax.f32 v31, $0.0e+00;
	v41 =	vld.idx.msk [tilespmem:v27+s30+$0xFFFFFF90 ss:$0x1], $0xffff;
	v45 =	vmax.f32 v45, $0.0e+00;
	v44 =	vmax.f32 v44, $0.0e+00  }
0x7f: {  	v49 =	vsub.f32 v35, v43;
	v46 =	vld.idx.msk [tilespmem:v27+s30+$0x0 ss:$0x1], $0xffff;
	v33 =	vadd.f32 $6.930990810e-01, v33;
	v34 =	vmul.f32 v34, v30  }
0x80: {  	v29 =	vmul.f32 v25, v29;
	v31 =	vadd.f32 v45, v31;
	v35 =	vadd.f32 v44, v37;
	v43 =	vld.idx.msk [tilespmem:v27+s30+$0xFFFFFFA0 ss:$0x1], $0xffff  }
0x81: {  	v36 =	vmul.f32 v36, v49;
	v37 =	vld.idx.msk [tilespmem:v27+s30+$0xFFFFFFD0 ss:$0x1], $0xffff;
	v33 =	vmax.f32 v33, $0.0e+00;
	v34 =	vadd.f32 $-1.086069920e-02, v34  }
0x82: {  	v29 =	vsub.f32 v35, v29;
	v44 =	vld.idx.msk [tilespmem:v27+s30+$0xFFFFFFE0 ss:$0x1], $0xffff;
	v33 =	vadd.f32 v33, v42  }
0x83: {  	v50 =	vsub.f32 v31, v39;
	v4 =	vadd.f32 v36, v4;
	v47 =	vld.idx.msk [tilespmem:v28+s30+$0x30 ss:$0x1], $0xffff;
	v31 =	vmul.f32 v34, v30  }
0x84: {  	v21 =	vadd.f32 v29, v21;
	v34 =	vmul.f32 v25, v29;
	v35 =	vld.idx.msk [tilespmem:v28+s30+$0x20 ss:$0x1], $0xffff;
	v33 =	vsub.f32 v33, v38  }
0x85: {  	v38 =	vmul.f32 v24, v50;
	v24 =	vcvt.s32.f32 v41;
	v29 =	vld.idx.msk [tilespmem:v28+s30+$0xFFFFFFD0 ss:$0x1], $0xffff;
	v31 =	vadd.f32 $6.159262730e-03, v31  }
0x86: {  	v25 =	vcvt.s32.f32 v43;
	v41 =	vld.idx.msk [tilespmem:v28+s30+$0xFFFFFFE0 ss:$0x1], $0xffff;
	v14 =	vadd.f32 v33, v14;
	v33 =	vmul.f32 v40, v33  }
0x87: {  	v20 =	vadd.f32 v24, v20;
	v36 =	vcvt.s32.f32 v37;
	v39 =	vld.idx.msk [tilespmem:v28+s30+$0x0 ss:$0x1], $0xffff;
	v31 =	vmul.f32 v31, v30  }
0x88: {  	v51 =	vcvt.s32.f32 v32;
	v32 =	vmovc v46;
	v22 =	vadd.f32 v38, v22;
	v18 =	vadd.f32 v25, v18;
	v43 =	vld.idx.msk [tilespmem:v28+s30+$0x10 ss:$0x1], $0xffff  }
0x89: {  	v19 =	vadd.f32 v34, v19;
	v37 =	vand.u32 $0x7FFFFFFF, v47;
	v34 =	vadd.f32 $1.215383110e-01, v31  }
0x8a: {  	v52 =	vmul.f32 v51, v26;
	v38 =	vand.u32 $0x7FFFFFFF, v35;
	v46 =	vmin.f32 v37, $8.000000000e+00;
	v31 =	vld.idx.msk [tilespmem:v28+s30+$0xFFFFFFC0 ss:$0x1], $0xffff  }
0x8b: {  	v0 =	vadd.f32 v51, v0;
	v37 =	vand.u32 $0x7FFFFFFF, v29;
	v38 =	vmin.f32 v38, $8.000000000e+00  }
0x8c: {  	v42 =	vcvt.s32.f32 v44;
	v40 =	vand.u32 $0x7FFFFFFF, v41;
	v34 =	vmul.f32 v34, v30  }
0x8d: {  	v13 =	vadd.f32 v33, v13;
	v40 =	vmin.f32 v40, $8.000000000e+00;
	v44 =	vand.u32 $0x7FFFFFFF, v39  }
0x8e: {  	v37 =	vmin.f32 v37, $8.000000000e+00;
	v33 =	vmul.f32 $4.985710070e-09, v40;
	v48 =	vand.u32 $0x7FFFFFFF, v43  }
0x8f: {  	v45 =	vmin.f32 v44, $8.000000000e+00;
	v44 =	vmul.f32 $4.985710070e-09, v38;
	v48 =	vmin.f32 v48, $8.000000000e+00  }
0x90: {  	v34 =	vadd.f32 $-4.991752800e-01, v34;
	v53 =	vand.u32 $0x7FFFFFFF, v31;
	v54 =	vmul.f32 $4.985710070e-09, v48  }
0x91: {  	v57 =	vmax.f32 v26, $0.0e+00;
	v26 =	vmovc v47;
	v55 =	vmul.f32 $4.985710070e-09, v37;
	v56 =	vmul.f32 $4.985710070e-09, v45  }
0x92: {  	v23 =	vadd.f32 v50, v23;
	v34 =	vmul.f32 v34, v30;
	v30 =	vmovc v46;
	v54 =	vadd.f32 $-1.490509620e-07, v54  }
0x93: {  	v47 =	vmul.f32 v42, v43;
	v46 =	vadd.f32 $-1.490509620e-07, v55;
	v50 =	vadd.f32 $-1.490509620e-07, v56  }
0x94: {  	v44 =	vadd.f32 $-1.490509620e-07, v44;
	v34 =	vadd.f32 $6.930990810e-01, v34;
	v54 =	vmul.f32 v54, v48  }
0x95: {  	v33 =	vadd.f32 $-1.490509620e-07, v33;
	v46 =	vmul.f32 v46, v37;
	v50 =	vmul.f32 v50, v45  }
0x96: {  	v44 =	vmul.f32 v44, v38;
	v34 =	vmax.f32 v34, $0.0e+00;
	v54 =	vadd.f32 $1.034633330e-06, v54  }
0x97: {  	v33 =	vmul.f32 v33, v40;
	v50 =	vadd.f32 $1.034633330e-06, v50;
	v34 =	vadd.f32 v34, v57  }
0x98: {  	v5 =	vadd.f32 v49, v5;
	v44 =	vadd.f32 $1.034633330e-06, v44;
	v54 =	vmul.f32 v54, v48  }
0x99: {  	v33 =	vadd.f32 $1.034633330e-06, v33;
	v49 =	vmul.f32 v50, v45;
	v34 =	vsub.f32 v34, v52  }
0x9a: {  	v46 =	vadd.f32 $1.034633330e-06, v46;
	v52 =	vadd.f32 $1.545702070e-05, v54;
	v54 =	vmul.f32 v44, v38;
	v50 =	vld.idx.msk [tilespmem:v27+s30+$0xFFFFFFB0 ss:$0x1], $0xffff  }
0x9b: {  	v33 =	vmul.f32 v33, v40;
	v49 =	vadd.f32 $1.545702070e-05, v49;
	v51 =	vmul.f32 v51, v34;
	v44 =	vld.idx.msk [tilespmem:v28+s30+$0xFFFFFFF0 ss:$0x1], $0xffff  }
0x9c: {  	v2 =	vadd.f32 v34, v2;
	v52 =	vmul.f32 v52, v48;
	v54 =	vadd.f32 $1.545702070e-05, v54  }
0x9d: {  	v33 =	vadd.f32 $1.545702070e-05, v33;
	v34 =	vmul.f32 v49, v45;
	v1 =	vadd.f32 v51, v1  }
0x9e: {  	v46 =	vmul.f32 v46, v37;
	v49 =	vadd.f32 $-3.471552050e-04, v52;
	v51 =	vmul.f32 v54, v38  }
0x9f: {  	v34 =	vadd.f32 $-3.471552050e-04, v34;
	v52 =	vmul.f32 v33, v40;
	v54 =	vmul.f32 $4.985710070e-09, v30  }
0xa0: {  	v46 =	vadd.f32 $1.545702070e-05, v46;
	v33 =	vcvt.s32.f32 v50;
	v49 =	vmul.f32 v49, v48  }
0xa1: {  	v55 =	vmul.f32 v34, v45;
	v50 =	vadd.f32 $-3.471552050e-04, v52;
	v52 =	vand.u32 $0x7FFFFFFF, v44  }
0xa2: {  	v56 =	vmul.f32 v46, v37;
	v34 =	vmin.f32 v52, $8.000000000e+00;
	v49 =	vadd.f32 $2.830098620e-03, v49  }
0xa3: {  	v54 =	vadd.f32 $-1.490509620e-07, v54;
	v55 =	vadd.f32 $2.830098620e-03, v55;
	v52 =	vmul.f32 $4.985710070e-09, v34  }
0xa4: {  	v46 =	vmin.f32 v53, $8.000000000e+00;
	v53 =	vadd.f32 $-3.471552050e-04, v56;
	v49 =	vmul.f32 v49, v48  }
0xa5: {  	v51 =	vadd.f32 $-3.471552050e-04, v51;
	v55 =	vmul.f32 v55, v45;
	v52 =	vadd.f32 $-1.490509620e-07, v52  }
0xa6: {  	v6 =	vadd.f32 v42, v6;
	v56 =	vmul.f32 $4.985710070e-09, v46;
	v53 =	vmul.f32 v53, v37  }
0xa7: {  	v51 =	vmul.f32 v51, v38;
	v49 =	vadd.f32 $-1.086069920e-02, v49;
	v52 =	vmul.f32 v52, v34  }
0xa8: {  	v56 =	vadd.f32 $-1.490509620e-07, v56;
	v53 =	vadd.f32 $2.830098620e-03, v53;
	v50 =	vmul.f32 v50, v40  }
0xa9: {  	v51 =	vadd.f32 $2.830098620e-03, v51;
	v49 =	vmul.f32 v49, v48;
	v52 =	vadd.f32 $1.034633330e-06, v52  }
0xaa: {  	v56 =	vmul.f32 v56, v46;
	v50 =	vadd.f32 $2.830098620e-03, v50;
	v55 =	vadd.f32 $-1.086069920e-02, v55  }
0xab: {  	v51 =	vmul.f32 v51, v38;
	v49 =	vadd.f32 $6.159262730e-03, v49;
	v52 =	vmul.f32 v52, v34  }
0xac: {  	v56 =	vadd.f32 $1.034633330e-06, v56;
	v50 =	vmul.f32 v50, v40;
	v55 =	vmul.f32 v55, v45  }
0xad: {  	v51 =	vadd.f32 $-1.086069920e-02, v51;
	v49 =	vmul.f32 v49, v48;
	v52 =	vadd.f32 $1.545702070e-05, v52  }
0xae: {  	v53 =	vmul.f32 v53, v37;
	v56 =	vmul.f32 v56, v46;
	v55 =	vadd.f32 $6.159262730e-03, v55  }
0xaf: {  	v51 =	vmul.f32 v51, v38;
	v49 =	vadd.f32 $1.215383110e-01, v49;
	v52 =	vmul.f32 v52, v34  }
0xb0: {  	v53 =	vadd.f32 $-1.086069920e-02, v53;
	v56 =	vadd.f32 $1.545702070e-05, v56;
	v55 =	vmul.f32 v55, v45  }
0xb1: {  	v51 =	vadd.f32 $6.159262730e-03, v51;
	v49 =	vmul.f32 v49, v48;
	v52 =	vadd.f32 $-3.471552050e-04, v52  }
0xb2: {  	v53 =	vmul.f32 v53, v37;
	v50 =	vadd.f32 $-1.086069920e-02, v50;
	v55 =	vadd.f32 $1.215383110e-01, v55  }
0xb3: {  	v54 =	vmul.f32 v54, v30;
	v56 =	vmul.f32 v56, v46;
	v49 =	vadd.f32 $-4.991752800e-01, v49  }
0xb4: {  	v53 =	vadd.f32 $6.159262730e-03, v53;
	v50 =	vmul.f32 v50, v40;
	v52 =	vmul.f32 v52, v34  }
0xb5: {  	v55 =	vmul.f32 v55, v45;
	v48 =	vmul.f32 v49, v48;
	v49 =	vadd.f32 $1.034633330e-06, v54  }
0xb6: {  	v57 =	vmul.f32 v36, v39;
	v53 =	vmul.f32 v53, v37;
	v54 =	vmax.f32 v41, $0.0e+00  }
0xb7: {  	v56 =	vadd.f32 $-3.471552050e-04, v56;
	v51 =	vmul.f32 v51, v38;
	v48 =	vadd.f32 $6.930990810e-01, v48  }
0xb8: {  	v50 =	vadd.f32 $6.159262730e-03, v50;
	v55 =	vadd.f32 $-4.991752800e-01, v55;
	v41 =	vmul.f32 v33, v41  }
0xb9: {  	v43 =	vmax.f32 v43, $0.0e+00;
	v51 =	vadd.f32 $1.215383110e-01, v51;
	v48 =	vmax.f32 v48, $0.0e+00  }
0xba: {  	v58 =	vmax.f32 v39, $0.0e+00;
	v50 =	vmul.f32 v50, v40;
	v43 =	vadd.f32 v48, v43  }
0xbb: {  	v9 =	vadd.f32 v36, v9;
	v39 =	vmul.f32 v24, v31;
	v45 =	vmul.f32 v55, v45  }
0xbc: {  	v50 =	vadd.f32 $1.215383110e-01, v50;
	v48 =	vmul.f32 v56, v46;
	v43 =	vsub.f32 v43, v47  }
0xbd: {  	v52 =	vadd.f32 $2.830098620e-03, v52;
	v47 =	vadd.f32 $1.215383110e-01, v53;
	v53 =	vld.idx.msk [tilespmem:v27+s30+$0xFFFFFFC0 ss:$0x1], $0xffff  }
0xbe: {  	v50 =	vmul.f32 v50, v40;
	v48 =	vadd.f32 $2.830098620e-03, v48;
	v42 =	vmul.f32 v42, v43  }
0xbf: {  	v45 =	vadd.f32 $6.930990810e-01, v45;
	v8 =	vadd.f32 v43, v8;
	v43 =	vmul.f32 v51, v38  }
0xc0: {  	v50 =	vadd.f32 $-4.991752800e-01, v50;
	v48 =	vmul.f32 v48, v46;
	v7 =	vadd.f32 v42, v7  }
0xc1: {  	v49 =	vmul.f32 v49, v30;
	v45 =	vmax.f32 v45, $0.0e+00;
	v42 =	vmul.f32 v52, v34  }
0xc2: {  	v50 =	vmul.f32 v50, v40;
	v47 =	vmul.f32 v47, v37;
	v48 =	vadd.f32 $-1.086069920e-02, v48  }
0xc3: {  	v45 =	vadd.f32 v45, v58;
	v43 =	vadd.f32 $-4.991752800e-01, v43;
	v40 =	vcvt.s32.f32 v53;
	v51 =	vld.idx.msk [tilespmem:v27+s30+$0xFFFFFFF0 ss:$0x1], $0xffff  }
0xc4: {  	v50 =	vadd.f32 $6.930990810e-01, v50;
	v48 =	vmul.f32 v48, v46;
	v42 =	vadd.f32 $-1.086069920e-02, v42  }
0xc5: {  	v45 =	vsub.f32 v45, v57;
	v38 =	vmul.f32 v43, v38;
	v12 =	vadd.f32 v40, v12  }
0xc6: {  	v43 =	vadd.f32 $6.159262730e-03, v48;
	v48 =	vmax.f32 v50, $0.0e+00;
	v42 =	vmul.f32 v42, v34  }
0xc7: {  	v47 =	vadd.f32 $-4.991752800e-01, v47;
	v50 =	vmax.f32 v35, $0.0e+00;
	v48 =	vadd.f32 v48, v54  }
0xc8: {  	v11 =	vadd.f32 v45, v11;
	v43 =	vmul.f32 v43, v46;
	v42 =	vadd.f32 $6.159262730e-03, v42  }
0xc9: {  	v45 =	vmul.f32 v36, v45;
	v41 =	vsub.f32 v48, v41;
	v36 =	vcvt.s32.f32 v51  }
0xca: {  	v49 =	vadd.f32 $1.545702070e-05, v49;
	v48 =	vadd.f32 $1.215383110e-01, v43;
	v42 =	vmul.f32 v42, v34  }
0xcb: {  	v51 =	vadd.f32 $6.930990810e-01, v38;
	v43 =	vmul.f32 v36, v35;
	v3 =	vadd.f32 v36, v3  }
0xcc: {  	v52 =	vadd.f32 $1.215383110e-01, v42;
	v35 =	vmul.f32 v48, v46;
	v48 =	vmul.f32 v33, v41  }
0xcd: {  	v42 =	vmax.f32 v44, $0.0e+00;
	v38 =	vmul.f32 v40, v44;
	v44 =	vmul.f32 v49, v30  }
.Ltmp0:
0xce: {  	v35 =	vadd.f32 $-4.991752800e-01, v35;
	v16 =	vadd.f32 v48, v16;
	v48 =	vmul.f32 v52, v34;
	(pc) =	sbr.rel @p0 .LBB2_3-.Ltmp0, $4  }
0xcf: {  	v17 =	vadd.f32 v41, v17;
	v41 =	vmax.f32 v51, $0.0e+00;
	v44 =	vadd.f32 $-3.471552050e-04, v44  }
0xd0: {  	v37 =	vmul.f32 v47, v37;
	v49 =	vmul.f32 v35, v46;
	v35 =	vadd.f32 v41, v50  }
0xd1: {  	v10 =	vadd.f32 v45, v10;
	v41 =	vadd.f32 $-4.991752800e-01, v48;
	v46 =	vmul.f32 v44, v30  }
0xd2: {  	v44 =	vadd.f32 $6.930990810e-01, v37;
	v37 =	vmax.f32 v29, $0.0e+00;
	v45 =	vadd.f32 $6.930990810e-01, v49  }
0xd3: {  	v27 =	vadd.f32 $2.830098620e-03, v46;
	_ =	sdelay $0x1  }
0xd4: {  	v27 =	vmul.f32 v27, v30;
	_ =	sdelay $0x1  }
0xd5: {  	v27 =	vadd.f32 $-1.086069920e-02, v27;
	_ =	sdelay $0x1  }
0xd6: {  	v27 =	vmul.f32 v27, v30;
	_ =	sdelay $0x1  }
0xd7: {  	v27 =	vadd.f32 $6.159262730e-03, v27;
	_ =	sdelay $0x1  }
0xd8: {  	v27 =	vmul.f32 v27, v30;
	_ =	sdelay $0x1  }
0xd9: {  	v27 =	vadd.f32 $1.215383110e-01, v27;
	_ =	sdelay $0x1  }
0xda: {  	v27 =	vmul.f32 v27, v30;
	_ =	sdelay $0x1  }
0xdb: {  	v28 =	vmul.f32 v41, v34;
	v31 =	vmax.f32 v31, $0.0e+00;
	v27 =	vadd.f32 $-4.991752800e-01, v27  }
0xdc: {  	v35 =	vsub.f32 v35, v43;
	v29 =	vmul.f32 v25, v29;
	v15 =	vadd.f32 v33, v15  }
0xdd: {  	v32 =	vcvt.s32.f32 v32;
	v28 =	vadd.f32 $6.930990810e-01, v28;
	v27 =	vmul.f32 v27, v30  }
0xde: {  	v60 =	vmax.f32 v26, $0.0e+00;
	v56 =	vmax.f32 v45, $0.0e+00;
	v57 =	vmax.f32 v44, $0.0e+00  }
0xdf: {  	v37 =	vadd.f32 v57, v37;
	v28 =	vmax.f32 v28, $0.0e+00;
	v27 =	vadd.f32 $6.930990810e-01, v27  }
0xe0: {  	v58 =	vadd.f32 v56, v31;
	v59 =	vmul.f32 v36, v35;
	v28 =	vadd.f32 v28, v42  }
0xe1: {  	v0 =	vadd.f32 v32, v0;
	v29 =	vsub.f32 v37, v29;
	v27 =	vmax.f32 v27, $0.0e+00  }
0xe2: {  	s28 =	sadd.s32 $0x1, s28;
	v61 =	vmul.f32 v32, v26;
	v28 =	vsub.f32 v28, v38;
	v27 =	vadd.f32 v27, v60  }
0xe3: {  	p0 =	sne.s32 s28, $0x20;
	v5 =	vadd.f32 v35, v5;
	v62 =	vmul.f32 v25, v29;
	v30 =	vsub.f32 v58, v39  }
.Ltmp1:
0xe4: {  	v14 =	vadd.f32 v28, v14;
	v28 =	vmul.f32 v40, v28;
	v26 =	vsub.f32 v27, v61;
	(pc) =	sbr.rel @p0 .LBB2_2-.Ltmp1, $4  }
0xe5: {  	v4 =	vadd.f32 v59, v4;
	v21 =	vadd.f32 v29, v21;
	v24 =	vmul.f32 v24, v30  }
0xe6: {  	v19 =	vadd.f32 v62, v19;
	v13 =	vadd.f32 v28, v13;
	v63 =	vmul.f32 v32, v26  }
0xe7: {  	v23 =	vadd.f32 v30, v23;
	v22 =	vadd.f32 v24, v22  }
0xe8: {  	s26 =	sadd.s32 $0x200, s26;
	s25 =	sadd.s32 $0x1, s25;
	v2 =	vadd.f32 v26, v2;
	v1 =	vadd.f32 v63, v1  }
0xe9: {  	s25 =	simm.s32 $0x0  }
0xea: {  	[tilespmem:s25], [sflag:$0x1] =	stream.linear.gather [hbm4b:s7+s25], $0x4000, $0x38;
	[tilespmem:$0x10180] =	vst v63  }
0xeb: {  	_ = 	snop  }
0xec: {  	[tilespmem:s15], [sflag:$0x1] =	stream.linear.gather [hbm4b:s8+s25], $0x4000, $0x38;
	[tilespmem:$0x10180] =	vst v63  }
0xed: {  	_ =	swait.ge [sflag:s19], $0x4000  }
0xee: {  	[sflag:s19] =	ssyncset.done $0x0  }
0xef: {  	[sflag:s19] =	ssyncadd.s32 $0xFFFFC000  }
0xf0: {  	_ =	swait.ge [sflag:s19], $0x4000  }
0xf1: {  	[sflag:s19] =	ssyncset.done $0x0  }
0xf2: {  	s26 =	simm.s32 $0x0;
	s28 =	simm.s32 $0x0;
	[sflag:s19] =	ssyncadd.s32 $0xFFFFC000  }
.LBB2_6:
0xf3: {  	s29 =	sshll.u32 s26, $0x2;
	s30 =	sand.u32 $0x7, s25  }
0xf4: {  	s29 =	sand.u32 $0xFFFFC000, s29;
	s30 =	sshll.u32 s30, $0x9  }
0xf5: {  	s29 =	sor.u32 s30, s29  }
0xf6: {  	s29 =	sshrl.u32 s29, $0x2  }
0xf7: {  	s31 =	sadd.s32 $0xC070, s29  }
0xf8: {  	v27 =	vmov s31;
	_ =	sdelay $0x1  }
0xf9: {  	s29 =	sadd.s32 $0x8040, s29  }
0xfa: {  	v28 =	vmov s29  }
0xfb: {  	s31 =	simm.s32 $0x0  }
0xfc: {  	v24 =	vld.idx.msk [tilespmem:v27+s31+$0xFFFFFF90 ss:$0x1], $0xffff  }
0xfd: {  	v25 =	vld.idx.msk [tilespmem:v27+s31+$0xFFFFFFA0 ss:$0x1], $0xffff  }
0xfe: {  	v26 =	vld.idx.msk [tilespmem:v27+s31+$0xFFFFFFD0 ss:$0x1], $0xffff  }
0xff: {  	v40 =	vld.idx.msk [tilespmem:v28+s31+$0x10 ss:$0x1], $0xffff  }
0x100: {  	v39 =	vld.idx.msk [tilespmem:v28+s31+$0x0 ss:$0x1], $0xffff  }
0x101: {  	v29 =	vld.idx.msk [tilespmem:v28+s31+$0xFFFFFFD0 ss:$0x1], $0xffff  }
0x102: {  	v43 =	vld.idx.msk [tilespmem:v28+s31+$0xFFFFFFE0 ss:$0x1], $0xffff  }
0x103: {  	v32 =	vld.idx.msk [tilespmem:v28+s31+$0x20 ss:$0x1], $0xffff;
	_ =	sdelay $0x1  }
0x104: {  	v24 =	vcvt.s32.f32 v24  }
0x105: {  	v25 =	vcvt.s32.f32 v25;
	v30 =	vand.u32 $0x7FFFFFFF, v40;
	v36 =	vcvt.s32.f32 v26  }
0x106: {  	v26 =	vand.u32 $0x7FFFFFFF, v39;
	v33 =	vand.u32 $0x7FFFFFFF, v29;
	v34 =	vand.u32 $0x7FFFFFFF, v43  }
0x107: {  	v45 =	vmin.f32 v30, $8.000000000e+00;
	v30 =	vand.u32 $0x7FFFFFFF, v32;
	v42 =	vmin.f32 v26, $8.000000000e+00  }
0x108: {  	v26 =	vld.idx.msk [tilespmem:v28+s31+$0x30 ss:$0x1], $0xffff;
	v38 =	vmin.f32 v34, $8.000000000e+00;
	v20 =	vadd.f32 v24, v20;
	v31 =	vmul.f32 $4.985710070e-09, v45  }
0x109: {  	v35 =	vmul.f32 $4.985710070e-09, v42;
	v37 =	vmin.f32 v30, $8.000000000e+00;
	v18 =	vadd.f32 v25, v18  }
0x10a: {  	v9 =	vadd.f32 v36, v9;
	v53 =	vmul.f32 $4.985710070e-09, v37;
	v30 =	vadd.f32 $-1.490509620e-07, v31  }
0x10b: {  	v31 =	vmul.f32 $4.985710070e-09, v38;
	v41 =	vadd.f32 $-1.490509620e-07, v35;
	v35 =	vmin.f32 v33, $8.000000000e+00  }
0x10c: {  	v54 =	vld.idx.msk [tilespmem:v27+s31+$0xFFFFFFE0 ss:$0x1], $0xffff;
	v34 =	vadd.f32 $-1.490509620e-07, v53;
	v47 =	vmul.f32 $4.985710070e-09, v35;
	v30 =	vmul.f32 v30, v45  }
0x10d: {  	v44 =	vadd.f32 $-1.490509620e-07, v31;
	v41 =	vmul.f32 v41, v42;
	v46 =	vand.u32 $0x7FFFFFFF, v26;
	v31 =	vld.idx.msk [tilespmem:v28+s31+$0xFFFFFFC0 ss:$0x1], $0xffff  }
0x10e: {  	v34 =	vmul.f32 v34, v37;
	v55 =	vadd.f32 $-1.490509620e-07, v47;
	v48 =	vadd.f32 $1.034633330e-06, v30  }
0x10f: {  	v44 =	vmul.f32 v44, v38;
	v41 =	vadd.f32 $1.034633330e-06, v41;
	v30 =	vmin.f32 v46, $8.000000000e+00  }
0x110: {  	v34 =	vadd.f32 $1.034633330e-06, v34;
	v57 =	vmul.f32 v55, v35;
	v62 =	vmul.f32 $4.985710070e-09, v30  }
0x111: {  	v56 =	vmul.f32 v48, v45;
	v44 =	vadd.f32 $1.034633330e-06, v44;
	v41 =	vmul.f32 v41, v42  }
0x112: {  	v48 =	vcvt.s32.f32 v54;
	v34 =	vmul.f32 v34, v37;
	v50 =	vand.u32 $0x7FFFFFFF, v31  }
0x113: {  	v59 =	vld.idx.msk [tilespmem:v27+s31+$0xFFFFFFB0 ss:$0x1], $0xffff;
	v33 =	vadd.f32 $1.034633330e-06, v57;
	v58 =	vadd.f32 $1.545702070e-05, v56;
	v44 =	vmul.f32 v44, v38  }
0x114: {  	v49 =	vadd.f32 $1.545702070e-05, v41;
	v41 =	vld.idx.msk [tilespmem:v28+s31+$0xFFFFFFF0 ss:$0x1], $0xffff;
	v51 =	vmul.f32 v48, v40;
	v6 =	vadd.f32 v48, v6  }
0x115: {  	v56 =	vmul.f32 v36, v39;
	v34 =	vadd.f32 $1.545702070e-05, v34;
	v33 =	vmul.f32 v33, v35  }
0x116: {  	v40 =	vmax.f32 v40, $0.0e+00;
	v46 =	vmul.f32 v58, v45;
	v44 =	vadd.f32 $1.545702070e-05, v44  }
0x117: {  	v49 =	vmul.f32 v49, v42;
	v52 =	vmul.f32 v34, v37;
	v53 =	vadd.f32 $1.545702070e-05, v33  }
0x118: {  	v33 =	vcvt.s32.f32 v59;
	v46 =	vadd.f32 $-3.471552050e-04, v46;
	v60 =	vmul.f32 v44, v38  }
0x119: {  	v61 =	vadd.f32 $-3.471552050e-04, v49;
	v49 =	vadd.f32 $-1.490509620e-07, v62;
	v63 =	vand.u32 $0x7FFFFFFF, v41  }
0x11a: {  	v53 =	vmul.f32 v53, v35;
	v52 =	vadd.f32 $-3.471552050e-04, v52;
	v46 =	vmul.f32 v46, v45  }
0x11b: {  	v44 =	vmul.f32 v61, v42;
	v54 =	vadd.f32 $-3.471552050e-04, v60;
	v34 =	vmin.f32 v63, $8.000000000e+00  }
0x11c: {  	v49 =	vmul.f32 v49, v30;
	v61 =	vmax.f32 v39, $0.0e+00;
	v39 =	vmul.f32 v24, v31  }
0x11d: {  	v47 =	vmul.f32 $4.985710070e-09, v34;
	v57 =	vadd.f32 $-3.471552050e-04, v53;
	v52 =	vmul.f32 v52, v37  }
0x11e: {  	v46 =	vadd.f32 $2.830098620e-03, v46;
	v55 =	vadd.f32 $2.830098620e-03, v44;
	v44 =	vmin.f32 v50, $8.000000000e+00  }
0x11f: {  	v54 =	vmul.f32 v54, v38;
	v47 =	vadd.f32 $-1.490509620e-07, v47;
	v59 =	vmul.f32 $4.985710070e-09, v44  }
0x120: {  	v50 =	vmul.f32 v57, v35;
	v52 =	vadd.f32 $2.830098620e-03, v52;
	v46 =	vmul.f32 v46, v45  }
0x121: {  	v58 =	vmul.f32 v55, v42;
	v54 =	vadd.f32 $2.830098620e-03, v54;
	v55 =	vadd.f32 $-1.490509620e-07, v59  }
0x122: {  	v47 =	vmul.f32 v47, v34;
	v50 =	vadd.f32 $2.830098620e-03, v50;
	v46 =	vadd.f32 $-1.086069920e-02, v46  }
0x123: {  	v52 =	vmul.f32 v52, v37;
	v53 =	vadd.f32 $-1.086069920e-02, v58;
	v54 =	vmul.f32 v54, v38  }
0x124: {  	v47 =	vadd.f32 $1.034633330e-06, v47;
	v55 =	vmul.f32 v55, v44;
	v46 =	vmul.f32 v46, v45  }
0x125: {  	v52 =	vadd.f32 $-1.086069920e-02, v52;
	v50 =	vmul.f32 v50, v35;
	v53 =	vmul.f32 v53, v42  }
0x126: {  	v54 =	vadd.f32 $-1.086069920e-02, v54;
	v47 =	vmul.f32 v47, v34;
	v46 =	vadd.f32 $6.159262730e-03, v46  }
0x127: {  	v55 =	vadd.f32 $1.034633330e-06, v55;
	v52 =	vmul.f32 v52, v37;
	v50 =	vadd.f32 $-1.086069920e-02, v50  }
0x128: {  	v53 =	vadd.f32 $6.159262730e-03, v53;
	v54 =	vmul.f32 v54, v38;
	v46 =	vmul.f32 v46, v45  }
0x129: {  	v47 =	vadd.f32 $1.545702070e-05, v47;
	v55 =	vmul.f32 v55, v44;
	v50 =	vmul.f32 v50, v35  }
0x12a: {  	v52 =	vadd.f32 $6.159262730e-03, v52;
	v53 =	vmul.f32 v53, v42;
	v46 =	vadd.f32 $1.215383110e-01, v46  }
0x12b: {  	v54 =	vadd.f32 $6.159262730e-03, v54;
	v47 =	vmul.f32 v47, v34;
	v55 =	vadd.f32 $1.545702070e-05, v55  }
0x12c: {  	v50 =	vadd.f32 $6.159262730e-03, v50;
	v52 =	vmul.f32 v52, v37;
	v46 =	vmul.f32 v46, v45  }
0x12d: {  	v53 =	vadd.f32 $1.215383110e-01, v53;
	v54 =	vmul.f32 v54, v38;
	v47 =	vadd.f32 $-3.471552050e-04, v47  }
0x12e: {  	v55 =	vmul.f32 v55, v44;
	v60 =	vmul.f32 v50, v35;
	v46 =	vadd.f32 $-4.991752800e-01, v46  }
0x12f: {  	v50 =	vmax.f32 v43, $0.0e+00;
	v43 =	vmul.f32 v33, v43;
	v52 =	vadd.f32 $1.215383110e-01, v52  }
0x130: {  	v53 =	vmul.f32 v53, v42;
	v54 =	vadd.f32 $1.215383110e-01, v54;
	v45 =	vmul.f32 v46, v45  }
0x131: {  	v47 =	vmul.f32 v47, v34;
	v55 =	vadd.f32 $-3.471552050e-04, v55;
	v52 =	vmul.f32 v52, v37  }
0x132: {  	v53 =	vadd.f32 $-4.991752800e-01, v53;
	v54 =	vmul.f32 v54, v38;
	v45 =	vadd.f32 $6.930990810e-01, v45  }
0x133: {  	v55 =	vmul.f32 v55, v44;
	v47 =	vadd.f32 $2.830098620e-03, v47;
	v46 =	vadd.f32 $1.034633330e-06, v49  }
0x134: {  	v49 =	vadd.f32 $1.215383110e-01, v60;
	v58 =	vadd.f32 $-4.991752800e-01, v54;
	v45 =	vmax.f32 v45, $0.0e+00  }
0x135: {  	v42 =	vmul.f32 v53, v42;
	v63 =	vadd.f32 $2.830098620e-03, v55;
	v40 =	vadd.f32 v45, v40  }
0x136: {  	v60 =	vadd.f32 $-4.991752800e-01, v52;
	v47 =	vmul.f32 v47, v34;
	v46 =	vmul.f32 v46, v30  }
0x137: {  	v49 =	vmul.f32 v49, v35;
	v57 =	vmul.f32 v63, v44;
	v40 =	vsub.f32 v40, v51  }
0x138: {  	v62 =	vld.idx.msk [tilespmem:v27+s31+$0xFFFFFFC0 ss:$0x1], $0xffff;
	v42 =	vadd.f32 $6.930990810e-01, v42;
	v38 =	vmul.f32 v58, v38;
	v37 =	vmul.f32 v60, v37  }
0x139: {  	v47 =	vadd.f32 $-1.086069920e-02, v47;
	v59 =	vadd.f32 $-1.086069920e-02, v57;
	v48 =	vmul.f32 v48, v40  }
0x13a: {  	v42 =	vmax.f32 v42, $0.0e+00;
	v38 =	vadd.f32 $6.930990810e-01, v38;
	v63 =	vadd.f32 $-4.991752800e-01, v49  }
0x13b: {  	v49 =	vmax.f32 v32, $0.0e+00;
	v7 =	vadd.f32 v48, v7;
	v48 =	vmul.f32 v59, v44  }
0x13c: {  	v37 =	vadd.f32 $6.930990810e-01, v37;
	v42 =	vadd.f32 v42, v61;
	v47 =	vmul.f32 v47, v34  }
0x13d: {  	v8 =	vadd.f32 v40, v8;
	v40 =	vcvt.s32.f32 v62;
	v62 =	vadd.f32 $6.159262730e-03, v48  }
0x13e: {  	v61 =	vld.idx.msk [tilespmem:v27+s31+$0xFFFFFFF0 ss:$0x1], $0xffff;
	v57 =	vadd.f32 $1.545702070e-05, v46;
	v38 =	vmax.f32 v38, $0.0e+00;
	v37 =	vmax.f32 v37, $0.0e+00  }
0x13f: {  	v42 =	vsub.f32 v42, v56;
	v38 =	vadd.f32 v38, v50;
	v45 =	vmul.f32 v62, v44  }
0x140: {  	v63 =	vmul.f32 v63, v35;
	v47 =	vadd.f32 $6.159262730e-03, v47;
	v35 =	vadd.f32 v37, v49  }
0x141: {  	v60 =	vmul.f32 v57, v30;
	v11 =	vadd.f32 v42, v11;
	v55 =	vadd.f32 $1.215383110e-01, v45  }
0x142: {  	v50 =	vsub.f32 v38, v43;
	v52 =	vmul.f32 v36, v42;
	v56 =	vmul.f32 v47, v34  }
0x143: {  	v42 =	vmax.f32 v41, $0.0e+00;
	v36 =	vcvt.s32.f32 v61;
	v58 =	vmul.f32 v55, v44  }
0x144: {  	v12 =	vadd.f32 v40, v12;
	v59 =	vmul.f32 v33, v50;
	v47 =	vadd.f32 $1.215383110e-01, v56  }
0x145: {  	v38 =	vmul.f32 v40, v41;
	v43 =	vmul.f32 v36, v32;
	v32 =	vadd.f32 $-4.991752800e-01, v58  }
0x146: {  	v17 =	vadd.f32 v50, v17;
	v61 =	vmul.f32 v47, v34;
	v62 =	vadd.f32 $-3.471552050e-04, v60  }
0x147: {  	v10 =	vadd.f32 v52, v10;
	v3 =	vadd.f32 v36, v3;
	v44 =	vmul.f32 v32, v44  }
0x148: {  	v16 =	vadd.f32 v59, v16;
	v41 =	vadd.f32 $-4.991752800e-01, v61;
	v46 =	vmul.f32 v62, v30  }
0x149: {  	s29 =	simm.s32 $0x1000;
	v37 =	vmax.f32 v29, $0.0e+00;
	v32 =	vld.idx.msk [tilespmem:v27+s31+$0x0 ss:$0x1], $0xffff;
	v45 =	vadd.f32 $6.930990810e-01, v44;
	v44 =	vadd.f32 $6.930990810e-01, v63  }
.LBB2_7:
0x14a: {  	s30 =	sshra.s32 s29, $0x2;
	p0 =	sne.s32 s29, $0x3000;
	s29 =	sadd.s32 $0x1000, s29;
	v15 =	vadd.f32 v33, v15;
	v33 =	vmul.f32 v41, v34;
	v34 =	vadd.f32 $2.830098620e-03, v46  }
0x14b: {  	v31 =	vmax.f32 v31, $0.0e+00;
	v41 =	vld.idx.msk [tilespmem:v27+s30+$0xFFFFFF90 ss:$0x1], $0xffff;
	v45 =	vmax.f32 v45, $0.0e+00;
	v44 =	vmax.f32 v44, $0.0e+00  }
0x14c: {  	v49 =	vsub.f32 v35, v43;
	v46 =	vld.idx.msk [tilespmem:v27+s30+$0x0 ss:$0x1], $0xffff;
	v33 =	vadd.f32 $6.930990810e-01, v33;
	v34 =	vmul.f32 v34, v30  }
0x14d: {  	v29 =	vmul.f32 v25, v29;
	v31 =	vadd.f32 v45, v31;
	v35 =	vadd.f32 v44, v37;
	v43 =	vld.idx.msk [tilespmem:v27+s30+$0xFFFFFFA0 ss:$0x1], $0xffff  }
0x14e: {  	v36 =	vmul.f32 v36, v49;
	v37 =	vld.idx.msk [tilespmem:v27+s30+$0xFFFFFFD0 ss:$0x1], $0xffff;
	v33 =	vmax.f32 v33, $0.0e+00;
	v34 =	vadd.f32 $-1.086069920e-02, v34  }
0x14f: {  	v29 =	vsub.f32 v35, v29;
	v44 =	vld.idx.msk [tilespmem:v27+s30+$0xFFFFFFE0 ss:$0x1], $0xffff;
	v33 =	vadd.f32 v33, v42  }
0x150: {  	v50 =	vsub.f32 v31, v39;
	v4 =	vadd.f32 v36, v4;
	v47 =	vld.idx.msk [tilespmem:v28+s30+$0x30 ss:$0x1], $0xffff;
	v31 =	vmul.f32 v34, v30  }
0x151: {  	v21 =	vadd.f32 v29, v21;
	v34 =	vmul.f32 v25, v29;
	v35 =	vld.idx.msk [tilespmem:v28+s30+$0x20 ss:$0x1], $0xffff;
	v33 =	vsub.f32 v33, v38  }
0x152: {  	v38 =	vmul.f32 v24, v50;
	v24 =	vcvt.s32.f32 v41;
	v29 =	vld.idx.msk [tilespmem:v28+s30+$0xFFFFFFD0 ss:$0x1], $0xffff;
	v31 =	vadd.f32 $6.159262730e-03, v31  }
0x153: {  	v25 =	vcvt.s32.f32 v43;
	v41 =	vld.idx.msk [tilespmem:v28+s30+$0xFFFFFFE0 ss:$0x1], $0xffff;
	v14 =	vadd.f32 v33, v14;
	v33 =	vmul.f32 v40, v33  }
0x154: {  	v20 =	vadd.f32 v24, v20;
	v36 =	vcvt.s32.f32 v37;
	v39 =	vld.idx.msk [tilespmem:v28+s30+$0x0 ss:$0x1], $0xffff;
	v31 =	vmul.f32 v31, v30  }
0x155: {  	v51 =	vcvt.s32.f32 v32;
	v32 =	vmovc v46;
	v22 =	vadd.f32 v38, v22;
	v18 =	vadd.f32 v25, v18;
	v43 =	vld.idx.msk [tilespmem:v28+s30+$0x10 ss:$0x1], $0xffff  }
0x156: {  	v19 =	vadd.f32 v34, v19;
	v37 =	vand.u32 $0x7FFFFFFF, v47;
	v34 =	vadd.f32 $1.215383110e-01, v31  }
0x157: {  	v52 =	vmul.f32 v51, v26;
	v38 =	vand.u32 $0x7FFFFFFF, v35;
	v46 =	vmin.f32 v37, $8.000000000e+00;
	v31 =	vld.idx.msk [tilespmem:v28+s30+$0xFFFFFFC0 ss:$0x1], $0xffff  }
0x158: {  	v0 =	vadd.f32 v51, v0;
	v37 =	vand.u32 $0x7FFFFFFF, v29;
	v38 =	vmin.f32 v38, $8.000000000e+00  }
0x159: {  	v42 =	vcvt.s32.f32 v44;
	v40 =	vand.u32 $0x7FFFFFFF, v41;
	v34 =	vmul.f32 v34, v30  }
0x15a: {  	v13 =	vadd.f32 v33, v13;
	v40 =	vmin.f32 v40, $8.000000000e+00;
	v44 =	vand.u32 $0x7FFFFFFF, v39  }
0x15b: {  	v37 =	vmin.f32 v37, $8.000000000e+00;
	v33 =	vmul.f32 $4.985710070e-09, v40;
	v48 =	vand.u32 $0x7FFFFFFF, v43  }
0x15c: {  	v45 =	vmin.f32 v44, $8.000000000e+00;
	v44 =	vmul.f32 $4.985710070e-09, v38;
	v48 =	vmin.f32 v48, $8.000000000e+00  }
0x15d: {  	v34 =	vadd.f32 $-4.991752800e-01, v34;
	v53 =	vand.u32 $0x7FFFFFFF, v31;
	v54 =	vmul.f32 $4.985710070e-09, v48  }
0x15e: {  	v57 =	vmax.f32 v26, $0.0e+00;
	v26 =	vmovc v47;
	v55 =	vmul.f32 $4.985710070e-09, v37;
	v56 =	vmul.f32 $4.985710070e-09, v45  }
0x15f: {  	v23 =	vadd.f32 v50, v23;
	v34 =	vmul.f32 v34, v30;
	v30 =	vmovc v46;
	v54 =	vadd.f32 $-1.490509620e-07, v54  }
0x160: {  	v47 =	vmul.f32 v42, v43;
	v46 =	vadd.f32 $-1.490509620e-07, v55;
	v50 =	vadd.f32 $-1.490509620e-07, v56  }
0x161: {  	v44 =	vadd.f32 $-1.490509620e-07, v44;
	v34 =	vadd.f32 $6.930990810e-01, v34;
	v54 =	vmul.f32 v54, v48  }
0x162: {  	v33 =	vadd.f32 $-1.490509620e-07, v33;
	v46 =	vmul.f32 v46, v37;
	v50 =	vmul.f32 v50, v45  }
0x163: {  	v44 =	vmul.f32 v44, v38;
	v34 =	vmax.f32 v34, $0.0e+00;
	v54 =	vadd.f32 $1.034633330e-06, v54  }
0x164: {  	v33 =	vmul.f32 v33, v40;
	v50 =	vadd.f32 $1.034633330e-06, v50;
	v34 =	vadd.f32 v34, v57  }
0x165: {  	v5 =	vadd.f32 v49, v5;
	v44 =	vadd.f32 $1.034633330e-06, v44;
	v54 =	vmul.f32 v54, v48  }
0x166: {  	v33 =	vadd.f32 $1.034633330e-06, v33;
	v49 =	vmul.f32 v50, v45;
	v34 =	vsub.f32 v34, v52  }
0x167: {  	v46 =	vadd.f32 $1.034633330e-06, v46;
	v52 =	vadd.f32 $1.545702070e-05, v54;
	v54 =	vmul.f32 v44, v38;
	v50 =	vld.idx.msk [tilespmem:v27+s30+$0xFFFFFFB0 ss:$0x1], $0xffff  }
0x168: {  	v33 =	vmul.f32 v33, v40;
	v49 =	vadd.f32 $1.545702070e-05, v49;
	v51 =	vmul.f32 v51, v34;
	v44 =	vld.idx.msk [tilespmem:v28+s30+$0xFFFFFFF0 ss:$0x1], $0xffff  }
0x169: {  	v2 =	vadd.f32 v34, v2;
	v52 =	vmul.f32 v52, v48;
	v54 =	vadd.f32 $1.545702070e-05, v54  }
0x16a: {  	v33 =	vadd.f32 $1.545702070e-05, v33;
	v34 =	vmul.f32 v49, v45;
	v1 =	vadd.f32 v51, v1  }
0x16b: {  	v46 =	vmul.f32 v46, v37;
	v49 =	vadd.f32 $-3.471552050e-04, v52;
	v51 =	vmul.f32 v54, v38  }
0x16c: {  	v34 =	vadd.f32 $-3.471552050e-04, v34;
	v52 =	vmul.f32 v33, v40;
	v54 =	vmul.f32 $4.985710070e-09, v30  }
0x16d: {  	v46 =	vadd.f32 $1.545702070e-05, v46;
	v33 =	vcvt.s32.f32 v50;
	v49 =	vmul.f32 v49, v48  }
0x16e: {  	v55 =	vmul.f32 v34, v45;
	v50 =	vadd.f32 $-3.471552050e-04, v52;
	v52 =	vand.u32 $0x7FFFFFFF, v44  }
0x16f: {  	v56 =	vmul.f32 v46, v37;
	v34 =	vmin.f32 v52, $8.000000000e+00;
	v49 =	vadd.f32 $2.830098620e-03, v49  }
0x170: {  	v54 =	vadd.f32 $-1.490509620e-07, v54;
	v55 =	vadd.f32 $2.830098620e-03, v55;
	v52 =	vmul.f32 $4.985710070e-09, v34  }
0x171: {  	v46 =	vmin.f32 v53, $8.000000000e+00;
	v53 =	vadd.f32 $-3.471552050e-04, v56;
	v49 =	vmul.f32 v49, v48  }
0x172: {  	v51 =	vadd.f32 $-3.471552050e-04, v51;
	v55 =	vmul.f32 v55, v45;
	v52 =	vadd.f32 $-1.490509620e-07, v52  }
0x173: {  	v6 =	vadd.f32 v42, v6;
	v56 =	vmul.f32 $4.985710070e-09, v46;
	v53 =	vmul.f32 v53, v37  }
0x174: {  	v51 =	vmul.f32 v51, v38;
	v49 =	vadd.f32 $-1.086069920e-02, v49;
	v52 =	vmul.f32 v52, v34  }
0x175: {  	v56 =	vadd.f32 $-1.490509620e-07, v56;
	v53 =	vadd.f32 $2.830098620e-03, v53;
	v50 =	vmul.f32 v50, v40  }
0x176: {  	v51 =	vadd.f32 $2.830098620e-03, v51;
	v49 =	vmul.f32 v49, v48;
	v52 =	vadd.f32 $1.034633330e-06, v52  }
0x177: {  	v56 =	vmul.f32 v56, v46;
	v50 =	vadd.f32 $2.830098620e-03, v50;
	v55 =	vadd.f32 $-1.086069920e-02, v55  }
0x178: {  	v51 =	vmul.f32 v51, v38;
	v49 =	vadd.f32 $6.159262730e-03, v49;
	v52 =	vmul.f32 v52, v34  }
0x179: {  	v56 =	vadd.f32 $1.034633330e-06, v56;
	v50 =	vmul.f32 v50, v40;
	v55 =	vmul.f32 v55, v45  }
0x17a: {  	v51 =	vadd.f32 $-1.086069920e-02, v51;
	v49 =	vmul.f32 v49, v48;
	v52 =	vadd.f32 $1.545702070e-05, v52  }
0x17b: {  	v53 =	vmul.f32 v53, v37;
	v56 =	vmul.f32 v56, v46;
	v55 =	vadd.f32 $6.159262730e-03, v55  }
0x17c: {  	v51 =	vmul.f32 v51, v38;
	v49 =	vadd.f32 $1.215383110e-01, v49;
	v52 =	vmul.f32 v52, v34  }
0x17d: {  	v53 =	vadd.f32 $-1.086069920e-02, v53;
	v56 =	vadd.f32 $1.545702070e-05, v56;
	v55 =	vmul.f32 v55, v45  }
0x17e: {  	v51 =	vadd.f32 $6.159262730e-03, v51;
	v49 =	vmul.f32 v49, v48;
	v52 =	vadd.f32 $-3.471552050e-04, v52  }
0x17f: {  	v53 =	vmul.f32 v53, v37;
	v50 =	vadd.f32 $-1.086069920e-02, v50;
	v55 =	vadd.f32 $1.215383110e-01, v55  }
0x180: {  	v54 =	vmul.f32 v54, v30;
	v56 =	vmul.f32 v56, v46;
	v49 =	vadd.f32 $-4.991752800e-01, v49  }
0x181: {  	v53 =	vadd.f32 $6.159262730e-03, v53;
	v50 =	vmul.f32 v50, v40;
	v52 =	vmul.f32 v52, v34  }
0x182: {  	v55 =	vmul.f32 v55, v45;
	v48 =	vmul.f32 v49, v48;
	v49 =	vadd.f32 $1.034633330e-06, v54  }
0x183: {  	v57 =	vmul.f32 v36, v39;
	v53 =	vmul.f32 v53, v37;
	v54 =	vmax.f32 v41, $0.0e+00  }
0x184: {  	v56 =	vadd.f32 $-3.471552050e-04, v56;
	v51 =	vmul.f32 v51, v38;
	v48 =	vadd.f32 $6.930990810e-01, v48  }
0x185: {  	v50 =	vadd.f32 $6.159262730e-03, v50;
	v55 =	vadd.f32 $-4.991752800e-01, v55;
	v41 =	vmul.f32 v33, v41  }
0x186: {  	v43 =	vmax.f32 v43, $0.0e+00;
	v51 =	vadd.f32 $1.215383110e-01, v51;
	v48 =	vmax.f32 v48, $0.0e+00  }
0x187: {  	v58 =	vmax.f32 v39, $0.0e+00;
	v50 =	vmul.f32 v50, v40;
	v43 =	vadd.f32 v48, v43  }
0x188: {  	v9 =	vadd.f32 v36, v9;
	v39 =	vmul.f32 v24, v31;
	v45 =	vmul.f32 v55, v45  }
0x189: {  	v50 =	vadd.f32 $1.215383110e-01, v50;
	v48 =	vmul.f32 v56, v46;
	v43 =	vsub.f32 v43, v47  }
0x18a: {  	v52 =	vadd.f32 $2.830098620e-03, v52;
	v47 =	vadd.f32 $1.215383110e-01, v53;
	v53 =	vld.idx.msk [tilespmem:v27+s30+$0xFFFFFFC0 ss:$0x1], $0xffff  }
0x18b: {  	v50 =	vmul.f32 v50, v40;
	v48 =	vadd.f32 $2.830098620e-03, v48;
	v42 =	vmul.f32 v42, v43  }
0x18c: {  	v45 =	vadd.f32 $6.930990810e-01, v45;
	v8 =	vadd.f32 v43, v8;
	v43 =	vmul.f32 v51, v38  }
0x18d: {  	v50 =	vadd.f32 $-4.991752800e-01, v50;
	v48 =	vmul.f32 v48, v46;
	v7 =	vadd.f32 v42, v7  }
0x18e: {  	v49 =	vmul.f32 v49, v30;
	v45 =	vmax.f32 v45, $0.0e+00;
	v42 =	vmul.f32 v52, v34  }
0x18f: {  	v50 =	vmul.f32 v50, v40;
	v47 =	vmul.f32 v47, v37;
	v48 =	vadd.f32 $-1.086069920e-02, v48  }
0x190: {  	v45 =	vadd.f32 v45, v58;
	v43 =	vadd.f32 $-4.991752800e-01, v43;
	v40 =	vcvt.s32.f32 v53;
	v51 =	vld.idx.msk [tilespmem:v27+s30+$0xFFFFFFF0 ss:$0x1], $0xffff  }
0x191: {  	v50 =	vadd.f32 $6.930990810e-01, v50;
	v48 =	vmul.f32 v48, v46;
	v42 =	vadd.f32 $-1.086069920e-02, v42  }
0x192: {  	v45 =	vsub.f32 v45, v57;
	v38 =	vmul.f32 v43, v38;
	v12 =	vadd.f32 v40, v12  }
0x193: {  	v43 =	vadd.f32 $6.159262730e-03, v48;
	v48 =	vmax.f32 v50, $0.0e+00;
	v42 =	vmul.f32 v42, v34  }
0x194: {  	v47 =	vadd.f32 $-4.991752800e-01, v47;
	v50 =	vmax.f32 v35, $0.0e+00;
	v48 =	vadd.f32 v48, v54  }
0x195: {  	v11 =	vadd.f32 v45, v11;
	v43 =	vmul.f32 v43, v46;
	v42 =	vadd.f32 $6.159262730e-03, v42  }
0x196: {  	v45 =	vmul.f32 v36, v45;
	v41 =	vsub.f32 v48, v41;
	v36 =	vcvt.s32.f32 v51  }
0x197: {  	v49 =	vadd.f32 $1.545702070e-05, v49;
	v48 =	vadd.f32 $1.215383110e-01, v43;
	v42 =	vmul.f32 v42, v34  }
0x198: {  	v51 =	vadd.f32 $6.930990810e-01, v38;
	v43 =	vmul.f32 v36, v35;
	v3 =	vadd.f32 v36, v3  }
0x199: {  	v52 =	vadd.f32 $1.215383110e-01, v42;
	v35 =	vmul.f32 v48, v46;
	v48 =	vmul.f32 v33, v41  }
0x19a: {  	v42 =	vmax.f32 v44, $0.0e+00;
	v38 =	vmul.f32 v40, v44;
	v44 =	vmul.f32 v49, v30  }
.Ltmp2:
0x19b: {  	v35 =	vadd.f32 $-4.991752800e-01, v35;
	v16 =	vadd.f32 v48, v16;
	v48 =	vmul.f32 v52, v34;
	(pc) =	sbr.rel @p0 .LBB2_7-.Ltmp2, $4  }
0x19c: {  	v17 =	vadd.f32 v41, v17;
	v41 =	vmax.f32 v51, $0.0e+00;
	v44 =	vadd.f32 $-3.471552050e-04, v44  }
0x19d: {  	v37 =	vmul.f32 v47, v37;
	v49 =	vmul.f32 v35, v46;
	v35 =	vadd.f32 v41, v50  }
0x19e: {  	v10 =	vadd.f32 v45, v10;
	v41 =	vadd.f32 $-4.991752800e-01, v48;
	v46 =	vmul.f32 v44, v30  }
0x19f: {  	v44 =	vadd.f32 $6.930990810e-01, v37;
	v37 =	vmax.f32 v29, $0.0e+00;
	v45 =	vadd.f32 $6.930990810e-01, v49  }
0x1a0: {  	v27 =	vadd.f32 $2.830098620e-03, v46;
	_ =	sdelay $0x1  }
0x1a1: {  	v27 =	vmul.f32 v27, v30;
	_ =	sdelay $0x1  }
0x1a2: {  	v27 =	vadd.f32 $-1.086069920e-02, v27;
	_ =	sdelay $0x1  }
0x1a3: {  	v27 =	vmul.f32 v27, v30;
	_ =	sdelay $0x1  }
0x1a4: {  	v27 =	vadd.f32 $6.159262730e-03, v27;
	_ =	sdelay $0x1  }
0x1a5: {  	v27 =	vmul.f32 v27, v30;
	_ =	sdelay $0x1  }
0x1a6: {  	v27 =	vadd.f32 $1.215383110e-01, v27;
	_ =	sdelay $0x1  }
0x1a7: {  	v27 =	vmul.f32 v27, v30;
	_ =	sdelay $0x1  }
0x1a8: {  	v28 =	vmul.f32 v41, v34;
	v31 =	vmax.f32 v31, $0.0e+00;
	v27 =	vadd.f32 $-4.991752800e-01, v27  }
0x1a9: {  	v35 =	vsub.f32 v35, v43;
	v29 =	vmul.f32 v25, v29;
	v15 =	vadd.f32 v33, v15  }
0x1aa: {  	v32 =	vcvt.s32.f32 v32;
	v28 =	vadd.f32 $6.930990810e-01, v28;
	v27 =	vmul.f32 v27, v30  }
0x1ab: {  	v60 =	vmax.f32 v26, $0.0e+00;
	v56 =	vmax.f32 v45, $0.0e+00;
	v57 =	vmax.f32 v44, $0.0e+00  }
0x1ac: {  	v37 =	vadd.f32 v57, v37;
	v28 =	vmax.f32 v28, $0.0e+00;
	v27 =	vadd.f32 $6.930990810e-01, v27  }
0x1ad: {  	v58 =	vadd.f32 v56, v31;
	v59 =	vmul.f32 v36, v35;
	v28 =	vadd.f32 v28, v42  }
0x1ae: {  	v0 =	vadd.f32 v32, v0;
	v29 =	vsub.f32 v37, v29;
	v27 =	vmax.f32 v27, $0.0e+00  }
0x1af: {  	s28 =	sadd.s32 $0x1, s28;
	v61 =	vmul.f32 v32, v26;
	v28 =	vsub.f32 v28, v38;
	v27 =	vadd.f32 v27, v60  }
0x1b0: {  	p0 =	sne.s32 s28, $0x20;
	v5 =	vadd.f32 v35, v5;
	v62 =	vmul.f32 v25, v29;
	v30 =	vsub.f32 v58, v39  }
.Ltmp3:
0x1b1: {  	v14 =	vadd.f32 v28, v14;
	v28 =	vmul.f32 v40, v28;
	v26 =	vsub.f32 v27, v61;
	(pc) =	sbr.rel @p0 .LBB2_6-.Ltmp3, $4  }
0x1b2: {  	v4 =	vadd.f32 v59, v4;
	v21 =	vadd.f32 v29, v21;
	v24 =	vmul.f32 v24, v30  }
0x1b3: {  	v19 =	vadd.f32 v62, v19;
	v13 =	vadd.f32 v28, v13;
	v63 =	vmul.f32 v32, v26  }
0x1b4: {  	v23 =	vadd.f32 v30, v23;
	v22 =	vadd.f32 v24, v22  }
0x1b5: {  	s26 =	sadd.s32 $0x200, s26;
	s25 =	sadd.s32 $0x1, s25;
	v2 =	vadd.f32 v26, v2;
	v1 =	vadd.f32 v63, v1  }
0x1b6: {  	s25 =	simm.s32 $0x0  }
0x1b7: {  	[tilespmem:s16], [sflag:$0x2] =	stream.linear.gather [hbm4b:s9+s25], $0x4000, $0x38;
	[tilespmem:$0x10180] =	vst v63  }
0x1b8: {  	_ = 	snop  }
0x1b9: {  	[tilespmem:s17], [sflag:$0x2] =	stream.linear.gather [hbm4b:s10+s25], $0x4000, $0x38;
	[tilespmem:$0x10180] =	vst v63  }
0x1ba: {  	_ =	swait.ge [sflag:s18], $0x4000  }
0x1bb: {  	[sflag:s18] =	ssyncset.done $0x0  }
0x1bc: {  	[sflag:s18] =	ssyncadd.s32 $0xFFFFC000  }
0x1bd: {  	_ =	swait.ge [sflag:s18], $0x4000  }
0x1be: {  	[sflag:s18] =	ssyncset.done $0x0  }
0x1bf: {  	s26 =	simm.s32 $0x0;
	s28 =	simm.s32 $0x0;
	[sflag:s18] =	ssyncadd.s32 $0xFFFFC000  }
.LBB2_10:
0x1c0: {  	s29 =	sshll.u32 s26, $0x2;
	s30 =	sand.u32 $0x7, s25  }
0x1c1: {  	s29 =	sand.u32 $0xFFFFC000, s29;
	s30 =	sshll.u32 s30, $0x9  }
0x1c2: {  	s29 =	sor.u32 s30, s29  }
0x1c3: {  	s29 =	sshrl.u32 s29, $0x2  }
0x1c4: {  	s31 =	sadd.s32 $0x4070, s29  }
0x1c5: {  	v27 =	vmov s31;
	_ =	sdelay $0x1  }
0x1c6: {  	s29 =	sor.u32 $0x40, s29  }
0x1c7: {  	v28 =	vmov s29  }
0x1c8: {  	s31 =	simm.s32 $0x0  }
0x1c9: {  	v24 =	vld.idx.msk [tilespmem:v27+s31+$0xFFFFFF90 ss:$0x1], $0xffff  }
0x1ca: {  	v25 =	vld.idx.msk [tilespmem:v27+s31+$0xFFFFFFA0 ss:$0x1], $0xffff  }
0x1cb: {  	v26 =	vld.idx.msk [tilespmem:v27+s31+$0xFFFFFFD0 ss:$0x1], $0xffff  }
0x1cc: {  	v40 =	vld.idx.msk [tilespmem:v28+s31+$0x10 ss:$0x1], $0xffff  }
0x1cd: {  	v39 =	vld.idx.msk [tilespmem:v28+s31+$0x0 ss:$0x1], $0xffff  }
0x1ce: {  	v29 =	vld.idx.msk [tilespmem:v28+s31+$0xFFFFFFD0 ss:$0x1], $0xffff  }
0x1cf: {  	v43 =	vld.idx.msk [tilespmem:v28+s31+$0xFFFFFFE0 ss:$0x1], $0xffff  }
0x1d0: {  	v32 =	vld.idx.msk [tilespmem:v28+s31+$0x20 ss:$0x1], $0xffff;
	_ =	sdelay $0x1  }
0x1d1: {  	v24 =	vcvt.s32.f32 v24  }
0x1d2: {  	v25 =	vcvt.s32.f32 v25;
	v30 =	vand.u32 $0x7FFFFFFF, v40;
	v36 =	vcvt.s32.f32 v26  }
0x1d3: {  	v26 =	vand.u32 $0x7FFFFFFF, v39;
	v33 =	vand.u32 $0x7FFFFFFF, v29;
	v34 =	vand.u32 $0x7FFFFFFF, v43  }
0x1d4: {  	v45 =	vmin.f32 v30, $8.000000000e+00;
	v30 =	vand.u32 $0x7FFFFFFF, v32;
	v42 =	vmin.f32 v26, $8.000000000e+00  }
0x1d5: {  	v26 =	vld.idx.msk [tilespmem:v28+s31+$0x30 ss:$0x1], $0xffff;
	v38 =	vmin.f32 v34, $8.000000000e+00;
	v20 =	vadd.f32 v24, v20;
	v31 =	vmul.f32 $4.985710070e-09, v45  }
0x1d6: {  	v35 =	vmul.f32 $4.985710070e-09, v42;
	v37 =	vmin.f32 v30, $8.000000000e+00;
	v18 =	vadd.f32 v25, v18  }
0x1d7: {  	v9 =	vadd.f32 v36, v9;
	v53 =	vmul.f32 $4.985710070e-09, v37;
	v30 =	vadd.f32 $-1.490509620e-07, v31  }
0x1d8: {  	v31 =	vmul.f32 $4.985710070e-09, v38;
	v41 =	vadd.f32 $-1.490509620e-07, v35;
	v35 =	vmin.f32 v33, $8.000000000e+00  }
0x1d9: {  	v54 =	vld.idx.msk [tilespmem:v27+s31+$0xFFFFFFE0 ss:$0x1], $0xffff;
	v34 =	vadd.f32 $-1.490509620e-07, v53;
	v47 =	vmul.f32 $4.985710070e-09, v35;
	v30 =	vmul.f32 v30, v45  }
0x1da: {  	v44 =	vadd.f32 $-1.490509620e-07, v31;
	v41 =	vmul.f32 v41, v42;
	v46 =	vand.u32 $0x7FFFFFFF, v26;
	v31 =	vld.idx.msk [tilespmem:v28+s31+$0xFFFFFFC0 ss:$0x1], $0xffff  }
0x1db: {  	v34 =	vmul.f32 v34, v37;
	v55 =	vadd.f32 $-1.490509620e-07, v47;
	v48 =	vadd.f32 $1.034633330e-06, v30  }
0x1dc: {  	v44 =	vmul.f32 v44, v38;
	v41 =	vadd.f32 $1.034633330e-06, v41;
	v30 =	vmin.f32 v46, $8.000000000e+00  }
0x1dd: {  	v34 =	vadd.f32 $1.034633330e-06, v34;
	v57 =	vmul.f32 v55, v35;
	v62 =	vmul.f32 $4.985710070e-09, v30  }
0x1de: {  	v56 =	vmul.f32 v48, v45;
	v44 =	vadd.f32 $1.034633330e-06, v44;
	v41 =	vmul.f32 v41, v42  }
0x1df: {  	v48 =	vcvt.s32.f32 v54;
	v34 =	vmul.f32 v34, v37;
	v50 =	vand.u32 $0x7FFFFFFF, v31  }
0x1e0: {  	v59 =	vld.idx.msk [tilespmem:v27+s31+$0xFFFFFFB0 ss:$0x1], $0xffff;
	v33 =	vadd.f32 $1.034633330e-06, v57;
	v58 =	vadd.f32 $1.545702070e-05, v56;
	v44 =	vmul.f32 v44, v38  }
0x1e1: {  	v49 =	vadd.f32 $1.545702070e-05, v41;
	v41 =	vld.idx.msk [tilespmem:v28+s31+$0xFFFFFFF0 ss:$0x1], $0xffff;
	v51 =	vmul.f32 v48, v40;
	v6 =	vadd.f32 v48, v6  }
0x1e2: {  	v56 =	vmul.f32 v36, v39;
	v34 =	vadd.f32 $1.545702070e-05, v34;
	v33 =	vmul.f32 v33, v35  }
0x1e3: {  	v40 =	vmax.f32 v40, $0.0e+00;
	v46 =	vmul.f32 v58, v45;
	v44 =	vadd.f32 $1.545702070e-05, v44  }
0x1e4: {  	v49 =	vmul.f32 v49, v42;
	v52 =	vmul.f32 v34, v37;
	v53 =	vadd.f32 $1.545702070e-05, v33  }
0x1e5: {  	v33 =	vcvt.s32.f32 v59;
	v46 =	vadd.f32 $-3.471552050e-04, v46;
	v60 =	vmul.f32 v44, v38  }
0x1e6: {  	v61 =	vadd.f32 $-3.471552050e-04, v49;
	v49 =	vadd.f32 $-1.490509620e-07, v62;
	v63 =	vand.u32 $0x7FFFFFFF, v41  }
0x1e7: {  	v53 =	vmul.f32 v53, v35;
	v52 =	vadd.f32 $-3.471552050e-04, v52;
	v46 =	vmul.f32 v46, v45  }
0x1e8: {  	v44 =	vmul.f32 v61, v42;
	v54 =	vadd.f32 $-3.471552050e-04, v60;
	v34 =	vmin.f32 v63, $8.000000000e+00  }
0x1e9: {  	v49 =	vmul.f32 v49, v30;
	v61 =	vmax.f32 v39, $0.0e+00;
	v39 =	vmul.f32 v24, v31  }
0x1ea: {  	v47 =	vmul.f32 $4.985710070e-09, v34;
	v57 =	vadd.f32 $-3.471552050e-04, v53;
	v52 =	vmul.f32 v52, v37  }
0x1eb: {  	v46 =	vadd.f32 $2.830098620e-03, v46;
	v55 =	vadd.f32 $2.830098620e-03, v44;
	v44 =	vmin.f32 v50, $8.000000000e+00  }
0x1ec: {  	v54 =	vmul.f32 v54, v38;
	v47 =	vadd.f32 $-1.490509620e-07, v47;
	v59 =	vmul.f32 $4.985710070e-09, v44  }
0x1ed: {  	v50 =	vmul.f32 v57, v35;
	v52 =	vadd.f32 $2.830098620e-03, v52;
	v46 =	vmul.f32 v46, v45  }
0x1ee: {  	v58 =	vmul.f32 v55, v42;
	v54 =	vadd.f32 $2.830098620e-03, v54;
	v55 =	vadd.f32 $-1.490509620e-07, v59  }
0x1ef: {  	v47 =	vmul.f32 v47, v34;
	v50 =	vadd.f32 $2.830098620e-03, v50;
	v46 =	vadd.f32 $-1.086069920e-02, v46  }
0x1f0: {  	v52 =	vmul.f32 v52, v37;
	v53 =	vadd.f32 $-1.086069920e-02, v58;
	v54 =	vmul.f32 v54, v38  }
0x1f1: {  	v47 =	vadd.f32 $1.034633330e-06, v47;
	v55 =	vmul.f32 v55, v44;
	v46 =	vmul.f32 v46, v45  }
0x1f2: {  	v52 =	vadd.f32 $-1.086069920e-02, v52;
	v50 =	vmul.f32 v50, v35;
	v53 =	vmul.f32 v53, v42  }
0x1f3: {  	v54 =	vadd.f32 $-1.086069920e-02, v54;
	v47 =	vmul.f32 v47, v34;
	v46 =	vadd.f32 $6.159262730e-03, v46  }
0x1f4: {  	v55 =	vadd.f32 $1.034633330e-06, v55;
	v52 =	vmul.f32 v52, v37;
	v50 =	vadd.f32 $-1.086069920e-02, v50  }
0x1f5: {  	v53 =	vadd.f32 $6.159262730e-03, v53;
	v54 =	vmul.f32 v54, v38;
	v46 =	vmul.f32 v46, v45  }
0x1f6: {  	v47 =	vadd.f32 $1.545702070e-05, v47;
	v55 =	vmul.f32 v55, v44;
	v50 =	vmul.f32 v50, v35  }
0x1f7: {  	v52 =	vadd.f32 $6.159262730e-03, v52;
	v53 =	vmul.f32 v53, v42;
	v46 =	vadd.f32 $1.215383110e-01, v46  }
0x1f8: {  	v54 =	vadd.f32 $6.159262730e-03, v54;
	v47 =	vmul.f32 v47, v34;
	v55 =	vadd.f32 $1.545702070e-05, v55  }
0x1f9: {  	v50 =	vadd.f32 $6.159262730e-03, v50;
	v52 =	vmul.f32 v52, v37;
	v46 =	vmul.f32 v46, v45  }
0x1fa: {  	v53 =	vadd.f32 $1.215383110e-01, v53;
	v54 =	vmul.f32 v54, v38;
	v47 =	vadd.f32 $-3.471552050e-04, v47  }
0x1fb: {  	v55 =	vmul.f32 v55, v44;
	v60 =	vmul.f32 v50, v35;
	v46 =	vadd.f32 $-4.991752800e-01, v46  }
0x1fc: {  	v50 =	vmax.f32 v43, $0.0e+00;
	v43 =	vmul.f32 v33, v43;
	v52 =	vadd.f32 $1.215383110e-01, v52  }
0x1fd: {  	v53 =	vmul.f32 v53, v42;
	v54 =	vadd.f32 $1.215383110e-01, v54;
	v45 =	vmul.f32 v46, v45  }
0x1fe: {  	v47 =	vmul.f32 v47, v34;
	v55 =	vadd.f32 $-3.471552050e-04, v55;
	v52 =	vmul.f32 v52, v37  }
0x1ff: {  	v53 =	vadd.f32 $-4.991752800e-01, v53;
	v54 =	vmul.f32 v54, v38;
	v45 =	vadd.f32 $6.930990810e-01, v45  }
0x200: {  	v55 =	vmul.f32 v55, v44;
	v47 =	vadd.f32 $2.830098620e-03, v47;
	v46 =	vadd.f32 $1.034633330e-06, v49  }
0x201: {  	v49 =	vadd.f32 $1.215383110e-01, v60;
	v58 =	vadd.f32 $-4.991752800e-01, v54;
	v45 =	vmax.f32 v45, $0.0e+00  }
0x202: {  	v42 =	vmul.f32 v53, v42;
	v63 =	vadd.f32 $2.830098620e-03, v55;
	v40 =	vadd.f32 v45, v40  }
0x203: {  	v60 =	vadd.f32 $-4.991752800e-01, v52;
	v47 =	vmul.f32 v47, v34;
	v46 =	vmul.f32 v46, v30  }
0x204: {  	v49 =	vmul.f32 v49, v35;
	v57 =	vmul.f32 v63, v44;
	v40 =	vsub.f32 v40, v51  }
0x205: {  	v62 =	vld.idx.msk [tilespmem:v27+s31+$0xFFFFFFC0 ss:$0x1], $0xffff;
	v42 =	vadd.f32 $6.930990810e-01, v42;
	v38 =	vmul.f32 v58, v38;
	v37 =	vmul.f32 v60, v37  }
0x206: {  	v47 =	vadd.f32 $-1.086069920e-02, v47;
	v59 =	vadd.f32 $-1.086069920e-02, v57;
	v48 =	vmul.f32 v48, v40  }
0x207: {  	v42 =	vmax.f32 v42, $0.0e+00;
	v38 =	vadd.f32 $6.930990810e-01, v38;
	v63 =	vadd.f32 $-4.991752800e-01, v49  }
0x208: {  	v49 =	vmax.f32 v32, $0.0e+00;
	v7 =	vadd.f32 v48, v7;
	v48 =	vmul.f32 v59, v44  }
0x209: {  	v37 =	vadd.f32 $6.930990810e-01, v37;
	v42 =	vadd.f32 v42, v61;
	v47 =	vmul.f32 v47, v34  }
0x20a: {  	v8 =	vadd.f32 v40, v8;
	v40 =	vcvt.s32.f32 v62;
	v62 =	vadd.f32 $6.159262730e-03, v48  }
0x20b: {  	v61 =	vld.idx.msk [tilespmem:v27+s31+$0xFFFFFFF0 ss:$0x1], $0xffff;
	v57 =	vadd.f32 $1.545702070e-05, v46;
	v38 =	vmax.f32 v38, $0.0e+00;
	v37 =	vmax.f32 v37, $0.0e+00  }
0x20c: {  	v42 =	vsub.f32 v42, v56;
	v38 =	vadd.f32 v38, v50;
	v45 =	vmul.f32 v62, v44  }
0x20d: {  	v63 =	vmul.f32 v63, v35;
	v47 =	vadd.f32 $6.159262730e-03, v47;
	v35 =	vadd.f32 v37, v49  }
0x20e: {  	v60 =	vmul.f32 v57, v30;
	v11 =	vadd.f32 v42, v11;
	v55 =	vadd.f32 $1.215383110e-01, v45  }
0x20f: {  	v50 =	vsub.f32 v38, v43;
	v52 =	vmul.f32 v36, v42;
	v56 =	vmul.f32 v47, v34  }
0x210: {  	v42 =	vmax.f32 v41, $0.0e+00;
	v36 =	vcvt.s32.f32 v61;
	v58 =	vmul.f32 v55, v44  }
0x211: {  	v12 =	vadd.f32 v40, v12;
	v59 =	vmul.f32 v33, v50;
	v47 =	vadd.f32 $1.215383110e-01, v56  }
0x212: {  	v38 =	vmul.f32 v40, v41;
	v43 =	vmul.f32 v36, v32;
	v32 =	vadd.f32 $-4.991752800e-01, v58  }
0x213: {  	v17 =	vadd.f32 v50, v17;
	v61 =	vmul.f32 v47, v34;
	v62 =	vadd.f32 $-3.471552050e-04, v60  }
0x214: {  	v10 =	vadd.f32 v52, v10;
	v3 =	vadd.f32 v36, v3;
	v44 =	vmul.f32 v32, v44  }
0x215: {  	v16 =	vadd.f32 v59, v16;
	v41 =	vadd.f32 $-4.991752800e-01, v61;
	v46 =	vmul.f32 v62, v30  }
0x216: {  	s29 =	simm.s32 $0x1000;
	v37 =	vmax.f32 v29, $0.0e+00;
	v32 =	vld.idx.msk [tilespmem:v27+s31+$0x0 ss:$0x1], $0xffff;
	v45 =	vadd.f32 $6.930990810e-01, v44;
	v44 =	vadd.f32 $6.930990810e-01, v63  }
.LBB2_11:
0x217: {  	s30 =	sshra.s32 s29, $0x2;
	p0 =	sne.s32 s29, $0x3000;
	s29 =	sadd.s32 $0x1000, s29;
	v15 =	vadd.f32 v33, v15;
	v33 =	vmul.f32 v41, v34;
	v34 =	vadd.f32 $2.830098620e-03, v46  }
0x218: {  	v31 =	vmax.f32 v31, $0.0e+00;
	v41 =	vld.idx.msk [tilespmem:v27+s30+$0xFFFFFF90 ss:$0x1], $0xffff;
	v45 =	vmax.f32 v45, $0.0e+00;
	v44 =	vmax.f32 v44, $0.0e+00  }
0x219: {  	v49 =	vsub.f32 v35, v43;
	v46 =	vld.idx.msk [tilespmem:v27+s30+$0x0 ss:$0x1], $0xffff;
	v33 =	vadd.f32 $6.930990810e-01, v33;
	v34 =	vmul.f32 v34, v30  }
0x21a: {  	v29 =	vmul.f32 v25, v29;
	v31 =	vadd.f32 v45, v31;
	v35 =	vadd.f32 v44, v37;
	v43 =	vld.idx.msk [tilespmem:v27+s30+$0xFFFFFFA0 ss:$0x1], $0xffff  }
0x21b: {  	v36 =	vmul.f32 v36, v49;
	v37 =	vld.idx.msk [tilespmem:v27+s30+$0xFFFFFFD0 ss:$0x1], $0xffff;
	v33 =	vmax.f32 v33, $0.0e+00;
	v34 =	vadd.f32 $-1.086069920e-02, v34  }
0x21c: {  	v29 =	vsub.f32 v35, v29;
	v44 =	vld.idx.msk [tilespmem:v27+s30+$0xFFFFFFE0 ss:$0x1], $0xffff;
	v33 =	vadd.f32 v33, v42  }
0x21d: {  	v50 =	vsub.f32 v31, v39;
	v4 =	vadd.f32 v36, v4;
	v47 =	vld.idx.msk [tilespmem:v28+s30+$0x30 ss:$0x1], $0xffff;
	v31 =	vmul.f32 v34, v30  }
0x21e: {  	v21 =	vadd.f32 v29, v21;
	v34 =	vmul.f32 v25, v29;
	v35 =	vld.idx.msk [tilespmem:v28+s30+$0x20 ss:$0x1], $0xffff;
	v33 =	vsub.f32 v33, v38  }
0x21f: {  	v38 =	vmul.f32 v24, v50;
	v24 =	vcvt.s32.f32 v41;
	v29 =	vld.idx.msk [tilespmem:v28+s30+$0xFFFFFFD0 ss:$0x1], $0xffff;
	v31 =	vadd.f32 $6.159262730e-03, v31  }
0x220: {  	v25 =	vcvt.s32.f32 v43;
	v41 =	vld.idx.msk [tilespmem:v28+s30+$0xFFFFFFE0 ss:$0x1], $0xffff;
	v14 =	vadd.f32 v33, v14;
	v33 =	vmul.f32 v40, v33  }
0x221: {  	v20 =	vadd.f32 v24, v20;
	v36 =	vcvt.s32.f32 v37;
	v39 =	vld.idx.msk [tilespmem:v28+s30+$0x0 ss:$0x1], $0xffff;
	v31 =	vmul.f32 v31, v30  }
0x222: {  	v51 =	vcvt.s32.f32 v32;
	v32 =	vmovc v46;
	v22 =	vadd.f32 v38, v22;
	v18 =	vadd.f32 v25, v18;
	v43 =	vld.idx.msk [tilespmem:v28+s30+$0x10 ss:$0x1], $0xffff  }
0x223: {  	v19 =	vadd.f32 v34, v19;
	v37 =	vand.u32 $0x7FFFFFFF, v47;
	v34 =	vadd.f32 $1.215383110e-01, v31  }
0x224: {  	v52 =	vmul.f32 v51, v26;
	v38 =	vand.u32 $0x7FFFFFFF, v35;
	v46 =	vmin.f32 v37, $8.000000000e+00;
	v31 =	vld.idx.msk [tilespmem:v28+s30+$0xFFFFFFC0 ss:$0x1], $0xffff  }
0x225: {  	v0 =	vadd.f32 v51, v0;
	v37 =	vand.u32 $0x7FFFFFFF, v29;
	v38 =	vmin.f32 v38, $8.000000000e+00  }
0x226: {  	v42 =	vcvt.s32.f32 v44;
	v40 =	vand.u32 $0x7FFFFFFF, v41;
	v34 =	vmul.f32 v34, v30  }
0x227: {  	v13 =	vadd.f32 v33, v13;
	v40 =	vmin.f32 v40, $8.000000000e+00;
	v44 =	vand.u32 $0x7FFFFFFF, v39  }
0x228: {  	v37 =	vmin.f32 v37, $8.000000000e+00;
	v33 =	vmul.f32 $4.985710070e-09, v40;
	v48 =	vand.u32 $0x7FFFFFFF, v43  }
0x229: {  	v45 =	vmin.f32 v44, $8.000000000e+00;
	v44 =	vmul.f32 $4.985710070e-09, v38;
	v48 =	vmin.f32 v48, $8.000000000e+00  }
0x22a: {  	v34 =	vadd.f32 $-4.991752800e-01, v34;
	v53 =	vand.u32 $0x7FFFFFFF, v31;
	v54 =	vmul.f32 $4.985710070e-09, v48  }
0x22b: {  	v57 =	vmax.f32 v26, $0.0e+00;
	v26 =	vmovc v47;
	v55 =	vmul.f32 $4.985710070e-09, v37;
	v56 =	vmul.f32 $4.985710070e-09, v45  }
0x22c: {  	v23 =	vadd.f32 v50, v23;
	v34 =	vmul.f32 v34, v30;
	v30 =	vmovc v46;
	v54 =	vadd.f32 $-1.490509620e-07, v54  }
0x22d: {  	v47 =	vmul.f32 v42, v43;
	v46 =	vadd.f32 $-1.490509620e-07, v55;
	v50 =	vadd.f32 $-1.490509620e-07, v56  }
0x22e: {  	v44 =	vadd.f32 $-1.490509620e-07, v44;
	v34 =	vadd.f32 $6.930990810e-01, v34;
	v54 =	vmul.f32 v54, v48  }
0x22f: {  	v33 =	vadd.f32 $-1.490509620e-07, v33;
	v46 =	vmul.f32 v46, v37;
	v50 =	vmul.f32 v50, v45  }
0x230: {  	v44 =	vmul.f32 v44, v38;
	v34 =	vmax.f32 v34, $0.0e+00;
	v54 =	vadd.f32 $1.034633330e-06, v54  }
0x231: {  	v33 =	vmul.f32 v33, v40;
	v50 =	vadd.f32 $1.034633330e-06, v50;
	v34 =	vadd.f32 v34, v57  }
0x232: {  	v5 =	vadd.f32 v49, v5;
	v44 =	vadd.f32 $1.034633330e-06, v44;
	v54 =	vmul.f32 v54, v48  }
0x233: {  	v33 =	vadd.f32 $1.034633330e-06, v33;
	v49 =	vmul.f32 v50, v45;
	v34 =	vsub.f32 v34, v52  }
0x234: {  	v46 =	vadd.f32 $1.034633330e-06, v46;
	v52 =	vadd.f32 $1.545702070e-05, v54;
	v54 =	vmul.f32 v44, v38;
	v50 =	vld.idx.msk [tilespmem:v27+s30+$0xFFFFFFB0 ss:$0x1], $0xffff  }
0x235: {  	v33 =	vmul.f32 v33, v40;
	v49 =	vadd.f32 $1.545702070e-05, v49;
	v51 =	vmul.f32 v51, v34;
	v44 =	vld.idx.msk [tilespmem:v28+s30+$0xFFFFFFF0 ss:$0x1], $0xffff  }
0x236: {  	v2 =	vadd.f32 v34, v2;
	v52 =	vmul.f32 v52, v48;
	v54 =	vadd.f32 $1.545702070e-05, v54  }
0x237: {  	v33 =	vadd.f32 $1.545702070e-05, v33;
	v34 =	vmul.f32 v49, v45;
	v1 =	vadd.f32 v51, v1  }
0x238: {  	v46 =	vmul.f32 v46, v37;
	v49 =	vadd.f32 $-3.471552050e-04, v52;
	v51 =	vmul.f32 v54, v38  }
0x239: {  	v34 =	vadd.f32 $-3.471552050e-04, v34;
	v52 =	vmul.f32 v33, v40;
	v54 =	vmul.f32 $4.985710070e-09, v30  }
0x23a: {  	v46 =	vadd.f32 $1.545702070e-05, v46;
	v33 =	vcvt.s32.f32 v50;
	v49 =	vmul.f32 v49, v48  }
0x23b: {  	v55 =	vmul.f32 v34, v45;
	v50 =	vadd.f32 $-3.471552050e-04, v52;
	v52 =	vand.u32 $0x7FFFFFFF, v44  }
0x23c: {  	v56 =	vmul.f32 v46, v37;
	v34 =	vmin.f32 v52, $8.000000000e+00;
	v49 =	vadd.f32 $2.830098620e-03, v49  }
0x23d: {  	v54 =	vadd.f32 $-1.490509620e-07, v54;
	v55 =	vadd.f32 $2.830098620e-03, v55;
	v52 =	vmul.f32 $4.985710070e-09, v34  }
0x23e: {  	v46 =	vmin.f32 v53, $8.000000000e+00;
	v53 =	vadd.f32 $-3.471552050e-04, v56;
	v49 =	vmul.f32 v49, v48  }
0x23f: {  	v51 =	vadd.f32 $-3.471552050e-04, v51;
	v55 =	vmul.f32 v55, v45;
	v52 =	vadd.f32 $-1.490509620e-07, v52  }
0x240: {  	v6 =	vadd.f32 v42, v6;
	v56 =	vmul.f32 $4.985710070e-09, v46;
	v53 =	vmul.f32 v53, v37  }
0x241: {  	v51 =	vmul.f32 v51, v38;
	v49 =	vadd.f32 $-1.086069920e-02, v49;
	v52 =	vmul.f32 v52, v34  }
0x242: {  	v56 =	vadd.f32 $-1.490509620e-07, v56;
	v53 =	vadd.f32 $2.830098620e-03, v53;
	v50 =	vmul.f32 v50, v40  }
0x243: {  	v51 =	vadd.f32 $2.830098620e-03, v51;
	v49 =	vmul.f32 v49, v48;
	v52 =	vadd.f32 $1.034633330e-06, v52  }
0x244: {  	v56 =	vmul.f32 v56, v46;
	v50 =	vadd.f32 $2.830098620e-03, v50;
	v55 =	vadd.f32 $-1.086069920e-02, v55  }
0x245: {  	v51 =	vmul.f32 v51, v38;
	v49 =	vadd.f32 $6.159262730e-03, v49;
	v52 =	vmul.f32 v52, v34  }
0x246: {  	v56 =	vadd.f32 $1.034633330e-06, v56;
	v50 =	vmul.f32 v50, v40;
	v55 =	vmul.f32 v55, v45  }
0x247: {  	v51 =	vadd.f32 $-1.086069920e-02, v51;
	v49 =	vmul.f32 v49, v48;
	v52 =	vadd.f32 $1.545702070e-05, v52  }
0x248: {  	v53 =	vmul.f32 v53, v37;
	v56 =	vmul.f32 v56, v46;
	v55 =	vadd.f32 $6.159262730e-03, v55  }
0x249: {  	v51 =	vmul.f32 v51, v38;
	v49 =	vadd.f32 $1.215383110e-01, v49;
	v52 =	vmul.f32 v52, v34  }
0x24a: {  	v53 =	vadd.f32 $-1.086069920e-02, v53;
	v56 =	vadd.f32 $1.545702070e-05, v56;
	v55 =	vmul.f32 v55, v45  }
0x24b: {  	v51 =	vadd.f32 $6.159262730e-03, v51;
	v49 =	vmul.f32 v49, v48;
	v52 =	vadd.f32 $-3.471552050e-04, v52  }
0x24c: {  	v53 =	vmul.f32 v53, v37;
	v50 =	vadd.f32 $-1.086069920e-02, v50;
	v55 =	vadd.f32 $1.215383110e-01, v55  }
0x24d: {  	v54 =	vmul.f32 v54, v30;
	v56 =	vmul.f32 v56, v46;
	v49 =	vadd.f32 $-4.991752800e-01, v49  }
0x24e: {  	v53 =	vadd.f32 $6.159262730e-03, v53;
	v50 =	vmul.f32 v50, v40;
	v52 =	vmul.f32 v52, v34  }
0x24f: {  	v55 =	vmul.f32 v55, v45;
	v48 =	vmul.f32 v49, v48;
	v49 =	vadd.f32 $1.034633330e-06, v54  }
0x250: {  	v57 =	vmul.f32 v36, v39;
	v53 =	vmul.f32 v53, v37;
	v54 =	vmax.f32 v41, $0.0e+00  }
0x251: {  	v56 =	vadd.f32 $-3.471552050e-04, v56;
	v51 =	vmul.f32 v51, v38;
	v48 =	vadd.f32 $6.930990810e-01, v48  }
0x252: {  	v50 =	vadd.f32 $6.159262730e-03, v50;
	v55 =	vadd.f32 $-4.991752800e-01, v55;
	v41 =	vmul.f32 v33, v41  }
0x253: {  	v43 =	vmax.f32 v43, $0.0e+00;
	v51 =	vadd.f32 $1.215383110e-01, v51;
	v48 =	vmax.f32 v48, $0.0e+00  }
0x254: {  	v58 =	vmax.f32 v39, $0.0e+00;
	v50 =	vmul.f32 v50, v40;
	v43 =	vadd.f32 v48, v43  }
0x255: {  	v9 =	vadd.f32 v36, v9;
	v39 =	vmul.f32 v24, v31;
	v45 =	vmul.f32 v55, v45  }
0x256: {  	v50 =	vadd.f32 $1.215383110e-01, v50;
	v48 =	vmul.f32 v56, v46;
	v43 =	vsub.f32 v43, v47  }
0x257: {  	v52 =	vadd.f32 $2.830098620e-03, v52;
	v47 =	vadd.f32 $1.215383110e-01, v53;
	v53 =	vld.idx.msk [tilespmem:v27+s30+$0xFFFFFFC0 ss:$0x1], $0xffff  }
0x258: {  	v50 =	vmul.f32 v50, v40;
	v48 =	vadd.f32 $2.830098620e-03, v48;
	v42 =	vmul.f32 v42, v43  }
0x259: {  	v45 =	vadd.f32 $6.930990810e-01, v45;
	v8 =	vadd.f32 v43, v8;
	v43 =	vmul.f32 v51, v38  }
0x25a: {  	v50 =	vadd.f32 $-4.991752800e-01, v50;
	v48 =	vmul.f32 v48, v46;
	v7 =	vadd.f32 v42, v7  }
0x25b: {  	v49 =	vmul.f32 v49, v30;
	v45 =	vmax.f32 v45, $0.0e+00;
	v42 =	vmul.f32 v52, v34  }
0x25c: {  	v50 =	vmul.f32 v50, v40;
	v47 =	vmul.f32 v47, v37;
	v48 =	vadd.f32 $-1.086069920e-02, v48  }
0x25d: {  	v45 =	vadd.f32 v45, v58;
	v43 =	vadd.f32 $-4.991752800e-01, v43;
	v40 =	vcvt.s32.f32 v53;
	v51 =	vld.idx.msk [tilespmem:v27+s30+$0xFFFFFFF0 ss:$0x1], $0xffff  }
0x25e: {  	v50 =	vadd.f32 $6.930990810e-01, v50;
	v48 =	vmul.f32 v48, v46;
	v42 =	vadd.f32 $-1.086069920e-02, v42  }
0x25f: {  	v45 =	vsub.f32 v45, v57;
	v38 =	vmul.f32 v43, v38;
	v12 =	vadd.f32 v40, v12  }
0x260: {  	v43 =	vadd.f32 $6.159262730e-03, v48;
	v48 =	vmax.f32 v50, $0.0e+00;
	v42 =	vmul.f32 v42, v34  }
0x261: {  	v47 =	vadd.f32 $-4.991752800e-01, v47;
	v50 =	vmax.f32 v35, $0.0e+00;
	v48 =	vadd.f32 v48, v54  }
0x262: {  	v11 =	vadd.f32 v45, v11;
	v43 =	vmul.f32 v43, v46;
	v42 =	vadd.f32 $6.159262730e-03, v42  }
0x263: {  	v45 =	vmul.f32 v36, v45;
	v41 =	vsub.f32 v48, v41;
	v36 =	vcvt.s32.f32 v51  }
0x264: {  	v49 =	vadd.f32 $1.545702070e-05, v49;
	v48 =	vadd.f32 $1.215383110e-01, v43;
	v42 =	vmul.f32 v42, v34  }
0x265: {  	v51 =	vadd.f32 $6.930990810e-01, v38;
	v43 =	vmul.f32 v36, v35;
	v3 =	vadd.f32 v36, v3  }
0x266: {  	v52 =	vadd.f32 $1.215383110e-01, v42;
	v35 =	vmul.f32 v48, v46;
	v48 =	vmul.f32 v33, v41  }
0x267: {  	v42 =	vmax.f32 v44, $0.0e+00;
	v38 =	vmul.f32 v40, v44;
	v44 =	vmul.f32 v49, v30  }
.Ltmp4:
0x268: {  	v35 =	vadd.f32 $-4.991752800e-01, v35;
	v16 =	vadd.f32 v48, v16;
	v48 =	vmul.f32 v52, v34;
	(pc) =	sbr.rel @p0 .LBB2_11-.Ltmp4, $4  }
0x269: {  	v17 =	vadd.f32 v41, v17;
	v41 =	vmax.f32 v51, $0.0e+00;
	v44 =	vadd.f32 $-3.471552050e-04, v44  }
0x26a: {  	v37 =	vmul.f32 v47, v37;
	v49 =	vmul.f32 v35, v46;
	v35 =	vadd.f32 v41, v50  }
0x26b: {  	v10 =	vadd.f32 v45, v10;
	v41 =	vadd.f32 $-4.991752800e-01, v48;
	v46 =	vmul.f32 v44, v30  }
0x26c: {  	v44 =	vadd.f32 $6.930990810e-01, v37;
	v37 =	vmax.f32 v29, $0.0e+00;
	v45 =	vadd.f32 $6.930990810e-01, v49  }
0x26d: {  	v27 =	vadd.f32 $2.830098620e-03, v46;
	_ =	sdelay $0x1  }
0x26e: {  	v27 =	vmul.f32 v27, v30;
	_ =	sdelay $0x1  }
0x26f: {  	v27 =	vadd.f32 $-1.086069920e-02, v27;
	_ =	sdelay $0x1  }
0x270: {  	v27 =	vmul.f32 v27, v30;
	_ =	sdelay $0x1  }
0x271: {  	v27 =	vadd.f32 $6.159262730e-03, v27;
	_ =	sdelay $0x1  }
0x272: {  	v27 =	vmul.f32 v27, v30;
	_ =	sdelay $0x1  }
0x273: {  	v27 =	vadd.f32 $1.215383110e-01, v27;
	_ =	sdelay $0x1  }
0x274: {  	v27 =	vmul.f32 v27, v30;
	_ =	sdelay $0x1  }
0x275: {  	v28 =	vmul.f32 v41, v34;
	v31 =	vmax.f32 v31, $0.0e+00;
	v27 =	vadd.f32 $-4.991752800e-01, v27  }
0x276: {  	v35 =	vsub.f32 v35, v43;
	v29 =	vmul.f32 v25, v29;
	v15 =	vadd.f32 v33, v15  }
0x277: {  	v32 =	vcvt.s32.f32 v32;
	v28 =	vadd.f32 $6.930990810e-01, v28;
	v27 =	vmul.f32 v27, v30  }
0x278: {  	v60 =	vmax.f32 v26, $0.0e+00;
	v56 =	vmax.f32 v45, $0.0e+00;
	v57 =	vmax.f32 v44, $0.0e+00  }
0x279: {  	v37 =	vadd.f32 v57, v37;
	v28 =	vmax.f32 v28, $0.0e+00;
	v27 =	vadd.f32 $6.930990810e-01, v27  }
0x27a: {  	v58 =	vadd.f32 v56, v31;
	v59 =	vmul.f32 v36, v35;
	v28 =	vadd.f32 v28, v42  }
0x27b: {  	v0 =	vadd.f32 v32, v0;
	v29 =	vsub.f32 v37, v29;
	v27 =	vmax.f32 v27, $0.0e+00  }
0x27c: {  	s28 =	sadd.s32 $0x1, s28;
	v61 =	vmul.f32 v32, v26;
	v28 =	vsub.f32 v28, v38;
	v27 =	vadd.f32 v27, v60  }
0x27d: {  	p0 =	sne.s32 s28, $0x20;
	v5 =	vadd.f32 v35, v5;
	v62 =	vmul.f32 v25, v29;
	v30 =	vsub.f32 v58, v39  }
.Ltmp5:
0x27e: {  	v14 =	vadd.f32 v28, v14;
	v28 =	vmul.f32 v40, v28;
	v26 =	vsub.f32 v27, v61;
	(pc) =	sbr.rel @p0 .LBB2_10-.Ltmp5, $4  }
0x27f: {  	v4 =	vadd.f32 v59, v4;
	v21 =	vadd.f32 v29, v21;
	v24 =	vmul.f32 v24, v30  }
0x280: {  	v19 =	vadd.f32 v62, v19;
	v13 =	vadd.f32 v28, v13;
	v63 =	vmul.f32 v32, v26  }
0x281: {  	v23 =	vadd.f32 v30, v23;
	v22 =	vadd.f32 v24, v22  }
0x282: {  	s26 =	sadd.s32 $0x200, s26;
	s25 =	sadd.s32 $0x1, s25;
	v2 =	vadd.f32 v26, v2;
	v1 =	vadd.f32 v63, v1  }
0x283: {  	_ =	swait.ge [sflag:s19], $0x4000  }
0x284: {  	[sflag:s19] =	ssyncset.done $0x0  }
0x285: {  	[sflag:s19] =	ssyncadd.s32 $0xFFFFC000  }
0x286: {  	_ =	swait.ge [sflag:s19], $0x4000  }
0x287: {  	s25 =	simm.s32 $0x0;
	[sflag:s19] =	ssyncset.done $0x0  }
0x288: {  	s26 =	simm.s32 $0x0;
	s28 =	simm.s32 $0x0;
	[sflag:s19] =	ssyncadd.s32 $0xFFFFC000  }
.LBB2_14:
0x289: {  	s29 =	sshll.u32 s26, $0x2;
	s30 =	sand.u32 $0x7, s25  }
0x28a: {  	s29 =	sand.u32 $0xFFFFC000, s29;
	s30 =	sshll.u32 s30, $0x9  }
0x28b: {  	s29 =	sor.u32 s30, s29  }
0x28c: {  	s29 =	sshrl.u32 s29, $0x2  }
0x28d: {  	s31 =	sadd.s32 $0xC070, s29  }
0x28e: {  	v27 =	vmov s31;
	_ =	sdelay $0x1  }
0x28f: {  	s29 =	sadd.s32 $0x8040, s29  }
0x290: {  	v28 =	vmov s29  }
0x291: {  	s31 =	simm.s32 $0x0  }
0x292: {  	v24 =	vld.idx.msk [tilespmem:v27+s31+$0xFFFFFF90 ss:$0x1], $0xffff  }
0x293: {  	v25 =	vld.idx.msk [tilespmem:v27+s31+$0xFFFFFFA0 ss:$0x1], $0xffff  }
0x294: {  	v26 =	vld.idx.msk [tilespmem:v27+s31+$0xFFFFFFD0 ss:$0x1], $0xffff  }
0x295: {  	v40 =	vld.idx.msk [tilespmem:v28+s31+$0x10 ss:$0x1], $0xffff  }
0x296: {  	v39 =	vld.idx.msk [tilespmem:v28+s31+$0x0 ss:$0x1], $0xffff  }
0x297: {  	v29 =	vld.idx.msk [tilespmem:v28+s31+$0xFFFFFFD0 ss:$0x1], $0xffff  }
0x298: {  	v43 =	vld.idx.msk [tilespmem:v28+s31+$0xFFFFFFE0 ss:$0x1], $0xffff  }
0x299: {  	v32 =	vld.idx.msk [tilespmem:v28+s31+$0x20 ss:$0x1], $0xffff;
	_ =	sdelay $0x1  }
0x29a: {  	v24 =	vcvt.s32.f32 v24  }
0x29b: {  	v25 =	vcvt.s32.f32 v25;
	v30 =	vand.u32 $0x7FFFFFFF, v40;
	v36 =	vcvt.s32.f32 v26  }
0x29c: {  	v26 =	vand.u32 $0x7FFFFFFF, v39;
	v33 =	vand.u32 $0x7FFFFFFF, v29;
	v34 =	vand.u32 $0x7FFFFFFF, v43  }
0x29d: {  	v45 =	vmin.f32 v30, $8.000000000e+00;
	v30 =	vand.u32 $0x7FFFFFFF, v32;
	v42 =	vmin.f32 v26, $8.000000000e+00  }
0x29e: {  	v26 =	vld.idx.msk [tilespmem:v28+s31+$0x30 ss:$0x1], $0xffff;
	v38 =	vmin.f32 v34, $8.000000000e+00;
	v20 =	vadd.f32 v24, v20;
	v31 =	vmul.f32 $4.985710070e-09, v45  }
0x29f: {  	v35 =	vmul.f32 $4.985710070e-09, v42;
	v37 =	vmin.f32 v30, $8.000000000e+00;
	v18 =	vadd.f32 v25, v18  }
0x2a0: {  	v9 =	vadd.f32 v36, v9;
	v53 =	vmul.f32 $4.985710070e-09, v37;
	v30 =	vadd.f32 $-1.490509620e-07, v31  }
0x2a1: {  	v31 =	vmul.f32 $4.985710070e-09, v38;
	v41 =	vadd.f32 $-1.490509620e-07, v35;
	v35 =	vmin.f32 v33, $8.000000000e+00  }
0x2a2: {  	v54 =	vld.idx.msk [tilespmem:v27+s31+$0xFFFFFFE0 ss:$0x1], $0xffff;
	v34 =	vadd.f32 $-1.490509620e-07, v53;
	v47 =	vmul.f32 $4.985710070e-09, v35;
	v30 =	vmul.f32 v30, v45  }
0x2a3: {  	v44 =	vadd.f32 $-1.490509620e-07, v31;
	v41 =	vmul.f32 v41, v42;
	v46 =	vand.u32 $0x7FFFFFFF, v26;
	v31 =	vld.idx.msk [tilespmem:v28+s31+$0xFFFFFFC0 ss:$0x1], $0xffff  }
0x2a4: {  	v34 =	vmul.f32 v34, v37;
	v55 =	vadd.f32 $-1.490509620e-07, v47;
	v48 =	vadd.f32 $1.034633330e-06, v30  }
0x2a5: {  	v44 =	vmul.f32 v44, v38;
	v41 =	vadd.f32 $1.034633330e-06, v41;
	v30 =	vmin.f32 v46, $8.000000000e+00  }
0x2a6: {  	v34 =	vadd.f32 $1.034633330e-06, v34;
	v57 =	vmul.f32 v55, v35;
	v62 =	vmul.f32 $4.985710070e-09, v30  }
0x2a7: {  	v56 =	vmul.f32 v48, v45;
	v44 =	vadd.f32 $1.034633330e-06, v44;
	v41 =	vmul.f32 v41, v42  }
0x2a8: {  	v48 =	vcvt.s32.f32 v54;
	v34 =	vmul.f32 v34, v37;
	v50 =	vand.u32 $0x7FFFFFFF, v31  }
0x2a9: {  	v59 =	vld.idx.msk [tilespmem:v27+s31+$0xFFFFFFB0 ss:$0x1], $0xffff;
	v33 =	vadd.f32 $1.034633330e-06, v57;
	v58 =	vadd.f32 $1.545702070e-05, v56;
	v44 =	vmul.f32 v44, v38  }
0x2aa: {  	v49 =	vadd.f32 $1.545702070e-05, v41;
	v41 =	vld.idx.msk [tilespmem:v28+s31+$0xFFFFFFF0 ss:$0x1], $0xffff;
	v51 =	vmul.f32 v48, v40;
	v6 =	vadd.f32 v48, v6  }
0x2ab: {  	v56 =	vmul.f32 v36, v39;
	v34 =	vadd.f32 $1.545702070e-05, v34;
	v33 =	vmul.f32 v33, v35  }
0x2ac: {  	v40 =	vmax.f32 v40, $0.0e+00;
	v46 =	vmul.f32 v58, v45;
	v44 =	vadd.f32 $1.545702070e-05, v44  }
0x2ad: {  	v49 =	vmul.f32 v49, v42;
	v52 =	vmul.f32 v34, v37;
	v53 =	vadd.f32 $1.545702070e-05, v33  }
0x2ae: {  	v33 =	vcvt.s32.f32 v59;
	v46 =	vadd.f32 $-3.471552050e-04, v46;
	v60 =	vmul.f32 v44, v38  }
0x2af: {  	v61 =	vadd.f32 $-3.471552050e-04, v49;
	v49 =	vadd.f32 $-1.490509620e-07, v62;
	v63 =	vand.u32 $0x7FFFFFFF, v41  }
0x2b0: {  	v53 =	vmul.f32 v53, v35;
	v52 =	vadd.f32 $-3.471552050e-04, v52;
	v46 =	vmul.f32 v46, v45  }
0x2b1: {  	v44 =	vmul.f32 v61, v42;
	v54 =	vadd.f32 $-3.471552050e-04, v60;
	v34 =	vmin.f32 v63, $8.000000000e+00  }
0x2b2: {  	v49 =	vmul.f32 v49, v30;
	v61 =	vmax.f32 v39, $0.0e+00;
	v39 =	vmul.f32 v24, v31  }
0x2b3: {  	v47 =	vmul.f32 $4.985710070e-09, v34;
	v57 =	vadd.f32 $-3.471552050e-04, v53;
	v52 =	vmul.f32 v52, v37  }
0x2b4: {  	v46 =	vadd.f32 $2.830098620e-03, v46;
	v55 =	vadd.f32 $2.830098620e-03, v44;
	v44 =	vmin.f32 v50, $8.000000000e+00  }
0x2b5: {  	v54 =	vmul.f32 v54, v38;
	v47 =	vadd.f32 $-1.490509620e-07, v47;
	v59 =	vmul.f32 $4.985710070e-09, v44  }
0x2b6: {  	v50 =	vmul.f32 v57, v35;
	v52 =	vadd.f32 $2.830098620e-03, v52;
	v46 =	vmul.f32 v46, v45  }
0x2b7: {  	v58 =	vmul.f32 v55, v42;
	v54 =	vadd.f32 $2.830098620e-03, v54;
	v55 =	vadd.f32 $-1.490509620e-07, v59  }
0x2b8: {  	v47 =	vmul.f32 v47, v34;
	v50 =	vadd.f32 $2.830098620e-03, v50;
	v46 =	vadd.f32 $-1.086069920e-02, v46  }
0x2b9: {  	v52 =	vmul.f32 v52, v37;
	v53 =	vadd.f32 $-1.086069920e-02, v58;
	v54 =	vmul.f32 v54, v38  }
0x2ba: {  	v47 =	vadd.f32 $1.034633330e-06, v47;
	v55 =	vmul.f32 v55, v44;
	v46 =	vmul.f32 v46, v45  }
0x2bb: {  	v52 =	vadd.f32 $-1.086069920e-02, v52;
	v50 =	vmul.f32 v50, v35;
	v53 =	vmul.f32 v53, v42  }
0x2bc: {  	v54 =	vadd.f32 $-1.086069920e-02, v54;
	v47 =	vmul.f32 v47, v34;
	v46 =	vadd.f32 $6.159262730e-03, v46  }
0x2bd: {  	v55 =	vadd.f32 $1.034633330e-06, v55;
	v52 =	vmul.f32 v52, v37;
	v50 =	vadd.f32 $-1.086069920e-02, v50  }
0x2be: {  	v53 =	vadd.f32 $6.159262730e-03, v53;
	v54 =	vmul.f32 v54, v38;
	v46 =	vmul.f32 v46, v45  }
0x2bf: {  	v47 =	vadd.f32 $1.545702070e-05, v47;
	v55 =	vmul.f32 v55, v44;
	v50 =	vmul.f32 v50, v35  }
0x2c0: {  	v52 =	vadd.f32 $6.159262730e-03, v52;
	v53 =	vmul.f32 v53, v42;
	v46 =	vadd.f32 $1.215383110e-01, v46  }
0x2c1: {  	v54 =	vadd.f32 $6.159262730e-03, v54;
	v47 =	vmul.f32 v47, v34;
	v55 =	vadd.f32 $1.545702070e-05, v55  }
0x2c2: {  	v50 =	vadd.f32 $6.159262730e-03, v50;
	v52 =	vmul.f32 v52, v37;
	v46 =	vmul.f32 v46, v45  }
0x2c3: {  	v53 =	vadd.f32 $1.215383110e-01, v53;
	v54 =	vmul.f32 v54, v38;
	v47 =	vadd.f32 $-3.471552050e-04, v47  }
0x2c4: {  	v55 =	vmul.f32 v55, v44;
	v60 =	vmul.f32 v50, v35;
	v46 =	vadd.f32 $-4.991752800e-01, v46  }
0x2c5: {  	v50 =	vmax.f32 v43, $0.0e+00;
	v43 =	vmul.f32 v33, v43;
	v52 =	vadd.f32 $1.215383110e-01, v52  }
0x2c6: {  	v53 =	vmul.f32 v53, v42;
	v54 =	vadd.f32 $1.215383110e-01, v54;
	v45 =	vmul.f32 v46, v45  }
0x2c7: {  	v47 =	vmul.f32 v47, v34;
	v55 =	vadd.f32 $-3.471552050e-04, v55;
	v52 =	vmul.f32 v52, v37  }
0x2c8: {  	v53 =	vadd.f32 $-4.991752800e-01, v53;
	v54 =	vmul.f32 v54, v38;
	v45 =	vadd.f32 $6.930990810e-01, v45  }
0x2c9: {  	v55 =	vmul.f32 v55, v44;
	v47 =	vadd.f32 $2.830098620e-03, v47;
	v46 =	vadd.f32 $1.034633330e-06, v49  }
0x2ca: {  	v49 =	vadd.f32 $1.215383110e-01, v60;
	v58 =	vadd.f32 $-4.991752800e-01, v54;
	v45 =	vmax.f32 v45, $0.0e+00  }
0x2cb: {  	v42 =	vmul.f32 v53, v42;
	v63 =	vadd.f32 $2.830098620e-03, v55;
	v40 =	vadd.f32 v45, v40  }
0x2cc: {  	v60 =	vadd.f32 $-4.991752800e-01, v52;
	v47 =	vmul.f32 v47, v34;
	v46 =	vmul.f32 v46, v30  }
0x2cd: {  	v49 =	vmul.f32 v49, v35;
	v57 =	vmul.f32 v63, v44;
	v40 =	vsub.f32 v40, v51  }
0x2ce: {  	v62 =	vld.idx.msk [tilespmem:v27+s31+$0xFFFFFFC0 ss:$0x1], $0xffff;
	v42 =	vadd.f32 $6.930990810e-01, v42;
	v38 =	vmul.f32 v58, v38;
	v37 =	vmul.f32 v60, v37  }
0x2cf: {  	v47 =	vadd.f32 $-1.086069920e-02, v47;
	v59 =	vadd.f32 $-1.086069920e-02, v57;
	v48 =	vmul.f32 v48, v40  }
0x2d0: {  	v42 =	vmax.f32 v42, $0.0e+00;
	v38 =	vadd.f32 $6.930990810e-01, v38;
	v63 =	vadd.f32 $-4.991752800e-01, v49  }
0x2d1: {  	v49 =	vmax.f32 v32, $0.0e+00;
	v7 =	vadd.f32 v48, v7;
	v48 =	vmul.f32 v59, v44  }
0x2d2: {  	v37 =	vadd.f32 $6.930990810e-01, v37;
	v42 =	vadd.f32 v42, v61;
	v47 =	vmul.f32 v47, v34  }
0x2d3: {  	v8 =	vadd.f32 v40, v8;
	v40 =	vcvt.s32.f32 v62;
	v62 =	vadd.f32 $6.159262730e-03, v48  }
0x2d4: {  	v61 =	vld.idx.msk [tilespmem:v27+s31+$0xFFFFFFF0 ss:$0x1], $0xffff;
	v57 =	vadd.f32 $1.545702070e-05, v46;
	v38 =	vmax.f32 v38, $0.0e+00;
	v37 =	vmax.f32 v37, $0.0e+00  }
0x2d5: {  	v42 =	vsub.f32 v42, v56;
	v38 =	vadd.f32 v38, v50;
	v45 =	vmul.f32 v62, v44  }
0x2d6: {  	v63 =	vmul.f32 v63, v35;
	v47 =	vadd.f32 $6.159262730e-03, v47;
	v35 =	vadd.f32 v37, v49  }
0x2d7: {  	v60 =	vmul.f32 v57, v30;
	v11 =	vadd.f32 v42, v11;
	v55 =	vadd.f32 $1.215383110e-01, v45  }
0x2d8: {  	v50 =	vsub.f32 v38, v43;
	v52 =	vmul.f32 v36, v42;
	v56 =	vmul.f32 v47, v34  }
0x2d9: {  	v42 =	vmax.f32 v41, $0.0e+00;
	v36 =	vcvt.s32.f32 v61;
	v58 =	vmul.f32 v55, v44  }
0x2da: {  	v12 =	vadd.f32 v40, v12;
	v59 =	vmul.f32 v33, v50;
	v47 =	vadd.f32 $1.215383110e-01, v56  }
0x2db: {  	v38 =	vmul.f32 v40, v41;
	v43 =	vmul.f32 v36, v32;
	v32 =	vadd.f32 $-4.991752800e-01, v58  }
0x2dc: {  	v17 =	vadd.f32 v50, v17;
	v61 =	vmul.f32 v47, v34;
	v62 =	vadd.f32 $-3.471552050e-04, v60  }
0x2dd: {  	v10 =	vadd.f32 v52, v10;
	v3 =	vadd.f32 v36, v3;
	v44 =	vmul.f32 v32, v44  }
0x2de: {  	v16 =	vadd.f32 v59, v16;
	v41 =	vadd.f32 $-4.991752800e-01, v61;
	v46 =	vmul.f32 v62, v30  }
0x2df: {  	s29 =	simm.s32 $0x1000;
	v37 =	vmax.f32 v29, $0.0e+00;
	v32 =	vld.idx.msk [tilespmem:v27+s31+$0x0 ss:$0x1], $0xffff;
	v45 =	vadd.f32 $6.930990810e-01, v44;
	v44 =	vadd.f32 $6.930990810e-01, v63  }
.LBB2_15:
0x2e0: {  	s30 =	sshra.s32 s29, $0x2;
	p0 =	sne.s32 s29, $0x3000;
	s29 =	sadd.s32 $0x1000, s29;
	v15 =	vadd.f32 v33, v15;
	v33 =	vmul.f32 v41, v34;
	v34 =	vadd.f32 $2.830098620e-03, v46  }
0x2e1: {  	v31 =	vmax.f32 v31, $0.0e+00;
	v41 =	vld.idx.msk [tilespmem:v27+s30+$0xFFFFFF90 ss:$0x1], $0xffff;
	v45 =	vmax.f32 v45, $0.0e+00;
	v44 =	vmax.f32 v44, $0.0e+00  }
0x2e2: {  	v49 =	vsub.f32 v35, v43;
	v46 =	vld.idx.msk [tilespmem:v27+s30+$0x0 ss:$0x1], $0xffff;
	v33 =	vadd.f32 $6.930990810e-01, v33;
	v34 =	vmul.f32 v34, v30  }
0x2e3: {  	v29 =	vmul.f32 v25, v29;
	v31 =	vadd.f32 v45, v31;
	v35 =	vadd.f32 v44, v37;
	v43 =	vld.idx.msk [tilespmem:v27+s30+$0xFFFFFFA0 ss:$0x1], $0xffff  }
0x2e4: {  	v36 =	vmul.f32 v36, v49;
	v37 =	vld.idx.msk [tilespmem:v27+s30+$0xFFFFFFD0 ss:$0x1], $0xffff;
	v33 =	vmax.f32 v33, $0.0e+00;
	v34 =	vadd.f32 $-1.086069920e-02, v34  }
0x2e5: {  	v29 =	vsub.f32 v35, v29;
	v44 =	vld.idx.msk [tilespmem:v27+s30+$0xFFFFFFE0 ss:$0x1], $0xffff;
	v33 =	vadd.f32 v33, v42  }
0x2e6: {  	v50 =	vsub.f32 v31, v39;
	v4 =	vadd.f32 v36, v4;
	v47 =	vld.idx.msk [tilespmem:v28+s30+$0x30 ss:$0x1], $0xffff;
	v31 =	vmul.f32 v34, v30  }
0x2e7: {  	v21 =	vadd.f32 v29, v21;
	v34 =	vmul.f32 v25, v29;
	v35 =	vld.idx.msk [tilespmem:v28+s30+$0x20 ss:$0x1], $0xffff;
	v33 =	vsub.f32 v33, v38  }
0x2e8: {  	v38 =	vmul.f32 v24, v50;
	v24 =	vcvt.s32.f32 v41;
	v29 =	vld.idx.msk [tilespmem:v28+s30+$0xFFFFFFD0 ss:$0x1], $0xffff;
	v31 =	vadd.f32 $6.159262730e-03, v31  }
0x2e9: {  	v25 =	vcvt.s32.f32 v43;
	v41 =	vld.idx.msk [tilespmem:v28+s30+$0xFFFFFFE0 ss:$0x1], $0xffff;
	v14 =	vadd.f32 v33, v14;
	v33 =	vmul.f32 v40, v33  }
0x2ea: {  	v20 =	vadd.f32 v24, v20;
	v36 =	vcvt.s32.f32 v37;
	v39 =	vld.idx.msk [tilespmem:v28+s30+$0x0 ss:$0x1], $0xffff;
	v31 =	vmul.f32 v31, v30  }
0x2eb: {  	v51 =	vcvt.s32.f32 v32;
	v32 =	vmovc v46;
	v22 =	vadd.f32 v38, v22;
	v18 =	vadd.f32 v25, v18;
	v43 =	vld.idx.msk [tilespmem:v28+s30+$0x10 ss:$0x1], $0xffff  }
0x2ec: {  	v19 =	vadd.f32 v34, v19;
	v37 =	vand.u32 $0x7FFFFFFF, v47;
	v34 =	vadd.f32 $1.215383110e-01, v31  }
0x2ed: {  	v52 =	vmul.f32 v51, v26;
	v38 =	vand.u32 $0x7FFFFFFF, v35;
	v46 =	vmin.f32 v37, $8.000000000e+00;
	v31 =	vld.idx.msk [tilespmem:v28+s30+$0xFFFFFFC0 ss:$0x1], $0xffff  }
0x2ee: {  	v0 =	vadd.f32 v51, v0;
	v37 =	vand.u32 $0x7FFFFFFF, v29;
	v38 =	vmin.f32 v38, $8.000000000e+00  }
0x2ef: {  	v42 =	vcvt.s32.f32 v44;
	v40 =	vand.u32 $0x7FFFFFFF, v41;
	v34 =	vmul.f32 v34, v30  }
0x2f0: {  	v13 =	vadd.f32 v33, v13;
	v40 =	vmin.f32 v40, $8.000000000e+00;
	v44 =	vand.u32 $0x7FFFFFFF, v39  }
0x2f1: {  	v37 =	vmin.f32 v37, $8.000000000e+00;
	v33 =	vmul.f32 $4.985710070e-09, v40;
	v48 =	vand.u32 $0x7FFFFFFF, v43  }
0x2f2: {  	v45 =	vmin.f32 v44, $8.000000000e+00;
	v44 =	vmul.f32 $4.985710070e-09, v38;
	v48 =	vmin.f32 v48, $8.000000000e+00  }
0x2f3: {  	v34 =	vadd.f32 $-4.991752800e-01, v34;
	v53 =	vand.u32 $0x7FFFFFFF, v31;
	v54 =	vmul.f32 $4.985710070e-09, v48  }
0x2f4: {  	v57 =	vmax.f32 v26, $0.0e+00;
	v26 =	vmovc v47;
	v55 =	vmul.f32 $4.985710070e-09, v37;
	v56 =	vmul.f32 $4.985710070e-09, v45  }
0x2f5: {  	v23 =	vadd.f32 v50, v23;
	v34 =	vmul.f32 v34, v30;
	v30 =	vmovc v46;
	v54 =	vadd.f32 $-1.490509620e-07, v54  }
0x2f6: {  	v47 =	vmul.f32 v42, v43;
	v46 =	vadd.f32 $-1.490509620e-07, v55;
	v50 =	vadd.f32 $-1.490509620e-07, v56  }
0x2f7: {  	v44 =	vadd.f32 $-1.490509620e-07, v44;
	v34 =	vadd.f32 $6.930990810e-01, v34;
	v54 =	vmul.f32 v54, v48  }
0x2f8: {  	v33 =	vadd.f32 $-1.490509620e-07, v33;
	v46 =	vmul.f32 v46, v37;
	v50 =	vmul.f32 v50, v45  }
0x2f9: {  	v44 =	vmul.f32 v44, v38;
	v34 =	vmax.f32 v34, $0.0e+00;
	v54 =	vadd.f32 $1.034633330e-06, v54  }
0x2fa: {  	v33 =	vmul.f32 v33, v40;
	v50 =	vadd.f32 $1.034633330e-06, v50;
	v34 =	vadd.f32 v34, v57  }
0x2fb: {  	v5 =	vadd.f32 v49, v5;
	v44 =	vadd.f32 $1.034633330e-06, v44;
	v54 =	vmul.f32 v54, v48  }
0x2fc: {  	v33 =	vadd.f32 $1.034633330e-06, v33;
	v49 =	vmul.f32 v50, v45;
	v34 =	vsub.f32 v34, v52  }
0x2fd: {  	v46 =	vadd.f32 $1.034633330e-06, v46;
	v52 =	vadd.f32 $1.545702070e-05, v54;
	v54 =	vmul.f32 v44, v38;
	v50 =	vld.idx.msk [tilespmem:v27+s30+$0xFFFFFFB0 ss:$0x1], $0xffff  }
0x2fe: {  	v33 =	vmul.f32 v33, v40;
	v49 =	vadd.f32 $1.545702070e-05, v49;
	v51 =	vmul.f32 v51, v34;
	v44 =	vld.idx.msk [tilespmem:v28+s30+$0xFFFFFFF0 ss:$0x1], $0xffff  }
0x2ff: {  	v2 =	vadd.f32 v34, v2;
	v52 =	vmul.f32 v52, v48;
	v54 =	vadd.f32 $1.545702070e-05, v54  }
0x300: {  	v33 =	vadd.f32 $1.545702070e-05, v33;
	v34 =	vmul.f32 v49, v45;
	v1 =	vadd.f32 v51, v1  }
0x301: {  	v46 =	vmul.f32 v46, v37;
	v49 =	vadd.f32 $-3.471552050e-04, v52;
	v51 =	vmul.f32 v54, v38  }
0x302: {  	v34 =	vadd.f32 $-3.471552050e-04, v34;
	v52 =	vmul.f32 v33, v40;
	v54 =	vmul.f32 $4.985710070e-09, v30  }
0x303: {  	v46 =	vadd.f32 $1.545702070e-05, v46;
	v33 =	vcvt.s32.f32 v50;
	v49 =	vmul.f32 v49, v48  }
0x304: {  	v55 =	vmul.f32 v34, v45;
	v50 =	vadd.f32 $-3.471552050e-04, v52;
	v52 =	vand.u32 $0x7FFFFFFF, v44  }
0x305: {  	v56 =	vmul.f32 v46, v37;
	v34 =	vmin.f32 v52, $8.000000000e+00;
	v49 =	vadd.f32 $2.830098620e-03, v49  }
0x306: {  	v54 =	vadd.f32 $-1.490509620e-07, v54;
	v55 =	vadd.f32 $2.830098620e-03, v55;
	v52 =	vmul.f32 $4.985710070e-09, v34  }
0x307: {  	v46 =	vmin.f32 v53, $8.000000000e+00;
	v53 =	vadd.f32 $-3.471552050e-04, v56;
	v49 =	vmul.f32 v49, v48  }
0x308: {  	v51 =	vadd.f32 $-3.471552050e-04, v51;
	v55 =	vmul.f32 v55, v45;
	v52 =	vadd.f32 $-1.490509620e-07, v52  }
0x309: {  	v6 =	vadd.f32 v42, v6;
	v56 =	vmul.f32 $4.985710070e-09, v46;
	v53 =	vmul.f32 v53, v37  }
0x30a: {  	v51 =	vmul.f32 v51, v38;
	v49 =	vadd.f32 $-1.086069920e-02, v49;
	v52 =	vmul.f32 v52, v34  }
0x30b: {  	v56 =	vadd.f32 $-1.490509620e-07, v56;
	v53 =	vadd.f32 $2.830098620e-03, v53;
	v50 =	vmul.f32 v50, v40  }
0x30c: {  	v51 =	vadd.f32 $2.830098620e-03, v51;
	v49 =	vmul.f32 v49, v48;
	v52 =	vadd.f32 $1.034633330e-06, v52  }
0x30d: {  	v56 =	vmul.f32 v56, v46;
	v50 =	vadd.f32 $2.830098620e-03, v50;
	v55 =	vadd.f32 $-1.086069920e-02, v55  }
0x30e: {  	v51 =	vmul.f32 v51, v38;
	v49 =	vadd.f32 $6.159262730e-03, v49;
	v52 =	vmul.f32 v52, v34  }
0x30f: {  	v56 =	vadd.f32 $1.034633330e-06, v56;
	v50 =	vmul.f32 v50, v40;
	v55 =	vmul.f32 v55, v45  }
0x310: {  	v51 =	vadd.f32 $-1.086069920e-02, v51;
	v49 =	vmul.f32 v49, v48;
	v52 =	vadd.f32 $1.545702070e-05, v52  }
0x311: {  	v53 =	vmul.f32 v53, v37;
	v56 =	vmul.f32 v56, v46;
	v55 =	vadd.f32 $6.159262730e-03, v55  }
0x312: {  	v51 =	vmul.f32 v51, v38;
	v49 =	vadd.f32 $1.215383110e-01, v49;
	v52 =	vmul.f32 v52, v34  }
0x313: {  	v53 =	vadd.f32 $-1.086069920e-02, v53;
	v56 =	vadd.f32 $1.545702070e-05, v56;
	v55 =	vmul.f32 v55, v45  }
0x314: {  	v51 =	vadd.f32 $6.159262730e-03, v51;
	v49 =	vmul.f32 v49, v48;
	v52 =	vadd.f32 $-3.471552050e-04, v52  }
0x315: {  	v53 =	vmul.f32 v53, v37;
	v50 =	vadd.f32 $-1.086069920e-02, v50;
	v55 =	vadd.f32 $1.215383110e-01, v55  }
0x316: {  	v54 =	vmul.f32 v54, v30;
	v56 =	vmul.f32 v56, v46;
	v49 =	vadd.f32 $-4.991752800e-01, v49  }
0x317: {  	v53 =	vadd.f32 $6.159262730e-03, v53;
	v50 =	vmul.f32 v50, v40;
	v52 =	vmul.f32 v52, v34  }
0x318: {  	v55 =	vmul.f32 v55, v45;
	v48 =	vmul.f32 v49, v48;
	v49 =	vadd.f32 $1.034633330e-06, v54  }
0x319: {  	v57 =	vmul.f32 v36, v39;
	v53 =	vmul.f32 v53, v37;
	v54 =	vmax.f32 v41, $0.0e+00  }
0x31a: {  	v56 =	vadd.f32 $-3.471552050e-04, v56;
	v51 =	vmul.f32 v51, v38;
	v48 =	vadd.f32 $6.930990810e-01, v48  }
0x31b: {  	v50 =	vadd.f32 $6.159262730e-03, v50;
	v55 =	vadd.f32 $-4.991752800e-01, v55;
	v41 =	vmul.f32 v33, v41  }
0x31c: {  	v43 =	vmax.f32 v43, $0.0e+00;
	v51 =	vadd.f32 $1.215383110e-01, v51;
	v48 =	vmax.f32 v48, $0.0e+00  }
0x31d: {  	v58 =	vmax.f32 v39, $0.0e+00;
	v50 =	vmul.f32 v50, v40;
	v43 =	vadd.f32 v48, v43  }
0x31e: {  	v9 =	vadd.f32 v36, v9;
	v39 =	vmul.f32 v24, v31;
	v45 =	vmul.f32 v55, v45  }
0x31f: {  	v50 =	vadd.f32 $1.215383110e-01, v50;
	v48 =	vmul.f32 v56, v46;
	v43 =	vsub.f32 v43, v47  }
0x320: {  	v52 =	vadd.f32 $2.830098620e-03, v52;
	v47 =	vadd.f32 $1.215383110e-01, v53;
	v53 =	vld.idx.msk [tilespmem:v27+s30+$0xFFFFFFC0 ss:$0x1], $0xffff  }
0x321: {  	v50 =	vmul.f32 v50, v40;
	v48 =	vadd.f32 $2.830098620e-03, v48;
	v42 =	vmul.f32 v42, v43  }
0x322: {  	v45 =	vadd.f32 $6.930990810e-01, v45;
	v8 =	vadd.f32 v43, v8;
	v43 =	vmul.f32 v51, v38  }
0x323: {  	v50 =	vadd.f32 $-4.991752800e-01, v50;
	v48 =	vmul.f32 v48, v46;
	v7 =	vadd.f32 v42, v7  }
0x324: {  	v49 =	vmul.f32 v49, v30;
	v45 =	vmax.f32 v45, $0.0e+00;
	v42 =	vmul.f32 v52, v34  }
0x325: {  	v50 =	vmul.f32 v50, v40;
	v47 =	vmul.f32 v47, v37;
	v48 =	vadd.f32 $-1.086069920e-02, v48  }
0x326: {  	v45 =	vadd.f32 v45, v58;
	v43 =	vadd.f32 $-4.991752800e-01, v43;
	v40 =	vcvt.s32.f32 v53;
	v51 =	vld.idx.msk [tilespmem:v27+s30+$0xFFFFFFF0 ss:$0x1], $0xffff  }
0x327: {  	v50 =	vadd.f32 $6.930990810e-01, v50;
	v48 =	vmul.f32 v48, v46;
	v42 =	vadd.f32 $-1.086069920e-02, v42  }
0x328: {  	v45 =	vsub.f32 v45, v57;
	v38 =	vmul.f32 v43, v38;
	v12 =	vadd.f32 v40, v12  }
0x329: {  	v43 =	vadd.f32 $6.159262730e-03, v48;
	v48 =	vmax.f32 v50, $0.0e+00;
	v42 =	vmul.f32 v42, v34  }
0x32a: {  	v47 =	vadd.f32 $-4.991752800e-01, v47;
	v50 =	vmax.f32 v35, $0.0e+00;
	v48 =	vadd.f32 v48, v54  }
0x32b: {  	v11 =	vadd.f32 v45, v11;
	v43 =	vmul.f32 v43, v46;
	v42 =	vadd.f32 $6.159262730e-03, v42  }
0x32c: {  	v45 =	vmul.f32 v36, v45;
	v41 =	vsub.f32 v48, v41;
	v36 =	vcvt.s32.f32 v51  }
0x32d: {  	v49 =	vadd.f32 $1.545702070e-05, v49;
	v48 =	vadd.f32 $1.215383110e-01, v43;
	v42 =	vmul.f32 v42, v34  }
0x32e: {  	v51 =	vadd.f32 $6.930990810e-01, v38;
	v43 =	vmul.f32 v36, v35;
	v3 =	vadd.f32 v36, v3  }
0x32f: {  	v52 =	vadd.f32 $1.215383110e-01, v42;
	v35 =	vmul.f32 v48, v46;
	v48 =	vmul.f32 v33, v41  }
0x330: {  	v42 =	vmax.f32 v44, $0.0e+00;
	v38 =	vmul.f32 v40, v44;
	v44 =	vmul.f32 v49, v30  }
.Ltmp6:
0x331: {  	v35 =	vadd.f32 $-4.991752800e-01, v35;
	v16 =	vadd.f32 v48, v16;
	v48 =	vmul.f32 v52, v34;
	(pc) =	sbr.rel @p0 .LBB2_15-.Ltmp6, $4  }
0x332: {  	v17 =	vadd.f32 v41, v17;
	v41 =	vmax.f32 v51, $0.0e+00;
	v44 =	vadd.f32 $-3.471552050e-04, v44  }
0x333: {  	v37 =	vmul.f32 v47, v37;
	v49 =	vmul.f32 v35, v46;
	v35 =	vadd.f32 v41, v50  }
0x334: {  	v10 =	vadd.f32 v45, v10;
	v41 =	vadd.f32 $-4.991752800e-01, v48;
	v46 =	vmul.f32 v44, v30  }
0x335: {  	v44 =	vadd.f32 $6.930990810e-01, v37;
	v37 =	vmax.f32 v29, $0.0e+00;
	v45 =	vadd.f32 $6.930990810e-01, v49  }
0x336: {  	v27 =	vadd.f32 $2.830098620e-03, v46;
	_ =	sdelay $0x1  }
0x337: {  	v27 =	vmul.f32 v27, v30;
	_ =	sdelay $0x1  }
0x338: {  	v27 =	vadd.f32 $-1.086069920e-02, v27;
	_ =	sdelay $0x1  }
0x339: {  	v27 =	vmul.f32 v27, v30;
	_ =	sdelay $0x1  }
0x33a: {  	v27 =	vadd.f32 $6.159262730e-03, v27;
	_ =	sdelay $0x1  }
0x33b: {  	v27 =	vmul.f32 v27, v30;
	_ =	sdelay $0x1  }
0x33c: {  	v27 =	vadd.f32 $1.215383110e-01, v27;
	_ =	sdelay $0x1  }
0x33d: {  	v27 =	vmul.f32 v27, v30;
	_ =	sdelay $0x1  }
0x33e: {  	v28 =	vmul.f32 v41, v34;
	v31 =	vmax.f32 v31, $0.0e+00;
	v27 =	vadd.f32 $-4.991752800e-01, v27  }
0x33f: {  	v35 =	vsub.f32 v35, v43;
	v29 =	vmul.f32 v25, v29;
	v15 =	vadd.f32 v33, v15  }
0x340: {  	v32 =	vcvt.s32.f32 v32;
	v28 =	vadd.f32 $6.930990810e-01, v28;
	v27 =	vmul.f32 v27, v30  }
0x341: {  	v60 =	vmax.f32 v26, $0.0e+00;
	v56 =	vmax.f32 v45, $0.0e+00;
	v57 =	vmax.f32 v44, $0.0e+00  }
0x342: {  	v37 =	vadd.f32 v57, v37;
	v28 =	vmax.f32 v28, $0.0e+00;
	v27 =	vadd.f32 $6.930990810e-01, v27  }
0x343: {  	v58 =	vadd.f32 v56, v31;
	v59 =	vmul.f32 v36, v35;
	v28 =	vadd.f32 v28, v42  }
0x344: {  	v0 =	vadd.f32 v32, v0;
	v29 =	vsub.f32 v37, v29;
	v27 =	vmax.f32 v27, $0.0e+00  }
0x345: {  	s28 =	sadd.s32 $0x1, s28;
	v61 =	vmul.f32 v32, v26;
	v28 =	vsub.f32 v28, v38;
	v27 =	vadd.f32 v27, v60  }
0x346: {  	p0 =	sne.s32 s28, $0x20;
	v5 =	vadd.f32 v35, v5;
	v62 =	vmul.f32 v25, v29;
	v30 =	vsub.f32 v58, v39  }
.Ltmp7:
0x347: {  	v14 =	vadd.f32 v28, v14;
	v28 =	vmul.f32 v40, v28;
	v26 =	vsub.f32 v27, v61;
	(pc) =	sbr.rel @p0 .LBB2_14-.Ltmp7, $4  }
0x348: {  	v4 =	vadd.f32 v59, v4;
	v21 =	vadd.f32 v29, v21;
	v24 =	vmul.f32 v24, v30  }
0x349: {  	v19 =	vadd.f32 v62, v19;
	v13 =	vadd.f32 v28, v13;
	v63 =	vmul.f32 v32, v26  }
0x34a: {  	v23 =	vadd.f32 v30, v23;
	v22 =	vadd.f32 v24, v22  }
0x34b: {  	s26 =	sadd.s32 $0x200, s26;
	s25 =	sadd.s32 $0x1, s25;
	v2 =	vadd.f32 v26, v2;
	v1 =	vadd.f32 v63, v1  }
0x34c: {  	v21 =	vadd.f32 v21, v23  }
0x34d: {  	v19 =	vadd.f32 v19, v22  }
0x34e: {  	v18 =	vadd.f32 v18, v20;
	v17 =	vadd.f32 v17, v21  }
0x34f: {  	v16 =	vadd.f32 v16, v19  }
0x350: {  	v15 =	vadd.f32 v15, v18;
	v14 =	vadd.f32 v14, v17  }
0x351: {  	v13 =	vadd.f32 v13, v16  }
0x352: {  	v12 =	vadd.f32 v12, v15;
	v11 =	vadd.f32 v11, v14  }
0x353: {  	v10 =	vadd.f32 v10, v13  }
0x354: {  	v9 =	vadd.f32 v9, v12;
	v8 =	vadd.f32 v8, v11  }
0x355: {  	v7 =	vadd.f32 v7, v10  }
0x356: {  	v6 =	vadd.f32 v6, v9;
	v5 =	vadd.f32 v5, v8  }
0x357: {  	v4 =	vadd.f32 v4, v7  }
0x358: {  	v3 =	vadd.f32 v3, v6;
	v2 =	vadd.f32 v2, v5  }
0x359: {  	v1 =	vadd.f32 v1, v4  }
0x35a: {  	v0 =	vadd.f32 v0, v3;
	[tilespmem:$0x10000] =	vst v2  }
0x35b: {  	[tilespmem:$0x10080] =	vst v1  }
0x35c: {  	[tilespmem:$0x10100] =	vst v0  }
0x35d: {  	[hbm4b:s11+s2] =	stream.linear.scatter [tilespmem:s20], [sflag:$0x3], $0x10, $0x38;
	[tilespmem:$0x10180] =	vst v63  }
0x35e: {  	_ =	swait.ge [sflag:s21], $0x10  }
0x35f: {  	[sflag:s21] =	ssyncset.done $0x0  }
0x360: {  	[sflag:s21] =	ssyncadd.s32 $0xFFFFFFF0  }
0x361: {  	[hbm4b:s12+s2] =	stream.linear.scatter [tilespmem:s22], [sflag:$0x3], $0x10, $0x38;
	[tilespmem:$0x10180] =	vst v63  }
0x362: {  	s24 =	sadd.s32 $0x1, s24;
	_ =	swait.ge [sflag:s21], $0x10  }
0x363: {  	p0 =	sne.s32 s24, s14;
	[sflag:s21] =	ssyncset.done $0x0  }
.Ltmp8:
0x364: {  	[sflag:s21] =	ssyncadd.s32 $0xFFFFFFF0;
	(pc) =	sbr.rel @p0 .LBB2_1-.Ltmp8, $4  }
0x365: {  	[hbm4b:s13+s2] =	stream.linear.scatter [tilespmem:s23], [sflag:$0x3], $0x10, $0x38;
	[tilespmem:$0x10180] =	vst v63  }
0x366: {  	_ =	swait.ge [sflag:s21], $0x10  }
0x367: {  	[sflag:s21] =	ssyncset.done $0x0  }
0x368: {  	[sflag:s21] =	ssyncadd.s32 $0xFFFFFFF0  }
0x369: {  	_ =	sfence.sel $0x180000  }
0x36a: {  	[bflag:$0x0] =	sbarrier.arrive $0xFFFF  }
0x36b: {  	p0 =	sne.s32 s0, $0x0;
	_ =	strace $0x90000047  }
0x36c: {  	s0 =	sadd.s32 @!p0 $0x100000, s1;
	[bflag:$0x2] =	sbarrier.arrive $0xFFFF  }
0x36d: {  	[sflag:s0] =	ssyncadd.tile.s32 @!p0 $0x1;
	_ =	shalt  }
.Lfunc_end2:
_tile_overlayer_lowered:
.L_overlay_start_2:
0x36e: {  	(tag) =	ssettag $0x2  }
0x36f: {  	s0 =	rddreg [dreg:$0x0];
	s2 =	stileid.u32  }
0x370: {  	s1 =	rddreg [dreg:$0x1];
	p0 =	sne.s32 s2, $0x0  }
0x371: {  	s3 =	rddreg [dreg:$0x2];
	[bflag:$0x3] =	sbarrier.arrive $0xFFFF;
	s2 =	simm.s32 @!p0 $0x1C03  }
0x372: {  	[timem:s3], [sflag:s2] =	dma.local @!p0 [hbm:s0], s1  }
0x373: {  	s0 =	simm.s32 @!p0 $0x3  }
0x374: {  	_ =	swait.ge @!p0 [sflag:s0], s1  }
0x375: {  	s1 =	ssub.s32 @!p0 $0x0, s1;
	[sflag:s0] =	ssyncset.done @!p0 $0x0  }
0x376: {  	[sflag:s0] =	ssyncadd.s32 @!p0 s1  }
0x377: {  	[bflag:$0x3] =	sbarrier.arrive $0xFFFF  }
0x378: {  	_ =	shalt  }

</sc_bundles>
